<compile_context>
chip_gen: v7x
topology: tpu7x:2x2x1
jax: 0.10.2.dev20260603
libtpu: 0.0.44.dev20260713+nightly
codegen_flags: <defaults>
</compile_context>

<pallas_src>
import functools

import jax
import jax.numpy as jnp
import numpy as np
from jax import lax
from jax.experimental import pallas as pl
from jax.experimental.pallas import tpu as pltpu
from jax.experimental.pallas import tpu_sc as plsc

N = 10000
E = 320000
D = 128
H = 128
G = 64
EPS = 1e-5

NC = 2
NS = 16
NW = NC * NS
CH = 128
GSZ = 16
K = -(-E // (NW * CH * GSZ)) * GSZ
NG = K // GSZ
E_PAD = NW * K * CH
NP = 10112
RPT = NP // NS


@functools.cache
def _sc_kernels():
    mesh = plsc.VectorSubcoreMesh(core_axis_name="c", subcore_axis_name="s")
    deg = functools.partial(
        pl.kernel,
        out_type=jax.ShapeDtypeStruct((NC * NP,), jnp.float32),
        mesh=mesh,
        scratch_types=[
            pltpu.VMEM((K, CH), jnp.int32),
            pltpu.VMEM((CH,), jnp.float32),
            pltpu.VMEM((RPT,), jnp.float32),
            pltpu.VMEM_SHARED((NP,), jnp.float32),
        ],
    )(_sc_degree_body)
    edge = functools.partial(
        pl.kernel,
        out_type=jax.ShapeDtypeStruct((NC, NP, H), jnp.float32),
        mesh=mesh,
        scratch_types=[
            pltpu.VMEM((GSZ, CH), jnp.int32),
            pltpu.VMEM((GSZ, CH), jnp.int32),
            pltpu.VMEM((CH, H), jnp.float32),
            pltpu.VMEM((CH, H), jnp.float32),
            pltpu.VMEM_SHARED((NP, H), jnp.float32),
            pltpu.SemaphoreType.DMA,
            pltpu.SemaphoreType.DMA,
        ],
    )(_sc_edge_pass_body)
    return deg, edge


def _sc_degree_body(dst_hbm, out_hbm, dst_v, ones_v, stage_v, deg_sh):
    c = lax.axis_index("c")
    s = lax.axis_index("s")
    wid = c * NS + s

    @pl.loop(0, CH, step=16)
    def _(i):
        ones_v[pl.ds(i, 16)] = jnp.zeros((16,), jnp.float32)

    @pl.loop(0, RPT - (RPT % CH), step=CH)
    def _(r):
        pltpu.sync_copy(ones_v, deg_sh.at[pl.ds(s * RPT + r, CH)])

    rem = RPT % CH
    if rem:
        pltpu.sync_copy(ones_v.at[pl.ds(0, rem)],
                        deg_sh.at[pl.ds(s * RPT + (RPT - rem), rem)])

    @pl.loop(0, CH, step=16)
    def _(i):
        ones_v[pl.ds(i, 16)] = jnp.ones((16,), jnp.float32)

    pltpu.sync_copy(dst_hbm.at[wid], dst_v)
    plsc.subcore_barrier()

    @pl.loop(0, K)
    def _(j):
        pltpu.sync_copy(ones_v, deg_sh.at[dst_v.at[j]], add=True)

    plsc.subcore_barrier()
    pltpu.sync_copy(deg_sh.at[pl.ds(s * RPT, RPT)], stage_v)
    pltpu.sync_copy(stage_v, out_hbm.at[pl.ds(c * NP + s * RPT, RPT)])


def _sc_edge_pass_body(u_hbm, src_hbm, dst_hbm, out_hbm,
                       src_v, dst_v, rows_a, rows_b, acc_sh, gsa, gsb):
    c = lax.axis_index("c")
    s = lax.axis_index("s")
    wid = c * NS + s

    @pl.loop(0, CH)
    def _(i):
        @pl.loop(0, H, step=16)
        def _(j):
            rows_a[i, pl.ds(j, 16)] = jnp.zeros((16,), jnp.float32)

    @pl.loop(0, RPT - (RPT % CH), step=CH)
    def _(r):
        pltpu.sync_copy(rows_a, acc_sh.at[pl.ds(s * RPT + r, CH)])

    rem = RPT % CH
    if rem:
        pltpu.sync_copy(rows_a.at[pl.ds(0, rem)],
                        acc_sh.at[pl.ds(s * RPT + (RPT - rem), rem)])

    plsc.subcore_barrier()

    @pl.loop(0, NG)
    def _(g):
        pltpu.sync_copy(src_hbm.at[wid, pl.ds(g * GSZ, GSZ)], src_v)
        pltpu.sync_copy(dst_hbm.at[wid, pl.ds(g * GSZ, GSZ)], dst_v)

        pltpu.async_copy(u_hbm.at[src_v.at[0]], rows_a, gsa)
        pltpu.async_copy(u_hbm.at[src_v.at[1]], rows_b, gsb)

        @pl.loop(0, GSZ - 2, step=2)
        def _(j):
            pltpu.make_async_copy(u_hbm.at[src_v.at[j]], rows_a, gsa).wait()
            pltpu.sync_copy(rows_a, acc_sh.at[dst_v.at[j]], add=True)
            pltpu.async_copy(u_hbm.at[src_v.at[j + 2]], rows_a, gsa)

            pltpu.make_async_copy(u_hbm.at[src_v.at[j + 1]], rows_b, gsb).wait()
            pltpu.sync_copy(rows_b, acc_sh.at[dst_v.at[j + 1]], add=True)
            pltpu.async_copy(u_hbm.at[src_v.at[j + 3]], rows_b, gsb)

        pltpu.make_async_copy(u_hbm.at[src_v.at[GSZ - 2]], rows_a, gsa).wait()
        pltpu.sync_copy(rows_a, acc_sh.at[dst_v.at[GSZ - 2]], add=True)
        pltpu.make_async_copy(u_hbm.at[src_v.at[GSZ - 1]], rows_b, gsb).wait()
        pltpu.sync_copy(rows_b, acc_sh.at[dst_v.at[GSZ - 1]], add=True)

    plsc.subcore_barrier()

    @pl.loop(0, RPT - (RPT % CH), step=CH)
    def _(r):
        pltpu.sync_copy(acc_sh.at[pl.ds(s * RPT + r, CH)], rows_a)
        pltpu.sync_copy(rows_a, out_hbm.at[c, pl.ds(s * RPT + r, CH)])

    if RPT % CH:
        rem2 = RPT % CH
        pltpu.sync_copy(acc_sh.at[pl.ds(s * RPT + (RPT - rem2), rem2)],
                        rows_a.at[pl.ds(0, rem2)])
        pltpu.sync_copy(rows_a.at[pl.ds(0, rem2)],
                        out_hbm.at[c, pl.ds(s * RPT + (RPT - rem2), rem2)])



_PREC = lax.Precision.HIGHEST
_CP = pltpu.CompilerParams(vmem_limit_bytes=100 * 1024 * 1024)


def _tc_mm_body(x_ref, w_ref, o_ref):
    o_ref[...] = jnp.dot(x_ref[...], w_ref[...],
                         preferred_element_type=jnp.float32, precision=_PREC)


def _tc_mm(x, w):
    return pl.pallas_call(
        _tc_mm_body,
        out_shape=jax.ShapeDtypeStruct((x.shape[0], w.shape[1]), jnp.float32),
        compiler_params=_CP,
    )(x, w)


def _tc_scale_body(p_ref, dego_ref, u_ref, dinv_ref):
    deg = dego_ref[0, :N] + dego_ref[1, :N] + 1.0
    dinv = lax.rsqrt(deg)
    dinv_ref[...] = dinv
    u_ref[...] = p_ref[...] * dinv[:, None]


def _tc_scale(p, dego):
    return pl.pallas_call(
        _tc_scale_body,
        out_shape=(jax.ShapeDtypeStruct((N, H), jnp.float32),
                   jax.ShapeDtypeStruct((N,), jnp.float32)),
        compiler_params=_CP,
    )(p, dego)


def _bn_relu(y, g, be):
    mean = jnp.mean(y, axis=0)
    var = jnp.mean((y - mean) ** 2, axis=0)
    return jnp.maximum(g * (y - mean) / jnp.sqrt(var + EPS) + be, 0.0)


def _tc_mid_body(acc_ref, u_ref, dinv_ref, b_ref, g_ref, be_ref, w_ref,
                 un_ref):
    dinv = dinv_ref[...]
    y = (acc_ref[0, :N] + acc_ref[1, :N] + u_ref[...]) * dinv[:, None] + b_ref[...]
    h = _bn_relu(y, g_ref[...], be_ref[...])
    un_ref[...] = jnp.dot(h, w_ref[...], preferred_element_type=jnp.float32,
                          precision=_PREC) * dinv[:, None]


def _tc_mid(acc, u, dinv, b, g, be, w):
    return pl.pallas_call(
        _tc_mid_body,
        out_shape=jax.ShapeDtypeStruct((N, H), jnp.float32),
        compiler_params=_CP,
    )(acc, u, dinv, b, g, be, w)


def _tc_final_body(acc_ref, u_ref, dinv_ref, b_ref, g_ref, be_ref,
                   batch_ref, fcw_ref, fcb_ref, o_ref):
    dinv = dinv_ref[...]
    y = (acc_ref[0, :N] + acc_ref[1, :N] + u_ref[...]) * dinv[:, None] + b_ref[...]
    h = _bn_relu(y, g_ref[...], be_ref[...])
    gid = lax.broadcasted_iota(jnp.int32, (G, N), 0)
    onehot = (gid == batch_ref[...][None, :]).astype(jnp.float32)
    sums = jnp.dot(onehot, h, preferred_element_type=jnp.float32,
                   precision=_PREC)
    cnt = jnp.sum(onehot, axis=1)
    pooled = sums / jnp.maximum(cnt, 1.0)[:, None]
    out = jnp.dot(pooled, fcw_ref[...], preferred_element_type=jnp.float32,
                  precision=_PREC) + fcb_ref[...]
    o_ref[...] = jnp.maximum(out, 0.0)


def _tc_final(acc, u, dinv, b, g, be, batch, fcw, fcb):
    return pl.pallas_call(
        _tc_final_body,
        out_shape=jax.ShapeDtypeStruct((G, 128), jnp.float32),
        compiler_params=_CP,
    )(acc, u, dinv, b, g, be, batch, fcw, fcb)



def kernel(x, edge_index, batch, W1, b1, W2, b2, W3, b3,
           g1, be1, g2, be2, g3, be3, fcW, fcb):
    pad = E_PAD - E
    pad_iota = np.arange(pad, dtype=np.int32)
    pad_src = jnp.asarray((pad_iota * 127) % N)
    pad_dst = jnp.asarray(N + pad_iota % (NP - N))
    src_p = jnp.concatenate([edge_index[0], pad_src]).reshape(NW, K, CH)
    dst_p = jnp.concatenate([edge_index[1], pad_dst]).reshape(NW, K, CH)

    _sc_degree, _sc_edge_pass = _sc_kernels()

    dego = _sc_degree(dst_p).reshape(NC, NP)
    p1 = _tc_mm(x, W1)
    u1, dinv = _tc_scale(p1, dego)

    acc1 = _sc_edge_pass(u1, src_p, dst_p)
    u2 = _tc_mid(acc1, u1, dinv, b1, g1, be1, W2)
    acc2 = _sc_edge_pass(u2, src_p, dst_p)
    u3 = _tc_mid(acc2, u2, dinv, b2, g2, be2, W3)
    acc3 = _sc_edge_pass(u3, src_p, dst_p)
    return _tc_final(acc3, u3, dinv, b3, g3, be3, batch, fcW, fcb)

# --- scband reference (transcript-rebuilt; emitter-appended) ---
"""Pipeline reference for scband-gcnmodel-33809982554798 (READ-ONLY COPY).

The authoritative reference and input builder live on the scoring server;
editing this copy changes nothing except your own understanding.
"""

import jax, jax.numpy as jnp
import numpy as np

N = 10000
E = 320000
D = 128
H = 128
G = 64
EPS = 1e-5


def setup_inputs(seed: int = 0) -> dict:
    key = jax.random.key(seed)
    ks = jax.random.split(key, 20)
    x = jax.random.normal(ks[0], (N, D), dtype=jnp.float32)
    edge_index = jax.random.randint(ks[1], (2, E), 0, N, dtype=jnp.int32)
    batch = jnp.sort(jax.random.randint(ks[2], (N,), 0, G, dtype=jnp.int32))
    s = 0.05
    W1 = jax.random.normal(ks[3], (D, H), dtype=jnp.float32) * s
    b1 = jnp.zeros((H,), dtype=jnp.float32)
    W2 = jax.random.normal(ks[4], (H, H), dtype=jnp.float32) * s
    b2 = jnp.zeros((H,), dtype=jnp.float32)
    W3 = jax.random.normal(ks[5], (H, H), dtype=jnp.float32) * s
    b3 = jnp.zeros((H,), dtype=jnp.float32)
    g1 = jnp.ones((H,), dtype=jnp.float32)
    be1 = jnp.zeros((H,), dtype=jnp.float32)
    g2 = jnp.ones((H,), dtype=jnp.float32)
    be2 = jnp.zeros((H,), dtype=jnp.float32)
    g3 = jnp.ones((H,), dtype=jnp.float32)
    be3 = jnp.zeros((H,), dtype=jnp.float32)
    fcW = jax.random.normal(ks[6], (H, 128), dtype=jnp.float32) * s
    fcb = jnp.zeros((128,), dtype=jnp.float32)
    return {"x": x, "edge_index": edge_index, "batch": batch,
            "W1": W1, "b1": b1, "W2": W2, "b2": b2, "W3": W3, "b3": b3,
            "g1": g1, "be1": be1, "g2": g2, "be2": be2, "g3": g3, "be3": be3,
            "fcW": fcW, "fcb": fcb}


def _gcn_conv(x, src, dst, W, b, n):
    # GCNConv with self-loops and symmetric normalization (PyG defaults)
    h = x @ W
    ones = jnp.ones(src.shape[0], dtype=jnp.float32)
    deg = jnp.zeros((n,), dtype=jnp.float32).at[dst].add(ones)
    dinv = jnp.where(deg > 0, 1.0 / jnp.sqrt(deg), 0.0)
    norm = dinv[src] * dinv[dst]
    msg = h[src] * norm[:, None]
    out = jnp.zeros((n, h.shape[1]), dtype=h.dtype).at[dst].add(msg)
    return out + b


def _bn(x, g, be):
    mean = jnp.mean(x, axis=0)
    var = jnp.mean((x - mean) ** 2, axis=0)
    return g * (x - mean) / jnp.sqrt(var + EPS) + be


def reference(x, edge_index, batch, W1, b1, W2, b2, W3, b3,
              g1, be1, g2, be2, g3, be3, fcW, fcb):
    n = x.shape[0]
    loops = jnp.arange(n, dtype=edge_index.dtype)
    src = jnp.concatenate([edge_index[0], loops])
    dst = jnp.concatenate([edge_index[1], loops])
    h = jax.nn.relu(_bn(_gcn_conv(x, src, dst, W1, b1, n), g1, be1))
    h = jax.nn.relu(_bn(_gcn_conv(h, src, dst, W2, b2, n), g2, be2))
    h = jax.nn.relu(_bn(_gcn_conv(h, src, dst, W3, b3, n), g3, be3))
    sums = jnp.zeros((G, h.shape[1]), dtype=h.dtype).at[batch].add(h)
    cnt = jnp.zeros((G,), dtype=h.dtype).at[batch].add(1.0)
    pooled = sums / jnp.maximum(cnt, 1.0)[:, None]
    out = jax.nn.relu(pooled @ fcW + fcb)
    return out

if __name__ == "__main__":
    import jax
    _d = setup_inputs()
    print(jax.jit(kernel)(*tuple(_d.values())))

</pallas_src>

<mosaic_0001>
#map = affine_map<(d0, d1) -> (0, 0)>
#map1 = affine_map<(d0, d1) -> (0, 0, 0)>
module attributes {stable_mosaic.version = 14 : i64} {
  func.func @_sc_edge_pass_body(%arg0: i32, %arg1: i32, %arg2: memref<10000x128xf32, #tpu.memory_space<hbm>>, %arg3: memref<32x80x128xi32, #tpu.memory_space<hbm>>, %arg4: memref<32x80x128xi32, #tpu.memory_space<hbm>>, %arg5: memref<2x10112x128xf32, #tpu.memory_space<hbm>>, %arg6: memref<16x128xi32, #tpu.memory_space<vmem>>, %arg7: memref<16x128xi32, #tpu.memory_space<vmem>>, %arg8: memref<128x128xf32, #tpu.memory_space<vmem>>, %arg9: memref<128x128xf32, #tpu.memory_space<vmem>>, %arg10: memref<10112x128xf32, #tpu.memory_space<vmem_shared>>, %arg11: memref<!tpu.dma_semaphore, #tpu.memory_space<semaphore_mem>>, %arg12: memref<!tpu.dma_semaphore, #tpu.memory_space<semaphore_mem>>) attributes {dimension_semantics = [#tpu.dimension_semantics<core_parallel>, #tpu.dimension_semantics<subcore_parallel>], iteration_bounds = array<i64: 2, 16>, scalar_prefetch = 0 : i64, scratch_operands = 7 : i64, tpu.core_type = #tpu.core_type<sc_vector_subcore>, window_params = [{transform_indices = #map}, {transform_indices = #map1}, {transform_indices = #map1}, {transform_indices = #map1}]} {
    %mul3A = arith.constant 16 : i32
    %mul3A_0 = arith.muli %arg0, %mul3A : i32
    %add3A = arith.addi %mul3A_0, %arg1 : i32
    %scan3A = arith.constant 0 : i32
    %scan3A_1 = arith.constant 128 : i32
    %scan3A_2 = arith.addi %scan3A, %scan3A_1 : i32
    %scan3A_3 = arith.constant 1 : i32
    scf.for %scan3A_33 = %scan3A to %scan3A_2 step %scan3A_3  : i32 {
      %mul3A_34 = arith.constant 1 : i32
      %mul3A_35 = arith.muli %scan3A_33, %mul3A_34 : i32
      %add3A_36 = arith.constant 0 : i32
      %add3A_37 = arith.addi %add3A_36, %mul3A_35 : i32
      %scan3A_38 = arith.constant 0 : i32
      %scan3A_39 = arith.constant 8 : i32
      %scan3A_40 = arith.addi %scan3A_38, %scan3A_39 : i32
      %scan3A_41 = arith.constant 1 : i32
      scf.for %scan3A_43 = %scan3A_38 to %scan3A_40 step %scan3A_41  : i32 {
        %mul3A_44 = arith.constant 16 : i32
        %mul3A_45 = arith.muli %scan3A_43, %mul3A_44 : i32
        %add3A_46 = arith.constant 0 : i32
        %add3A_47 = arith.addi %add3A_46, %mul3A_45 : i32
        %broadcast_in_dim3A = arith.constant 0.000000e+00 : f32
        %broadcast_in_dim3A_48 = vector.broadcast %broadcast_in_dim3A : f32 to vector<16xf32>
        %swap3A = arith.index_cast %add3A_37 : i32 to index
        %swap3A_49 = arith.index_cast %add3A_47 : i32 to index
        %swap3A_50 = tpu.vector_load %arg8[%swap3A, %swap3A_49] {strides = array<i32>} : memref<128x128xf32, #tpu.memory_space<vmem>>, vector<1x16xf32>,
        %swap3A_51 = vector.shape_cast %swap3A_50 : vector<1x16xf32> to vector<16xf32>
        %swap3A_52 = vector.shape_cast %broadcast_in_dim3A_48 : vector<16xf32> to vector<1x16xf32>
        tpu.vector_store %arg8[%swap3A, %swap3A_49], %swap3A_52 {strides = array<i32>} : memref<128x128xf32, #tpu.memory_space<vmem>>, vector<1x16xf32>,
      }
      %scan3A_42 = arith.constant 8 : i32
    }
    %scan3A_4 = arith.constant 128 : i32
    %scan3A_5 = arith.constant 0 : i32
    %scan3A_6 = arith.constant 4 : i32
    %scan3A_7 = arith.addi %scan3A_5, %scan3A_6 : i32
    %scan3A_8 = arith.constant 1 : i32
    scf.for %scan3A_33 = %scan3A_5 to %scan3A_7 step %scan3A_8  : i32 {
      %mul3A_34 = arith.constant 128 : i32
      %mul3A_35 = arith.muli %scan3A_33, %mul3A_34 : i32
      %add3A_36 = arith.constant 0 : i32
      %add3A_37 = arith.addi %add3A_36, %mul3A_35 : i32
      %mul3A_38 = arith.constant 632 : i32
      %mul3A_39 = arith.muli %arg1, %mul3A_38 : i32
      %add3A_40 = arith.addi %mul3A_39, %add3A_37 : i32
      "tpu.region"() ({
        %run_scoped3A = tpu.sem_alloc : memref<!tpu.dma_semaphore, #tpu.memory_space<semaphore_mem>>
        %dma_start3A = arith.constant 0 : i32
        %dma_start3A_41 = tpu.memref_slice %arg10[%add3A_40, %dma_start3A] : memref<10112x128xf32, #tpu.memory_space<vmem_shared>> -> memref<128x128xf32, #tpu.memory_space<vmem_shared>>
        %dma_start3A_42 = arith.constant 0 : i32
        %dma_start3A_43 = tpu.memref_slice %arg10[%add3A_40, %dma_start3A_42] : memref<10112x128xf32, #tpu.memory_space<vmem_shared>> -> memref<128x128xf32, #tpu.memory_space<vmem_shared>>
        tpu.enqueue_dma source(%arg8 : memref<128x128xf32, #tpu.memory_space<vmem>>) target(%dma_start3A_43 : memref<128x128xf32, #tpu.memory_space<vmem_shared>>) target_semaphore(%run_scoped3A : memref<!tpu.dma_semaphore, #tpu.memory_space<semaphore_mem>>)
        %dma_wait3A = arith.constant 0 : i32
        %dma_wait3A_44 = tpu.memref_slice %arg10[%add3A_40, %dma_wait3A] : memref<10112x128xf32, #tpu.memory_space<vmem_shared>> -> memref<128x128xf32, #tpu.memory_space<vmem_shared>>
        %dma_wait3A_45 = arith.constant 0 : i32
        %dma_wait3A_46 = tpu.memref_slice %arg10[%add3A_40, %dma_wait3A_45] : memref<10112x128xf32, #tpu.memory_space<vmem_shared>> -> memref<128x128xf32, #tpu.memory_space<vmem_shared>>
        tpu.wait_dma2 semaphore(%run_scoped3A : memref<!tpu.dma_semaphore, #tpu.memory_space<semaphore_mem>>) src(%arg8 : memref<128x128xf32, #tpu.memory_space<vmem>>) dst(%dma_wait3A_46 : memref<128x128xf32, #tpu.memory_space<vmem_shared>>)
        tpu.yield
      }) : () -> ()
    }
    %scan3A_9 = arith.constant 4 : i32
    %mul3A_10 = arith.constant 632 : i32
    %mul3A_11 = arith.muli %arg1, %mul3A_10 : i32
    %add3A_12 = arith.constant 512 : i32
    %add3A_13 = arith.addi %mul3A_11, %add3A_12 : i32
    "tpu.region"() ({
      %run_scoped3A = tpu.sem_alloc : memref<!tpu.dma_semaphore, #tpu.memory_space<semaphore_mem>>
      %dma_start3A = arith.constant 0 : i32
      %dma_start3A_33 = arith.constant 0 : i32
      %dma_start3A_34 = tpu.memref_slice %arg8[%dma_start3A, %dma_start3A_33] : memref<128x128xf32, #tpu.memory_space<vmem>> -> memref<120x128xf32, #tpu.memory_space<vmem>>
      %dma_start3A_35 = arith.constant 0 : i32
      %dma_start3A_36 = tpu.memref_slice %arg10[%add3A_13, %dma_start3A_35] : memref<10112x128xf32, #tpu.memory_space<vmem_shared>> -> memref<120x128xf32, #tpu.memory_space<vmem_shared>>
      %dma_start3A_37 = arith.constant 0 : i32
      %dma_start3A_38 = tpu.memref_slice %arg10[%add3A_13, %dma_start3A_37] : memref<10112x128xf32, #tpu.memory_space<vmem_shared>> -> memref<120x128xf32, #tpu.memory_space<vmem_shared>>
      %dma_start3A_39 = arith.constant 0 : i32
      %dma_start3A_40 = arith.constant 0 : i32
      %dma_start3A_41 = tpu.memref_slice %arg8[%dma_start3A_39, %dma_start3A_40] : memref<128x128xf32, #tpu.memory_space<vmem>> -> memref<120x128xf32, #tpu.memory_space<vmem>>
      tpu.enqueue_dma source(%dma_start3A_41 : memref<120x128xf32, #tpu.memory_space<vmem>>) target(%dma_start3A_38 : memref<120x128xf32, #tpu.memory_space<vmem_shared>>) target_semaphore(%run_scoped3A : memref<!tpu.dma_semaphore, #tpu.memory_space<semaphore_mem>>)
      %dma_wait3A = arith.constant 0 : i32
      %dma_wait3A_42 = arith.constant 0 : i32
      %dma_wait3A_43 = tpu.memref_slice %arg8[%dma_wait3A, %dma_wait3A_42] : memref<128x128xf32, #tpu.memory_space<vmem>> -> memref<120x128xf32, #tpu.memory_space<vmem>>
      %dma_wait3A_44 = arith.constant 0 : i32
      %dma_wait3A_45 = tpu.memref_slice %arg10[%add3A_13, %dma_wait3A_44] : memref<10112x128xf32, #tpu.memory_space<vmem_shared>> -> memref<120x128xf32, #tpu.memory_space<vmem_shared>>
      %dma_wait3A_46 = arith.constant 0 : i32
      %dma_wait3A_47 = tpu.memref_slice %arg10[%add3A_13, %dma_wait3A_46] : memref<10112x128xf32, #tpu.memory_space<vmem_shared>> -> memref<120x128xf32, #tpu.memory_space<vmem_shared>>
      %dma_wait3A_48 = arith.constant 0 : i32
      %dma_wait3A_49 = arith.constant 0 : i32
      %dma_wait3A_50 = tpu.memref_slice %arg8[%dma_wait3A_48, %dma_wait3A_49] : memref<128x128xf32, #tpu.memory_space<vmem>> -> memref<120x128xf32, #tpu.memory_space<vmem>>
      tpu.wait_dma2 semaphore(%run_scoped3A : memref<!tpu.dma_semaphore, #tpu.memory_space<semaphore_mem>>) src(%dma_wait3A_50 : memref<120x128xf32, #tpu.memory_space<vmem>>) dst(%dma_wait3A_47 : memref<120x128xf32, #tpu.memory_space<vmem_shared>>)
      tpu.yield
    }) : () -> ()
    %barrier3A = arith.constant 0 : index
    tpu.barrier barrier_id(%barrier3A)
    %scan3A_14 = arith.constant 0 : i32
    %scan3A_15 = arith.constant 5 : i32
    %scan3A_16 = arith.addi %scan3A_14, %scan3A_15 : i32
    %scan3A_17 = arith.constant 1 : i32
    scf.for %scan3A_33 = %scan3A_14 to %scan3A_16 step %scan3A_17  : i32 {
      %mul3A_34 = arith.constant 1 : i32
      %mul3A_35 = arith.muli %scan3A_33, %mul3A_34 : i32
      %add3A_36 = arith.constant 0 : i32
      %add3A_37 = arith.addi %add3A_36, %mul3A_35 : i32
      %mul3A_38 = arith.constant 16 : i32
      %mul3A_39 = arith.muli %add3A_37, %mul3A_38 : i32
      "tpu.region"() ({
        %run_scoped3A_74 = tpu.sem_alloc : memref<!tpu.dma_semaphore, #tpu.memory_space<semaphore_mem>>
        %dma_start3A_75 = arith.constant 0 : i32
        %dma_start3A_76 = tpu.memref_slice %arg3[%add3A, %mul3A_39, %dma_start3A_75] : memref<32x80x128xi32, #tpu.memory_space<hbm>> -> memref<1x16x128xi32, #tpu.memory_space<hbm>>
        %dma_start3A_77 = tpu.memref_squeeze %dma_start3A_76 : memref<1x16x128xi32, #tpu.memory_space<hbm>> -> memref<16x128xi32, #tpu.memory_space<hbm>>
        %dma_start3A_78 = arith.constant 0 : i32
        %dma_start3A_79 = tpu.memref_slice %arg3[%add3A, %mul3A_39, %dma_start3A_78] : memref<32x80x128xi32, #tpu.memory_space<hbm>> -> memref<1x16x128xi32, #tpu.memory_space<hbm>>
        %dma_start3A_80 = tpu.memref_squeeze %dma_start3A_79 : memref<1x16x128xi32, #tpu.memory_space<hbm>> -> memref<16x128xi32, #tpu.memory_space<hbm>>
        tpu.enqueue_dma source(%dma_start3A_80 : memref<16x128xi32, #tpu.memory_space<hbm>>) target(%arg6 : memref<16x128xi32, #tpu.memory_space<vmem>>) target_semaphore(%run_scoped3A_74 : memref<!tpu.dma_semaphore, #tpu.memory_space<semaphore_mem>>)
        %dma_wait3A_81 = arith.constant 0 : i32
        %dma_wait3A_82 = tpu.memref_slice %arg3[%add3A, %mul3A_39, %dma_wait3A_81] : memref<32x80x128xi32, #tpu.memory_space<hbm>> -> memref<1x16x128xi32, #tpu.memory_space<hbm>>
        %dma_wait3A_83 = tpu.memref_squeeze %dma_wait3A_82 : memref<1x16x128xi32, #tpu.memory_space<hbm>> -> memref<16x128xi32, #tpu.memory_space<hbm>>
        %dma_wait3A_84 = arith.constant 0 : i32
        %dma_wait3A_85 = tpu.memref_slice %arg3[%add3A, %mul3A_39, %dma_wait3A_84] : memref<32x80x128xi32, #tpu.memory_space<hbm>> -> memref<1x16x128xi32, #tpu.memory_space<hbm>>
        %dma_wait3A_86 = tpu.memref_squeeze %dma_wait3A_85 : memref<1x16x128xi32, #tpu.memory_space<hbm>> -> memref<16x128xi32, #tpu.memory_space<hbm>>
        tpu.wait_dma2 semaphore(%run_scoped3A_74 : memref<!tpu.dma_semaphore, #tpu.memory_space<semaphore_mem>>) src(%dma_wait3A_86 : memref<16x128xi32, #tpu.memory_space<hbm>>) dst(%arg6 : memref<16x128xi32, #tpu.memory_space<vmem>>)
        tpu.yield
      }) : () -> ()
      %mul3A_40 = arith.constant 16 : i32
      %mul3A_41 = arith.muli %add3A_37, %mul3A_40 : i32
      "tpu.region"() ({
        %run_scoped3A_74 = tpu.sem_alloc : memref<!tpu.dma_semaphore, #tpu.memory_space<semaphore_mem>>
        %dma_start3A_75 = arith.constant 0 : i32
        %dma_start3A_76 = tpu.memref_slice %arg4[%add3A, %mul3A_41, %dma_start3A_75] : memref<32x80x128xi32, #tpu.memory_space<hbm>> -> memref<1x16x128xi32, #tpu.memory_space<hbm>>
        %dma_start3A_77 = tpu.memref_squeeze %dma_start3A_76 : memref<1x16x128xi32, #tpu.memory_space<hbm>> -> memref<16x128xi32, #tpu.memory_space<hbm>>
        %dma_start3A_78 = arith.constant 0 : i32
        %dma_start3A_79 = tpu.memref_slice %arg4[%add3A, %mul3A_41, %dma_start3A_78] : memref<32x80x128xi32, #tpu.memory_space<hbm>> -> memref<1x16x128xi32, #tpu.memory_space<hbm>>
        %dma_start3A_80 = tpu.memref_squeeze %dma_start3A_79 : memref<1x16x128xi32, #tpu.memory_space<hbm>> -> memref<16x128xi32, #tpu.memory_space<hbm>>
        tpu.enqueue_dma source(%dma_start3A_80 : memref<16x128xi32, #tpu.memory_space<hbm>>) target(%arg7 : memref<16x128xi32, #tpu.memory_space<vmem>>) target_semaphore(%run_scoped3A_74 : memref<!tpu.dma_semaphore, #tpu.memory_space<semaphore_mem>>)
        %dma_wait3A_81 = arith.constant 0 : i32
        %dma_wait3A_82 = tpu.memref_slice %arg4[%add3A, %mul3A_41, %dma_wait3A_81] : memref<32x80x128xi32, #tpu.memory_space<hbm>> -> memref<1x16x128xi32, #tpu.memory_space<hbm>>
        %dma_wait3A_83 = tpu.memref_squeeze %dma_wait3A_82 : memref<1x16x128xi32, #tpu.memory_space<hbm>> -> memref<16x128xi32, #tpu.memory_space<hbm>>
        %dma_wait3A_84 = arith.constant 0 : i32
        %dma_wait3A_85 = tpu.memref_slice %arg4[%add3A, %mul3A_41, %dma_wait3A_84] : memref<32x80x128xi32, #tpu.memory_space<hbm>> -> memref<1x16x128xi32, #tpu.memory_space<hbm>>
        %dma_wait3A_86 = tpu.memref_squeeze %dma_wait3A_85 : memref<1x16x128xi32, #tpu.memory_space<hbm>> -> memref<16x128xi32, #tpu.memory_space<hbm>>
        tpu.wait_dma2 semaphore(%run_scoped3A_74 : memref<!tpu.dma_semaphore, #tpu.memory_space<semaphore_mem>>) src(%dma_wait3A_86 : memref<16x128xi32, #tpu.memory_space<hbm>>) dst(%arg7 : memref<16x128xi32, #tpu.memory_space<vmem>>)
        tpu.yield
      }) : () -> ()
      %dma_start3A = arith.constant 0 : i32
      %dma_start3A_42 = arith.constant 0 : i32
      %dma_start3A_43 = tpu.memref_slice %arg6[%dma_start3A, %dma_start3A_42] : memref<16x128xi32, #tpu.memory_space<vmem>> -> memref<1x128xi32, #tpu.memory_space<vmem>>
      %dma_start3A_44 = tpu.memref_squeeze %dma_start3A_43 : memref<1x128xi32, #tpu.memory_space<vmem>> -> memref<128xi32, #tpu.memory_space<vmem>>
      %dma_start3A_45 = arith.constant 0 : i32
      %dma_start3A_46 = arith.constant 0 : i32
      %dma_start3A_47 = tpu.memref_slice %arg2[%dma_start3A_45, %dma_start3A_46] : memref<10000x128xf32, #tpu.memory_space<hbm>> -> memref<10000x128xf32, #tpu.memory_space<hbm>>
      tpu.enqueue_indirect_dma source(%dma_start3A_47 : memref<10000x128xf32, #tpu.memory_space<hbm>>) target(%arg8 : memref<128x128xf32, #tpu.memory_space<vmem>>) offsets(%dma_start3A_44 : memref<128xi32, #tpu.memory_space<vmem>>) semaphore(%arg11 : memref<!tpu.dma_semaphore, #tpu.memory_space<semaphore_mem>>)
      %dma_start3A_48 = arith.constant 1 : i32
      %dma_start3A_49 = arith.constant 0 : i32
      %dma_start3A_50 = tpu.memref_slice %arg6[%dma_start3A_48, %dma_start3A_49] : memref<16x128xi32, #tpu.memory_space<vmem>> -> memref<1x128xi32, #tpu.memory_space<vmem>>
      %dma_start3A_51 = tpu.memref_squeeze %dma_start3A_50 : memref<1x128xi32, #tpu.memory_space<vmem>> -> memref<128xi32, #tpu.memory_space<vmem>>
      %dma_start3A_52 = arith.constant 0 : i32
      %dma_start3A_53 = arith.constant 0 : i32
      %dma_start3A_54 = tpu.memref_slice %arg2[%dma_start3A_52, %dma_start3A_53] : memref<10000x128xf32, #tpu.memory_space<hbm>> -> memref<10000x128xf32, #tpu.memory_space<hbm>>
      tpu.enqueue_indirect_dma source(%dma_start3A_54 : memref<10000x128xf32, #tpu.memory_space<hbm>>) target(%arg9 : memref<128x128xf32, #tpu.memory_space<vmem>>) offsets(%dma_start3A_51 : memref<128xi32, #tpu.memory_space<vmem>>) semaphore(%arg12 : memref<!tpu.dma_semaphore, #tpu.memory_space<semaphore_mem>>)
      %scan3A_55 = arith.constant 0 : i32
      %scan3A_56 = arith.constant 7 : i32
      %scan3A_57 = arith.addi %scan3A_55, %scan3A_56 : i32
      %scan3A_58 = arith.constant 1 : i32
      scf.for %scan3A_74 = %scan3A_55 to %scan3A_57 step %scan3A_58  : i32 {
        %mul3A_75 = arith.constant 2 : i32
        %mul3A_76 = arith.muli %scan3A_74, %mul3A_75 : i32
        %add3A_77 = arith.constant 0 : i32
        %add3A_78 = arith.addi %add3A_77, %mul3A_76 : i32
        %dma_wait3A_79 = arith.constant 0 : i32
        %dma_wait3A_80 = tpu.memref_slice %arg6[%add3A_78, %dma_wait3A_79] : memref<16x128xi32, #tpu.memory_space<vmem>> -> memref<1x128xi32, #tpu.memory_space<vmem>>
        %dma_wait3A_81 = tpu.memref_squeeze %dma_wait3A_80 : memref<1x128xi32, #tpu.memory_space<vmem>> -> memref<128xi32, #tpu.memory_space<vmem>>
        %dma_wait3A_82 = arith.constant 0 : i32
        %dma_wait3A_83 = arith.constant 0 : i32
        %dma_wait3A_84 = tpu.memref_slice %arg2[%dma_wait3A_82, %dma_wait3A_83] : memref<10000x128xf32, #tpu.memory_space<hbm>> -> memref<10000x128xf32, #tpu.memory_space<hbm>>
        tpu.wait_indirect_dma semaphore(%arg11 : memref<!tpu.dma_semaphore, #tpu.memory_space<semaphore_mem>>) src(%dma_wait3A_84 : memref<10000x128xf32, #tpu.memory_space<hbm>>) dst(%arg8 : memref<128x128xf32, #tpu.memory_space<vmem>>)
        "tpu.region"() ({
          %run_scoped3A_111 = tpu.sem_alloc : memref<!tpu.dma_semaphore, #tpu.memory_space<semaphore_mem>>
          %dma_start3A_112 = arith.constant 0 : i32
          %dma_start3A_113 = tpu.memref_slice %arg7[%add3A_78, %dma_start3A_112] : memref<16x128xi32, #tpu.memory_space<vmem>> -> memref<1x128xi32, #tpu.memory_space<vmem>>
          %dma_start3A_114 = tpu.memref_squeeze %dma_start3A_113 : memref<1x128xi32, #tpu.memory_space<vmem>> -> memref<128xi32, #tpu.memory_space<vmem>>
          %dma_start3A_115 = arith.constant 0 : i32
          %dma_start3A_116 = arith.constant 0 : i32
          %dma_start3A_117 = tpu.memref_slice %arg10[%dma_start3A_115, %dma_start3A_116] : memref<10112x128xf32, #tpu.memory_space<vmem_shared>> -> memref<10112x128xf32, #tpu.memory_space<vmem_shared>>
          tpu.enqueue_indirect_dma source(%arg8 : memref<128x128xf32, #tpu.memory_space<vmem>>) target(%dma_start3A_117 : memref<10112x128xf32, #tpu.memory_space<vmem_shared>>) offsets(%dma_start3A_114 : memref<128xi32, #tpu.memory_space<vmem>>) semaphore(%run_scoped3A_111 : memref<!tpu.dma_semaphore, #tpu.memory_space<semaphore_mem>>) {add = true}
          %dma_wait3A_118 = arith.constant 0 : i32
          %dma_wait3A_119 = tpu.memref_slice %arg7[%add3A_78, %dma_wait3A_118] : memref<16x128xi32, #tpu.memory_space<vmem>> -> memref<1x128xi32, #tpu.memory_space<vmem>>
          %dma_wait3A_120 = tpu.memref_squeeze %dma_wait3A_119 : memref<1x128xi32, #tpu.memory_space<vmem>> -> memref<128xi32, #tpu.memory_space<vmem>>
          %dma_wait3A_121 = arith.constant 0 : i32
          %dma_wait3A_122 = arith.constant 0 : i32
          %dma_wait3A_123 = tpu.memref_slice %arg10[%dma_wait3A_121, %dma_wait3A_122] : memref<10112x128xf32, #tpu.memory_space<vmem_shared>> -> memref<10112x128xf32, #tpu.memory_space<vmem_shared>>
          tpu.wait_indirect_dma semaphore(%run_scoped3A_111 : memref<!tpu.dma_semaphore, #tpu.memory_space<semaphore_mem>>) src(%arg8 : memref<128x128xf32, #tpu.memory_space<vmem>>) dst(%dma_wait3A_123 : memref<10112x128xf32, #tpu.memory_space<vmem_shared>>)
          tpu.yield
        }) : () -> ()
        %add3A_85 = arith.constant 2 : i32
        %add3A_86 = arith.addi %add3A_78, %add3A_85 : i32
        %dma_start3A_87 = arith.constant 0 : i32
        %dma_start3A_88 = tpu.memref_slice %arg6[%add3A_86, %dma_start3A_87] : memref<16x128xi32, #tpu.memory_space<vmem>> -> memref<1x128xi32, #tpu.memory_space<vmem>>
        %dma_start3A_89 = tpu.memref_squeeze %dma_start3A_88 : memref<1x128xi32, #tpu.memory_space<vmem>> -> memref<128xi32, #tpu.memory_space<vmem>>
        %dma_start3A_90 = arith.constant 0 : i32
        %dma_start3A_91 = arith.constant 0 : i32
        %dma_start3A_92 = tpu.memref_slice %arg2[%dma_start3A_90, %dma_start3A_91] : memref<10000x128xf32, #tpu.memory_space<hbm>> -> memref<10000x128xf32, #tpu.memory_space<hbm>>
        tpu.enqueue_indirect_dma source(%dma_start3A_92 : memref<10000x128xf32, #tpu.memory_space<hbm>>) target(%arg8 : memref<128x128xf32, #tpu.memory_space<vmem>>) offsets(%dma_start3A_89 : memref<128xi32, #tpu.memory_space<vmem>>) semaphore(%arg11 : memref<!tpu.dma_semaphore, #tpu.memory_space<semaphore_mem>>)
        %add3A_93 = arith.constant 1 : i32
        %add3A_94 = arith.addi %add3A_78, %add3A_93 : i32
        %dma_wait3A_95 = arith.constant 0 : i32
        %dma_wait3A_96 = tpu.memref_slice %arg6[%add3A_94, %dma_wait3A_95] : memref<16x128xi32, #tpu.memory_space<vmem>> -> memref<1x128xi32, #tpu.memory_space<vmem>>
        %dma_wait3A_97 = tpu.memref_squeeze %dma_wait3A_96 : memref<1x128xi32, #tpu.memory_space<vmem>> -> memref<128xi32, #tpu.memory_space<vmem>>
        %dma_wait3A_98 = arith.constant 0 : i32
        %dma_wait3A_99 = arith.constant 0 : i32
        %dma_wait3A_100 = tpu.memref_slice %arg2[%dma_wait3A_98, %dma_wait3A_99] : memref<10000x128xf32, #tpu.memory_space<hbm>> -> memref<10000x128xf32, #tpu.memory_space<hbm>>
        tpu.wait_indirect_dma semaphore(%arg12 : memref<!tpu.dma_semaphore, #tpu.memory_space<semaphore_mem>>) src(%dma_wait3A_100 : memref<10000x128xf32, #tpu.memory_space<hbm>>) dst(%arg9 : memref<128x128xf32, #tpu.memory_space<vmem>>)
        %add3A_101 = arith.constant 1 : i32
        %add3A_102 = arith.addi %add3A_78, %add3A_101 : i32
        "tpu.region"() ({
          %run_scoped3A_111 = tpu.sem_alloc : memref<!tpu.dma_semaphore, #tpu.memory_space<semaphore_mem>>
          %dma_start3A_112 = arith.constant 0 : i32
          %dma_start3A_113 = tpu.memref_slice %arg7[%add3A_102, %dma_start3A_112] : memref<16x128xi32, #tpu.memory_space<vmem>> -> memref<1x128xi32, #tpu.memory_space<vmem>>
          %dma_start3A_114 = tpu.memref_squeeze %dma_start3A_113 : memref<1x128xi32, #tpu.memory_space<vmem>> -> memref<128xi32, #tpu.memory_space<vmem>>
          %dma_start3A_115 = arith.constant 0 : i32
          %dma_start3A_116 = arith.constant 0 : i32
          %dma_start3A_117 = tpu.memref_slice %arg10[%dma_start3A_115, %dma_start3A_116] : memref<10112x128xf32, #tpu.memory_space<vmem_shared>> -> memref<10112x128xf32, #tpu.memory_space<vmem_shared>>
          tpu.enqueue_indirect_dma source(%arg9 : memref<128x128xf32, #tpu.memory_space<vmem>>) target(%dma_start3A_117 : memref<10112x128xf32, #tpu.memory_space<vmem_shared>>) offsets(%dma_start3A_114 : memref<128xi32, #tpu.memory_space<vmem>>) semaphore(%run_scoped3A_111 : memref<!tpu.dma_semaphore, #tpu.memory_space<semaphore_mem>>) {add = true}
          %dma_wait3A_118 = arith.constant 0 : i32
          %dma_wait3A_119 = tpu.memref_slice %arg7[%add3A_102, %dma_wait3A_118] : memref<16x128xi32, #tpu.memory_space<vmem>> -> memref<1x128xi32, #tpu.memory_space<vmem>>
          %dma_wait3A_120 = tpu.memref_squeeze %dma_wait3A_119 : memref<1x128xi32, #tpu.memory_space<vmem>> -> memref<128xi32, #tpu.memory_space<vmem>>
          %dma_wait3A_121 = arith.constant 0 : i32
          %dma_wait3A_122 = arith.constant 0 : i32
          %dma_wait3A_123 = tpu.memref_slice %arg10[%dma_wait3A_121, %dma_wait3A_122] : memref<10112x128xf32, #tpu.memory_space<vmem_shared>> -> memref<10112x128xf32, #tpu.memory_space<vmem_shared>>
          tpu.wait_indirect_dma semaphore(%run_scoped3A_111 : memref<!tpu.dma_semaphore, #tpu.memory_space<semaphore_mem>>) src(%arg9 : memref<128x128xf32, #tpu.memory_space<vmem>>) dst(%dma_wait3A_123 : memref<10112x128xf32, #tpu.memory_space<vmem_shared>>)
          tpu.yield
        }) : () -> ()
        %add3A_103 = arith.constant 3 : i32
        %add3A_104 = arith.addi %add3A_78, %add3A_103 : i32
        %dma_start3A_105 = arith.constant 0 : i32
        %dma_start3A_106 = tpu.memref_slice %arg6[%add3A_104, %dma_start3A_105] : memref<16x128xi32, #tpu.memory_space<vmem>> -> memref<1x128xi32, #tpu.memory_space<vmem>>
        %dma_start3A_107 = tpu.memref_squeeze %dma_start3A_106 : memref<1x128xi32, #tpu.memory_space<vmem>> -> memref<128xi32, #tpu.memory_space<vmem>>
        %dma_start3A_108 = arith.constant 0 : i32
        %dma_start3A_109 = arith.constant 0 : i32
        %dma_start3A_110 = tpu.memref_slice %arg2[%dma_start3A_108, %dma_start3A_109] : memref<10000x128xf32, #tpu.memory_space<hbm>> -> memref<10000x128xf32, #tpu.memory_space<hbm>>
        tpu.enqueue_indirect_dma source(%dma_start3A_110 : memref<10000x128xf32, #tpu.memory_space<hbm>>) target(%arg9 : memref<128x128xf32, #tpu.memory_space<vmem>>) offsets(%dma_start3A_107 : memref<128xi32, #tpu.memory_space<vmem>>) semaphore(%arg12 : memref<!tpu.dma_semaphore, #tpu.memory_space<semaphore_mem>>)
      }
      %scan3A_59 = arith.constant 7 : i32
      %dma_wait3A = arith.constant 14 : i32
      %dma_wait3A_60 = arith.constant 0 : i32
      %dma_wait3A_61 = tpu.memref_slice %arg6[%dma_wait3A, %dma_wait3A_60] : memref<16x128xi32, #tpu.memory_space<vmem>> -> memref<1x128xi32, #tpu.memory_space<vmem>>
      %dma_wait3A_62 = tpu.memref_squeeze %dma_wait3A_61 : memref<1x128xi32, #tpu.memory_space<vmem>> -> memref<128xi32, #tpu.memory_space<vmem>>
      %dma_wait3A_63 = arith.constant 0 : i32
      %dma_wait3A_64 = arith.constant 0 : i32
      %dma_wait3A_65 = tpu.memref_slice %arg2[%dma_wait3A_63, %dma_wait3A_64] : memref<10000x128xf32, #tpu.memory_space<hbm>> -> memref<10000x128xf32, #tpu.memory_space<hbm>>
      tpu.wait_indirect_dma semaphore(%arg11 : memref<!tpu.dma_semaphore, #tpu.memory_space<semaphore_mem>>) src(%dma_wait3A_65 : memref<10000x128xf32, #tpu.memory_space<hbm>>) dst(%arg8 : memref<128x128xf32, #tpu.memory_space<vmem>>)
      %run_scoped3A = arith.constant 14 : i32
      "tpu.region"() ({
        %run_scoped3A_74 = tpu.sem_alloc : memref<!tpu.dma_semaphore, #tpu.memory_space<semaphore_mem>>
        %dma_start3A_75 = arith.constant 0 : i32
        %dma_start3A_76 = tpu.memref_slice %arg7[%run_scoped3A, %dma_start3A_75] : memref<16x128xi32, #tpu.memory_space<vmem>> -> memref<1x128xi32, #tpu.memory_space<vmem>>
        %dma_start3A_77 = tpu.memref_squeeze %dma_start3A_76 : memref<1x128xi32, #tpu.memory_space<vmem>> -> memref<128xi32, #tpu.memory_space<vmem>>
        %dma_start3A_78 = arith.constant 0 : i32
        %dma_start3A_79 = arith.constant 0 : i32
        %dma_start3A_80 = tpu.memref_slice %arg10[%dma_start3A_78, %dma_start3A_79] : memref<10112x128xf32, #tpu.memory_space<vmem_shared>> -> memref<10112x128xf32, #tpu.memory_space<vmem_shared>>
        tpu.enqueue_indirect_dma source(%arg8 : memref<128x128xf32, #tpu.memory_space<vmem>>) target(%dma_start3A_80 : memref<10112x128xf32, #tpu.memory_space<vmem_shared>>) offsets(%dma_start3A_77 : memref<128xi32, #tpu.memory_space<vmem>>) semaphore(%run_scoped3A_74 : memref<!tpu.dma_semaphore, #tpu.memory_space<semaphore_mem>>) {add = true}
        %dma_wait3A_81 = arith.constant 0 : i32
        %dma_wait3A_82 = tpu.memref_slice %arg7[%run_scoped3A, %dma_wait3A_81] : memref<16x128xi32, #tpu.memory_space<vmem>> -> memref<1x128xi32, #tpu.memory_space<vmem>>
        %dma_wait3A_83 = tpu.memref_squeeze %dma_wait3A_82 : memref<1x128xi32, #tpu.memory_space<vmem>> -> memref<128xi32, #tpu.memory_space<vmem>>
        %dma_wait3A_84 = arith.constant 0 : i32
        %dma_wait3A_85 = arith.constant 0 : i32
        %dma_wait3A_86 = tpu.memref_slice %arg10[%dma_wait3A_84, %dma_wait3A_85] : memref<10112x128xf32, #tpu.memory_space<vmem_shared>> -> memref<10112x128xf32, #tpu.memory_space<vmem_shared>>
        tpu.wait_indirect_dma semaphore(%run_scoped3A_74 : memref<!tpu.dma_semaphore, #tpu.memory_space<semaphore_mem>>) src(%arg8 : memref<128x128xf32, #tpu.memory_space<vmem>>) dst(%dma_wait3A_86 : memref<10112x128xf32, #tpu.memory_space<vmem_shared>>)
        tpu.yield
      }) : () -> ()
      %dma_wait3A_66 = arith.constant 15 : i32
      %dma_wait3A_67 = arith.constant 0 : i32
      %dma_wait3A_68 = tpu.memref_slice %arg6[%dma_wait3A_66, %dma_wait3A_67] : memref<16x128xi32, #tpu.memory_space<vmem>> -> memref<1x128xi32, #tpu.memory_space<vmem>>
      %dma_wait3A_69 = tpu.memref_squeeze %dma_wait3A_68 : memref<1x128xi32, #tpu.memory_space<vmem>> -> memref<128xi32, #tpu.memory_space<vmem>>
      %dma_wait3A_70 = arith.constant 0 : i32
      %dma_wait3A_71 = arith.constant 0 : i32
      %dma_wait3A_72 = tpu.memref_slice %arg2[%dma_wait3A_70, %dma_wait3A_71] : memref<10000x128xf32, #tpu.memory_space<hbm>> -> memref<10000x128xf32, #tpu.memory_space<hbm>>
      tpu.wait_indirect_dma semaphore(%arg12 : memref<!tpu.dma_semaphore, #tpu.memory_space<semaphore_mem>>) src(%dma_wait3A_72 : memref<10000x128xf32, #tpu.memory_space<hbm>>) dst(%arg9 : memref<128x128xf32, #tpu.memory_space<vmem>>)
      %run_scoped3A_73 = arith.constant 15 : i32
      "tpu.region"() ({
        %run_scoped3A_74 = tpu.sem_alloc : memref<!tpu.dma_semaphore, #tpu.memory_space<semaphore_mem>>
        %dma_start3A_75 = arith.constant 0 : i32
        %dma_start3A_76 = tpu.memref_slice %arg7[%run_scoped3A_73, %dma_start3A_75] : memref<16x128xi32, #tpu.memory_space<vmem>> -> memref<1x128xi32, #tpu.memory_space<vmem>>
        %dma_start3A_77 = tpu.memref_squeeze %dma_start3A_76 : memref<1x128xi32, #tpu.memory_space<vmem>> -> memref<128xi32, #tpu.memory_space<vmem>>
        %dma_start3A_78 = arith.constant 0 : i32
        %dma_start3A_79 = arith.constant 0 : i32
        %dma_start3A_80 = tpu.memref_slice %arg10[%dma_start3A_78, %dma_start3A_79] : memref<10112x128xf32, #tpu.memory_space<vmem_shared>> -> memref<10112x128xf32, #tpu.memory_space<vmem_shared>>
        tpu.enqueue_indirect_dma source(%arg9 : memref<128x128xf32, #tpu.memory_space<vmem>>) target(%dma_start3A_80 : memref<10112x128xf32, #tpu.memory_space<vmem_shared>>) offsets(%dma_start3A_77 : memref<128xi32, #tpu.memory_space<vmem>>) semaphore(%run_scoped3A_74 : memref<!tpu.dma_semaphore, #tpu.memory_space<semaphore_mem>>) {add = true}
        %dma_wait3A_81 = arith.constant 0 : i32
        %dma_wait3A_82 = tpu.memref_slice %arg7[%run_scoped3A_73, %dma_wait3A_81] : memref<16x128xi32, #tpu.memory_space<vmem>> -> memref<1x128xi32, #tpu.memory_space<vmem>>
        %dma_wait3A_83 = tpu.memref_squeeze %dma_wait3A_82 : memref<1x128xi32, #tpu.memory_space<vmem>> -> memref<128xi32, #tpu.memory_space<vmem>>
        %dma_wait3A_84 = arith.constant 0 : i32
        %dma_wait3A_85 = arith.constant 0 : i32
        %dma_wait3A_86 = tpu.memref_slice %arg10[%dma_wait3A_84, %dma_wait3A_85] : memref<10112x128xf32, #tpu.memory_space<vmem_shared>> -> memref<10112x128xf32, #tpu.memory_space<vmem_shared>>
        tpu.wait_indirect_dma semaphore(%run_scoped3A_74 : memref<!tpu.dma_semaphore, #tpu.memory_space<semaphore_mem>>) src(%arg9 : memref<128x128xf32, #tpu.memory_space<vmem>>) dst(%dma_wait3A_86 : memref<10112x128xf32, #tpu.memory_space<vmem_shared>>)
        tpu.yield
      }) : () -> ()
    }
    %scan3A_18 = arith.constant 5 : i32
    %barrier3A_19 = arith.constant 0 : index
    tpu.barrier barrier_id(%barrier3A_19)
    %scan3A_20 = arith.constant 0 : i32
    %scan3A_21 = arith.constant 4 : i32
    %scan3A_22 = arith.addi %scan3A_20, %scan3A_21 : i32
    %scan3A_23 = arith.constant 1 : i32
    scf.for %scan3A_33 = %scan3A_20 to %scan3A_22 step %scan3A_23  : i32 {
      %mul3A_34 = arith.constant 128 : i32
      %mul3A_35 = arith.muli %scan3A_33, %mul3A_34 : i32
      %add3A_36 = arith.constant 0 : i32
      %add3A_37 = arith.addi %add3A_36, %mul3A_35 : i32
      %mul3A_38 = arith.constant 632 : i32
      %mul3A_39 = arith.muli %arg1, %mul3A_38 : i32
      %add3A_40 = arith.addi %mul3A_39, %add3A_37 : i32
      "tpu.region"() ({
        %run_scoped3A = tpu.sem_alloc : memref<!tpu.dma_semaphore, #tpu.memory_space<semaphore_mem>>
        %dma_start3A = arith.constant 0 : i32
        %dma_start3A_44 = tpu.memref_slice %arg10[%add3A_40, %dma_start3A] : memref<10112x128xf32, #tpu.memory_space<vmem_shared>> -> memref<128x128xf32, #tpu.memory_space<vmem_shared>>
        %dma_start3A_45 = arith.constant 0 : i32
        %dma_start3A_46 = tpu.memref_slice %arg10[%add3A_40, %dma_start3A_45] : memref<10112x128xf32, #tpu.memory_space<vmem_shared>> -> memref<128x128xf32, #tpu.memory_space<vmem_shared>>
        tpu.enqueue_dma source(%dma_start3A_46 : memref<128x128xf32, #tpu.memory_space<vmem_shared>>) target(%arg8 : memref<128x128xf32, #tpu.memory_space<vmem>>) target_semaphore(%run_scoped3A : memref<!tpu.dma_semaphore, #tpu.memory_space<semaphore_mem>>)
        %dma_wait3A = arith.constant 0 : i32
        %dma_wait3A_47 = tpu.memref_slice %arg10[%add3A_40, %dma_wait3A] : memref<10112x128xf32, #tpu.memory_space<vmem_shared>> -> memref<128x128xf32, #tpu.memory_space<vmem_shared>>
        %dma_wait3A_48 = arith.constant 0 : i32
        %dma_wait3A_49 = tpu.memref_slice %arg10[%add3A_40, %dma_wait3A_48] : memref<10112x128xf32, #tpu.memory_space<vmem_shared>> -> memref<128x128xf32, #tpu.memory_space<vmem_shared>>
        tpu.wait_dma2 semaphore(%run_scoped3A : memref<!tpu.dma_semaphore, #tpu.memory_space<semaphore_mem>>) src(%dma_wait3A_49 : memref<128x128xf32, #tpu.memory_space<vmem_shared>>) dst(%arg8 : memref<128x128xf32, #tpu.memory_space<vmem>>)
        tpu.yield
      }) : () -> ()
      %mul3A_41 = arith.constant 632 : i32
      %mul3A_42 = arith.muli %arg1, %mul3A_41 : i32
      %add3A_43 = arith.addi %mul3A_42, %add3A_37 : i32
      "tpu.region"() ({
        %run_scoped3A = tpu.sem_alloc : memref<!tpu.dma_semaphore, #tpu.memory_space<semaphore_mem>>
        %dma_start3A = arith.constant 0 : i32
        %dma_start3A_44 = tpu.memref_slice %arg5[%arg0, %add3A_43, %dma_start3A] : memref<2x10112x128xf32, #tpu.memory_space<hbm>> -> memref<1x128x128xf32, #tpu.memory_space<hbm>>
        %dma_start3A_45 = tpu.memref_squeeze %dma_start3A_44 : memref<1x128x128xf32, #tpu.memory_space<hbm>> -> memref<128x128xf32, #tpu.memory_space<hbm>>
        %dma_start3A_46 = arith.constant 0 : i32
        %dma_start3A_47 = tpu.memref_slice %arg5[%arg0, %add3A_43, %dma_start3A_46] : memref<2x10112x128xf32, #tpu.memory_space<hbm>> -> memref<1x128x128xf32, #tpu.memory_space<hbm>>
        %dma_start3A_48 = tpu.memref_squeeze %dma_start3A_47 : memref<1x128x128xf32, #tpu.memory_space<hbm>> -> memref<128x128xf32, #tpu.memory_space<hbm>>
        tpu.enqueue_dma source(%arg8 : memref<128x128xf32, #tpu.memory_space<vmem>>) target(%dma_start3A_48 : memref<128x128xf32, #tpu.memory_space<hbm>>) target_semaphore(%run_scoped3A : memref<!tpu.dma_semaphore, #tpu.memory_space<semaphore_mem>>)
        %dma_wait3A = arith.constant 0 : i32
        %dma_wait3A_49 = tpu.memref_slice %arg5[%arg0, %add3A_43, %dma_wait3A] : memref<2x10112x128xf32, #tpu.memory_space<hbm>> -> memref<1x128x128xf32, #tpu.memory_space<hbm>>
        %dma_wait3A_50 = tpu.memref_squeeze %dma_wait3A_49 : memref<1x128x128xf32, #tpu.memory_space<hbm>> -> memref<128x128xf32, #tpu.memory_space<hbm>>
        %dma_wait3A_51 = arith.constant 0 : i32
        %dma_wait3A_52 = tpu.memref_slice %arg5[%arg0, %add3A_43, %dma_wait3A_51] : memref<2x10112x128xf32, #tpu.memory_space<hbm>> -> memref<1x128x128xf32, #tpu.memory_space<hbm>>
        %dma_wait3A_53 = tpu.memref_squeeze %dma_wait3A_52 : memref<1x128x128xf32, #tpu.memory_space<hbm>> -> memref<128x128xf32, #tpu.memory_space<hbm>>
        tpu.wait_dma2 semaphore(%run_scoped3A : memref<!tpu.dma_semaphore, #tpu.memory_space<semaphore_mem>>) src(%arg8 : memref<128x128xf32, #tpu.memory_space<vmem>>) dst(%dma_wait3A_53 : memref<128x128xf32, #tpu.memory_space<hbm>>)
        tpu.yield
      }) : () -> ()
    }
    %scan3A_24 = arith.constant 4 : i32
    %mul3A_25 = arith.constant 632 : i32
    %mul3A_26 = arith.muli %arg1, %mul3A_25 : i32
    %add3A_27 = arith.constant 512 : i32
    %add3A_28 = arith.addi %mul3A_26, %add3A_27 : i32
    "tpu.region"() ({
      %run_scoped3A = tpu.sem_alloc : memref<!tpu.dma_semaphore, #tpu.memory_space<semaphore_mem>>
      %dma_start3A = arith.constant 0 : i32
      %dma_start3A_33 = arith.constant 0 : i32
      %dma_start3A_34 = tpu.memref_slice %arg8[%dma_start3A, %dma_start3A_33] : memref<128x128xf32, #tpu.memory_space<vmem>> -> memref<120x128xf32, #tpu.memory_space<vmem>>
      %dma_start3A_35 = arith.constant 0 : i32
      %dma_start3A_36 = tpu.memref_slice %arg10[%add3A_28, %dma_start3A_35] : memref<10112x128xf32, #tpu.memory_space<vmem_shared>> -> memref<120x128xf32, #tpu.memory_space<vmem_shared>>
      %dma_start3A_37 = arith.constant 0 : i32
      %dma_start3A_38 = arith.constant 0 : i32
      %dma_start3A_39 = tpu.memref_slice %arg8[%dma_start3A_37, %dma_start3A_38] : memref<128x128xf32, #tpu.memory_space<vmem>> -> memref<120x128xf32, #tpu.memory_space<vmem>>
      %dma_start3A_40 = arith.constant 0 : i32
      %dma_start3A_41 = tpu.memref_slice %arg10[%add3A_28, %dma_start3A_40] : memref<10112x128xf32, #tpu.memory_space<vmem_shared>> -> memref<120x128xf32, #tpu.memory_space<vmem_shared>>
      tpu.enqueue_dma source(%dma_start3A_41 : memref<120x128xf32, #tpu.memory_space<vmem_shared>>) target(%dma_start3A_39 : memref<120x128xf32, #tpu.memory_space<vmem>>) target_semaphore(%run_scoped3A : memref<!tpu.dma_semaphore, #tpu.memory_space<semaphore_mem>>)
      %dma_wait3A = arith.constant 0 : i32
      %dma_wait3A_42 = arith.constant 0 : i32
      %dma_wait3A_43 = tpu.memref_slice %arg8[%dma_wait3A, %dma_wait3A_42] : memref<128x128xf32, #tpu.memory_space<vmem>> -> memref<120x128xf32, #tpu.memory_space<vmem>>
      %dma_wait3A_44 = arith.constant 0 : i32
      %dma_wait3A_45 = tpu.memref_slice %arg10[%add3A_28, %dma_wait3A_44] : memref<10112x128xf32, #tpu.memory_space<vmem_shared>> -> memref<120x128xf32, #tpu.memory_space<vmem_shared>>
      %dma_wait3A_46 = arith.constant 0 : i32
      %dma_wait3A_47 = arith.constant 0 : i32
      %dma_wait3A_48 = tpu.memref_slice %arg8[%dma_wait3A_46, %dma_wait3A_47] : memref<128x128xf32, #tpu.memory_space<vmem>> -> memref<120x128xf32, #tpu.memory_space<vmem>>
      %dma_wait3A_49 = arith.constant 0 : i32
      %dma_wait3A_50 = tpu.memref_slice %arg10[%add3A_28, %dma_wait3A_49] : memref<10112x128xf32, #tpu.memory_space<vmem_shared>> -> memref<120x128xf32, #tpu.memory_space<vmem_shared>>
      tpu.wait_dma2 semaphore(%run_scoped3A : memref<!tpu.dma_semaphore, #tpu.memory_space<semaphore_mem>>) src(%dma_wait3A_50 : memref<120x128xf32, #tpu.memory_space<vmem_shared>>) dst(%dma_wait3A_48 : memref<120x128xf32, #tpu.memory_space<vmem>>)
      tpu.yield
    }) : () -> ()
    %mul3A_29 = arith.constant 632 : i32
    %mul3A_30 = arith.muli %arg1, %mul3A_29 : i32
    %add3A_31 = arith.constant 512 : i32
    %add3A_32 = arith.addi %mul3A_30, %add3A_31 : i32
    "tpu.region"() ({
      %run_scoped3A = tpu.sem_alloc : memref<!tpu.dma_semaphore, #tpu.memory_space<semaphore_mem>>
      %dma_start3A = arith.constant 0 : i32
      %dma_start3A_33 = arith.constant 0 : i32
      %dma_start3A_34 = tpu.memref_slice %arg8[%dma_start3A, %dma_start3A_33] : memref<128x128xf32, #tpu.memory_space<vmem>> -> memref<120x128xf32, #tpu.memory_space<vmem>>
      %dma_start3A_35 = arith.constant 0 : i32
      %dma_start3A_36 = tpu.memref_slice %arg5[%arg0, %add3A_32, %dma_start3A_35] : memref<2x10112x128xf32, #tpu.memory_space<hbm>> -> memref<1x120x128xf32, #tpu.memory_space<hbm>>
      %dma_start3A_37 = tpu.memref_squeeze %dma_start3A_36 : memref<1x120x128xf32, #tpu.memory_space<hbm>> -> memref<120x128xf32, #tpu.memory_space<hbm>>
      %dma_start3A_38 = arith.constant 0 : i32
      %dma_start3A_39 = tpu.memref_slice %arg5[%arg0, %add3A_32, %dma_start3A_38] : memref<2x10112x128xf32, #tpu.memory_space<hbm>> -> memref<1x120x128xf32, #tpu.memory_space<hbm>>
      %dma_start3A_40 = tpu.memref_squeeze %dma_start3A_39 : memref<1x120x128xf32, #tpu.memory_space<hbm>> -> memref<120x128xf32, #tpu.memory_space<hbm>>
      %dma_start3A_41 = arith.constant 0 : i32
      %dma_start3A_42 = arith.constant 0 : i32
      %dma_start3A_43 = tpu.memref_slice %arg8[%dma_start3A_41, %dma_start3A_42] : memref<128x128xf32, #tpu.memory_space<vmem>> -> memref<120x128xf32, #tpu.memory_space<vmem>>
      tpu.enqueue_dma source(%dma_start3A_43 : memref<120x128xf32, #tpu.memory_space<vmem>>) target(%dma_start3A_40 : memref<120x128xf32, #tpu.memory_space<hbm>>) target_semaphore(%run_scoped3A : memref<!tpu.dma_semaphore, #tpu.memory_space<semaphore_mem>>)
      %dma_wait3A = arith.constant 0 : i32
      %dma_wait3A_44 = arith.constant 0 : i32
      %dma_wait3A_45 = tpu.memref_slice %arg8[%dma_wait3A, %dma_wait3A_44] : memref<128x128xf32, #tpu.memory_space<vmem>> -> memref<120x128xf32, #tpu.memory_space<vmem>>
      %dma_wait3A_46 = arith.constant 0 : i32
      %dma_wait3A_47 = tpu.memref_slice %arg5[%arg0, %add3A_32, %dma_wait3A_46] : memref<2x10112x128xf32, #tpu.memory_space<hbm>> -> memref<1x120x128xf32, #tpu.memory_space<hbm>>
      %dma_wait3A_48 = tpu.memref_squeeze %dma_wait3A_47 : memref<1x120x128xf32, #tpu.memory_space<hbm>> -> memref<120x128xf32, #tpu.memory_space<hbm>>
      %dma_wait3A_49 = arith.constant 0 : i32
      %dma_wait3A_50 = tpu.memref_slice %arg5[%arg0, %add3A_32, %dma_wait3A_49] : memref<2x10112x128xf32, #tpu.memory_space<hbm>> -> memref<1x120x128xf32, #tpu.memory_space<hbm>>
      %dma_wait3A_51 = tpu.memref_squeeze %dma_wait3A_50 : memref<1x120x128xf32, #tpu.memory_space<hbm>> -> memref<120x128xf32, #tpu.memory_space<hbm>>
      %dma_wait3A_52 = arith.constant 0 : i32
      %dma_wait3A_53 = arith.constant 0 : i32
      %dma_wait3A_54 = tpu.memref_slice %arg8[%dma_wait3A_52, %dma_wait3A_53] : memref<128x128xf32, #tpu.memory_space<vmem>> -> memref<120x128xf32, #tpu.memory_space<vmem>>
      tpu.wait_dma2 semaphore(%run_scoped3A : memref<!tpu.dma_semaphore, #tpu.memory_space<semaphore_mem>>) src(%dma_wait3A_54 : memref<120x128xf32, #tpu.memory_space<vmem>>) dst(%dma_wait3A_51 : memref<120x128xf32, #tpu.memory_space<hbm>>)
      tpu.yield
    }) : () -> ()
    return
  }
}

#map = affine_map<(d0, d1) -> (0, 0)>
#map1 = affine_map<(d0, d1) -> (0, 0, 0)>
module attributes {stable_mosaic.version = 14 : i64} {
  func.func @_sc_edge_pass_body(%arg0: i32, %arg1: i32, %arg2: memref<10000x128xf32, #tpu.memory_space<hbm>>, %arg3: memref<32x80x128xi32, #tpu.memory_space<hbm>>, %arg4: memref<32x80x128xi32, #tpu.memory_space<hbm>>, %arg5: memref<2x10112x128xf32, #tpu.memory_space<hbm>>, %arg6: memref<16x128xi32, #tpu.memory_space<vmem>>, %arg7: memref<16x128xi32, #tpu.memory_space<vmem>>, %arg8: memref<128x128xf32, #tpu.memory_space<vmem>>, %arg9: memref<128x128xf32, #tpu.memory_space<vmem>>, %arg10: memref<10112x128xf32, #tpu.memory_space<vmem_shared>>, %arg11: memref<!tpu.dma_semaphore, #tpu.memory_space<semaphore_mem>>, %arg12: memref<!tpu.dma_semaphore, #tpu.memory_space<semaphore_mem>>) attributes {dimension_semantics = [#tpu.dimension_semantics<core_parallel>, #tpu.dimension_semantics<subcore_parallel>], iteration_bounds = array<i64: 2, 16>, scalar_prefetch = 0 : i64, scratch_operands = 7 : i64, tpu.core_type = #tpu.core_type<sc_vector_subcore>, window_params = [{transform_indices = #map}, {transform_indices = #map1}, {transform_indices = #map1}, {transform_indices = #map1}]} {
    %mul3A = arith.constant 16 : i32
    %mul3A_0 = arith.muli %arg0, %mul3A : i32
    %add3A = arith.addi %mul3A_0, %arg1 : i32
    %scan3A = arith.constant 0 : i32
    %scan3A_1 = arith.constant 128 : i32
    %scan3A_2 = arith.addi %scan3A, %scan3A_1 : i32
    %scan3A_3 = arith.constant 1 : i32
    scf.for %scan3A_33 = %scan3A to %scan3A_2 step %scan3A_3  : i32 {
      %mul3A_34 = arith.constant 1 : i32
      %mul3A_35 = arith.muli %scan3A_33, %mul3A_34 : i32
      %add3A_36 = arith.constant 0 : i32
      %add3A_37 = arith.addi %add3A_36, %mul3A_35 : i32
      %scan3A_38 = arith.constant 0 : i32
      %scan3A_39 = arith.constant 8 : i32
      %scan3A_40 = arith.addi %scan3A_38, %scan3A_39 : i32
      %scan3A_41 = arith.constant 1 : i32
      scf.for %scan3A_43 = %scan3A_38 to %scan3A_40 step %scan3A_41  : i32 {
        %mul3A_44 = arith.constant 16 : i32
        %mul3A_45 = arith.muli %scan3A_43, %mul3A_44 : i32
        %add3A_46 = arith.constant 0 : i32
        %add3A_47 = arith.addi %add3A_46, %mul3A_45 : i32
        %broadcast_in_dim3A = arith.constant 0.000000e+00 : f32
        %broadcast_in_dim3A_48 = vector.broadcast %broadcast_in_dim3A : f32 to vector<16xf32>
        %swap3A = arith.index_cast %add3A_37 : i32 to index
        %swap3A_49 = arith.index_cast %add3A_47 : i32 to index
        %swap3A_50 = tpu.vector_load %arg8[%swap3A, %swap3A_49] {strides = array<i32>} : memref<128x128xf32, #tpu.memory_space<vmem>>, vector<1x16xf32>,
        %swap3A_51 = vector.shape_cast %swap3A_50 : vector<1x16xf32> to vector<16xf32>
        %swap3A_52 = vector.shape_cast %broadcast_in_dim3A_48 : vector<16xf32> to vector<1x16xf32>
        tpu.vector_store %arg8[%swap3A, %swap3A_49], %swap3A_52 {strides = array<i32>} : memref<128x128xf32, #tpu.memory_space<vmem>>, vector<1x16xf32>,
      }
      %scan3A_42 = arith.constant 8 : i32
    }
    %scan3A_4 = arith.constant 128 : i32
    %scan3A_5 = arith.constant 0 : i32
    %scan3A_6 = arith.constant 4 : i32
    %scan3A_7 = arith.addi %scan3A_5, %scan3A_6 : i32
    %scan3A_8 = arith.constant 1 : i32
    scf.for %scan3A_33 = %scan3A_5 to %scan3A_7 step %scan3A_8  : i32 {
      %mul3A_34 = arith.constant 128 : i32
      %mul3A_35 = arith.muli %scan3A_33, %mul3A_34 : i32
      %add3A_36 = arith.constant 0 : i32
      %add3A_37 = arith.addi %add3A_36, %mul3A_35 : i32
      %mul3A_38 = arith.constant 632 : i32
      %mul3A_39 = arith.muli %arg1, %mul3A_38 : i32
      %add3A_40 = arith.addi %mul3A_39, %add3A_37 : i32
      "tpu.region"() ({
        %run_scoped3A = tpu.sem_alloc : memref<!tpu.dma_semaphore, #tpu.memory_space<semaphore_mem>>
        %dma_start3A = arith.constant 0 : i32
        %dma_start3A_41 = tpu.memref_slice %arg10[%add3A_40, %dma_start3A] : memref<10112x128xf32, #tpu.memory_space<vmem_shared>> -> memref<128x128xf32, #tpu.memory_space<vmem_shared>>
        %dma_start3A_42 = arith.constant 0 : i32
        %dma_start3A_43 = tpu.memref_slice %arg10[%add3A_40, %dma_start3A_42] : memref<10112x128xf32, #tpu.memory_space<vmem_shared>> -> memref<128x128xf32, #tpu.memory_space<vmem_shared>>
        tpu.enqueue_dma source(%arg8 : memref<128x128xf32, #tpu.memory_space<vmem>>) target(%dma_start3A_43 : memref<128x128xf32, #tpu.memory_space<vmem_shared>>) target_semaphore(%run_scoped3A : memref<!tpu.dma_semaphore, #tpu.memory_space<semaphore_mem>>)
        %dma_wait3A = arith.constant 0 : i32
        %dma_wait3A_44 = tpu.memref_slice %arg10[%add3A_40, %dma_wait3A] : memref<10112x128xf32, #tpu.memory_space<vmem_shared>> -> memref<128x128xf32, #tpu.memory_space<vmem_shared>>
        %dma_wait3A_45 = arith.constant 0 : i32
        %dma_wait3A_46 = tpu.memref_slice %arg10[%add3A_40, %dma_wait3A_45] : memref<10112x128xf32, #tpu.memory_space<vmem_shared>> -> memref<128x128xf32, #tpu.memory_space<vmem_shared>>
        tpu.wait_dma2 semaphore(%run_scoped3A : memref<!tpu.dma_semaphore, #tpu.memory_space<semaphore_mem>>) src(%arg8 : memref<128x128xf32, #tpu.memory_space<vmem>>) dst(%dma_wait3A_46 : memref<128x128xf32, #tpu.memory_space<vmem_shared>>)
        tpu.yield
      }) : () -> ()
    }
    %scan3A_9 = arith.constant 4 : i32
    %mul3A_10 = arith.constant 632 : i32
    %mul3A_11 = arith.muli %arg1, %mul3A_10 : i32
    %add3A_12 = arith.constant 512 : i32
    %add3A_13 = arith.addi %mul3A_11, %add3A_12 : i32
    "tpu.region"() ({
      %run_scoped3A = tpu.sem_alloc : memref<!tpu.dma_semaphore, #tpu.memory_space<semaphore_mem>>
      %dma_start3A = arith.constant 0 : i32
      %dma_start3A_33 = arith.constant 0 : i32
      %dma_start3A_34 = tpu.memref_slice %arg8[%dma_start3A, %dma_start3A_33] : memref<128x128xf32, #tpu.memory_space<vmem>> -> memref<120x128xf32, #tpu.memory_space<vmem>>
      %dma_start3A_35 = arith.constant 0 : i32
      %dma_start3A_36 = tpu.memref_slice %arg10[%add3A_13, %dma_start3A_35] : memref<10112x128xf32, #tpu.memory_space<vmem_shared>> -> memref<120x128xf32, #tpu.memory_space<vmem_shared>>
      %dma_start3A_37 = arith.constant 0 : i32
      %dma_start3A_38 = tpu.memref_slice %arg10[%add3A_13, %dma_start3A_37] : memref<10112x128xf32, #tpu.memory_space<vmem_shared>> -> memref<120x128xf32, #tpu.memory_space<vmem_shared>>
      %dma_start3A_39 = arith.constant 0 : i32
      %dma_start3A_40 = arith.constant 0 : i32
      %dma_start3A_41 = tpu.memref_slice %arg8[%dma_start3A_39, %dma_start3A_40] : memref<128x128xf32, #tpu.memory_space<vmem>> -> memref<120x128xf32, #tpu.memory_space<vmem>>
      tpu.enqueue_dma source(%dma_start3A_41 : memref<120x128xf32, #tpu.memory_space<vmem>>) target(%dma_start3A_38 : memref<120x128xf32, #tpu.memory_space<vmem_shared>>) target_semaphore(%run_scoped3A : memref<!tpu.dma_semaphore, #tpu.memory_space<semaphore_mem>>)
      %dma_wait3A = arith.constant 0 : i32
      %dma_wait3A_42 = arith.constant 0 : i32
      %dma_wait3A_43 = tpu.memref_slice %arg8[%dma_wait3A, %dma_wait3A_42] : memref<128x128xf32, #tpu.memory_space<vmem>> -> memref<120x128xf32, #tpu.memory_space<vmem>>
      %dma_wait3A_44 = arith.constant 0 : i32
      %dma_wait3A_45 = tpu.memref_slice %arg10[%add3A_13, %dma_wait3A_44] : memref<10112x128xf32, #tpu.memory_space<vmem_shared>> -> memref<120x128xf32, #tpu.memory_space<vmem_shared>>
      %dma_wait3A_46 = arith.constant 0 : i32
      %dma_wait3A_47 = tpu.memref_slice %arg10[%add3A_13, %dma_wait3A_46] : memref<10112x128xf32, #tpu.memory_space<vmem_shared>> -> memref<120x128xf32, #tpu.memory_space<vmem_shared>>
      %dma_wait3A_48 = arith.constant 0 : i32
      %dma_wait3A_49 = arith.constant 0 : i32
      %dma_wait3A_50 = tpu.memref_slice %arg8[%dma_wait3A_48, %dma_wait3A_49] : memref<128x128xf32, #tpu.memory_space<vmem>> -> memref<120x128xf32, #tpu.memory_space<vmem>>
      tpu.wait_dma2 semaphore(%run_scoped3A : memref<!tpu.dma_semaphore, #tpu.memory_space<semaphore_mem>>) src(%dma_wait3A_50 : memref<120x128xf32, #tpu.memory_space<vmem>>) dst(%dma_wait3A_47 : memref<120x128xf32, #tpu.memory_space<vmem_shared>>)
      tpu.yield
    }) : () -> ()
    %barrier3A = arith.constant 0 : index
    tpu.barrier barrier_id(%barrier3A)
    %scan3A_14 = arith.constant 0 : i32
    %scan3A_15 = arith.constant 5 : i32
    %scan3A_16 = arith.addi %scan3A_14, %scan3A_15 : i32
    %scan3A_17 = arith.constant 1 : i32
    scf.for %scan3A_33 = %scan3A_14 to %scan3A_16 step %scan3A_17  : i32 {
      %mul3A_34 = arith.constant 1 : i32
      %mul3A_35 = arith.muli %scan3A_33, %mul3A_34 : i32
      %add3A_36 = arith.constant 0 : i32
      %add3A_37 = arith.addi %add3A_36, %mul3A_35 : i32
      %mul3A_38 = arith.constant 16 : i32
      %mul3A_39 = arith.muli %add3A_37, %mul3A_38 : i32
      "tpu.region"() ({
        %run_scoped3A_74 = tpu.sem_alloc : memref<!tpu.dma_semaphore, #tpu.memory_space<semaphore_mem>>
        %dma_start3A_75 = arith.constant 0 : i32
        %dma_start3A_76 = tpu.memref_slice %arg3[%add3A, %mul3A_39, %dma_start3A_75] : memref<32x80x128xi32, #tpu.memory_space<hbm>> -> memref<1x16x128xi32, #tpu.memory_space<hbm>>
        %dma_start3A_77 = tpu.memref_squeeze %dma_start3A_76 : memref<1x16x128xi32, #tpu.memory_space<hbm>> -> memref<16x128xi32, #tpu.memory_space<hbm>>
        %dma_start3A_78 = arith.constant 0 : i32
        %dma_start3A_79 = tpu.memref_slice %arg3[%add3A, %mul3A_39, %dma_start3A_78] : memref<32x80x128xi32, #tpu.memory_space<hbm>> -> memref<1x16x128xi32, #tpu.memory_space<hbm>>
        %dma_start3A_80 = tpu.memref_squeeze %dma_start3A_79 : memref<1x16x128xi32, #tpu.memory_space<hbm>> -> memref<16x128xi32, #tpu.memory_space<hbm>>
        tpu.enqueue_dma source(%dma_start3A_80 : memref<16x128xi32, #tpu.memory_space<hbm>>) target(%arg6 : memref<16x128xi32, #tpu.memory_space<vmem>>) target_semaphore(%run_scoped3A_74 : memref<!tpu.dma_semaphore, #tpu.memory_space<semaphore_mem>>)
        %dma_wait3A_81 = arith.constant 0 : i32
        %dma_wait3A_82 = tpu.memref_slice %arg3[%add3A, %mul3A_39, %dma_wait3A_81] : memref<32x80x128xi32, #tpu.memory_space<hbm>> -> memref<1x16x128xi32, #tpu.memory_space<hbm>>
        %dma_wait3A_83 = tpu.memref_squeeze %dma_wait3A_82 : memref<1x16x128xi32, #tpu.memory_space<hbm>> -> memref<16x128xi32, #tpu.memory_space<hbm>>
        %dma_wait3A_84 = arith.constant 0 : i32
        %dma_wait3A_85 = tpu.memref_slice %arg3[%add3A, %mul3A_39, %dma_wait3A_84] : memref<32x80x128xi32, #tpu.memory_space<hbm>> -> memref<1x16x128xi32, #tpu.memory_space<hbm>>
        %dma_wait3A_86 = tpu.memref_squeeze %dma_wait3A_85 : memref<1x16x128xi32, #tpu.memory_space<hbm>> -> memref<16x128xi32, #tpu.memory_space<hbm>>
        tpu.wait_dma2 semaphore(%run_scoped3A_74 : memref<!tpu.dma_semaphore, #tpu.memory_space<semaphore_mem>>) src(%dma_wait3A_86 : memref<16x128xi32, #tpu.memory_space<hbm>>) dst(%arg6 : memref<16x128xi32, #tpu.memory_space<vmem>>)
        tpu.yield
      }) : () -> ()
      %mul3A_40 = arith.constant 16 : i32
      %mul3A_41 = arith.muli %add3A_37, %mul3A_40 : i32
      "tpu.region"() ({
        %run_scoped3A_74 = tpu.sem_alloc : memref<!tpu.dma_semaphore, #tpu.memory_space<semaphore_mem>>
        %dma_start3A_75 = arith.constant 0 : i32
        %dma_start3A_76 = tpu.memref_slice %arg4[%add3A, %mul3A_41, %dma_start3A_75] : memref<32x80x128xi32, #tpu.memory_space<hbm>> -> memref<1x16x128xi32, #tpu.memory_space<hbm>>
        %dma_start3A_77 = tpu.memref_squeeze %dma_start3A_76 : memref<1x16x128xi32, #tpu.memory_space<hbm>> -> memref<16x128xi32, #tpu.memory_space<hbm>>
        %dma_start3A_78 = arith.constant 0 : i32
        %dma_start3A_79 = tpu.memref_slice %arg4[%add3A, %mul3A_41, %dma_start3A_78] : memref<32x80x128xi32, #tpu.memory_space<hbm>> -> memref<1x16x128xi32, #tpu.memory_space<hbm>>
        %dma_start3A_80 = tpu.memref_squeeze %dma_start3A_79 : memref<1x16x128xi32, #tpu.memory_space<hbm>> -> memref<16x128xi32, #tpu.memory_space<hbm>>
        tpu.enqueue_dma source(%dma_start3A_80 : memref<16x128xi32, #tpu.memory_space<hbm>>) target(%arg7 : memref<16x128xi32, #tpu.memory_space<vmem>>) target_semaphore(%run_scoped3A_74 : memref<!tpu.dma_semaphore, #tpu.memory_space<semaphore_mem>>)
        %dma_wait3A_81 = arith.constant 0 : i32
        %dma_wait3A_82 = tpu.memref_slice %arg4[%add3A, %mul3A_41, %dma_wait3A_81] : memref<32x80x128xi32, #tpu.memory_space<hbm>> -> memref<1x16x128xi32, #tpu.memory_space<hbm>>
        %dma_wait3A_83 = tpu.memref_squeeze %dma_wait3A_82 : memref<1x16x128xi32, #tpu.memory_space<hbm>> -> memref<16x128xi32, #tpu.memory_space<hbm>>
        %dma_wait3A_84 = arith.constant 0 : i32
        %dma_wait3A_85 = tpu.memref_slice %arg4[%add3A, %mul3A_41, %dma_wait3A_84] : memref<32x80x128xi32, #tpu.memory_space<hbm>> -> memref<1x16x128xi32, #tpu.memory_space<hbm>>
        %dma_wait3A_86 = tpu.memref_squeeze %dma_wait3A_85 : memref<1x16x128xi32, #tpu.memory_space<hbm>> -> memref<16x128xi32, #tpu.memory_space<hbm>>
        tpu.wait_dma2 semaphore(%run_scoped3A_74 : memref<!tpu.dma_semaphore, #tpu.memory_space<semaphore_mem>>) src(%dma_wait3A_86 : memref<16x128xi32, #tpu.memory_space<hbm>>) dst(%arg7 : memref<16x128xi32, #tpu.memory_space<vmem>>)
        tpu.yield
      }) : () -> ()
      %dma_start3A = arith.constant 0 : i32
      %dma_start3A_42 = arith.constant 0 : i32
      %dma_start3A_43 = tpu.memref_slice %arg6[%dma_start3A, %dma_start3A_42] : memref<16x128xi32, #tpu.memory_space<vmem>> -> memref<1x128xi32, #tpu.memory_space<vmem>>
      %dma_start3A_44 = tpu.memref_squeeze %dma_start3A_43 : memref<1x128xi32, #tpu.memory_space<vmem>> -> memref<128xi32, #tpu.memory_space<vmem>>
      %dma_start3A_45 = arith.constant 0 : i32
      %dma_start3A_46 = arith.constant 0 : i32
      %dma_start3A_47 = tpu.memref_slice %arg2[%dma_start3A_45, %dma_start3A_46] : memref<10000x128xf32, #tpu.memory_space<hbm>> -> memref<10000x128xf32, #tpu.memory_space<hbm>>
      tpu.enqueue_indirect_dma source(%dma_start3A_47 : memref<10000x128xf32, #tpu.memory_space<hbm>>) target(%arg8 : memref<128x128xf32, #tpu.memory_space<vmem>>) offsets(%dma_start3A_44 : memref<128xi32, #tpu.memory_space<vmem>>) semaphore(%arg11 : memref<!tpu.dma_semaphore, #tpu.memory_space<semaphore_mem>>)
      %dma_start3A_48 = arith.constant 1 : i32
      %dma_start3A_49 = arith.constant 0 : i32
      %dma_start3A_50 = tpu.memref_slice %arg6[%dma_start3A_48, %dma_start3A_49] : memref<16x128xi32, #tpu.memory_space<vmem>> -> memref<1x128xi32, #tpu.memory_space<vmem>>
      %dma_start3A_51 = tpu.memref_squeeze %dma_start3A_50 : memref<1x128xi32, #tpu.memory_space<vmem>> -> memref<128xi32, #tpu.memory_space<vmem>>
      %dma_start3A_52 = arith.constant 0 : i32
      %dma_start3A_53 = arith.constant 0 : i32
      %dma_start3A_54 = tpu.memref_slice %arg2[%dma_start3A_52, %dma_start3A_53] : memref<10000x128xf32, #tpu.memory_space<hbm>> -> memref<10000x128xf32, #tpu.memory_space<hbm>>
      tpu.enqueue_indirect_dma source(%dma_start3A_54 : memref<10000x128xf32, #tpu.memory_space<hbm>>) target(%arg9 : memref<128x128xf32, #tpu.memory_space<vmem>>) offsets(%dma_start3A_51 : memref<128xi32, #tpu.memory_space<vmem>>) semaphore(%arg12 : memref<!tpu.dma_semaphore, #tpu.memory_space<semaphore_mem>>)
      %scan3A_55 = arith.constant 0 : i32
      %scan3A_56 = arith.constant 7 : i32
      %scan3A_57 = arith.addi %scan3A_55, %scan3A_56 : i32
      %scan3A_58 = arith.constant 1 : i32
      scf.for %scan3A_74 = %scan3A_55 to %scan3A_57 step %scan3A_58  : i32 {
        %mul3A_75 = arith.constant 2 : i32
        %mul3A_76 = arith.muli %scan3A_74, %mul3A_75 : i32
        %add3A_77 = arith.constant 0 : i32
        %add3A_78 = arith.addi %add3A_77, %mul3A_76 : i32
        %dma_wait3A_79 = arith.constant 0 : i32
        %dma_wait3A_80 = tpu.memref_slice %arg6[%add3A_78, %dma_wait3A_79] : memref<16x128xi32, #tpu.memory_space<vmem>> -> memref<1x128xi32, #tpu.memory_space<vmem>>
        %dma_wait3A_81 = tpu.memref_squeeze %dma_wait3A_80 : memref<1x128xi32, #tpu.memory_space<vmem>> -> memref<128xi32, #tpu.memory_space<vmem>>
        %dma_wait3A_82 = arith.constant 0 : i32
        %dma_wait3A_83 = arith.constant 0 : i32
        %dma_wait3A_84 = tpu.memref_slice %arg2[%dma_wait3A_82, %dma_wait3A_83] : memref<10000x128xf32, #tpu.memory_space<hbm>> -> memref<10000x128xf32, #tpu.memory_space<hbm>>
        tpu.wait_indirect_dma semaphore(%arg11 : memref<!tpu.dma_semaphore, #tpu.memory_space<semaphore_mem>>) src(%dma_wait3A_84 : memref<10000x128xf32, #tpu.memory_space<hbm>>) dst(%arg8 : memref<128x128xf32, #tpu.memory_space<vmem>>)
        "tpu.region"() ({
          %run_scoped3A_111 = tpu.sem_alloc : memref<!tpu.dma_semaphore, #tpu.memory_space<semaphore_mem>>
          %dma_start3A_112 = arith.constant 0 : i32
          %dma_start3A_113 = tpu.memref_slice %arg7[%add3A_78, %dma_start3A_112] : memref<16x128xi32, #tpu.memory_space<vmem>> -> memref<1x128xi32, #tpu.memory_space<vmem>>
          %dma_start3A_114 = tpu.memref_squeeze %dma_start3A_113 : memref<1x128xi32, #tpu.memory_space<vmem>> -> memref<128xi32, #tpu.memory_space<vmem>>
          %dma_start3A_115 = arith.constant 0 : i32
          %dma_start3A_116 = arith.constant 0 : i32
          %dma_start3A_117 = tpu.memref_slice %arg10[%dma_start3A_115, %dma_start3A_116] : memref<10112x128xf32, #tpu.memory_space<vmem_shared>> -> memref<10112x128xf32, #tpu.memory_space<vmem_shared>>
          tpu.enqueue_indirect_dma source(%arg8 : memref<128x128xf32, #tpu.memory_space<vmem>>) target(%dma_start3A_117 : memref<10112x128xf32, #tpu.memory_space<vmem_shared>>) offsets(%dma_start3A_114 : memref<128xi32, #tpu.memory_space<vmem>>) semaphore(%run_scoped3A_111 : memref<!tpu.dma_semaphore, #tpu.memory_space<semaphore_mem>>) {add = true}
          %dma_wait3A_118 = arith.constant 0 : i32
          %dma_wait3A_119 = tpu.memref_slice %arg7[%add3A_78, %dma_wait3A_118] : memref<16x128xi32, #tpu.memory_space<vmem>> -> memref<1x128xi32, #tpu.memory_space<vmem>>
          %dma_wait3A_120 = tpu.memref_squeeze %dma_wait3A_119 : memref<1x128xi32, #tpu.memory_space<vmem>> -> memref<128xi32, #tpu.memory_space<vmem>>
          %dma_wait3A_121 = arith.constant 0 : i32
          %dma_wait3A_122 = arith.constant 0 : i32
          %dma_wait3A_123 = tpu.memref_slice %arg10[%dma_wait3A_121, %dma_wait3A_122] : memref<10112x128xf32, #tpu.memory_space<vmem_shared>> -> memref<10112x128xf32, #tpu.memory_space<vmem_shared>>
          tpu.wait_indirect_dma semaphore(%run_scoped3A_111 : memref<!tpu.dma_semaphore, #tpu.memory_space<semaphore_mem>>) src(%arg8 : memref<128x128xf32, #tpu.memory_space<vmem>>) dst(%dma_wait3A_123 : memref<10112x128xf32, #tpu.memory_space<vmem_shared>>)
          tpu.yield
        }) : () -> ()
        %add3A_85 = arith.constant 2 : i32
        %add3A_86 = arith.addi %add3A_78, %add3A_85 : i32
        %dma_start3A_87 = arith.constant 0 : i32
        %dma_start3A_88 = tpu.memref_slice %arg6[%add3A_86, %dma_start3A_87] : memref<16x128xi32, #tpu.memory_space<vmem>> -> memref<1x128xi32, #tpu.memory_space<vmem>>
        %dma_start3A_89 = tpu.memref_squeeze %dma_start3A_88 : memref<1x128xi32, #tpu.memory_space<vmem>> -> memref<128xi32, #tpu.memory_space<vmem>>
        %dma_start3A_90 = arith.constant 0 : i32
        %dma_start3A_91 = arith.constant 0 : i32
        %dma_start3A_92 = tpu.memref_slice %arg2[%dma_start3A_90, %dma_start3A_91] : memref<10000x128xf32, #tpu.memory_space<hbm>> -> memref<10000x128xf32, #tpu.memory_space<hbm>>
        tpu.enqueue_indirect_dma source(%dma_start3A_92 : memref<10000x128xf32, #tpu.memory_space<hbm>>) target(%arg8 : memref<128x128xf32, #tpu.memory_space<vmem>>) offsets(%dma_start3A_89 : memref<128xi32, #tpu.memory_space<vmem>>) semaphore(%arg11 : memref<!tpu.dma_semaphore, #tpu.memory_space<semaphore_mem>>)
        %add3A_93 = arith.constant 1 : i32
        %add3A_94 = arith.addi %add3A_78, %add3A_93 : i32
        %dma_wait3A_95 = arith.constant 0 : i32
        %dma_wait3A_96 = tpu.memref_slice %arg6[%add3A_94, %dma_wait3A_95] : memref<16x128xi32, #tpu.memory_space<vmem>> -> memref<1x128xi32, #tpu.memory_space<vmem>>
        %dma_wait3A_97 = tpu.memref_squeeze %dma_wait3A_96 : memref<1x128xi32, #tpu.memory_space<vmem>> -> memref<128xi32, #tpu.memory_space<vmem>>
        %dma_wait3A_98 = arith.constant 0 : i32
        %dma_wait3A_99 = arith.constant 0 : i32
        %dma_wait3A_100 = tpu.memref_slice %arg2[%dma_wait3A_98, %dma_wait3A_99] : memref<10000x128xf32, #tpu.memory_space<hbm>> -> memref<10000x128xf32, #tpu.memory_space<hbm>>
        tpu.wait_indirect_dma semaphore(%arg12 : memref<!tpu.dma_semaphore, #tpu.memory_space<semaphore_mem>>) src(%dma_wait3A_100 : memref<10000x128xf32, #tpu.memory_space<hbm>>) dst(%arg9 : memref<128x128xf32, #tpu.memory_space<vmem>>)
        %add3A_101 = arith.constant 1 : i32
        %add3A_102 = arith.addi %add3A_78, %add3A_101 : i32
        "tpu.region"() ({
          %run_scoped3A_111 = tpu.sem_alloc : memref<!tpu.dma_semaphore, #tpu.memory_space<semaphore_mem>>
          %dma_start3A_112 = arith.constant 0 : i32
          %dma_start3A_113 = tpu.memref_slice %arg7[%add3A_102, %dma_start3A_112] : memref<16x128xi32, #tpu.memory_space<vmem>> -> memref<1x128xi32, #tpu.memory_space<vmem>>
          %dma_start3A_114 = tpu.memref_squeeze %dma_start3A_113 : memref<1x128xi32, #tpu.memory_space<vmem>> -> memref<128xi32, #tpu.memory_space<vmem>>
          %dma_start3A_115 = arith.constant 0 : i32
          %dma_start3A_116 = arith.constant 0 : i32
          %dma_start3A_117 = tpu.memref_slice %arg10[%dma_start3A_115, %dma_start3A_116] : memref<10112x128xf32, #tpu.memory_space<vmem_shared>> -> memref<10112x128xf32, #tpu.memory_space<vmem_shared>>
          tpu.enqueue_indirect_dma source(%arg9 : memref<128x128xf32, #tpu.memory_space<vmem>>) target(%dma_start3A_117 : memref<10112x128xf32, #tpu.memory_space<vmem_shared>>) offsets(%dma_start3A_114 : memref<128xi32, #tpu.memory_space<vmem>>) semaphore(%run_scoped3A_111 : memref<!tpu.dma_semaphore, #tpu.memory_space<semaphore_mem>>) {add = true}
          %dma_wait3A_118 = arith.constant 0 : i32
          %dma_wait3A_119 = tpu.memref_slice %arg7[%add3A_102, %dma_wait3A_118] : memref<16x128xi32, #tpu.memory_space<vmem>> -> memref<1x128xi32, #tpu.memory_space<vmem>>
          %dma_wait3A_120 = tpu.memref_squeeze %dma_wait3A_119 : memref<1x128xi32, #tpu.memory_space<vmem>> -> memref<128xi32, #tpu.memory_space<vmem>>
          %dma_wait3A_121 = arith.constant 0 : i32
          %dma_wait3A_122 = arith.constant 0 : i32
          %dma_wait3A_123 = tpu.memref_slice %arg10[%dma_wait3A_121, %dma_wait3A_122] : memref<10112x128xf32, #tpu.memory_space<vmem_shared>> -> memref<10112x128xf32, #tpu.memory_space<vmem_shared>>
          tpu.wait_indirect_dma semaphore(%run_scoped3A_111 : memref<!tpu.dma_semaphore, #tpu.memory_space<semaphore_mem>>) src(%arg9 : memref<128x128xf32, #tpu.memory_space<vmem>>) dst(%dma_wait3A_123 : memref<10112x128xf32, #tpu.memory_space<vmem_shared>>)
          tpu.yield
        }) : () -> ()
        %add3A_103 = arith.constant 3 : i32
        %add3A_104 = arith.addi %add3A_78, %add3A_103 : i32
        %dma_start3A_105 = arith.constant 0 : i32
        %dma_start3A_106 = tpu.memref_slice %arg6[%add3A_104, %dma_start3A_105] : memref<16x128xi32, #tpu.memory_space<vmem>> -> memref<1x128xi32, #tpu.memory_space<vmem>>
        %dma_start3A_107 = tpu.memref_squeeze %dma_start3A_106 : memref<1x128xi32, #tpu.memory_space<vmem>> -> memref<128xi32, #tpu.memory_space<vmem>>
        %dma_start3A_108 = arith.constant 0 : i32
        %dma_start3A_109 = arith.constant 0 : i32
        %dma_start3A_110 = tpu.memref_slice %arg2[%dma_start3A_108, %dma_start3A_109] : memref<10000x128xf32, #tpu.memory_space<hbm>> -> memref<10000x128xf32, #tpu.memory_space<hbm>>
        tpu.enqueue_indirect_dma source(%dma_start3A_110 : memref<10000x128xf32, #tpu.memory_space<hbm>>) target(%arg9 : memref<128x128xf32, #tpu.memory_space<vmem>>) offsets(%dma_start3A_107 : memref<128xi32, #tpu.memory_space<vmem>>) semaphore(%arg12 : memref<!tpu.dma_semaphore, #tpu.memory_space<semaphore_mem>>)
      }
      %scan3A_59 = arith.constant 7 : i32
      %dma_wait3A = arith.constant 14 : i32
      %dma_wait3A_60 = arith.constant 0 : i32
      %dma_wait3A_61 = tpu.memref_slice %arg6[%dma_wait3A, %dma_wait3A_60] : memref<16x128xi32, #tpu.memory_space<vmem>> -> memref<1x128xi32, #tpu.memory_space<vmem>>
      %dma_wait3A_62 = tpu.memref_squeeze %dma_wait3A_61 : memref<1x128xi32, #tpu.memory_space<vmem>> -> memref<128xi32, #tpu.memory_space<vmem>>
      %dma_wait3A_63 = arith.constant 0 : i32
      %dma_wait3A_64 = arith.constant 0 : i32
      %dma_wait3A_65 = tpu.memref_slice %arg2[%dma_wait3A_63, %dma_wait3A_64] : memref<10000x128xf32, #tpu.memory_space<hbm>> -> memref<10000x128xf32, #tpu.memory_space<hbm>>
      tpu.wait_indirect_dma semaphore(%arg11 : memref<!tpu.dma_semaphore, #tpu.memory_space<semaphore_mem>>) src(%dma_wait3A_65 : memref<10000x128xf32, #tpu.memory_space<hbm>>) dst(%arg8 : memref<128x128xf32, #tpu.memory_space<vmem>>)
      %run_scoped3A = arith.constant 14 : i32
      "tpu.region"() ({
        %run_scoped3A_74 = tpu.sem_alloc : memref<!tpu.dma_semaphore, #tpu.memory_space<semaphore_mem>>
        %dma_start3A_75 = arith.constant 0 : i32
        %dma_start3A_76 = tpu.memref_slice %arg7[%run_scoped3A, %dma_start3A_75] : memref<16x128xi32, #tpu.memory_space<vmem>> -> memref<1x128xi32, #tpu.memory_space<vmem>>
        %dma_start3A_77 = tpu.memref_squeeze %dma_start3A_76 : memref<1x128xi32, #tpu.memory_space<vmem>> -> memref<128xi32, #tpu.memory_space<vmem>>
        %dma_start3A_78 = arith.constant 0 : i32
        %dma_start3A_79 = arith.constant 0 : i32
        %dma_start3A_80 = tpu.memref_slice %arg10[%dma_start3A_78, %dma_start3A_79] : memref<10112x128xf32, #tpu.memory_space<vmem_shared>> -> memref<10112x128xf32, #tpu.memory_space<vmem_shared>>
        tpu.enqueue_indirect_dma source(%arg8 : memref<128x128xf32, #tpu.memory_space<vmem>>) target(%dma_start3A_80 : memref<10112x128xf32, #tpu.memory_space<vmem_shared>>) offsets(%dma_start3A_77 : memref<128xi32, #tpu.memory_space<vmem>>) semaphore(%run_scoped3A_74 : memref<!tpu.dma_semaphore, #tpu.memory_space<semaphore_mem>>) {add = true}
        %dma_wait3A_81 = arith.constant 0 : i32
        %dma_wait3A_82 = tpu.memref_slice %arg7[%run_scoped3A, %dma_wait3A_81] : memref<16x128xi32, #tpu.memory_space<vmem>> -> memref<1x128xi32, #tpu.memory_space<vmem>>
        %dma_wait3A_83 = tpu.memref_squeeze %dma_wait3A_82 : memref<1x128xi32, #tpu.memory_space<vmem>> -> memref<128xi32, #tpu.memory_space<vmem>>
        %dma_wait3A_84 = arith.constant 0 : i32
        %dma_wait3A_85 = arith.constant 0 : i32
        %dma_wait3A_86 = tpu.memref_slice %arg10[%dma_wait3A_84, %dma_wait3A_85] : memref<10112x128xf32, #tpu.memory_space<vmem_shared>> -> memref<10112x128xf32, #tpu.memory_space<vmem_shared>>
        tpu.wait_indirect_dma semaphore(%run_scoped3A_74 : memref<!tpu.dma_semaphore, #tpu.memory_space<semaphore_mem>>) src(%arg8 : memref<128x128xf32, #tpu.memory_space<vmem>>) dst(%dma_wait3A_86 : memref<10112x128xf32, #tpu.memory_space<vmem_shared>>)
        tpu.yield
      }) : () -> ()
      %dma_wait3A_66 = arith.constant 15 : i32
      %dma_wait3A_67 = arith.constant 0 : i32
      %dma_wait3A_68 = tpu.memref_slice %arg6[%dma_wait3A_66, %dma_wait3A_67] : memref<16x128xi32, #tpu.memory_space<vmem>> -> memref<1x128xi32, #tpu.memory_space<vmem>>
      %dma_wait3A_69 = tpu.memref_squeeze %dma_wait3A_68 : memref<1x128xi32, #tpu.memory_space<vmem>> -> memref<128xi32, #tpu.memory_space<vmem>>
      %dma_wait3A_70 = arith.constant 0 : i32
      %dma_wait3A_71 = arith.constant 0 : i32
      %dma_wait3A_72 = tpu.memref_slice %arg2[%dma_wait3A_70, %dma_wait3A_71] : memref<10000x128xf32, #tpu.memory_space<hbm>> -> memref<10000x128xf32, #tpu.memory_space<hbm>>
      tpu.wait_indirect_dma semaphore(%arg12 : memref<!tpu.dma_semaphore, #tpu.memory_space<semaphore_mem>>) src(%dma_wait3A_72 : memref<10000x128xf32, #tpu.memory_space<hbm>>) dst(%arg9 : memref<128x128xf32, #tpu.memory_space<vmem>>)
      %run_scoped3A_73 = arith.constant 15 : i32
      "tpu.region"() ({
        %run_scoped3A_74 = tpu.sem_alloc : memref<!tpu.dma_semaphore, #tpu.memory_space<semaphore_mem>>
        %dma_start3A_75 = arith.constant 0 : i32
        %dma_start3A_76 = tpu.memref_slice %arg7[%run_scoped3A_73, %dma_start3A_75] : memref<16x128xi32, #tpu.memory_space<vmem>> -> memref<1x128xi32, #tpu.memory_space<vmem>>
        %dma_start3A_77 = tpu.memref_squeeze %dma_start3A_76 : memref<1x128xi32, #tpu.memory_space<vmem>> -> memref<128xi32, #tpu.memory_space<vmem>>
        %dma_start3A_78 = arith.constant 0 : i32
        %dma_start3A_79 = arith.constant 0 : i32
        %dma_start3A_80 = tpu.memref_slice %arg10[%dma_start3A_78, %dma_start3A_79] : memref<10112x128xf32, #tpu.memory_space<vmem_shared>> -> memref<10112x128xf32, #tpu.memory_space<vmem_shared>>
        tpu.enqueue_indirect_dma source(%arg9 : memref<128x128xf32, #tpu.memory_space<vmem>>) target(%dma_start3A_80 : memref<10112x128xf32, #tpu.memory_space<vmem_shared>>) offsets(%dma_start3A_77 : memref<128xi32, #tpu.memory_space<vmem>>) semaphore(%run_scoped3A_74 : memref<!tpu.dma_semaphore, #tpu.memory_space<semaphore_mem>>) {add = true}
        %dma_wait3A_81 = arith.constant 0 : i32
        %dma_wait3A_82 = tpu.memref_slice %arg7[%run_scoped3A_73, %dma_wait3A_81] : memref<16x128xi32, #tpu.memory_space<vmem>> -> memref<1x128xi32, #tpu.memory_space<vmem>>
        %dma_wait3A_83 = tpu.memref_squeeze %dma_wait3A_82 : memref<1x128xi32, #tpu.memory_space<vmem>> -> memref<128xi32, #tpu.memory_space<vmem>>
        %dma_wait3A_84 = arith.constant 0 : i32
        %dma_wait3A_85 = arith.constant 0 : i32
        %dma_wait3A_86 = tpu.memref_slice %arg10[%dma_wait3A_84, %dma_wait3A_85] : memref<10112x128xf32, #tpu.memory_space<vmem_shared>> -> memref<10112x128xf32, #tpu.memory_space<vmem_shared>>
        tpu.wait_indirect_dma semaphore(%run_scoped3A_74 : memref<!tpu.dma_semaphore, #tpu.memory_space<semaphore_mem>>) src(%arg9 : memref<128x128xf32, #tpu.memory_space<vmem>>) dst(%dma_wait3A_86 : memref<10112x128xf32, #tpu.memory_space<vmem_shared>>)
        tpu.yield
      }) : () -> ()
    }
    %scan3A_18 = arith.constant 5 : i32
    %barrier3A_19 = arith.constant 0 : index
    tpu.barrier barrier_id(%barrier3A_19)
    %scan3A_20 = arith.constant 0 : i32
    %scan3A_21 = arith.constant 4 : i32
    %scan3A_22 = arith.addi %scan3A_20, %scan3A_21 : i32
    %scan3A_23 = arith.constant 1 : i32
    scf.for %scan3A_33 = %scan3A_20 to %scan3A_22 step %scan3A_23  : i32 {
      %mul3A_34 = arith.constant 128 : i32
      %mul3A_35 = arith.muli %scan3A_33, %mul3A_34 : i32
      %add3A_36 = arith.constant 0 : i32
      %add3A_37 = arith.addi %add3A_36, %mul3A_35 : i32
      %mul3A_38 = arith.constant 632 : i32
      %mul3A_39 = arith.muli %arg1, %mul3A_38 : i32
      %add3A_40 = arith.addi %mul3A_39, %add3A_37 : i32
      "tpu.region"() ({
        %run_scoped3A = tpu.sem_alloc : memref<!tpu.dma_semaphore, #tpu.memory_space<semaphore_mem>>
        %dma_start3A = arith.constant 0 : i32
        %dma_start3A_44 = tpu.memref_slice %arg10[%add3A_40, %dma_start3A] : memref<10112x128xf32, #tpu.memory_space<vmem_shared>> -> memref<128x128xf32, #tpu.memory_space<vmem_shared>>
        %dma_start3A_45 = arith.constant 0 : i32
        %dma_start3A_46 = tpu.memref_slice %arg10[%add3A_40, %dma_start3A_45] : memref<10112x128xf32, #tpu.memory_space<vmem_shared>> -> memref<128x128xf32, #tpu.memory_space<vmem_shared>>
        tpu.enqueue_dma source(%dma_start3A_46 : memref<128x128xf32, #tpu.memory_space<vmem_shared>>) target(%arg8 : memref<128x128xf32, #tpu.memory_space<vmem>>) target_semaphore(%run_scoped3A : memref<!tpu.dma_semaphore, #tpu.memory_space<semaphore_mem>>)
        %dma_wait3A = arith.constant 0 : i32
        %dma_wait3A_47 = tpu.memref_slice %arg10[%add3A_40, %dma_wait3A] : memref<10112x128xf32, #tpu.memory_space<vmem_shared>> -> memref<128x128xf32, #tpu.memory_space<vmem_shared>>
        %dma_wait3A_48 = arith.constant 0 : i32
        %dma_wait3A_49 = tpu.memref_slice %arg10[%add3A_40, %dma_wait3A_48] : memref<10112x128xf32, #tpu.memory_space<vmem_shared>> -> memref<128x128xf32, #tpu.memory_space<vmem_shared>>
        tpu.wait_dma2 semaphore(%run_scoped3A : memref<!tpu.dma_semaphore, #tpu.memory_space<semaphore_mem>>) src(%dma_wait3A_49 : memref<128x128xf32, #tpu.memory_space<vmem_shared>>) dst(%arg8 : memref<128x128xf32, #tpu.memory_space<vmem>>)
        tpu.yield
      }) : () -> ()
      %mul3A_41 = arith.constant 632 : i32
      %mul3A_42 = arith.muli %arg1, %mul3A_41 : i32
      %add3A_43 = arith.addi %mul3A_42, %add3A_37 : i32
      "tpu.region"() ({
        %run_scoped3A = tpu.sem_alloc : memref<!tpu.dma_semaphore, #tpu.memory_space<semaphore_mem>>
        %dma_start3A = arith.constant 0 : i32
        %dma_start3A_44 = tpu.memref_slice %arg5[%arg0, %add3A_43, %dma_start3A] : memref<2x10112x128xf32, #tpu.memory_space<hbm>> -> memref<1x128x128xf32, #tpu.memory_space<hbm>>
        %dma_start3A_45 = tpu.memref_squeeze %dma_start3A_44 : memref<1x128x128xf32, #tpu.memory_space<hbm>> -> memref<128x128xf32, #tpu.memory_space<hbm>>
        %dma_start3A_46 = arith.constant 0 : i32
        %dma_start3A_47 = tpu.memref_slice %arg5[%arg0, %add3A_43, %dma_start3A_46] : memref<2x10112x128xf32, #tpu.memory_space<hbm>> -> memref<1x128x128xf32, #tpu.memory_space<hbm>>
        %dma_start3A_48 = tpu.memref_squeeze %dma_start3A_47 : memref<1x128x128xf32, #tpu.memory_space<hbm>> -> memref<128x128xf32, #tpu.memory_space<hbm>>
        tpu.enqueue_dma source(%arg8 : memref<128x128xf32, #tpu.memory_space<vmem>>) target(%dma_start3A_48 : memref<128x128xf32, #tpu.memory_space<hbm>>) target_semaphore(%run_scoped3A : memref<!tpu.dma_semaphore, #tpu.memory_space<semaphore_mem>>)
        %dma_wait3A = arith.constant 0 : i32
        %dma_wait3A_49 = tpu.memref_slice %arg5[%arg0, %add3A_43, %dma_wait3A] : memref<2x10112x128xf32, #tpu.memory_space<hbm>> -> memref<1x128x128xf32, #tpu.memory_space<hbm>>
        %dma_wait3A_50 = tpu.memref_squeeze %dma_wait3A_49 : memref<1x128x128xf32, #tpu.memory_space<hbm>> -> memref<128x128xf32, #tpu.memory_space<hbm>>
        %dma_wait3A_51 = arith.constant 0 : i32
        %dma_wait3A_52 = tpu.memref_slice %arg5[%arg0, %add3A_43, %dma_wait3A_51] : memref<2x10112x128xf32, #tpu.memory_space<hbm>> -> memref<1x128x128xf32, #tpu.memory_space<hbm>>
        %dma_wait3A_53 = tpu.memref_squeeze %dma_wait3A_52 : memref<1x128x128xf32, #tpu.memory_space<hbm>> -> memref<128x128xf32, #tpu.memory_space<hbm>>
        tpu.wait_dma2 semaphore(%run_scoped3A : memref<!tpu.dma_semaphore, #tpu.memory_space<semaphore_mem>>) src(%arg8 : memref<128x128xf32, #tpu.memory_space<vmem>>) dst(%dma_wait3A_53 : memref<128x128xf32, #tpu.memory_space<hbm>>)
        tpu.yield
      }) : () -> ()
    }
    %scan3A_24 = arith.constant 4 : i32
    %mul3A_25 = arith.constant 632 : i32
    %mul3A_26 = arith.muli %arg1, %mul3A_25 : i32
    %add3A_27 = arith.constant 512 : i32
    %add3A_28 = arith.addi %mul3A_26, %add3A_27 : i32
    "tpu.region"() ({
      %run_scoped3A = tpu.sem_alloc : memref<!tpu.dma_semaphore, #tpu.memory_space<semaphore_mem>>
      %dma_start3A = arith.constant 0 : i32
      %dma_start3A_33 = arith.constant 0 : i32
      %dma_start3A_34 = tpu.memref_slice %arg8[%dma_start3A, %dma_start3A_33] : memref<128x128xf32, #tpu.memory_space<vmem>> -> memref<120x128xf32, #tpu.memory_space<vmem>>
      %dma_start3A_35 = arith.constant 0 : i32
      %dma_start3A_36 = tpu.memref_slice %arg10[%add3A_28, %dma_start3A_35] : memref<10112x128xf32, #tpu.memory_space<vmem_shared>> -> memref<120x128xf32, #tpu.memory_space<vmem_shared>>
      %dma_start3A_37 = arith.constant 0 : i32
      %dma_start3A_38 = arith.constant 0 : i32
      %dma_start3A_39 = tpu.memref_slice %arg8[%dma_start3A_37, %dma_start3A_38] : memref<128x128xf32, #tpu.memory_space<vmem>> -> memref<120x128xf32, #tpu.memory_space<vmem>>
      %dma_start3A_40 = arith.constant 0 : i32
      %dma_start3A_41 = tpu.memref_slice %arg10[%add3A_28, %dma_start3A_40] : memref<10112x128xf32, #tpu.memory_space<vmem_shared>> -> memref<120x128xf32, #tpu.memory_space<vmem_shared>>
      tpu.enqueue_dma source(%dma_start3A_41 : memref<120x128xf32, #tpu.memory_space<vmem_shared>>) target(%dma_start3A_39 : memref<120x128xf32, #tpu.memory_space<vmem>>) target_semaphore(%run_scoped3A : memref<!tpu.dma_semaphore, #tpu.memory_space<semaphore_mem>>)
      %dma_wait3A = arith.constant 0 : i32
      %dma_wait3A_42 = arith.constant 0 : i32
      %dma_wait3A_43 = tpu.memref_slice %arg8[%dma_wait3A, %dma_wait3A_42] : memref<128x128xf32, #tpu.memory_space<vmem>> -> memref<120x128xf32, #tpu.memory_space<vmem>>
      %dma_wait3A_44 = arith.constant 0 : i32
      %dma_wait3A_45 = tpu.memref_slice %arg10[%add3A_28, %dma_wait3A_44] : memref<10112x128xf32, #tpu.memory_space<vmem_shared>> -> memref<120x128xf32, #tpu.memory_space<vmem_shared>>
      %dma_wait3A_46 = arith.constant 0 : i32
      %dma_wait3A_47 = arith.constant 0 : i32
      %dma_wait3A_48 = tpu.memref_slice %arg8[%dma_wait3A_46, %dma_wait3A_47] : memref<128x128xf32, #tpu.memory_space<vmem>> -> memref<120x128xf32, #tpu.memory_space<vmem>>
      %dma_wait3A_49 = arith.constant 0 : i32
      %dma_wait3A_50 = tpu.memref_slice %arg10[%add3A_28, %dma_wait3A_49] : memref<10112x128xf32, #tpu.memory_space<vmem_shared>> -> memref<120x128xf32, #tpu.memory_space<vmem_shared>>
      tpu.wait_dma2 semaphore(%run_scoped3A : memref<!tpu.dma_semaphore, #tpu.memory_space<semaphore_mem>>) src(%dma_wait3A_50 : memref<120x128xf32, #tpu.memory_space<vmem_shared>>) dst(%dma_wait3A_48 : memref<120x128xf32, #tpu.memory_space<vmem>>)
      tpu.yield
    }) : () -> ()
    %mul3A_29 = arith.constant 632 : i32
    %mul3A_30 = arith.muli %arg1, %mul3A_29 : i32
    %add3A_31 = arith.constant 512 : i32
    %add3A_32 = arith.addi %mul3A_30, %add3A_31 : i32
    "tpu.region"() ({
      %run_scoped3A = tpu.sem_alloc : memref<!tpu.dma_semaphore, #tpu.memory_space<semaphore_mem>>
      %dma_start3A = arith.constant 0 : i32
      %dma_start3A_33 = arith.constant 0 : i32
      %dma_start3A_34 = tpu.memref_slice %arg8[%dma_start3A, %dma_start3A_33] : memref<128x128xf32, #tpu.memory_space<vmem>> -> memref<120x128xf32, #tpu.memory_space<vmem>>
      %dma_start3A_35 = arith.constant 0 : i32
      %dma_start3A_36 = tpu.memref_slice %arg5[%arg0, %add3A_32, %dma_start3A_35] : memref<2x10112x128xf32, #tpu.memory_space<hbm>> -> memref<1x120x128xf32, #tpu.memory_space<hbm>>
      %dma_start3A_37 = tpu.memref_squeeze %dma_start3A_36 : memref<1x120x128xf32, #tpu.memory_space<hbm>> -> memref<120x128xf32, #tpu.memory_space<hbm>>
      %dma_start3A_38 = arith.constant 0 : i32
      %dma_start3A_39 = tpu.memref_slice %arg5[%arg0, %add3A_32, %dma_start3A_38] : memref<2x10112x128xf32, #tpu.memory_space<hbm>> -> memref<1x120x128xf32, #tpu.memory_space<hbm>>
      %dma_start3A_40 = tpu.memref_squeeze %dma_start3A_39 : memref<1x120x128xf32, #tpu.memory_space<hbm>> -> memref<120x128xf32, #tpu.memory_space<hbm>>
      %dma_start3A_41 = arith.constant 0 : i32
      %dma_start3A_42 = arith.constant 0 : i32
      %dma_start3A_43 = tpu.memref_slice %arg8[%dma_start3A_41, %dma_start3A_42] : memref<128x128xf32, #tpu.memory_space<vmem>> -> memref<120x128xf32, #tpu.memory_space<vmem>>
      tpu.enqueue_dma source(%dma_start3A_43 : memref<120x128xf32, #tpu.memory_space<vmem>>) target(%dma_start3A_40 : memref<120x128xf32, #tpu.memory_space<hbm>>) target_semaphore(%run_scoped3A : memref<!tpu.dma_semaphore, #tpu.memory_space<semaphore_mem>>)
      %dma_wait3A = arith.constant 0 : i32
      %dma_wait3A_44 = arith.constant 0 : i32
      %dma_wait3A_45 = tpu.memref_slice %arg8[%dma_wait3A, %dma_wait3A_44] : memref<128x128xf32, #tpu.memory_space<vmem>> -> memref<120x128xf32, #tpu.memory_space<vmem>>
      %dma_wait3A_46 = arith.constant 0 : i32
      %dma_wait3A_47 = tpu.memref_slice %arg5[%arg0, %add3A_32, %dma_wait3A_46] : memref<2x10112x128xf32, #tpu.memory_space<hbm>> -> memref<1x120x128xf32, #tpu.memory_space<hbm>>
      %dma_wait3A_48 = tpu.memref_squeeze %dma_wait3A_47 : memref<1x120x128xf32, #tpu.memory_space<hbm>> -> memref<120x128xf32, #tpu.memory_space<hbm>>
      %dma_wait3A_49 = arith.constant 0 : i32
      %dma_wait3A_50 = tpu.memref_slice %arg5[%arg0, %add3A_32, %dma_wait3A_49] : memref<2x10112x128xf32, #tpu.memory_space<hbm>> -> memref<1x120x128xf32, #tpu.memory_space<hbm>>
      %dma_wait3A_51 = tpu.memref_squeeze %dma_wait3A_50 : memref<1x120x128xf32, #tpu.memory_space<hbm>> -> memref<120x128xf32, #tpu.memory_space<hbm>>
      %dma_wait3A_52 = arith.constant 0 : i32
      %dma_wait3A_53 = arith.constant 0 : i32
      %dma_wait3A_54 = tpu.memref_slice %arg8[%dma_wait3A_52, %dma_wait3A_53] : memref<128x128xf32, #tpu.memory_space<vmem>> -> memref<120x128xf32, #tpu.memory_space<vmem>>
      tpu.wait_dma2 semaphore(%run_scoped3A : memref<!tpu.dma_semaphore, #tpu.memory_space<semaphore_mem>>) src(%dma_wait3A_54 : memref<120x128xf32, #tpu.memory_space<vmem>>) dst(%dma_wait3A_51 : memref<120x128xf32, #tpu.memory_space<hbm>>)
      tpu.yield
    }) : () -> ()
    return
  }
}

#map = affine_map<(d0, d1) -> (0, 0, 0)>
#map1 = affine_map<(d0, d1) -> (0)>
module attributes {stable_mosaic.version = 14 : i64} {
  func.func @_sc_degree_body(%arg0: i32, %arg1: i32, %arg2: memref<32x80x128xi32, #tpu.memory_space<hbm>>, %arg3: memref<20224xf32, #tpu.memory_space<hbm>>, %arg4: memref<80x128xi32, #tpu.memory_space<vmem>>, %arg5: memref<128xf32, #tpu.memory_space<vmem>>, %arg6: memref<632xf32, #tpu.memory_space<vmem>>, %arg7: memref<10112xf32, #tpu.memory_space<vmem_shared>>) attributes {dimension_semantics = [#tpu.dimension_semantics<core_parallel>, #tpu.dimension_semantics<subcore_parallel>], iteration_bounds = array<i64: 2, 16>, scalar_prefetch = 0 : i64, scratch_operands = 4 : i64, tpu.core_type = #tpu.core_type<sc_vector_subcore>, window_params = [{transform_indices = #map}, {transform_indices = #map1}]} {
    %mul3A = arith.constant 16 : i32
    %mul3A_0 = arith.muli %arg0, %mul3A : i32
    %add3A = arith.addi %mul3A_0, %arg1 : i32
    %scan3A = arith.constant 0 : i32
    %scan3A_1 = arith.constant 8 : i32
    %scan3A_2 = arith.addi %scan3A, %scan3A_1 : i32
    %scan3A_3 = arith.constant 1 : i32
    scf.for %scan3A_32 = %scan3A to %scan3A_2 step %scan3A_3  : i32 {
      %mul3A_33 = arith.constant 16 : i32
      %mul3A_34 = arith.muli %scan3A_32, %mul3A_33 : i32
      %add3A_35 = arith.constant 0 : i32
      %add3A_36 = arith.addi %add3A_35, %mul3A_34 : i32
      %broadcast_in_dim3A = arith.constant 0.000000e+00 : f32
      %broadcast_in_dim3A_37 = vector.broadcast %broadcast_in_dim3A : f32 to vector<16xf32>
      %swap3A = arith.index_cast %add3A_36 : i32 to index
      %swap3A_38 = tpu.vector_load %arg5[%swap3A] {strides = array<i32>} : memref<128xf32, #tpu.memory_space<vmem>>, vector<16xf32>,
      %swap3A_39 = vector.shape_cast %swap3A_38 : vector<16xf32> to vector<16xf32>
      %swap3A_40 = vector.shape_cast %broadcast_in_dim3A_37 : vector<16xf32> to vector<16xf32>
      tpu.vector_store %arg5[%swap3A], %swap3A_40 {strides = array<i32>} : memref<128xf32, #tpu.memory_space<vmem>>, vector<16xf32>,
    }
    %scan3A_4 = arith.constant 8 : i32
    %scan3A_5 = arith.constant 0 : i32
    %scan3A_6 = arith.constant 4 : i32
    %scan3A_7 = arith.addi %scan3A_5, %scan3A_6 : i32
    %scan3A_8 = arith.constant 1 : i32
    scf.for %scan3A_32 = %scan3A_5 to %scan3A_7 step %scan3A_8  : i32 {
      %mul3A_33 = arith.constant 128 : i32
      %mul3A_34 = arith.muli %scan3A_32, %mul3A_33 : i32
      %add3A_35 = arith.constant 0 : i32
      %add3A_36 = arith.addi %add3A_35, %mul3A_34 : i32
      %mul3A_37 = arith.constant 632 : i32
      %mul3A_38 = arith.muli %arg1, %mul3A_37 : i32
      %add3A_39 = arith.addi %mul3A_38, %add3A_36 : i32
      "tpu.region"() ({
        %run_scoped3A = tpu.sem_alloc : memref<!tpu.dma_semaphore, #tpu.memory_space<semaphore_mem>>
        %dma_start3A = tpu.memref_slice %arg7[%add3A_39] : memref<10112xf32, #tpu.memory_space<vmem_shared>> -> memref<128xf32, #tpu.memory_space<vmem_shared>>
        %dma_start3A_40 = tpu.memref_slice %arg7[%add3A_39] : memref<10112xf32, #tpu.memory_space<vmem_shared>> -> memref<128xf32, #tpu.memory_space<vmem_shared>>
        tpu.enqueue_dma source(%arg5 : memref<128xf32, #tpu.memory_space<vmem>>) target(%dma_start3A_40 : memref<128xf32, #tpu.memory_space<vmem_shared>>) target_semaphore(%run_scoped3A : memref<!tpu.dma_semaphore, #tpu.memory_space<semaphore_mem>>)
        %dma_wait3A = tpu.memref_slice %arg7[%add3A_39] : memref<10112xf32, #tpu.memory_space<vmem_shared>> -> memref<128xf32, #tpu.memory_space<vmem_shared>>
        %dma_wait3A_41 = tpu.memref_slice %arg7[%add3A_39] : memref<10112xf32, #tpu.memory_space<vmem_shared>> -> memref<128xf32, #tpu.memory_space<vmem_shared>>
        tpu.wait_dma2 semaphore(%run_scoped3A : memref<!tpu.dma_semaphore, #tpu.memory_space<semaphore_mem>>) src(%arg5 : memref<128xf32, #tpu.memory_space<vmem>>) dst(%dma_wait3A_41 : memref<128xf32, #tpu.memory_space<vmem_shared>>)
        tpu.yield
      }) : () -> ()
    }
    %scan3A_9 = arith.constant 4 : i32
    %mul3A_10 = arith.constant 632 : i32
    %mul3A_11 = arith.muli %arg1, %mul3A_10 : i32
    %add3A_12 = arith.constant 512 : i32
    %add3A_13 = arith.addi %mul3A_11, %add3A_12 : i32
    "tpu.region"() ({
      %run_scoped3A = tpu.sem_alloc : memref<!tpu.dma_semaphore, #tpu.memory_space<semaphore_mem>>
      %dma_start3A = arith.constant 0 : i32
      %dma_start3A_32 = tpu.memref_slice %arg5[%dma_start3A] : memref<128xf32, #tpu.memory_space<vmem>> -> memref<120xf32, #tpu.memory_space<vmem>>
      %dma_start3A_33 = tpu.memref_slice %arg7[%add3A_13] : memref<10112xf32, #tpu.memory_space<vmem_shared>> -> memref<120xf32, #tpu.memory_space<vmem_shared>>
      %dma_start3A_34 = tpu.memref_slice %arg7[%add3A_13] : memref<10112xf32, #tpu.memory_space<vmem_shared>> -> memref<120xf32, #tpu.memory_space<vmem_shared>>
      %dma_start3A_35 = arith.constant 0 : i32
      %dma_start3A_36 = tpu.memref_slice %arg5[%dma_start3A_35] : memref<128xf32, #tpu.memory_space<vmem>> -> memref<120xf32, #tpu.memory_space<vmem>>
      tpu.enqueue_dma source(%dma_start3A_36 : memref<120xf32, #tpu.memory_space<vmem>>) target(%dma_start3A_34 : memref<120xf32, #tpu.memory_space<vmem_shared>>) target_semaphore(%run_scoped3A : memref<!tpu.dma_semaphore, #tpu.memory_space<semaphore_mem>>)
      %dma_wait3A = arith.constant 0 : i32
      %dma_wait3A_37 = tpu.memref_slice %arg5[%dma_wait3A] : memref<128xf32, #tpu.memory_space<vmem>> -> memref<120xf32, #tpu.memory_space<vmem>>
      %dma_wait3A_38 = tpu.memref_slice %arg7[%add3A_13] : memref<10112xf32, #tpu.memory_space<vmem_shared>> -> memref<120xf32, #tpu.memory_space<vmem_shared>>
      %dma_wait3A_39 = tpu.memref_slice %arg7[%add3A_13] : memref<10112xf32, #tpu.memory_space<vmem_shared>> -> memref<120xf32, #tpu.memory_space<vmem_shared>>
      %dma_wait3A_40 = arith.constant 0 : i32
      %dma_wait3A_41 = tpu.memref_slice %arg5[%dma_wait3A_40] : memref<128xf32, #tpu.memory_space<vmem>> -> memref<120xf32, #tpu.memory_space<vmem>>
      tpu.wait_dma2 semaphore(%run_scoped3A : memref<!tpu.dma_semaphore, #tpu.memory_space<semaphore_mem>>) src(%dma_wait3A_41 : memref<120xf32, #tpu.memory_space<vmem>>) dst(%dma_wait3A_39 : memref<120xf32, #tpu.memory_space<vmem_shared>>)
      tpu.yield
    }) : () -> ()
    %scan3A_14 = arith.constant 0 : i32
    %scan3A_15 = arith.constant 8 : i32
    %scan3A_16 = arith.addi %scan3A_14, %scan3A_15 : i32
    %scan3A_17 = arith.constant 1 : i32
    scf.for %scan3A_32 = %scan3A_14 to %scan3A_16 step %scan3A_17  : i32 {
      %mul3A_33 = arith.constant 16 : i32
      %mul3A_34 = arith.muli %scan3A_32, %mul3A_33 : i32
      %add3A_35 = arith.constant 0 : i32
      %add3A_36 = arith.addi %add3A_35, %mul3A_34 : i32
      %broadcast_in_dim3A = arith.constant 1.000000e+00 : f32
      %broadcast_in_dim3A_37 = vector.broadcast %broadcast_in_dim3A : f32 to vector<16xf32>
      %swap3A = arith.index_cast %add3A_36 : i32 to index
      %swap3A_38 = tpu.vector_load %arg5[%swap3A] {strides = array<i32>} : memref<128xf32, #tpu.memory_space<vmem>>, vector<16xf32>,
      %swap3A_39 = vector.shape_cast %swap3A_38 : vector<16xf32> to vector<16xf32>
      %swap3A_40 = vector.shape_cast %broadcast_in_dim3A_37 : vector<16xf32> to vector<16xf32>
      tpu.vector_store %arg5[%swap3A], %swap3A_40 {strides = array<i32>} : memref<128xf32, #tpu.memory_space<vmem>>, vector<16xf32>,
    }
    %scan3A_18 = arith.constant 8 : i32
    "tpu.region"() ({
      %run_scoped3A = tpu.sem_alloc : memref<!tpu.dma_semaphore, #tpu.memory_space<semaphore_mem>>
      %dma_start3A = arith.constant 0 : i32
      %dma_start3A_32 = arith.constant 0 : i32
      %dma_start3A_33 = tpu.memref_slice %arg2[%add3A, %dma_start3A, %dma_start3A_32] : memref<32x80x128xi32, #tpu.memory_space<hbm>> -> memref<1x80x128xi32, #tpu.memory_space<hbm>>
      %dma_start3A_34 = tpu.memref_squeeze %dma_start3A_33 : memref<1x80x128xi32, #tpu.memory_space<hbm>> -> memref<80x128xi32, #tpu.memory_space<hbm>>
      %dma_start3A_35 = arith.constant 0 : i32
      %dma_start3A_36 = arith.constant 0 : i32
      %dma_start3A_37 = tpu.memref_slice %arg2[%add3A, %dma_start3A_35, %dma_start3A_36] : memref<32x80x128xi32, #tpu.memory_space<hbm>> -> memref<1x80x128xi32, #tpu.memory_space<hbm>>
      %dma_start3A_38 = tpu.memref_squeeze %dma_start3A_37 : memref<1x80x128xi32, #tpu.memory_space<hbm>> -> memref<80x128xi32, #tpu.memory_space<hbm>>
      tpu.enqueue_dma source(%dma_start3A_38 : memref<80x128xi32, #tpu.memory_space<hbm>>) target(%arg4 : memref<80x128xi32, #tpu.memory_space<vmem>>) target_semaphore(%run_scoped3A : memref<!tpu.dma_semaphore, #tpu.memory_space<semaphore_mem>>)
      %dma_wait3A = arith.constant 0 : i32
      %dma_wait3A_39 = arith.constant 0 : i32
      %dma_wait3A_40 = tpu.memref_slice %arg2[%add3A, %dma_wait3A, %dma_wait3A_39] : memref<32x80x128xi32, #tpu.memory_space<hbm>> -> memref<1x80x128xi32, #tpu.memory_space<hbm>>
      %dma_wait3A_41 = tpu.memref_squeeze %dma_wait3A_40 : memref<1x80x128xi32, #tpu.memory_space<hbm>> -> memref<80x128xi32, #tpu.memory_space<hbm>>
      %dma_wait3A_42 = arith.constant 0 : i32
      %dma_wait3A_43 = arith.constant 0 : i32
      %dma_wait3A_44 = tpu.memref_slice %arg2[%add3A, %dma_wait3A_42, %dma_wait3A_43] : memref<32x80x128xi32, #tpu.memory_space<hbm>> -> memref<1x80x128xi32, #tpu.memory_space<hbm>>
      %dma_wait3A_45 = tpu.memref_squeeze %dma_wait3A_44 : memref<1x80x128xi32, #tpu.memory_space<hbm>> -> memref<80x128xi32, #tpu.memory_space<hbm>>
      tpu.wait_dma2 semaphore(%run_scoped3A : memref<!tpu.dma_semaphore, #tpu.memory_space<semaphore_mem>>) src(%dma_wait3A_45 : memref<80x128xi32, #tpu.memory_space<hbm>>) dst(%arg4 : memref<80x128xi32, #tpu.memory_space<vmem>>)
      tpu.yield
    }) : () -> ()
    %barrier3A = arith.constant 0 : index
    tpu.barrier barrier_id(%barrier3A)
    %scan3A_19 = arith.constant 0 : i32
    %scan3A_20 = arith.constant 80 : i32
    %scan3A_21 = arith.addi %scan3A_19, %scan3A_20 : i32
    %scan3A_22 = arith.constant 1 : i32
    scf.for %scan3A_32 = %scan3A_19 to %scan3A_21 step %scan3A_22  : i32 {
      %mul3A_33 = arith.constant 1 : i32
      %mul3A_34 = arith.muli %scan3A_32, %mul3A_33 : i32
      %add3A_35 = arith.constant 0 : i32
      %add3A_36 = arith.addi %add3A_35, %mul3A_34 : i32
      "tpu.region"() ({
        %run_scoped3A = tpu.sem_alloc : memref<!tpu.dma_semaphore, #tpu.memory_space<semaphore_mem>>
        %dma_start3A = arith.constant 0 : i32
        %dma_start3A_37 = tpu.memref_slice %arg4[%add3A_36, %dma_start3A] : memref<80x128xi32, #tpu.memory_space<vmem>> -> memref<1x128xi32, #tpu.memory_space<vmem>>
        %dma_start3A_38 = tpu.memref_squeeze %dma_start3A_37 : memref<1x128xi32, #tpu.memory_space<vmem>> -> memref<128xi32, #tpu.memory_space<vmem>>
        %dma_start3A_39 = arith.constant 0 : i32
        %dma_start3A_40 = tpu.memref_slice %arg7[%dma_start3A_39] : memref<10112xf32, #tpu.memory_space<vmem_shared>> -> memref<10112xf32, #tpu.memory_space<vmem_shared>>
        tpu.enqueue_indirect_dma source(%arg5 : memref<128xf32, #tpu.memory_space<vmem>>) target(%dma_start3A_40 : memref<10112xf32, #tpu.memory_space<vmem_shared>>) offsets(%dma_start3A_38 : memref<128xi32, #tpu.memory_space<vmem>>) semaphore(%run_scoped3A : memref<!tpu.dma_semaphore, #tpu.memory_space<semaphore_mem>>) {add = true}
        %dma_wait3A = arith.constant 0 : i32
        %dma_wait3A_41 = tpu.memref_slice %arg4[%add3A_36, %dma_wait3A] : memref<80x128xi32, #tpu.memory_space<vmem>> -> memref<1x128xi32, #tpu.memory_space<vmem>>
        %dma_wait3A_42 = tpu.memref_squeeze %dma_wait3A_41 : memref<1x128xi32, #tpu.memory_space<vmem>> -> memref<128xi32, #tpu.memory_space<vmem>>
        %dma_wait3A_43 = arith.constant 0 : i32
        %dma_wait3A_44 = tpu.memref_slice %arg7[%dma_wait3A_43] : memref<10112xf32, #tpu.memory_space<vmem_shared>> -> memref<10112xf32, #tpu.memory_space<vmem_shared>>
        tpu.wait_indirect_dma semaphore(%run_scoped3A : memref<!tpu.dma_semaphore, #tpu.memory_space<semaphore_mem>>) src(%arg5 : memref<128xf32, #tpu.memory_space<vmem>>) dst(%dma_wait3A_44 : memref<10112xf32, #tpu.memory_space<vmem_shared>>)
        tpu.yield
      }) : () -> ()
    }
    %scan3A_23 = arith.constant 80 : i32
    %barrier3A_24 = arith.constant 0 : index
    tpu.barrier barrier_id(%barrier3A_24)
    %mul3A_25 = arith.constant 632 : i32
    %mul3A_26 = arith.muli %arg1, %mul3A_25 : i32
    "tpu.region"() ({
      %run_scoped3A = tpu.sem_alloc : memref<!tpu.dma_semaphore, #tpu.memory_space<semaphore_mem>>
      %dma_start3A = tpu.memref_slice %arg7[%mul3A_26] : memref<10112xf32, #tpu.memory_space<vmem_shared>> -> memref<632xf32, #tpu.memory_space<vmem_shared>>
      %dma_start3A_32 = tpu.memref_slice %arg7[%mul3A_26] : memref<10112xf32, #tpu.memory_space<vmem_shared>> -> memref<632xf32, #tpu.memory_space<vmem_shared>>
      tpu.enqueue_dma source(%dma_start3A_32 : memref<632xf32, #tpu.memory_space<vmem_shared>>) target(%arg6 : memref<632xf32, #tpu.memory_space<vmem>>) target_semaphore(%run_scoped3A : memref<!tpu.dma_semaphore, #tpu.memory_space<semaphore_mem>>)
      %dma_wait3A = tpu.memref_slice %arg7[%mul3A_26] : memref<10112xf32, #tpu.memory_space<vmem_shared>> -> memref<632xf32, #tpu.memory_space<vmem_shared>>
      %dma_wait3A_33 = tpu.memref_slice %arg7[%mul3A_26] : memref<10112xf32, #tpu.memory_space<vmem_shared>> -> memref<632xf32, #tpu.memory_space<vmem_shared>>
      tpu.wait_dma2 semaphore(%run_scoped3A : memref<!tpu.dma_semaphore, #tpu.memory_space<semaphore_mem>>) src(%dma_wait3A_33 : memref<632xf32, #tpu.memory_space<vmem_shared>>) dst(%arg6 : memref<632xf32, #tpu.memory_space<vmem>>)
      tpu.yield
    }) : () -> ()
    %mul3A_27 = arith.constant 10112 : i32
    %mul3A_28 = arith.muli %arg0, %mul3A_27 : i32
    %mul3A_29 = arith.constant 632 : i32
    %mul3A_30 = arith.muli %arg1, %mul3A_29 : i32
    %add3A_31 = arith.addi %mul3A_28, %mul3A_30 : i32
    "tpu.region"() ({
      %run_scoped3A = tpu.sem_alloc : memref<!tpu.dma_semaphore, #tpu.memory_space<semaphore_mem>>
      %dma_start3A = tpu.memref_slice %arg3[%add3A_31] : memref<20224xf32, #tpu.memory_space<hbm>> -> memref<632xf32, #tpu.memory_space<hbm>>
      %dma_start3A_32 = tpu.memref_slice %arg3[%add3A_31] : memref<20224xf32, #tpu.memory_space<hbm>> -> memref<632xf32, #tpu.memory_space<hbm>>
      tpu.enqueue_dma source(%arg6 : memref<632xf32, #tpu.memory_space<vmem>>) target(%dma_start3A_32 : memref<632xf32, #tpu.memory_space<hbm>>) target_semaphore(%run_scoped3A : memref<!tpu.dma_semaphore, #tpu.memory_space<semaphore_mem>>)
      %dma_wait3A = tpu.memref_slice %arg3[%add3A_31] : memref<20224xf32, #tpu.memory_space<hbm>> -> memref<632xf32, #tpu.memory_space<hbm>>
      %dma_wait3A_33 = tpu.memref_slice %arg3[%add3A_31] : memref<20224xf32, #tpu.memory_space<hbm>> -> memref<632xf32, #tpu.memory_space<hbm>>
      tpu.wait_dma2 semaphore(%run_scoped3A : memref<!tpu.dma_semaphore, #tpu.memory_space<semaphore_mem>>) src(%arg6 : memref<632xf32, #tpu.memory_space<vmem>>) dst(%dma_wait3A_33 : memref<632xf32, #tpu.memory_space<hbm>>)
      tpu.yield
    }) : () -> ()
    return
  }
}

#map = affine_map<(d0, d1) -> (0, 0)>
#map1 = affine_map<(d0, d1) -> (0, 0, 0)>
module attributes {stable_mosaic.version = 14 : i64} {
  func.func @_sc_edge_pass_body(%arg0: i32, %arg1: i32, %arg2: memref<10000x128xf32, #tpu.memory_space<hbm>>, %arg3: memref<32x80x128xi32, #tpu.memory_space<hbm>>, %arg4: memref<32x80x128xi32, #tpu.memory_space<hbm>>, %arg5: memref<2x10112x128xf32, #tpu.memory_space<hbm>>, %arg6: memref<16x128xi32, #tpu.memory_space<vmem>>, %arg7: memref<16x128xi32, #tpu.memory_space<vmem>>, %arg8: memref<128x128xf32, #tpu.memory_space<vmem>>, %arg9: memref<128x128xf32, #tpu.memory_space<vmem>>, %arg10: memref<10112x128xf32, #tpu.memory_space<vmem_shared>>, %arg11: memref<!tpu.dma_semaphore, #tpu.memory_space<semaphore_mem>>, %arg12: memref<!tpu.dma_semaphore, #tpu.memory_space<semaphore_mem>>) attributes {dimension_semantics = [#tpu.dimension_semantics<core_parallel>, #tpu.dimension_semantics<subcore_parallel>], iteration_bounds = array<i64: 2, 16>, scalar_prefetch = 0 : i64, scratch_operands = 7 : i64, tpu.core_type = #tpu.core_type<sc_vector_subcore>, window_params = [{transform_indices = #map}, {transform_indices = #map1}, {transform_indices = #map1}, {transform_indices = #map1}]} {
    %mul3A = arith.constant 16 : i32
    %mul3A_0 = arith.muli %arg0, %mul3A : i32
    %add3A = arith.addi %mul3A_0, %arg1 : i32
    %scan3A = arith.constant 0 : i32
    %scan3A_1 = arith.constant 128 : i32
    %scan3A_2 = arith.addi %scan3A, %scan3A_1 : i32
    %scan3A_3 = arith.constant 1 : i32
    scf.for %scan3A_33 = %scan3A to %scan3A_2 step %scan3A_3  : i32 {
      %mul3A_34 = arith.constant 1 : i32
      %mul3A_35 = arith.muli %scan3A_33, %mul3A_34 : i32
      %add3A_36 = arith.constant 0 : i32
      %add3A_37 = arith.addi %add3A_36, %mul3A_35 : i32
      %scan3A_38 = arith.constant 0 : i32
      %scan3A_39 = arith.constant 8 : i32
      %scan3A_40 = arith.addi %scan3A_38, %scan3A_39 : i32
      %scan3A_41 = arith.constant 1 : i32
      scf.for %scan3A_43 = %scan3A_38 to %scan3A_40 step %scan3A_41  : i32 {
        %mul3A_44 = arith.constant 16 : i32
        %mul3A_45 = arith.muli %scan3A_43, %mul3A_44 : i32
        %add3A_46 = arith.constant 0 : i32
        %add3A_47 = arith.addi %add3A_46, %mul3A_45 : i32
        %broadcast_in_dim3A = arith.constant 0.000000e+00 : f32
        %broadcast_in_dim3A_48 = vector.broadcast %broadcast_in_dim3A : f32 to vector<16xf32>
        %swap3A = arith.index_cast %add3A_37 : i32 to index
        %swap3A_49 = arith.index_cast %add3A_47 : i32 to index
        %swap3A_50 = tpu.vector_load %arg8[%swap3A, %swap3A_49] {strides = array<i32>} : memref<128x128xf32, #tpu.memory_space<vmem>>, vector<1x16xf32>,
        %swap3A_51 = vector.shape_cast %swap3A_50 : vector<1x16xf32> to vector<16xf32>
        %swap3A_52 = vector.shape_cast %broadcast_in_dim3A_48 : vector<16xf32> to vector<1x16xf32>
        tpu.vector_store %arg8[%swap3A, %swap3A_49], %swap3A_52 {strides = array<i32>} : memref<128x128xf32, #tpu.memory_space<vmem>>, vector<1x16xf32>,
      }
      %scan3A_42 = arith.constant 8 : i32
    }
    %scan3A_4 = arith.constant 128 : i32
    %scan3A_5 = arith.constant 0 : i32
    %scan3A_6 = arith.constant 4 : i32
    %scan3A_7 = arith.addi %scan3A_5, %scan3A_6 : i32
    %scan3A_8 = arith.constant 1 : i32
    scf.for %scan3A_33 = %scan3A_5 to %scan3A_7 step %scan3A_8  : i32 {
      %mul3A_34 = arith.constant 128 : i32
      %mul3A_35 = arith.muli %scan3A_33, %mul3A_34 : i32
      %add3A_36 = arith.constant 0 : i32
      %add3A_37 = arith.addi %add3A_36, %mul3A_35 : i32
      %mul3A_38 = arith.constant 632 : i32
      %mul3A_39 = arith.muli %arg1, %mul3A_38 : i32
      %add3A_40 = arith.addi %mul3A_39, %add3A_37 : i32
      "tpu.region"() ({
        %run_scoped3A = tpu.sem_alloc : memref<!tpu.dma_semaphore, #tpu.memory_space<semaphore_mem>>
        %dma_start3A = arith.constant 0 : i32
        %dma_start3A_41 = tpu.memref_slice %arg10[%add3A_40, %dma_start3A] : memref<10112x128xf32, #tpu.memory_space<vmem_shared>> -> memref<128x128xf32, #tpu.memory_space<vmem_shared>>
        %dma_start3A_42 = arith.constant 0 : i32
        %dma_start3A_43 = tpu.memref_slice %arg10[%add3A_40, %dma_start3A_42] : memref<10112x128xf32, #tpu.memory_space<vmem_shared>> -> memref<128x128xf32, #tpu.memory_space<vmem_shared>>
        tpu.enqueue_dma source(%arg8 : memref<128x128xf32, #tpu.memory_space<vmem>>) target(%dma_start3A_43 : memref<128x128xf32, #tpu.memory_space<vmem_shared>>) target_semaphore(%run_scoped3A : memref<!tpu.dma_semaphore, #tpu.memory_space<semaphore_mem>>)
        %dma_wait3A = arith.constant 0 : i32
        %dma_wait3A_44 = tpu.memref_slice %arg10[%add3A_40, %dma_wait3A] : memref<10112x128xf32, #tpu.memory_space<vmem_shared>> -> memref<128x128xf32, #tpu.memory_space<vmem_shared>>
        %dma_wait3A_45 = arith.constant 0 : i32
        %dma_wait3A_46 = tpu.memref_slice %arg10[%add3A_40, %dma_wait3A_45] : memref<10112x128xf32, #tpu.memory_space<vmem_shared>> -> memref<128x128xf32, #tpu.memory_space<vmem_shared>>
        tpu.wait_dma2 semaphore(%run_scoped3A : memref<!tpu.dma_semaphore, #tpu.memory_space<semaphore_mem>>) src(%arg8 : memref<128x128xf32, #tpu.memory_space<vmem>>) dst(%dma_wait3A_46 : memref<128x128xf32, #tpu.memory_space<vmem_shared>>)
        tpu.yield
      }) : () -> ()
    }
    %scan3A_9 = arith.constant 4 : i32
    %mul3A_10 = arith.constant 632 : i32
    %mul3A_11 = arith.muli %arg1, %mul3A_10 : i32
    %add3A_12 = arith.constant 512 : i32
    %add3A_13 = arith.addi %mul3A_11, %add3A_12 : i32
    "tpu.region"() ({
      %run_scoped3A = tpu.sem_alloc : memref<!tpu.dma_semaphore, #tpu.memory_space<semaphore_mem>>
      %dma_start3A = arith.constant 0 : i32
      %dma_start3A_33 = arith.constant 0 : i32
      %dma_start3A_34 = tpu.memref_slice %arg8[%dma_start3A, %dma_start3A_33] : memref<128x128xf32, #tpu.memory_space<vmem>> -> memref<120x128xf32, #tpu.memory_space<vmem>>
      %dma_start3A_35 = arith.constant 0 : i32
      %dma_start3A_36 = tpu.memref_slice %arg10[%add3A_13, %dma_start3A_35] : memref<10112x128xf32, #tpu.memory_space<vmem_shared>> -> memref<120x128xf32, #tpu.memory_space<vmem_shared>>
      %dma_start3A_37 = arith.constant 0 : i32
      %dma_start3A_38 = tpu.memref_slice %arg10[%add3A_13, %dma_start3A_37] : memref<10112x128xf32, #tpu.memory_space<vmem_shared>> -> memref<120x128xf32, #tpu.memory_space<vmem_shared>>
      %dma_start3A_39 = arith.constant 0 : i32
      %dma_start3A_40 = arith.constant 0 : i32
      %dma_start3A_41 = tpu.memref_slice %arg8[%dma_start3A_39, %dma_start3A_40] : memref<128x128xf32, #tpu.memory_space<vmem>> -> memref<120x128xf32, #tpu.memory_space<vmem>>
      tpu.enqueue_dma source(%dma_start3A_41 : memref<120x128xf32, #tpu.memory_space<vmem>>) target(%dma_start3A_38 : memref<120x128xf32, #tpu.memory_space<vmem_shared>>) target_semaphore(%run_scoped3A : memref<!tpu.dma_semaphore, #tpu.memory_space<semaphore_mem>>)
      %dma_wait3A = arith.constant 0 : i32
      %dma_wait3A_42 = arith.constant 0 : i32
      %dma_wait3A_43 = tpu.memref_slice %arg8[%dma_wait3A, %dma_wait3A_42] : memref<128x128xf32, #tpu.memory_space<vmem>> -> memref<120x128xf32, #tpu.memory_space<vmem>>
      %dma_wait3A_44 = arith.constant 0 : i32
      %dma_wait3A_45 = tpu.memref_slice %arg10[%add3A_13, %dma_wait3A_44] : memref<10112x128xf32, #tpu.memory_space<vmem_shared>> -> memref<120x128xf32, #tpu.memory_space<vmem_shared>>
      %dma_wait3A_46 = arith.constant 0 : i32
      %dma_wait3A_47 = tpu.memref_slice %arg10[%add3A_13, %dma_wait3A_46] : memref<10112x128xf32, #tpu.memory_space<vmem_shared>> -> memref<120x128xf32, #tpu.memory_space<vmem_shared>>
      %dma_wait3A_48 = arith.constant 0 : i32
      %dma_wait3A_49 = arith.constant 0 : i32
      %dma_wait3A_50 = tpu.memref_slice %arg8[%dma_wait3A_48, %dma_wait3A_49] : memref<128x128xf32, #tpu.memory_space<vmem>> -> memref<120x128xf32, #tpu.memory_space<vmem>>
      tpu.wait_dma2 semaphore(%run_scoped3A : memref<!tpu.dma_semaphore, #tpu.memory_space<semaphore_mem>>) src(%dma_wait3A_50 : memref<120x128xf32, #tpu.memory_space<vmem>>) dst(%dma_wait3A_47 : memref<120x128xf32, #tpu.memory_space<vmem_shared>>)
      tpu.yield
    }) : () -> ()
    %barrier3A = arith.constant 0 : index
    tpu.barrier barrier_id(%barrier3A)
    %scan3A_14 = arith.constant 0 : i32
    %scan3A_15 = arith.constant 5 : i32
    %scan3A_16 = arith.addi %scan3A_14, %scan3A_15 : i32
    %scan3A_17 = arith.constant 1 : i32
    scf.for %scan3A_33 = %scan3A_14 to %scan3A_16 step %scan3A_17  : i32 {
      %mul3A_34 = arith.constant 1 : i32
      %mul3A_35 = arith.muli %scan3A_33, %mul3A_34 : i32
      %add3A_36 = arith.constant 0 : i32
      %add3A_37 = arith.addi %add3A_36, %mul3A_35 : i32
      %mul3A_38 = arith.constant 16 : i32
      %mul3A_39 = arith.muli %add3A_37, %mul3A_38 : i32
      "tpu.region"() ({
        %run_scoped3A_74 = tpu.sem_alloc : memref<!tpu.dma_semaphore, #tpu.memory_space<semaphore_mem>>
        %dma_start3A_75 = arith.constant 0 : i32
        %dma_start3A_76 = tpu.memref_slice %arg3[%add3A, %mul3A_39, %dma_start3A_75] : memref<32x80x128xi32, #tpu.memory_space<hbm>> -> memref<1x16x128xi32, #tpu.memory_space<hbm>>
        %dma_start3A_77 = tpu.memref_squeeze %dma_start3A_76 : memref<1x16x128xi32, #tpu.memory_space<hbm>> -> memref<16x128xi32, #tpu.memory_space<hbm>>
        %dma_start3A_78 = arith.constant 0 : i32
        %dma_start3A_79 = tpu.memref_slice %arg3[%add3A, %mul3A_39, %dma_start3A_78] : memref<32x80x128xi32, #tpu.memory_space<hbm>> -> memref<1x16x128xi32, #tpu.memory_space<hbm>>
        %dma_start3A_80 = tpu.memref_squeeze %dma_start3A_79 : memref<1x16x128xi32, #tpu.memory_space<hbm>> -> memref<16x128xi32, #tpu.memory_space<hbm>>
        tpu.enqueue_dma source(%dma_start3A_80 : memref<16x128xi32, #tpu.memory_space<hbm>>) target(%arg6 : memref<16x128xi32, #tpu.memory_space<vmem>>) target_semaphore(%run_scoped3A_74 : memref<!tpu.dma_semaphore, #tpu.memory_space<semaphore_mem>>)
        %dma_wait3A_81 = arith.constant 0 : i32
        %dma_wait3A_82 = tpu.memref_slice %arg3[%add3A, %mul3A_39, %dma_wait3A_81] : memref<32x80x128xi32, #tpu.memory_space<hbm>> -> memref<1x16x128xi32, #tpu.memory_space<hbm>>
        %dma_wait3A_83 = tpu.memref_squeeze %dma_wait3A_82 : memref<1x16x128xi32, #tpu.memory_space<hbm>> -> memref<16x128xi32, #tpu.memory_space<hbm>>
        %dma_wait3A_84 = arith.constant 0 : i32
        %dma_wait3A_85 = tpu.memref_slice %arg3[%add3A, %mul3A_39, %dma_wait3A_84] : memref<32x80x128xi32, #tpu.memory_space<hbm>> -> memref<1x16x128xi32, #tpu.memory_space<hbm>>
        %dma_wait3A_86 = tpu.memref_squeeze %dma_wait3A_85 : memref<1x16x128xi32, #tpu.memory_space<hbm>> -> memref<16x128xi32, #tpu.memory_space<hbm>>
        tpu.wait_dma2 semaphore(%run_scoped3A_74 : memref<!tpu.dma_semaphore, #tpu.memory_space<semaphore_mem>>) src(%dma_wait3A_86 : memref<16x128xi32, #tpu.memory_space<hbm>>) dst(%arg6 : memref<16x128xi32, #tpu.memory_space<vmem>>)
        tpu.yield
      }) : () -> ()
      %mul3A_40 = arith.constant 16 : i32
      %mul3A_41 = arith.muli %add3A_37, %mul3A_40 : i32
      "tpu.region"() ({
        %run_scoped3A_74 = tpu.sem_alloc : memref<!tpu.dma_semaphore, #tpu.memory_space<semaphore_mem>>
        %dma_start3A_75 = arith.constant 0 : i32
        %dma_start3A_76 = tpu.memref_slice %arg4[%add3A, %mul3A_41, %dma_start3A_75] : memref<32x80x128xi32, #tpu.memory_space<hbm>> -> memref<1x16x128xi32, #tpu.memory_space<hbm>>
        %dma_start3A_77 = tpu.memref_squeeze %dma_start3A_76 : memref<1x16x128xi32, #tpu.memory_space<hbm>> -> memref<16x128xi32, #tpu.memory_space<hbm>>
        %dma_start3A_78 = arith.constant 0 : i32
        %dma_start3A_79 = tpu.memref_slice %arg4[%add3A, %mul3A_41, %dma_start3A_78] : memref<32x80x128xi32, #tpu.memory_space<hbm>> -> memref<1x16x128xi32, #tpu.memory_space<hbm>>
        %dma_start3A_80 = tpu.memref_squeeze %dma_start3A_79 : memref<1x16x128xi32, #tpu.memory_space<hbm>> -> memref<16x128xi32, #tpu.memory_space<hbm>>
        tpu.enqueue_dma source(%dma_start3A_80 : memref<16x128xi32, #tpu.memory_space<hbm>>) target(%arg7 : memref<16x128xi32, #tpu.memory_space<vmem>>) target_semaphore(%run_scoped3A_74 : memref<!tpu.dma_semaphore, #tpu.memory_space<semaphore_mem>>)
        %dma_wait3A_81 = arith.constant 0 : i32
        %dma_wait3A_82 = tpu.memref_slice %arg4[%add3A, %mul3A_41, %dma_wait3A_81] : memref<32x80x128xi32, #tpu.memory_space<hbm>> -> memref<1x16x128xi32, #tpu.memory_space<hbm>>
        %dma_wait3A_83 = tpu.memref_squeeze %dma_wait3A_82 : memref<1x16x128xi32, #tpu.memory_space<hbm>> -> memref<16x128xi32, #tpu.memory_space<hbm>>
        %dma_wait3A_84 = arith.constant 0 : i32
        %dma_wait3A_85 = tpu.memref_slice %arg4[%add3A, %mul3A_41, %dma_wait3A_84] : memref<32x80x128xi32, #tpu.memory_space<hbm>> -> memref<1x16x128xi32, #tpu.memory_space<hbm>>
        %dma_wait3A_86 = tpu.memref_squeeze %dma_wait3A_85 : memref<1x16x128xi32, #tpu.memory_space<hbm>> -> memref<16x128xi32, #tpu.memory_space<hbm>>
        tpu.wait_dma2 semaphore(%run_scoped3A_74 : memref<!tpu.dma_semaphore, #tpu.memory_space<semaphore_mem>>) src(%dma_wait3A_86 : memref<16x128xi32, #tpu.memory_space<hbm>>) dst(%arg7 : memref<16x128xi32, #tpu.memory_space<vmem>>)
        tpu.yield
      }) : () -> ()
      %dma_start3A = arith.constant 0 : i32
      %dma_start3A_42 = arith.constant 0 : i32
      %dma_start3A_43 = tpu.memref_slice %arg6[%dma_start3A, %dma_start3A_42] : memref<16x128xi32, #tpu.memory_space<vmem>> -> memref<1x128xi32, #tpu.memory_space<vmem>>
      %dma_start3A_44 = tpu.memref_squeeze %dma_start3A_43 : memref<1x128xi32, #tpu.memory_space<vmem>> -> memref<128xi32, #tpu.memory_space<vmem>>
      %dma_start3A_45 = arith.constant 0 : i32
      %dma_start3A_46 = arith.constant 0 : i32
      %dma_start3A_47 = tpu.memref_slice %arg2[%dma_start3A_45, %dma_start3A_46] : memref<10000x128xf32, #tpu.memory_space<hbm>> -> memref<10000x128xf32, #tpu.memory_space<hbm>>
      tpu.enqueue_indirect_dma source(%dma_start3A_47 : memref<10000x128xf32, #tpu.memory_space<hbm>>) target(%arg8 : memref<128x128xf32, #tpu.memory_space<vmem>>) offsets(%dma_start3A_44 : memref<128xi32, #tpu.memory_space<vmem>>) semaphore(%arg11 : memref<!tpu.dma_semaphore, #tpu.memory_space<semaphore_mem>>)
      %dma_start3A_48 = arith.constant 1 : i32
      %dma_start3A_49 = arith.constant 0 : i32
      %dma_start3A_50 = tpu.memref_slice %arg6[%dma_start3A_48, %dma_start3A_49] : memref<16x128xi32, #tpu.memory_space<vmem>> -> memref<1x128xi32, #tpu.memory_space<vmem>>
      %dma_start3A_51 = tpu.memref_squeeze %dma_start3A_50 : memref<1x128xi32, #tpu.memory_space<vmem>> -> memref<128xi32, #tpu.memory_space<vmem>>
      %dma_start3A_52 = arith.constant 0 : i32
      %dma_start3A_53 = arith.constant 0 : i32
      %dma_start3A_54 = tpu.memref_slice %arg2[%dma_start3A_52, %dma_start3A_53] : memref<10000x128xf32, #tpu.memory_space<hbm>> -> memref<10000x128xf32, #tpu.memory_space<hbm>>
      tpu.enqueue_indirect_dma source(%dma_start3A_54 : memref<10000x128xf32, #tpu.memory_space<hbm>>) target(%arg9 : memref<128x128xf32, #tpu.memory_space<vmem>>) offsets(%dma_start3A_51 : memref<128xi32, #tpu.memory_space<vmem>>) semaphore(%arg12 : memref<!tpu.dma_semaphore, #tpu.memory_space<semaphore_mem>>)
      %scan3A_55 = arith.constant 0 : i32
      %scan3A_56 = arith.constant 7 : i32
      %scan3A_57 = arith.addi %scan3A_55, %scan3A_56 : i32
      %scan3A_58 = arith.constant 1 : i32
      scf.for %scan3A_74 = %scan3A_55 to %scan3A_57 step %scan3A_58  : i32 {
        %mul3A_75 = arith.constant 2 : i32
        %mul3A_76 = arith.muli %scan3A_74, %mul3A_75 : i32
        %add3A_77 = arith.constant 0 : i32
        %add3A_78 = arith.addi %add3A_77, %mul3A_76 : i32
        %dma_wait3A_79 = arith.constant 0 : i32
        %dma_wait3A_80 = tpu.memref_slice %arg6[%add3A_78, %dma_wait3A_79] : memref<16x128xi32, #tpu.memory_space<vmem>> -> memref<1x128xi32, #tpu.memory_space<vmem>>
        %dma_wait3A_81 = tpu.memref_squeeze %dma_wait3A_80 : memref<1x128xi32, #tpu.memory_space<vmem>> -> memref<128xi32, #tpu.memory_space<vmem>>
        %dma_wait3A_82 = arith.constant 0 : i32
        %dma_wait3A_83 = arith.constant 0 : i32
        %dma_wait3A_84 = tpu.memref_slice %arg2[%dma_wait3A_82, %dma_wait3A_83] : memref<10000x128xf32, #tpu.memory_space<hbm>> -> memref<10000x128xf32, #tpu.memory_space<hbm>>
        tpu.wait_indirect_dma semaphore(%arg11 : memref<!tpu.dma_semaphore, #tpu.memory_space<semaphore_mem>>) src(%dma_wait3A_84 : memref<10000x128xf32, #tpu.memory_space<hbm>>) dst(%arg8 : memref<128x128xf32, #tpu.memory_space<vmem>>)
        "tpu.region"() ({
          %run_scoped3A_111 = tpu.sem_alloc : memref<!tpu.dma_semaphore, #tpu.memory_space<semaphore_mem>>
          %dma_start3A_112 = arith.constant 0 : i32
          %dma_start3A_113 = tpu.memref_slice %arg7[%add3A_78, %dma_start3A_112] : memref<16x128xi32, #tpu.memory_space<vmem>> -> memref<1x128xi32, #tpu.memory_space<vmem>>
          %dma_start3A_114 = tpu.memref_squeeze %dma_start3A_113 : memref<1x128xi32, #tpu.memory_space<vmem>> -> memref<128xi32, #tpu.memory_space<vmem>>
          %dma_start3A_115 = arith.constant 0 : i32
          %dma_start3A_116 = arith.constant 0 : i32
          %dma_start3A_117 = tpu.memref_slice %arg10[%dma_start3A_115, %dma_start3A_116] : memref<10112x128xf32, #tpu.memory_space<vmem_shared>> -> memref<10112x128xf32, #tpu.memory_space<vmem_shared>>
          tpu.enqueue_indirect_dma source(%arg8 : memref<128x128xf32, #tpu.memory_space<vmem>>) target(%dma_start3A_117 : memref<10112x128xf32, #tpu.memory_space<vmem_shared>>) offsets(%dma_start3A_114 : memref<128xi32, #tpu.memory_space<vmem>>) semaphore(%run_scoped3A_111 : memref<!tpu.dma_semaphore, #tpu.memory_space<semaphore_mem>>) {add = true}
          %dma_wait3A_118 = arith.constant 0 : i32
          %dma_wait3A_119 = tpu.memref_slice %arg7[%add3A_78, %dma_wait3A_118] : memref<16x128xi32, #tpu.memory_space<vmem>> -> memref<1x128xi32, #tpu.memory_space<vmem>>
          %dma_wait3A_120 = tpu.memref_squeeze %dma_wait3A_119 : memref<1x128xi32, #tpu.memory_space<vmem>> -> memref<128xi32, #tpu.memory_space<vmem>>
          %dma_wait3A_121 = arith.constant 0 : i32
          %dma_wait3A_122 = arith.constant 0 : i32
          %dma_wait3A_123 = tpu.memref_slice %arg10[%dma_wait3A_121, %dma_wait3A_122] : memref<10112x128xf32, #tpu.memory_space<vmem_shared>> -> memref<10112x128xf32, #tpu.memory_space<vmem_shared>>
          tpu.wait_indirect_dma semaphore(%run_scoped3A_111 : memref<!tpu.dma_semaphore, #tpu.memory_space<semaphore_mem>>) src(%arg8 : memref<128x128xf32, #tpu.memory_space<vmem>>) dst(%dma_wait3A_123 : memref<10112x128xf32, #tpu.memory_space<vmem_shared>>)
          tpu.yield
        }) : () -> ()
        %add3A_85 = arith.constant 2 : i32
        %add3A_86 = arith.addi %add3A_78, %add3A_85 : i32
        %dma_start3A_87 = arith.constant 0 : i32
        %dma_start3A_88 = tpu.memref_slice %arg6[%add3A_86, %dma_start3A_87] : memref<16x128xi32, #tpu.memory_space<vmem>> -> memref<1x128xi32, #tpu.memory_space<vmem>>
        %dma_start3A_89 = tpu.memref_squeeze %dma_start3A_88 : memref<1x128xi32, #tpu.memory_space<vmem>> -> memref<128xi32, #tpu.memory_space<vmem>>
        %dma_start3A_90 = arith.constant 0 : i32
        %dma_start3A_91 = arith.constant 0 : i32
        %dma_start3A_92 = tpu.memref_slice %arg2[%dma_start3A_90, %dma_start3A_91] : memref<10000x128xf32, #tpu.memory_space<hbm>> -> memref<10000x128xf32, #tpu.memory_space<hbm>>
        tpu.enqueue_indirect_dma source(%dma_start3A_92 : memref<10000x128xf32, #tpu.memory_space<hbm>>) target(%arg8 : memref<128x128xf32, #tpu.memory_space<vmem>>) offsets(%dma_start3A_89 : memref<128xi32, #tpu.memory_space<vmem>>) semaphore(%arg11 : memref<!tpu.dma_semaphore, #tpu.memory_space<semaphore_mem>>)
        %add3A_93 = arith.constant 1 : i32
        %add3A_94 = arith.addi %add3A_78, %add3A_93 : i32
        %dma_wait3A_95 = arith.constant 0 : i32
        %dma_wait3A_96 = tpu.memref_slice %arg6[%add3A_94, %dma_wait3A_95] : memref<16x128xi32, #tpu.memory_space<vmem>> -> memref<1x128xi32, #tpu.memory_space<vmem>>
        %dma_wait3A_97 = tpu.memref_squeeze %dma_wait3A_96 : memref<1x128xi32, #tpu.memory_space<vmem>> -> memref<128xi32, #tpu.memory_space<vmem>>
        %dma_wait3A_98 = arith.constant 0 : i32
        %dma_wait3A_99 = arith.constant 0 : i32
        %dma_wait3A_100 = tpu.memref_slice %arg2[%dma_wait3A_98, %dma_wait3A_99] : memref<10000x128xf32, #tpu.memory_space<hbm>> -> memref<10000x128xf32, #tpu.memory_space<hbm>>
        tpu.wait_indirect_dma semaphore(%arg12 : memref<!tpu.dma_semaphore, #tpu.memory_space<semaphore_mem>>) src(%dma_wait3A_100 : memref<10000x128xf32, #tpu.memory_space<hbm>>) dst(%arg9 : memref<128x128xf32, #tpu.memory_space<vmem>>)
        %add3A_101 = arith.constant 1 : i32
        %add3A_102 = arith.addi %add3A_78, %add3A_101 : i32
        "tpu.region"() ({
          %run_scoped3A_111 = tpu.sem_alloc : memref<!tpu.dma_semaphore, #tpu.memory_space<semaphore_mem>>
          %dma_start3A_112 = arith.constant 0 : i32
          %dma_start3A_113 = tpu.memref_slice %arg7[%add3A_102, %dma_start3A_112] : memref<16x128xi32, #tpu.memory_space<vmem>> -> memref<1x128xi32, #tpu.memory_space<vmem>>
          %dma_start3A_114 = tpu.memref_squeeze %dma_start3A_113 : memref<1x128xi32, #tpu.memory_space<vmem>> -> memref<128xi32, #tpu.memory_space<vmem>>
          %dma_start3A_115 = arith.constant 0 : i32
          %dma_start3A_116 = arith.constant 0 : i32
          %dma_start3A_117 = tpu.memref_slice %arg10[%dma_start3A_115, %dma_start3A_116] : memref<10112x128xf32, #tpu.memory_space<vmem_shared>> -> memref<10112x128xf32, #tpu.memory_space<vmem_shared>>
          tpu.enqueue_indirect_dma source(%arg9 : memref<128x128xf32, #tpu.memory_space<vmem>>) target(%dma_start3A_117 : memref<10112x128xf32, #tpu.memory_space<vmem_shared>>) offsets(%dma_start3A_114 : memref<128xi32, #tpu.memory_space<vmem>>) semaphore(%run_scoped3A_111 : memref<!tpu.dma_semaphore, #tpu.memory_space<semaphore_mem>>) {add = true}
          %dma_wait3A_118 = arith.constant 0 : i32
          %dma_wait3A_119 = tpu.memref_slice %arg7[%add3A_102, %dma_wait3A_118] : memref<16x128xi32, #tpu.memory_space<vmem>> -> memref<1x128xi32, #tpu.memory_space<vmem>>
          %dma_wait3A_120 = tpu.memref_squeeze %dma_wait3A_119 : memref<1x128xi32, #tpu.memory_space<vmem>> -> memref<128xi32, #tpu.memory_space<vmem>>
          %dma_wait3A_121 = arith.constant 0 : i32
          %dma_wait3A_122 = arith.constant 0 : i32
          %dma_wait3A_123 = tpu.memref_slice %arg10[%dma_wait3A_121, %dma_wait3A_122] : memref<10112x128xf32, #tpu.memory_space<vmem_shared>> -> memref<10112x128xf32, #tpu.memory_space<vmem_shared>>
          tpu.wait_indirect_dma semaphore(%run_scoped3A_111 : memref<!tpu.dma_semaphore, #tpu.memory_space<semaphore_mem>>) src(%arg9 : memref<128x128xf32, #tpu.memory_space<vmem>>) dst(%dma_wait3A_123 : memref<10112x128xf32, #tpu.memory_space<vmem_shared>>)
          tpu.yield
        }) : () -> ()
        %add3A_103 = arith.constant 3 : i32
        %add3A_104 = arith.addi %add3A_78, %add3A_103 : i32
        %dma_start3A_105 = arith.constant 0 : i32
        %dma_start3A_106 = tpu.memref_slice %arg6[%add3A_104, %dma_start3A_105] : memref<16x128xi32, #tpu.memory_space<vmem>> -> memref<1x128xi32, #tpu.memory_space<vmem>>
        %dma_start3A_107 = tpu.memref_squeeze %dma_start3A_106 : memref<1x128xi32, #tpu.memory_space<vmem>> -> memref<128xi32, #tpu.memory_space<vmem>>
        %dma_start3A_108 = arith.constant 0 : i32
        %dma_start3A_109 = arith.constant 0 : i32
        %dma_start3A_110 = tpu.memref_slice %arg2[%dma_start3A_108, %dma_start3A_109] : memref<10000x128xf32, #tpu.memory_space<hbm>> -> memref<10000x128xf32, #tpu.memory_space<hbm>>
        tpu.enqueue_indirect_dma source(%dma_start3A_110 : memref<10000x128xf32, #tpu.memory_space<hbm>>) target(%arg9 : memref<128x128xf32, #tpu.memory_space<vmem>>) offsets(%dma_start3A_107 : memref<128xi32, #tpu.memory_space<vmem>>) semaphore(%arg12 : memref<!tpu.dma_semaphore, #tpu.memory_space<semaphore_mem>>)
      }
      %scan3A_59 = arith.constant 7 : i32
      %dma_wait3A = arith.constant 14 : i32
      %dma_wait3A_60 = arith.constant 0 : i32
      %dma_wait3A_61 = tpu.memref_slice %arg6[%dma_wait3A, %dma_wait3A_60] : memref<16x128xi32, #tpu.memory_space<vmem>> -> memref<1x128xi32, #tpu.memory_space<vmem>>
      %dma_wait3A_62 = tpu.memref_squeeze %dma_wait3A_61 : memref<1x128xi32, #tpu.memory_space<vmem>> -> memref<128xi32, #tpu.memory_space<vmem>>
      %dma_wait3A_63 = arith.constant 0 : i32
      %dma_wait3A_64 = arith.constant 0 : i32
      %dma_wait3A_65 = tpu.memref_slice %arg2[%dma_wait3A_63, %dma_wait3A_64] : memref<10000x128xf32, #tpu.memory_space<hbm>> -> memref<10000x128xf32, #tpu.memory_space<hbm>>
      tpu.wait_indirect_dma semaphore(%arg11 : memref<!tpu.dma_semaphore, #tpu.memory_space<semaphore_mem>>) src(%dma_wait3A_65 : memref<10000x128xf32, #tpu.memory_space<hbm>>) dst(%arg8 : memref<128x128xf32, #tpu.memory_space<vmem>>)
      %run_scoped3A = arith.constant 14 : i32
      "tpu.region"() ({
        %run_scoped3A_74 = tpu.sem_alloc : memref<!tpu.dma_semaphore, #tpu.memory_space<semaphore_mem>>
        %dma_start3A_75 = arith.constant 0 : i32
        %dma_start3A_76 = tpu.memref_slice %arg7[%run_scoped3A, %dma_start3A_75] : memref<16x128xi32, #tpu.memory_space<vmem>> -> memref<1x128xi32, #tpu.memory_space<vmem>>
        %dma_start3A_77 = tpu.memref_squeeze %dma_start3A_76 : memref<1x128xi32, #tpu.memory_space<vmem>> -> memref<128xi32, #tpu.memory_space<vmem>>
        %dma_start3A_78 = arith.constant 0 : i32
        %dma_start3A_79 = arith.constant 0 : i32
        %dma_start3A_80 = tpu.memref_slice %arg10[%dma_start3A_78, %dma_start3A_79] : memref<10112x128xf32, #tpu.memory_space<vmem_shared>> -> memref<10112x128xf32, #tpu.memory_space<vmem_shared>>
        tpu.enqueue_indirect_dma source(%arg8 : memref<128x128xf32, #tpu.memory_space<vmem>>) target(%dma_start3A_80 : memref<10112x128xf32, #tpu.memory_space<vmem_shared>>) offsets(%dma_start3A_77 : memref<128xi32, #tpu.memory_space<vmem>>) semaphore(%run_scoped3A_74 : memref<!tpu.dma_semaphore, #tpu.memory_space<semaphore_mem>>) {add = true}
        %dma_wait3A_81 = arith.constant 0 : i32
        %dma_wait3A_82 = tpu.memref_slice %arg7[%run_scoped3A, %dma_wait3A_81] : memref<16x128xi32, #tpu.memory_space<vmem>> -> memref<1x128xi32, #tpu.memory_space<vmem>>
        %dma_wait3A_83 = tpu.memref_squeeze %dma_wait3A_82 : memref<1x128xi32, #tpu.memory_space<vmem>> -> memref<128xi32, #tpu.memory_space<vmem>>
        %dma_wait3A_84 = arith.constant 0 : i32
        %dma_wait3A_85 = arith.constant 0 : i32
        %dma_wait3A_86 = tpu.memref_slice %arg10[%dma_wait3A_84, %dma_wait3A_85] : memref<10112x128xf32, #tpu.memory_space<vmem_shared>> -> memref<10112x128xf32, #tpu.memory_space<vmem_shared>>
        tpu.wait_indirect_dma semaphore(%run_scoped3A_74 : memref<!tpu.dma_semaphore, #tpu.memory_space<semaphore_mem>>) src(%arg8 : memref<128x128xf32, #tpu.memory_space<vmem>>) dst(%dma_wait3A_86 : memref<10112x128xf32, #tpu.memory_space<vmem_shared>>)
        tpu.yield
      }) : () -> ()
      %dma_wait3A_66 = arith.constant 15 : i32
      %dma_wait3A_67 = arith.constant 0 : i32
      %dma_wait3A_68 = tpu.memref_slice %arg6[%dma_wait3A_66, %dma_wait3A_67] : memref<16x128xi32, #tpu.memory_space<vmem>> -> memref<1x128xi32, #tpu.memory_space<vmem>>
      %dma_wait3A_69 = tpu.memref_squeeze %dma_wait3A_68 : memref<1x128xi32, #tpu.memory_space<vmem>> -> memref<128xi32, #tpu.memory_space<vmem>>
      %dma_wait3A_70 = arith.constant 0 : i32
      %dma_wait3A_71 = arith.constant 0 : i32
      %dma_wait3A_72 = tpu.memref_slice %arg2[%dma_wait3A_70, %dma_wait3A_71] : memref<10000x128xf32, #tpu.memory_space<hbm>> -> memref<10000x128xf32, #tpu.memory_space<hbm>>
      tpu.wait_indirect_dma semaphore(%arg12 : memref<!tpu.dma_semaphore, #tpu.memory_space<semaphore_mem>>) src(%dma_wait3A_72 : memref<10000x128xf32, #tpu.memory_space<hbm>>) dst(%arg9 : memref<128x128xf32, #tpu.memory_space<vmem>>)
      %run_scoped3A_73 = arith.constant 15 : i32
      "tpu.region"() ({
        %run_scoped3A_74 = tpu.sem_alloc : memref<!tpu.dma_semaphore, #tpu.memory_space<semaphore_mem>>
        %dma_start3A_75 = arith.constant 0 : i32
        %dma_start3A_76 = tpu.memref_slice %arg7[%run_scoped3A_73, %dma_start3A_75] : memref<16x128xi32, #tpu.memory_space<vmem>> -> memref<1x128xi32, #tpu.memory_space<vmem>>
        %dma_start3A_77 = tpu.memref_squeeze %dma_start3A_76 : memref<1x128xi32, #tpu.memory_space<vmem>> -> memref<128xi32, #tpu.memory_space<vmem>>
        %dma_start3A_78 = arith.constant 0 : i32
        %dma_start3A_79 = arith.constant 0 : i32
        %dma_start3A_80 = tpu.memref_slice %arg10[%dma_start3A_78, %dma_start3A_79] : memref<10112x128xf32, #tpu.memory_space<vmem_shared>> -> memref<10112x128xf32, #tpu.memory_space<vmem_shared>>
        tpu.enqueue_indirect_dma source(%arg9 : memref<128x128xf32, #tpu.memory_space<vmem>>) target(%dma_start3A_80 : memref<10112x128xf32, #tpu.memory_space<vmem_shared>>) offsets(%dma_start3A_77 : memref<128xi32, #tpu.memory_space<vmem>>) semaphore(%run_scoped3A_74 : memref<!tpu.dma_semaphore, #tpu.memory_space<semaphore_mem>>) {add = true}
        %dma_wait3A_81 = arith.constant 0 : i32
        %dma_wait3A_82 = tpu.memref_slice %arg7[%run_scoped3A_73, %dma_wait3A_81] : memref<16x128xi32, #tpu.memory_space<vmem>> -> memref<1x128xi32, #tpu.memory_space<vmem>>
        %dma_wait3A_83 = tpu.memref_squeeze %dma_wait3A_82 : memref<1x128xi32, #tpu.memory_space<vmem>> -> memref<128xi32, #tpu.memory_space<vmem>>
        %dma_wait3A_84 = arith.constant 0 : i32
        %dma_wait3A_85 = arith.constant 0 : i32
        %dma_wait3A_86 = tpu.memref_slice %arg10[%dma_wait3A_84, %dma_wait3A_85] : memref<10112x128xf32, #tpu.memory_space<vmem_shared>> -> memref<10112x128xf32, #tpu.memory_space<vmem_shared>>
        tpu.wait_indirect_dma semaphore(%run_scoped3A_74 : memref<!tpu.dma_semaphore, #tpu.memory_space<semaphore_mem>>) src(%arg9 : memref<128x128xf32, #tpu.memory_space<vmem>>) dst(%dma_wait3A_86 : memref<10112x128xf32, #tpu.memory_space<vmem_shared>>)
        tpu.yield
      }) : () -> ()
    }
    %scan3A_18 = arith.constant 5 : i32
    %barrier3A_19 = arith.constant 0 : index
    tpu.barrier barrier_id(%barrier3A_19)
    %scan3A_20 = arith.constant 0 : i32
    %scan3A_21 = arith.constant 4 : i32
    %scan3A_22 = arith.addi %scan3A_20, %scan3A_21 : i32
    %scan3A_23 = arith.constant 1 : i32
    scf.for %scan3A_33 = %scan3A_20 to %scan3A_22 step %scan3A_23  : i32 {
      %mul3A_34 = arith.constant 128 : i32
      %mul3A_35 = arith.muli %scan3A_33, %mul3A_34 : i32
      %add3A_36 = arith.constant 0 : i32
      %add3A_37 = arith.addi %add3A_36, %mul3A_35 : i32
      %mul3A_38 = arith.constant 632 : i32
      %mul3A_39 = arith.muli %arg1, %mul3A_38 : i32
      %add3A_40 = arith.addi %mul3A_39, %add3A_37 : i32
      "tpu.region"() ({
        %run_scoped3A = tpu.sem_alloc : memref<!tpu.dma_semaphore, #tpu.memory_space<semaphore_mem>>
        %dma_start3A = arith.constant 0 : i32
        %dma_start3A_44 = tpu.memref_slice %arg10[%add3A_40, %dma_start3A] : memref<10112x128xf32, #tpu.memory_space<vmem_shared>> -> memref<128x128xf32, #tpu.memory_space<vmem_shared>>
        %dma_start3A_45 = arith.constant 0 : i32
        %dma_start3A_46 = tpu.memref_slice %arg10[%add3A_40, %dma_start3A_45] : memref<10112x128xf32, #tpu.memory_space<vmem_shared>> -> memref<128x128xf32, #tpu.memory_space<vmem_shared>>
        tpu.enqueue_dma source(%dma_start3A_46 : memref<128x128xf32, #tpu.memory_space<vmem_shared>>) target(%arg8 : memref<128x128xf32, #tpu.memory_space<vmem>>) target_semaphore(%run_scoped3A : memref<!tpu.dma_semaphore, #tpu.memory_space<semaphore_mem>>)
        %dma_wait3A = arith.constant 0 : i32
        %dma_wait3A_47 = tpu.memref_slice %arg10[%add3A_40, %dma_wait3A] : memref<10112x128xf32, #tpu.memory_space<vmem_shared>> -> memref<128x128xf32, #tpu.memory_space<vmem_shared>>
        %dma_wait3A_48 = arith.constant 0 : i32
        %dma_wait3A_49 = tpu.memref_slice %arg10[%add3A_40, %dma_wait3A_48] : memref<10112x128xf32, #tpu.memory_space<vmem_shared>> -> memref<128x128xf32, #tpu.memory_space<vmem_shared>>
        tpu.wait_dma2 semaphore(%run_scoped3A : memref<!tpu.dma_semaphore, #tpu.memory_space<semaphore_mem>>) src(%dma_wait3A_49 : memref<128x128xf32, #tpu.memory_space<vmem_shared>>) dst(%arg8 : memref<128x128xf32, #tpu.memory_space<vmem>>)
        tpu.yield
      }) : () -> ()
      %mul3A_41 = arith.constant 632 : i32
      %mul3A_42 = arith.muli %arg1, %mul3A_41 : i32
      %add3A_43 = arith.addi %mul3A_42, %add3A_37 : i32
      "tpu.region"() ({
        %run_scoped3A = tpu.sem_alloc : memref<!tpu.dma_semaphore, #tpu.memory_space<semaphore_mem>>
        %dma_start3A = arith.constant 0 : i32
        %dma_start3A_44 = tpu.memref_slice %arg5[%arg0, %add3A_43, %dma_start3A] : memref<2x10112x128xf32, #tpu.memory_space<hbm>> -> memref<1x128x128xf32, #tpu.memory_space<hbm>>
        %dma_start3A_45 = tpu.memref_squeeze %dma_start3A_44 : memref<1x128x128xf32, #tpu.memory_space<hbm>> -> memref<128x128xf32, #tpu.memory_space<hbm>>
        %dma_start3A_46 = arith.constant 0 : i32
        %dma_start3A_47 = tpu.memref_slice %arg5[%arg0, %add3A_43, %dma_start3A_46] : memref<2x10112x128xf32, #tpu.memory_space<hbm>> -> memref<1x128x128xf32, #tpu.memory_space<hbm>>
        %dma_start3A_48 = tpu.memref_squeeze %dma_start3A_47 : memref<1x128x128xf32, #tpu.memory_space<hbm>> -> memref<128x128xf32, #tpu.memory_space<hbm>>
        tpu.enqueue_dma source(%arg8 : memref<128x128xf32, #tpu.memory_space<vmem>>) target(%dma_start3A_48 : memref<128x128xf32, #tpu.memory_space<hbm>>) target_semaphore(%run_scoped3A : memref<!tpu.dma_semaphore, #tpu.memory_space<semaphore_mem>>)
        %dma_wait3A = arith.constant 0 : i32
        %dma_wait3A_49 = tpu.memref_slice %arg5[%arg0, %add3A_43, %dma_wait3A] : memref<2x10112x128xf32, #tpu.memory_space<hbm>> -> memref<1x128x128xf32, #tpu.memory_space<hbm>>
        %dma_wait3A_50 = tpu.memref_squeeze %dma_wait3A_49 : memref<1x128x128xf32, #tpu.memory_space<hbm>> -> memref<128x128xf32, #tpu.memory_space<hbm>>
        %dma_wait3A_51 = arith.constant 0 : i32
        %dma_wait3A_52 = tpu.memref_slice %arg5[%arg0, %add3A_43, %dma_wait3A_51] : memref<2x10112x128xf32, #tpu.memory_space<hbm>> -> memref<1x128x128xf32, #tpu.memory_space<hbm>>
        %dma_wait3A_53 = tpu.memref_squeeze %dma_wait3A_52 : memref<1x128x128xf32, #tpu.memory_space<hbm>> -> memref<128x128xf32, #tpu.memory_space<hbm>>
        tpu.wait_dma2 semaphore(%run_scoped3A : memref<!tpu.dma_semaphore, #tpu.memory_space<semaphore_mem>>) src(%arg8 : memref<128x128xf32, #tpu.memory_space<vmem>>) dst(%dma_wait3A_53 : memref<128x128xf32, #tpu.memory_space<hbm>>)
        tpu.yield
      }) : () -> ()
    }
    %scan3A_24 = arith.constant 4 : i32
    %mul3A_25 = arith.constant 632 : i32
    %mul3A_26 = arith.muli %arg1, %mul3A_25 : i32
    %add3A_27 = arith.constant 512 : i32
    %add3A_28 = arith.addi %mul3A_26, %add3A_27 : i32
    "tpu.region"() ({
      %run_scoped3A = tpu.sem_alloc : memref<!tpu.dma_semaphore, #tpu.memory_space<semaphore_mem>>
      %dma_start3A = arith.constant 0 : i32
      %dma_start3A_33 = arith.constant 0 : i32
      %dma_start3A_34 = tpu.memref_slice %arg8[%dma_start3A, %dma_start3A_33] : memref<128x128xf32, #tpu.memory_space<vmem>> -> memref<120x128xf32, #tpu.memory_space<vmem>>
      %dma_start3A_35 = arith.constant 0 : i32
      %dma_start3A_36 = tpu.memref_slice %arg10[%add3A_28, %dma_start3A_35] : memref<10112x128xf32, #tpu.memory_space<vmem_shared>> -> memref<120x128xf32, #tpu.memory_space<vmem_shared>>
      %dma_start3A_37 = arith.constant 0 : i32
      %dma_start3A_38 = arith.constant 0 : i32
      %dma_start3A_39 = tpu.memref_slice %arg8[%dma_start3A_37, %dma_start3A_38] : memref<128x128xf32, #tpu.memory_space<vmem>> -> memref<120x128xf32, #tpu.memory_space<vmem>>
      %dma_start3A_40 = arith.constant 0 : i32
      %dma_start3A_41 = tpu.memref_slice %arg10[%add3A_28, %dma_start3A_40] : memref<10112x128xf32, #tpu.memory_space<vmem_shared>> -> memref<120x128xf32, #tpu.memory_space<vmem_shared>>
      tpu.enqueue_dma source(%dma_start3A_41 : memref<120x128xf32, #tpu.memory_space<vmem_shared>>) target(%dma_start3A_39 : memref<120x128xf32, #tpu.memory_space<vmem>>) target_semaphore(%run_scoped3A : memref<!tpu.dma_semaphore, #tpu.memory_space<semaphore_mem>>)
      %dma_wait3A = arith.constant 0 : i32
      %dma_wait3A_42 = arith.constant 0 : i32
      %dma_wait3A_43 = tpu.memref_slice %arg8[%dma_wait3A, %dma_wait3A_42] : memref<128x128xf32, #tpu.memory_space<vmem>> -> memref<120x128xf32, #tpu.memory_space<vmem>>
      %dma_wait3A_44 = arith.constant 0 : i32
      %dma_wait3A_45 = tpu.memref_slice %arg10[%add3A_28, %dma_wait3A_44] : memref<10112x128xf32, #tpu.memory_space<vmem_shared>> -> memref<120x128xf32, #tpu.memory_space<vmem_shared>>
      %dma_wait3A_46 = arith.constant 0 : i32
      %dma_wait3A_47 = arith.constant 0 : i32
      %dma_wait3A_48 = tpu.memref_slice %arg8[%dma_wait3A_46, %dma_wait3A_47] : memref<128x128xf32, #tpu.memory_space<vmem>> -> memref<120x128xf32, #tpu.memory_space<vmem>>
      %dma_wait3A_49 = arith.constant 0 : i32
      %dma_wait3A_50 = tpu.memref_slice %arg10[%add3A_28, %dma_wait3A_49] : memref<10112x128xf32, #tpu.memory_space<vmem_shared>> -> memref<120x128xf32, #tpu.memory_space<vmem_shared>>
      tpu.wait_dma2 semaphore(%run_scoped3A : memref<!tpu.dma_semaphore, #tpu.memory_space<semaphore_mem>>) src(%dma_wait3A_50 : memref<120x128xf32, #tpu.memory_space<vmem_shared>>) dst(%dma_wait3A_48 : memref<120x128xf32, #tpu.memory_space<vmem>>)
      tpu.yield
    }) : () -> ()
    %mul3A_29 = arith.constant 632 : i32
    %mul3A_30 = arith.muli %arg1, %mul3A_29 : i32
    %add3A_31 = arith.constant 512 : i32
    %add3A_32 = arith.addi %mul3A_30, %add3A_31 : i32
    "tpu.region"() ({
      %run_scoped3A = tpu.sem_alloc : memref<!tpu.dma_semaphore, #tpu.memory_space<semaphore_mem>>
      %dma_start3A = arith.constant 0 : i32
      %dma_start3A_33 = arith.constant 0 : i32
      %dma_start3A_34 = tpu.memref_slice %arg8[%dma_start3A, %dma_start3A_33] : memref<128x128xf32, #tpu.memory_space<vmem>> -> memref<120x128xf32, #tpu.memory_space<vmem>>
      %dma_start3A_35 = arith.constant 0 : i32
      %dma_start3A_36 = tpu.memref_slice %arg5[%arg0, %add3A_32, %dma_start3A_35] : memref<2x10112x128xf32, #tpu.memory_space<hbm>> -> memref<1x120x128xf32, #tpu.memory_space<hbm>>
      %dma_start3A_37 = tpu.memref_squeeze %dma_start3A_36 : memref<1x120x128xf32, #tpu.memory_space<hbm>> -> memref<120x128xf32, #tpu.memory_space<hbm>>
      %dma_start3A_38 = arith.constant 0 : i32
      %dma_start3A_39 = tpu.memref_slice %arg5[%arg0, %add3A_32, %dma_start3A_38] : memref<2x10112x128xf32, #tpu.memory_space<hbm>> -> memref<1x120x128xf32, #tpu.memory_space<hbm>>
      %dma_start3A_40 = tpu.memref_squeeze %dma_start3A_39 : memref<1x120x128xf32, #tpu.memory_space<hbm>> -> memref<120x128xf32, #tpu.memory_space<hbm>>
      %dma_start3A_41 = arith.constant 0 : i32
      %dma_start3A_42 = arith.constant 0 : i32
      %dma_start3A_43 = tpu.memref_slice %arg8[%dma_start3A_41, %dma_start3A_42] : memref<128x128xf32, #tpu.memory_space<vmem>> -> memref<120x128xf32, #tpu.memory_space<vmem>>
      tpu.enqueue_dma source(%dma_start3A_43 : memref<120x128xf32, #tpu.memory_space<vmem>>) target(%dma_start3A_40 : memref<120x128xf32, #tpu.memory_space<hbm>>) target_semaphore(%run_scoped3A : memref<!tpu.dma_semaphore, #tpu.memory_space<semaphore_mem>>)
      %dma_wait3A = arith.constant 0 : i32
      %dma_wait3A_44 = arith.constant 0 : i32
      %dma_wait3A_45 = tpu.memref_slice %arg8[%dma_wait3A, %dma_wait3A_44] : memref<128x128xf32, #tpu.memory_space<vmem>> -> memref<120x128xf32, #tpu.memory_space<vmem>>
      %dma_wait3A_46 = arith.constant 0 : i32
      %dma_wait3A_47 = tpu.memref_slice %arg5[%arg0, %add3A_32, %dma_wait3A_46] : memref<2x10112x128xf32, #tpu.memory_space<hbm>> -> memref<1x120x128xf32, #tpu.memory_space<hbm>>
      %dma_wait3A_48 = tpu.memref_squeeze %dma_wait3A_47 : memref<1x120x128xf32, #tpu.memory_space<hbm>> -> memref<120x128xf32, #tpu.memory_space<hbm>>
      %dma_wait3A_49 = arith.constant 0 : i32
      %dma_wait3A_50 = tpu.memref_slice %arg5[%arg0, %add3A_32, %dma_wait3A_49] : memref<2x10112x128xf32, #tpu.memory_space<hbm>> -> memref<1x120x128xf32, #tpu.memory_space<hbm>>
      %dma_wait3A_51 = tpu.memref_squeeze %dma_wait3A_50 : memref<1x120x128xf32, #tpu.memory_space<hbm>> -> memref<120x128xf32, #tpu.memory_space<hbm>>
      %dma_wait3A_52 = arith.constant 0 : i32
      %dma_wait3A_53 = arith.constant 0 : i32
      %dma_wait3A_54 = tpu.memref_slice %arg8[%dma_wait3A_52, %dma_wait3A_53] : memref<128x128xf32, #tpu.memory_space<vmem>> -> memref<120x128xf32, #tpu.memory_space<vmem>>
      tpu.wait_dma2 semaphore(%run_scoped3A : memref<!tpu.dma_semaphore, #tpu.memory_space<semaphore_mem>>) src(%dma_wait3A_54 : memref<120x128xf32, #tpu.memory_space<vmem>>) dst(%dma_wait3A_51 : memref<120x128xf32, #tpu.memory_space<hbm>>)
      tpu.yield
    }) : () -> ()
    return
  }
}

module attributes {stable_mosaic.version = 14 : i64} {
  func.func @_tc_mm_body(%arg0: memref<10000x128xf32, #tpu.memory_space<vmem>>, %arg1: memref<128x128xf32, #tpu.memory_space<vmem>>, %arg2: memref<10000x128xf32, #tpu.memory_space<vmem>>) attributes {dimension_semantics = [], scalar_prefetch = 0 : i64, scratch_operands = 0 : i64, tpu.core_type = #tpu.core_type<tc>} {
    %get3A = arith.constant 0 : index
    %get3A_0 = arith.constant 0 : index
    %get3A_1 = vector.load %arg0[%get3A, %get3A_0] : memref<10000x128xf32, #tpu.memory_space<vmem>>, vector<10000x128xf32>
    %get3A_2 = arith.constant 0 : index
    %get3A_3 = arith.constant 0 : index
    %get3A_4 = vector.load %arg1[%get3A_2, %get3A_3] : memref<128x128xf32, #tpu.memory_space<vmem>>, vector<128x128xf32>
    %dot_general3A = arith.constant dense<0.000000e+00> : vector<10000x128xf32>
    %dot_general3A_5 = tpu.matmul %get3A_1, %get3A_4, %dot_general3A {dimension_numbers = #tpu.dot_dimension_numbers<[1], [0], [0], [1], [0, 0, 1, 1], [], []>, precision = #tpu.contract_precision<fp32>, transpose_lhs_hint = false} : vector<10000x128xf32>, vector<128x128xf32>, vector<10000x128xf32> -> vector<10000x128xf32>
    %swap3A = arith.constant 0 : index
    %swap3A_6 = arith.constant 0 : index
    %swap3A_7 = vector.load %arg2[%swap3A, %swap3A_6] : memref<10000x128xf32, #tpu.memory_space<vmem>>, vector<10000x128xf32>
    tpu.vector_store %arg2[%swap3A, %swap3A_6], %dot_general3A_5 {strides = array<i32>} : memref<10000x128xf32, #tpu.memory_space<vmem>>, vector<10000x128xf32>,
    return
  }
}

module attributes {stable_mosaic.version = 14 : i64} {
  func.func @_tc_scale_body(%arg0: memref<10000x128xf32, #tpu.memory_space<vmem>>, %arg1: memref<2x10112xf32, #tpu.memory_space<vmem>>, %arg2: memref<10000x128xf32, #tpu.memory_space<vmem>>, %arg3: memref<10000xf32, #tpu.memory_space<vmem>>) attributes {dimension_semantics = [], scalar_prefetch = 0 : i64, scratch_operands = 0 : i64, tpu.core_type = #tpu.core_type<tc>} {
    %get3A = arith.constant 0 : index
    %get3A_0 = arith.constant 0 : index
    %get3A_1 = vector.load %arg1[%get3A, %get3A_0] : memref<2x10112xf32, #tpu.memory_space<vmem>>, vector<1x10000xf32>
    %get3A_2 = vector.shape_cast %get3A_1 : vector<1x10000xf32> to vector<10000xf32>
    %get3A_3 = arith.constant 1 : index
    %get3A_4 = arith.constant 0 : index
    %get3A_5 = vector.load %arg1[%get3A_3, %get3A_4] : memref<2x10112xf32, #tpu.memory_space<vmem>>, vector<1x10000xf32>
    %get3A_6 = vector.shape_cast %get3A_5 : vector<1x10000xf32> to vector<10000xf32>
    %add3A = arith.addf %get3A_2, %get3A_6 : vector<10000xf32>
    %add3A_7 = arith.constant 1.000000e+00 : f32
    %add3A_8 = vector.broadcast %add3A_7 : f32 to vector<10000xf32>
    %add3A_9 = arith.addf %add3A, %add3A_8 : vector<10000xf32>
    %rsqrt3A = math.rsqrt %add3A_9 : vector<10000xf32>
    %swap3A = arith.constant 0 : index
    %swap3A_10 = vector.load %arg3[%swap3A] : memref<10000xf32, #tpu.memory_space<vmem>>, vector<10000xf32>
    tpu.vector_store %arg3[%swap3A], %rsqrt3A {strides = array<i32>} : memref<10000xf32, #tpu.memory_space<vmem>>, vector<10000xf32>,
    %get3A_11 = arith.constant 0 : index
    %get3A_12 = arith.constant 0 : index
    %get3A_13 = vector.load %arg0[%get3A_11, %get3A_12] : memref<10000x128xf32, #tpu.memory_space<vmem>>, vector<10000x128xf32>
    %broadcast_in_dim3A = vector.shape_cast %rsqrt3A : vector<10000xf32> to vector<10000x1xf32>
    %mul3A = vector.broadcast %broadcast_in_dim3A : vector<10000x1xf32> to vector<10000x128xf32>
    %mul3A_14 = arith.mulf %get3A_13, %mul3A : vector<10000x128xf32>
    %swap3A_15 = arith.constant 0 : index
    %swap3A_16 = arith.constant 0 : index
    %swap3A_17 = vector.load %arg2[%swap3A_15, %swap3A_16] : memref<10000x128xf32, #tpu.memory_space<vmem>>, vector<10000x128xf32>
    tpu.vector_store %arg2[%swap3A_15, %swap3A_16], %mul3A_14 {strides = array<i32>} : memref<10000x128xf32, #tpu.memory_space<vmem>>, vector<10000x128xf32>,
    return
  }
}

module attributes {stable_mosaic.version = 14 : i64} {
  func.func @_tc_mid_body(%arg0: memref<2x10112x128xf32, #tpu.memory_space<vmem>>, %arg1: memref<10000x128xf32, #tpu.memory_space<vmem>>, %arg2: memref<10000xf32, #tpu.memory_space<vmem>>, %arg3: memref<128xf32, #tpu.memory_space<vmem>>, %arg4: memref<128xf32, #tpu.memory_space<vmem>>, %arg5: memref<128xf32, #tpu.memory_space<vmem>>, %arg6: memref<128x128xf32, #tpu.memory_space<vmem>>, %arg7: memref<10000x128xf32, #tpu.memory_space<vmem>>) attributes {dimension_semantics = [], scalar_prefetch = 0 : i64, scratch_operands = 0 : i64, tpu.core_type = #tpu.core_type<tc>} {
    %get3A = arith.constant 0 : index
    %get3A_0 = vector.load %arg2[%get3A] : memref<10000xf32, #tpu.memory_space<vmem>>, vector<10000xf32>
    %get3A_1 = arith.constant 0 : index
    %get3A_2 = arith.constant 0 : index
    %get3A_3 = arith.constant 0 : index
    %get3A_4 = vector.load %arg0[%get3A_1, %get3A_2, %get3A_3] : memref<2x10112x128xf32, #tpu.memory_space<vmem>>, vector<1x10000x128xf32>
    %get3A_5 = vector.shape_cast %get3A_4 : vector<1x10000x128xf32> to vector<10000x128xf32>
    %get3A_6 = arith.constant 1 : index
    %get3A_7 = arith.constant 0 : index
    %get3A_8 = arith.constant 0 : index
    %get3A_9 = vector.load %arg0[%get3A_6, %get3A_7, %get3A_8] : memref<2x10112x128xf32, #tpu.memory_space<vmem>>, vector<1x10000x128xf32>
    %get3A_10 = vector.shape_cast %get3A_9 : vector<1x10000x128xf32> to vector<10000x128xf32>
    %add3A = arith.addf %get3A_5, %get3A_10 : vector<10000x128xf32>
    %get3A_11 = arith.constant 0 : index
    %get3A_12 = arith.constant 0 : index
    %get3A_13 = vector.load %arg1[%get3A_11, %get3A_12] : memref<10000x128xf32, #tpu.memory_space<vmem>>, vector<10000x128xf32>
    %add3A_14 = arith.addf %add3A, %get3A_13 : vector<10000x128xf32>
    %broadcast_in_dim3A = vector.shape_cast %get3A_0 : vector<10000xf32> to vector<10000x1xf32>
    %mul3A = vector.broadcast %broadcast_in_dim3A : vector<10000x1xf32> to vector<10000x128xf32>
    %mul3A_15 = arith.mulf %add3A_14, %mul3A : vector<10000x128xf32>
    %get3A_16 = arith.constant 0 : index
    %get3A_17 = vector.load %arg3[%get3A_16] : memref<128xf32, #tpu.memory_space<vmem>>, vector<128xf32>
    %broadcast_in_dim3A_18 = vector.shape_cast %get3A_17 : vector<128xf32> to vector<1x128xf32>
    %add3A_19 = vector.broadcast %broadcast_in_dim3A_18 : vector<1x128xf32> to vector<10000x128xf32>
    %add3A_20 = arith.addf %mul3A_15, %add3A_19 : vector<10000x128xf32>
    %get3A_21 = arith.constant 0 : index
    %get3A_22 = vector.load %arg4[%get3A_21] : memref<128xf32, #tpu.memory_space<vmem>>, vector<128xf32>
    %get3A_23 = arith.constant 0 : index
    %get3A_24 = vector.load %arg5[%get3A_23] : memref<128xf32, #tpu.memory_space<vmem>>, vector<128xf32>
    %reduce_sum3A = arith.constant dense<0.000000e+00> : vector<128xf32>
    %reduce_sum3A_25 = vector.multi_reduction <add>, %add3A_20, %reduce_sum3A [0] : vector<10000x128xf32> to vector<128xf32>
    %div3A = arith.constant 1.000000e+04 : f32
    %div3A_26 = vector.broadcast %div3A : f32 to vector<128xf32>
    %div3A_27 = arith.divf %reduce_sum3A_25, %div3A_26 : vector<128xf32>
    %broadcast_in_dim3A_28 = vector.shape_cast %div3A_27 : vector<128xf32> to vector<1x128xf32>
    %sub3A = vector.broadcast %broadcast_in_dim3A_28 : vector<1x128xf32> to vector<10000x128xf32>
    %sub3A_29 = arith.subf %add3A_20, %sub3A : vector<10000x128xf32>
    %integer_pow3A = arith.mulf %sub3A_29, %sub3A_29 : vector<10000x128xf32>
    %reduce_sum3A_30 = arith.constant dense<0.000000e+00> : vector<128xf32>
    %reduce_sum3A_31 = vector.multi_reduction <add>, %integer_pow3A, %reduce_sum3A_30 [0] : vector<10000x128xf32> to vector<128xf32>
    %div3A_32 = arith.constant 1.000000e+04 : f32
    %div3A_33 = vector.broadcast %div3A_32 : f32 to vector<128xf32>
    %div3A_34 = arith.divf %reduce_sum3A_31, %div3A_33 : vector<128xf32>
    %broadcast_in_dim3A_35 = vector.shape_cast %div3A_27 : vector<128xf32> to vector<1x128xf32>
    %sub3A_36 = vector.broadcast %broadcast_in_dim3A_35 : vector<1x128xf32> to vector<10000x128xf32>
    %sub3A_37 = arith.subf %add3A_20, %sub3A_36 : vector<10000x128xf32>
    %broadcast_in_dim3A_38 = vector.shape_cast %get3A_22 : vector<128xf32> to vector<1x128xf32>
    %mul3A_39 = vector.broadcast %broadcast_in_dim3A_38 : vector<1x128xf32> to vector<10000x128xf32>
    %mul3A_40 = arith.mulf %mul3A_39, %sub3A_37 : vector<10000x128xf32>
    %add3A_41 = arith.constant 9.99999974E-6 : f32
    %add3A_42 = vector.broadcast %add3A_41 : f32 to vector<128xf32>
    %add3A_43 = arith.addf %div3A_34, %add3A_42 : vector<128xf32>
    %sqrt3A = math.sqrt %add3A_43 : vector<128xf32>
    %broadcast_in_dim3A_44 = vector.shape_cast %sqrt3A : vector<128xf32> to vector<1x128xf32>
    %div3A_45 = vector.broadcast %broadcast_in_dim3A_44 : vector<1x128xf32> to vector<10000x128xf32>
    %div3A_46 = arith.divf %mul3A_40, %div3A_45 : vector<10000x128xf32>
    %broadcast_in_dim3A_47 = vector.shape_cast %get3A_24 : vector<128xf32> to vector<1x128xf32>
    %add3A_48 = vector.broadcast %broadcast_in_dim3A_47 : vector<1x128xf32> to vector<10000x128xf32>
    %add3A_49 = arith.addf %div3A_46, %add3A_48 : vector<10000x128xf32>
    %max3A = arith.constant 0.000000e+00 : f32
    %max3A_50 = vector.broadcast %max3A : f32 to vector<10000x128xf32>
    %max3A_51 = arith.maximumf %add3A_49, %max3A_50 : vector<10000x128xf32>
    %get3A_52 = arith.constant 0 : index
    %get3A_53 = arith.constant 0 : index
    %get3A_54 = vector.load %arg6[%get3A_52, %get3A_53] : memref<128x128xf32, #tpu.memory_space<vmem>>, vector<128x128xf32>
    %dot_general3A = arith.constant dense<0.000000e+00> : vector<10000x128xf32>
    %dot_general3A_55 = tpu.matmul %max3A_51, %get3A_54, %dot_general3A {dimension_numbers = #tpu.dot_dimension_numbers<[1], [0], [0], [1], [0, 0, 1, 1], [], []>, precision = #tpu.contract_precision<fp32>, transpose_lhs_hint = false} : vector<10000x128xf32>, vector<128x128xf32>, vector<10000x128xf32> -> vector<10000x128xf32>
    %broadcast_in_dim3A_56 = vector.shape_cast %get3A_0 : vector<10000xf32> to vector<10000x1xf32>
    %mul3A_57 = vector.broadcast %broadcast_in_dim3A_56 : vector<10000x1xf32> to vector<10000x128xf32>
    %mul3A_58 = arith.mulf %dot_general3A_55, %mul3A_57 : vector<10000x128xf32>
    %swap3A = arith.constant 0 : index
    %swap3A_59 = arith.constant 0 : index
    %swap3A_60 = vector.load %arg7[%swap3A, %swap3A_59] : memref<10000x128xf32, #tpu.memory_space<vmem>>, vector<10000x128xf32>
    tpu.vector_store %arg7[%swap3A, %swap3A_59], %mul3A_58 {strides = array<i32>} : memref<10000x128xf32, #tpu.memory_space<vmem>>, vector<10000x128xf32>,
    return
  }
}

module attributes {stable_mosaic.version = 14 : i64} {
  func.func @_tc_final_body(%arg0: memref<2x10112x128xf32, #tpu.memory_space<vmem>>, %arg1: memref<10000x128xf32, #tpu.memory_space<vmem>>, %arg2: memref<10000xf32, #tpu.memory_space<vmem>>, %arg3: memref<128xf32, #tpu.memory_space<vmem>>, %arg4: memref<128xf32, #tpu.memory_space<vmem>>, %arg5: memref<128xf32, #tpu.memory_space<vmem>>, %arg6: memref<10000xi32, #tpu.memory_space<vmem>>, %arg7: memref<128x128xf32, #tpu.memory_space<vmem>>, %arg8: memref<128xf32, #tpu.memory_space<vmem>>, %arg9: memref<64x128xf32, #tpu.memory_space<vmem>>) attributes {dimension_semantics = [], scalar_prefetch = 0 : i64, scratch_operands = 0 : i64, tpu.core_type = #tpu.core_type<tc>} {
    %get3A = arith.constant 0 : index
    %get3A_0 = vector.load %arg2[%get3A] : memref<10000xf32, #tpu.memory_space<vmem>>, vector<10000xf32>
    %get3A_1 = arith.constant 0 : index
    %get3A_2 = arith.constant 0 : index
    %get3A_3 = arith.constant 0 : index
    %get3A_4 = vector.load %arg0[%get3A_1, %get3A_2, %get3A_3] : memref<2x10112x128xf32, #tpu.memory_space<vmem>>, vector<1x10000x128xf32>
    %get3A_5 = vector.shape_cast %get3A_4 : vector<1x10000x128xf32> to vector<10000x128xf32>
    %get3A_6 = arith.constant 1 : index
    %get3A_7 = arith.constant 0 : index
    %get3A_8 = arith.constant 0 : index
    %get3A_9 = vector.load %arg0[%get3A_6, %get3A_7, %get3A_8] : memref<2x10112x128xf32, #tpu.memory_space<vmem>>, vector<1x10000x128xf32>
    %get3A_10 = vector.shape_cast %get3A_9 : vector<1x10000x128xf32> to vector<10000x128xf32>
    %add3A = arith.addf %get3A_5, %get3A_10 : vector<10000x128xf32>
    %get3A_11 = arith.constant 0 : index
    %get3A_12 = arith.constant 0 : index
    %get3A_13 = vector.load %arg1[%get3A_11, %get3A_12] : memref<10000x128xf32, #tpu.memory_space<vmem>>, vector<10000x128xf32>
    %add3A_14 = arith.addf %add3A, %get3A_13 : vector<10000x128xf32>
    %broadcast_in_dim3A = vector.shape_cast %get3A_0 : vector<10000xf32> to vector<10000x1xf32>
    %mul3A = vector.broadcast %broadcast_in_dim3A : vector<10000x1xf32> to vector<10000x128xf32>
    %mul3A_15 = arith.mulf %add3A_14, %mul3A : vector<10000x128xf32>
    %get3A_16 = arith.constant 0 : index
    %get3A_17 = vector.load %arg3[%get3A_16] : memref<128xf32, #tpu.memory_space<vmem>>, vector<128xf32>
    %broadcast_in_dim3A_18 = vector.shape_cast %get3A_17 : vector<128xf32> to vector<1x128xf32>
    %add3A_19 = vector.broadcast %broadcast_in_dim3A_18 : vector<1x128xf32> to vector<10000x128xf32>
    %add3A_20 = arith.addf %mul3A_15, %add3A_19 : vector<10000x128xf32>
    %get3A_21 = arith.constant 0 : index
    %get3A_22 = vector.load %arg4[%get3A_21] : memref<128xf32, #tpu.memory_space<vmem>>, vector<128xf32>
    %get3A_23 = arith.constant 0 : index
    %get3A_24 = vector.load %arg5[%get3A_23] : memref<128xf32, #tpu.memory_space<vmem>>, vector<128xf32>
    %reduce_sum3A = arith.constant dense<0.000000e+00> : vector<128xf32>
    %reduce_sum3A_25 = vector.multi_reduction <add>, %add3A_20, %reduce_sum3A [0] : vector<10000x128xf32> to vector<128xf32>
    %div3A = arith.constant 1.000000e+04 : f32
    %div3A_26 = vector.broadcast %div3A : f32 to vector<128xf32>
    %div3A_27 = arith.divf %reduce_sum3A_25, %div3A_26 : vector<128xf32>
    %broadcast_in_dim3A_28 = vector.shape_cast %div3A_27 : vector<128xf32> to vector<1x128xf32>
    %sub3A = vector.broadcast %broadcast_in_dim3A_28 : vector<1x128xf32> to vector<10000x128xf32>
    %sub3A_29 = arith.subf %add3A_20, %sub3A : vector<10000x128xf32>
    %integer_pow3A = arith.mulf %sub3A_29, %sub3A_29 : vector<10000x128xf32>
    %reduce_sum3A_30 = arith.constant dense<0.000000e+00> : vector<128xf32>
    %reduce_sum3A_31 = vector.multi_reduction <add>, %integer_pow3A, %reduce_sum3A_30 [0] : vector<10000x128xf32> to vector<128xf32>
    %div3A_32 = arith.constant 1.000000e+04 : f32
    %div3A_33 = vector.broadcast %div3A_32 : f32 to vector<128xf32>
    %div3A_34 = arith.divf %reduce_sum3A_31, %div3A_33 : vector<128xf32>
    %broadcast_in_dim3A_35 = vector.shape_cast %div3A_27 : vector<128xf32> to vector<1x128xf32>
    %sub3A_36 = vector.broadcast %broadcast_in_dim3A_35 : vector<1x128xf32> to vector<10000x128xf32>
    %sub3A_37 = arith.subf %add3A_20, %sub3A_36 : vector<10000x128xf32>
    %broadcast_in_dim3A_38 = vector.shape_cast %get3A_22 : vector<128xf32> to vector<1x128xf32>
    %mul3A_39 = vector.broadcast %broadcast_in_dim3A_38 : vector<1x128xf32> to vector<10000x128xf32>
    %mul3A_40 = arith.mulf %mul3A_39, %sub3A_37 : vector<10000x128xf32>
    %add3A_41 = arith.constant 9.99999974E-6 : f32
    %add3A_42 = vector.broadcast %add3A_41 : f32 to vector<128xf32>
    %add3A_43 = arith.addf %div3A_34, %add3A_42 : vector<128xf32>
    %sqrt3A = math.sqrt %add3A_43 : vector<128xf32>
    %broadcast_in_dim3A_44 = vector.shape_cast %sqrt3A : vector<128xf32> to vector<1x128xf32>
    %div3A_45 = vector.broadcast %broadcast_in_dim3A_44 : vector<1x128xf32> to vector<10000x128xf32>
    %div3A_46 = arith.divf %mul3A_40, %div3A_45 : vector<10000x128xf32>
    %broadcast_in_dim3A_47 = vector.shape_cast %get3A_24 : vector<128xf32> to vector<1x128xf32>
    %add3A_48 = vector.broadcast %broadcast_in_dim3A_47 : vector<1x128xf32> to vector<10000x128xf32>
    %add3A_49 = arith.addf %div3A_46, %add3A_48 : vector<10000x128xf32>
    %max3A = arith.constant 0.000000e+00 : f32
    %max3A_50 = vector.broadcast %max3A : f32 to vector<10000x128xf32>
    %max3A_51 = arith.maximumf %add3A_49, %max3A_50 : vector<10000x128xf32>
    %iota3A = tpu.iota {dimensions = array<i32: 0>} : vector<64x10000xi32>
    %get3A_52 = arith.constant 0 : index
    %get3A_53 = vector.load %arg6[%get3A_52] : memref<10000xi32, #tpu.memory_space<vmem>>, vector<10000xi32>
    %broadcast_in_dim3A_54 = vector.shape_cast %get3A_53 : vector<10000xi32> to vector<1x10000xi32>
    %eq3A = vector.broadcast %broadcast_in_dim3A_54 : vector<1x10000xi32> to vector<64x10000xi32>
    %eq3A_55 = arith.cmpi eq, %iota3A, %eq3A : vector<64x10000xi32>
    %convert_element_type3A = arith.extui %eq3A_55 : vector<64x10000xi1> to vector<64x10000xi32>
    %convert_element_type3A_56 = arith.sitofp %convert_element_type3A : vector<64x10000xi32> to vector<64x10000xf32>
    %dot_general3A = arith.constant dense<0.000000e+00> : vector<64x128xf32>
    %dot_general3A_57 = tpu.matmul %convert_element_type3A_56, %max3A_51, %dot_general3A {dimension_numbers = #tpu.dot_dimension_numbers<[1], [0], [0], [1], [0, 0, 1, 1], [], []>, precision = #tpu.contract_precision<fp32>, transpose_lhs_hint = false} : vector<64x10000xf32>, vector<10000x128xf32>, vector<64x128xf32> -> vector<64x128xf32>
    %reduce_sum3A_58 = arith.constant dense<0.000000e+00> : vector<64xf32>
    %reduce_sum3A_59 = vector.multi_reduction <add>, %convert_element_type3A_56, %reduce_sum3A_58 [1] : vector<64x10000xf32> to vector<64xf32>
    %max3A_60 = arith.constant 1.000000e+00 : f32
    %max3A_61 = vector.broadcast %max3A_60 : f32 to vector<64xf32>
    %max3A_62 = arith.maximumf %reduce_sum3A_59, %max3A_61 : vector<64xf32>
    %broadcast_in_dim3A_63 = vector.shape_cast %max3A_62 : vector<64xf32> to vector<64x1xf32>
    %div3A_64 = vector.broadcast %broadcast_in_dim3A_63 : vector<64x1xf32> to vector<64x128xf32>
    %div3A_65 = arith.divf %dot_general3A_57, %div3A_64 : vector<64x128xf32>
    %get3A_66 = arith.constant 0 : index
    %get3A_67 = arith.constant 0 : index
    %get3A_68 = vector.load %arg7[%get3A_66, %get3A_67] : memref<128x128xf32, #tpu.memory_space<vmem>>, vector<128x128xf32>
    %dot_general3A_69 = arith.constant dense<0.000000e+00> : vector<64x128xf32>
    %dot_general3A_70 = tpu.matmul %div3A_65, %get3A_68, %dot_general3A_69 {dimension_numbers = #tpu.dot_dimension_numbers<[1], [0], [0], [1], [0, 0, 1, 1], [], []>, precision = #tpu.contract_precision<fp32>, transpose_lhs_hint = false} : vector<64x128xf32>, vector<128x128xf32>, vector<64x128xf32> -> vector<64x128xf32>
    %get3A_71 = arith.constant 0 : index
    %get3A_72 = vector.load %arg8[%get3A_71] : memref<128xf32, #tpu.memory_space<vmem>>, vector<128xf32>
    %broadcast_in_dim3A_73 = vector.shape_cast %get3A_72 : vector<128xf32> to vector<1x128xf32>
    %add3A_74 = vector.broadcast %broadcast_in_dim3A_73 : vector<1x128xf32> to vector<64x128xf32>
    %add3A_75 = arith.addf %dot_general3A_70, %add3A_74 : vector<64x128xf32>
    %max3A_76 = arith.constant 0.000000e+00 : f32
    %max3A_77 = vector.broadcast %max3A_76 : f32 to vector<64x128xf32>
    %max3A_78 = arith.maximumf %add3A_75, %max3A_77 : vector<64x128xf32>
    %swap3A = arith.constant 0 : index
    %swap3A_79 = arith.constant 0 : index
    %swap3A_80 = vector.load %arg9[%swap3A, %swap3A_79] : memref<64x128xf32, #tpu.memory_space<vmem>>, vector<64x128xf32>
    tpu.vector_store %arg9[%swap3A, %swap3A_79], %max3A_78 {strides = array<i32>} : memref<64x128xf32, #tpu.memory_space<vmem>>, vector<64x128xf32>,
    return
  }
}

</mosaic_0001>

<sc_bundles>
// kernel: kernel.11.cloned.1.call-start
scs
__scs_entry_jumppad:
0x0: {  	(pc) =	sbr.rel $0x88, $3  }
0x1: {  	(tag) =	ssettag $0x0;
	lr =	simm.s32 $0x1  }
0x2: {  	[smem:$0x3F90] =	sst lr;
	_ =	strace $0xD0000000  }
0x3: {  	_ = 	snop  }
0x4: {  	_ = 	snop  }
0x5: {  	_ = 	snop  }
0x6: {  	_ = 	snop  }
0x7: {  	_ = 	snop  }
__scs_overlays_trampoline_lowered:
0x8: {  	[smem:$0x3F9F] =	sst s0  }
0x9: {  	[smem:$0x3FA0] =	sst s1  }
0xa: {  	[smem:$0x3FA1] =	sst s2  }
0xb: {  	[smem:$0x3FA2] =	sst s3  }
0xc: {  	[smem:$0x3FA3] =	sst s4  }
0xd: {  	[smem:$0x3FA4] =	sst s5  }
0xe: {  	[smem:$0x3FA5] =	sst s6  }
0xf: {  	[smem:$0x3FA6] =	sst s7  }
0x10: {  	[smem:$0x3FA7] =	sst s8  }
0x11: {  	[smem:$0x3FA8] =	sst s9;
	s0 =	simm.s32 @!p0 $0x0  }
0x12: {  	s1 =	sld [smem:$0x3F8E];
	s0 =	simm.s32 @p0 $0x1  }
0x13: {  	[smem:$0x3FA9] =	sst s0;
	s0 =	simm.s32 @!p1 $0x0  }
0x14: {  	s2 =	sld [smem:$0x3F8D];
	s0 =	simm.s32 @p1 $0x1  }
0x15: {  	[smem:$0x3FAA] =	sst s0;
	s0 =	simm.s32 @!p2 $0x0  }
0x16: {  	s3 =	sld [smem:$0x3FDB];
	s0 =	simm.s32 @p2 $0x1  }
0x17: {  	s4 =	simm.s32 $0x1BF5;
	[smem:$0x3FAC] =	sst s0  }
0x18: {  	s0 =	sld [smem:$0x3F8F];
	_ =	swait.ge [sflag:s4], $0x0  }
0x19: {  	s7 =	sld [smem:$0x3F90]  }
0x1a: {  	s8 =	sadd.s32 $0xFFFFE003, lr  }
0x1b: {  	s9 =	sadd.s32 $0xFFFFFEF7, lr;
	s5 =	simm.s32 $0xFFFFFFFF;
	p2 =	slt.u32 s8, $0xFFFFF086  }
0x1c: {  	p1 =	slt.u32 s9, $0xF7A;
	s5 =	simm.s32 @!p2 $0x0  }
0x1d: {  	s5 =	simm.s32 @p1 $0x1;
	p0 =	seq.s32 s7, s2  }
0x1e: {  	s7 =	smul.u32 @!p0 $0xF7A, s2;
	p2 =	seq.s32 @!p0 s5, $0x0  }
0x1f: {  	s9 =	smul.u32 $0xF7A, s1;
	s8 =	simm.s32 @!p0 $0x1BF5;
	p2 =	por !p2, p0  }
0x20: {  	[sflag:s8] =	ssyncset.s32 @!p0 $0xFFFFF086;
	s6 =	sadd.s32 @!p0 s3, s7;
	s7 =	simm.s32 @!p0 $0x108  }
0x21: {  	s3 =	sadd.s32 s3, s9;
	s6 =	sadd.s32 @!p0 $0x88, s6;
	s7 =	simm.s32 @p2 $0x1082  }
0x22: {  	[simem:s7], [sflag:s8] =	dma.local @!p0 [hbm:s6], $0xF7A  }
0x23: {  	s9 =	sor.u32 $0xD0000000, s2;
	s6 =	simm.s32 $0x108;
	_ =	swait.ge @!p0 [sflag:s8], $0x0  }
0x24: {  	s3 =	sadd.s32 $0x88, s3;
	s6 =	simm.s32 @!p1 $0x1082;
	[sflag:s4] =	ssyncset.s32 $0xFFFFF086  }
0x25: {  	[simem:s6], [sflag:s4] =	dma.local [hbm:s3], $0xF7A  }
0x26: {  	[smem:$0x3F90] =	sst s1;
	(tag) =	ssettag s2;
	_ =	strace s9  }
0x27: {  	s1 =	sld [smem:$0x3FA0]  }
0x28: {  	s2 =	sld [smem:$0x3FA1]  }
0x29: {  	s4 =	sld [smem:$0x3FA3]  }
0x2a: {  	p0 =	seq.s32 s5, $0x0;
	s5 =	sld [smem:$0x3FA4]  }
0x2b: {  	s6 =	sld [smem:$0x3FA5]  }
0x2c: {  	s7 =	sld [smem:$0x3FA6]  }
0x2d: {  	s3 =	simm.s32 $0x108;
	s8 =	sld [smem:$0x3FA7]  }
0x2e: {  	s3 =	simm.s32 @!p0 $0x1082;
	s9 =	sld [smem:$0x3FA8]  }
0x2f: {  	lr =	sadd.s32 s0, s3;
	s0 =	sld [smem:$0x3F9F]  }
0x30: {  	s3 =	sld [smem:$0x3FA2]  }
0x31: {  	[smem:$0x3FAB] =	sst s10  }
0x32: {  	s10 =	sld [smem:$0x3FA9];
	_ =	sdelay $0x3  }
0x33: {  	p0 =	seq.s32 s10, $0x1;
	s10 =	sld [smem:$0x3FAB];
	_ =	sdelay $0x3  }
0x34: {  	[smem:$0x3FAB] =	sst s10  }
0x35: {  	s10 =	sld [smem:$0x3FAA];
	_ =	sdelay $0x3  }
0x36: {  	p1 =	seq.s32 s10, $0x1;
	s10 =	sld [smem:$0x3FAB];
	_ =	sdelay $0x3  }
0x37: {  	[smem:$0x3FAB] =	sst s10  }
0x38: {  	s10 =	sld [smem:$0x3FAC]  }
0x39: {  	_ = 	snop;
	(pc) =	sbr.ind lr, $3  }
0x3a: {  	_ = 	snop  }
0x3b: {  	_ = 	snop  }
0x3c: {  	p2 =	seq.s32 s10, $0x1;
	s10 =	sld [smem:$0x3FAB]  }
0x3d: {  	_ =	shalt  }
0x3e: {  	_ =	shalt  }
0x3f: {  	_ =	shalt  }
0x40: {  	_ =	shalt  }
0x41: {  	_ =	shalt  }
0x42: {  	_ =	shalt  }
0x43: {  	_ =	shalt  }
0x44: {  	_ =	shalt  }
0x45: {  	_ =	shalt  }
0x46: {  	_ =	shalt  }
0x47: {  	_ =	shalt  }
0x48: {  	_ =	shalt  }
0x49: {  	_ =	shalt  }
0x4a: {  	_ =	shalt  }
0x4b: {  	_ =	shalt  }
0x4c: {  	_ =	shalt  }
0x4d: {  	_ =	shalt  }
0x4e: {  	_ =	shalt  }
0x4f: {  	_ =	shalt  }
0x50: {  	_ =	shalt  }
0x51: {  	_ =	shalt  }
0x52: {  	_ =	shalt  }
0x53: {  	_ =	shalt  }
0x54: {  	_ =	shalt  }
0x55: {  	_ =	shalt  }
0x56: {  	_ =	shalt  }
0x57: {  	_ =	shalt  }
0x58: {  	_ =	shalt  }
0x59: {  	_ =	shalt  }
0x5a: {  	_ =	shalt  }
0x5b: {  	_ =	shalt  }
0x5c: {  	_ =	shalt  }
0x5d: {  	_ =	shalt  }
0x5e: {  	_ =	shalt  }
0x5f: {  	_ =	shalt  }
0x60: {  	_ =	shalt  }
0x61: {  	_ =	shalt  }
0x62: {  	_ =	shalt  }
0x63: {  	_ =	shalt  }
0x64: {  	_ =	shalt  }
0x65: {  	_ =	shalt  }
0x66: {  	_ =	shalt  }
0x67: {  	_ =	shalt  }
0x68: {  	_ =	shalt  }
0x69: {  	_ =	shalt  }
0x6a: {  	_ =	shalt  }
0x6b: {  	_ =	shalt  }
0x6c: {  	_ =	shalt  }
0x6d: {  	_ =	shalt  }
0x6e: {  	_ =	shalt  }
0x6f: {  	_ =	shalt  }
0x70: {  	_ =	shalt  }
0x71: {  	_ =	shalt  }
0x72: {  	_ =	shalt  }
0x73: {  	_ =	shalt  }
0x74: {  	_ =	shalt  }
0x75: {  	_ =	shalt  }
0x76: {  	_ =	shalt  }
0x77: {  	_ =	shalt  }
0x78: {  	_ =	shalt  }
0x79: {  	_ =	shalt  }
0x7a: {  	_ =	shalt  }
0x7b: {  	_ =	shalt  }
0x7c: {  	_ =	shalt  }
0x7d: {  	_ =	shalt  }
0x7e: {  	_ =	shalt  }
0x7f: {  	_ =	shalt  }
0x80: {  	_ =	shalt  }
0x81: {  	_ =	shalt  }
0x82: {  	_ =	shalt  }
0x83: {  	_ =	shalt  }
0x84: {  	_ =	shalt  }
0x85: {  	_ =	shalt  }
0x86: {  	_ =	shalt  }
0x87: {  	_ =	shalt  }
.Lfunc_end0:
.L_simem_size_0:
called_computation_lowered:
.L_overlay_start_0:
0x88: {  	s2 =	sld [smem:$0x3FD9]  }
0x89: {  	s3 =	sld [smem:$0x3FFE];
	_ =	sdelay $0x1  }
0x8a: {  	s1 =	srdreg.scid  }
0x8b: {  	s0 =	sand.u32 $0x1, s1  }
0x8c: {  	s16 =	sshll.u32 s0, $0xA;
	s2 =	sadd.s32 s3, s2  }
0x8d: {  	s2 =	sadd.s32 s2, s16  }
0x8e: {  	[smem:$0x3FB7] =	sst s2  }
0x8f: {  	_ = 	snop  }
0x90: {  	(tm) =	ssettm $0x1  }
0x91: {  	s17 =	sld [smem:$0x3FFB];
	_ =	sdelay $0x3  }
0x92: {  	_ =	strace s17  }
0x93: {  	s2 =	sld [smem:$0x3FFC];
	_ =	sdelay $0x3  }
0x94: {  	_ =	strace s2  }
0x95: {  	s2 =	sld [smem:$0x3FFD];
	_ =	sdelay $0x3  }
0x96: {  	_ =	strace s2  }
0x97: {  	_ =	strace $0x8FFFFFFF  }
0x98: {  	s18 =	sld [smem:$0x3FDB];
	_ =	sdelay $0x1  }
0x99: {  	s19 =	simm.s32 $_scs_section_size  }
0x9a: {  	s4 =	simm.s32 $_size__tile_overlayer_lowered;
	s5 =	simm.s32 $_tile_overlayer_lowered  }
0x9b: {  	s22 =	simm.s32 $0x1BFF;
	s21 =	sshll.u32 s5, $0x1;
	s2 =	sadd.s32 s19, s18  }
0x9c: {  	s6 =	simm.s32 $0x0;
	s20 =	sshll.u32 s4, $0x1;
	s4 =	sadd.s32 s21, s2  }
0x9d: {  	[timem:s6], [sflag:s22] =	dma.local [hbm:s4], s20  }
0x9e: {  	_ =	swait.ge [sflag:s22], s20  }
0x9f: {  	s3 =	ssub.s32 $0x0, s20;
	[sflag:s22] =	ssyncset.done $0x0  }
0xa0: {  	[sflag:s22] =	ssyncadd.s32 s3;
	_ =	sdelay $0x1  }
0xa1: {  	s23 =	simm.s32 $0x1B8B  }
0xa2: {  	_ =	swait.ge [sflag:s23], $0x1  }
0xa3: {  	[sflag:s23] =	ssyncset.done $0x0  }
0xa4: {  	s25 =	simm.s32 $0x1B8E;
	s24 =	sld [smem:$0x3FFE];
	[sflag:s23] =	ssyncadd.s32 $0xFFFFFFFF  }
0xa5: {  	s26 =	simm.s32 $execute0_lowered;
	[smem:$0x3FD2] =	sst s25  }
0xa6: {  	s4 =	sshll.u32 s26, $0x1;
	_ =	strace $0x80000046;
	[dreg:$0x1] =	wrdreg $0xFFFFFFFF  }
0xa7: {  	s28 =	simm.s32 $_size_execute0_lowered;
	s2 =	sadd.s32 s2, s4;
	[dreg:$0x0] =	wrdreg $0x0  }
0xa8: {  	s4 =	sshll.u32 s28, $0x1;
	[dreg:$0x2] =	wrdreg s2  }
0xa9: {  	[dreg:$0x3] =	wrdreg s4  }
0xaa: {  	[dreg:$0x4] =	wrdreg $0xC0  }
0xab: {  	_ =	task [dreg:s6], $0x5FFFF  }
0xac: {  	[dreg:$0x1] =	wrdreg $0xFFFFFFFF  }
0xad: {  	[dreg:$0x0] =	wrdreg $0x60  }
0xae: {  	[dreg:$0x2] =	wrdreg s24  }
0xaf: {  	[dreg:$0x3] =	wrdreg $0x2B000  }
0xb0: {  	[dreg:$0x4] =	wrdreg $0x9  }
0xb1: {  	_ =	task.clear_ibuf [dreg:s6], $0x5FFFF;
	_ =	strace $0x90000046  }
0xb2: {  	s29 =	simm.s32 $0x9;
	_ =	strace $0x80000048  }
0xb3: {  	_ =	swait.ge [sflag:s29], $0x1  }
0xb4: {  	[sflag:s29] =	ssyncadd.s32 $0xFFFFFFFF  }
0xb5: {  	_ =	strace $0x90000048  }
0xb6: {  	_ =	sfence  }
0xb7: {  	s30 =	sld [smem:$0x0];
	_ =	sdelay $0x2  }
0xb8: {  	s31 =	sshll.u32 s1, $0xD;
	s1 =	sshrl.u32 s1, $0x2  }
0xb9: {  	s3 =	sand.u32 $0x4000, s31;
	s1 =	sadd.s32 s1, s30  }
0xba: {  	s0 =	sor.u32 s3, s0;
	s1 =	sshll.u32 s1, $0x11  }
0xbb: {  	s0 =	sor.u32 s1, s0  }
0xbc: {  	s0 =	sadd.s32 $0x8F2B, s0  }
0xbd: {  	[sflag:s0] =	ssyncadd.remote.s32 $0x1  }
0xbe: {  	_ =	sfence.sel $0xFFFF  }
0xbf: {  	[dreg:$0x0] =	wrdreg $0xFFFFFFFF;
	(pc) =	sbr.abs _section_cstart, $3  }
0xc0: {  	[dreg:$0x1] =	wrdreg $0xFFFFFFFF  }
0xc1: {  	_ =	task.clear_ibuf [dreg:s6], $0x2FFFF;
	_ =	strace $0x9FFFFFFF  }
0xc2: {  	(tm) =	ssettm $0x7FFFFFFF  }
0xc3: {  	_ =	shalt  }
tec
execute0_lowered:
.L_overlay_start_1:
0x0: {  	(tag) =	ssettag $0x1  }
0x1: {  	s4 =	rddreg [dreg:$0x0];
	s0 =	srdreg.scid  }
0x2: {  	s2 =	rddreg [dreg:$0x1];
	s1 =	stileid.u32  }
0x3: {  	s3 =	simm.s32 $0x0;
	s13 =	simm.s32 $0x2800;
	s14 =	simm.s32 $0x1  }
0x4: {  	s15 =	simm.s32 $0x80;
	s16 =	simm.s32 $0x2880;
	s17 =	simm.s32 $0x0  }
0x5: {  	s5 =	sand.u32 $0x1, s0;
	s0 =	rddreg [dreg:$0x2];
	s7 =	smul.u32 $0x278, s1  }
0x6: {  	[smem:$0x7FF] =	sst s3;
	s9 =	smul.u32 $0x9E0, s1;
	s6 =	sshll.u32 s5, $0x4  }
0x7: {  	s8 =	smul.u32 $0x2780, s5;
	_ =	strace $0x80000047;
	s5 =	ssub.s32 $0x2, s5  }
0x8: {  	s6 =	sor.u32 s1, s6;
	s29 =	sshrl.u32 s5, $0x1;
	s30 =	sshrl.u32 s9, $0x2  }
0x9: {  	s6 =	smul.u32 $0x500, s6;
	s8 =	sadd.s32 s7, s8;
	s31 =	ssub.s32 s5, s29  }
0xa: {  	s5 =	sadd.s32 s7, s2;
	s28 =	sshrl.u32 s8, $0x3;
	s9 =	smax.u32 s31, $0x1  }
0xb: {  	s10 =	sadd.s32 s6, s4;
	s8 =	sadd.s32 s28, s4;
	s4 =	sadd.s32 s30, s2  }
0xc: {  	s6 =	sadd.s32 $0x200, s5;
	s7 =	sadd.s32 $0x1000, s10;
	s8 =	sadd.s32 $0x15000, s8  }
0xd: {  	v0 =	vimm.f32 $0.0e+00;
	v1 =	vimm.f32 $1.000000000e+00;
	s10 =	sadd.s32 $0x80, s4;
	s11 =	sadd.s32 $0x100, s4;
	s12 =	sadd.s32 $0x180, s4  }
.LBB2_1:
0xe: {  	[tilespmem:$0x2800] =	vst v0  }
0xf: {  	[tilespmem:$0x2810] =	vst v0  }
0x10: {  	[tilespmem:$0x2820] =	vst v0  }
0x11: {  	[tilespmem:$0x2830] =	vst v0  }
0x12: {  	[tilespmem:$0x2840] =	vst v0  }
0x13: {  	[tilespmem:$0x2850] =	vst v0  }
0x14: {  	[tilespmem:$0x2860] =	vst v0  }
0x15: {  	[tilespmem:$0x2870] =	vst v0  }
0x16: {  	[spmem:s4] =	stream.linear.scatter [tilespmem:s13], [sflag:$0x1], $0x80, $0x38;
	[tilespmem:$0x2D78] =	vst v63  }
0x17: {  	_ =	swait.ge [sflag:s14], $0x80  }
0x18: {  	[sflag:s14] =	ssyncset.done $0x0  }
0x19: {  	[sflag:s14] =	ssyncadd.s32 $0xFFFFFF80  }
0x1a: {  	[spmem:s10] =	stream.linear.scatter [tilespmem:s13], [sflag:$0x1], $0x80, $0x38;
	[tilespmem:$0x2D78] =	vst v63  }
0x1b: {  	_ =	swait.ge [sflag:s14], $0x80  }
0x1c: {  	[sflag:s14] =	ssyncset.done $0x0  }
0x1d: {  	[sflag:s14] =	ssyncadd.s32 $0xFFFFFF80  }
0x1e: {  	[spmem:s11] =	stream.linear.scatter [tilespmem:s13], [sflag:$0x1], $0x80, $0x38;
	[tilespmem:$0x2D78] =	vst v63  }
0x1f: {  	_ =	swait.ge [sflag:s14], $0x80  }
0x20: {  	[sflag:s14] =	ssyncset.done $0x0  }
0x21: {  	[sflag:s14] =	ssyncadd.s32 $0xFFFFFF80  }
0x22: {  	[spmem:s12] =	stream.linear.scatter [tilespmem:s13], [sflag:$0x1], $0x80, $0x38;
	[tilespmem:$0x2D78] =	vst v63  }
0x23: {  	_ =	swait.ge [sflag:s14], $0x80  }
0x24: {  	[sflag:s14] =	ssyncset.done $0x0  }
0x25: {  	[sflag:s14] =	ssyncadd.s32 $0xFFFFFF80  }
0x26: {  	[spmem:s6] =	stream.linear.scatter [tilespmem:s13], [sflag:$0x1], $0x78, $0x38;
	[tilespmem:$0x2D78] =	vst v63  }
0x27: {  	_ =	swait.ge [sflag:s14], $0x78  }
0x28: {  	[sflag:s14] =	ssyncset.done $0x0  }
0x29: {  	[sflag:s14] =	ssyncadd.s32 $0xFFFFFF88  }
0x2a: {  	[tilespmem:$0x2800] =	vst v1  }
0x2b: {  	[tilespmem:$0x2810] =	vst v1  }
0x2c: {  	[tilespmem:$0x2820] =	vst v1  }
0x2d: {  	[tilespmem:$0x2830] =	vst v1  }
0x2e: {  	[tilespmem:$0x2840] =	vst v1  }
0x2f: {  	[tilespmem:$0x2850] =	vst v1  }
0x30: {  	[tilespmem:$0x2860] =	vst v1  }
0x31: {  	[tilespmem:$0x2870] =	vst v1  }
0x32: {  	[tilespmem:s3], [sflag:$0x1] =	stream.linear.gather [hbm4b:s7+s3], $0x2800, $0x38;
	[tilespmem:$0x2D78] =	vst v63  }
0x33: {  	_ =	swait.ge [sflag:s14], $0x2800  }
0x34: {  	[sflag:s14] =	ssyncset.done $0x0  }
0x35: {  	[sflag:s14] =	ssyncadd.s32 $0xFFFFD800  }
0x36: {  	s18 =	simm.s32 $0x0;
	[bflag:$0x0] =	sbarrier.arrive $0xFFFF  }
0x37: {  	[spmem:s2] =	stream.indirect.scatter.add.f32 [tilespmem:s13], [sflag:$0x1], $0x1, s18, s15, $0xb8;
	[tilespmem:$0x2D78] =	vst v63  }
0x38: {  	_ =	swait.ge [sflag:s14], $0x80  }
0x39: {  	s18 =	simm.s32 $0x200;
	[sflag:s14] =	ssyncset.done $0x0  }
.LBB2_2:
0x3a: {  	s19 =	sshra.s32 s18, $0x2;
	[sflag:s14] =	ssyncadd.s32 $0xFFFFFF80;
	p0 =	sne.s32 s18, $0x9E00  }
0x3b: {  	[spmem:s2] =	stream.indirect.scatter.add.f32 [tilespmem:s13], [sflag:$0x1], $0x1, s19, s15, $0xb8;
	[tilespmem:$0x2D78] =	vst v63  }
.Ltmp0:
0x3c: {  	_ = 	snop;
	(pc) =	sbr.rel @p0 .LBB2_2-.Ltmp0, $4  }
0x3d: {  	_ = 	snop  }
0x3e: {  	s18 =	sadd.s32 $0x200, s18  }
0x3f: {  	_ =	swait.ge [sflag:s14], $0x80  }
0x40: {  	[sflag:s14] =	ssyncset.done $0x0  }
0x41: {  	[sflag:s14] =	ssyncadd.s32 $0xFFFFFF80  }
0x42: {  	[bflag:$0x0] =	sbarrier.arrive $0xFFFF  }
0x43: {  	[tilespmem:s16], [sflag:$0x1] =	stream.linear.gather [spmem:s5], $0x278, $0x38;
	[tilespmem:$0x2D78] =	vst v63  }
0x44: {  	s17 =	sadd.s32 $0x1, s17;
	_ =	swait.ge [sflag:s14], $0x278  }
0x45: {  	p0 =	sne.s32 s17, s9;
	[sflag:s14] =	ssyncset.done $0x0  }
.Ltmp1:
0x46: {  	[sflag:s14] =	ssyncadd.s32 $0xFFFFFD88;
	(pc) =	sbr.rel @p0 .LBB2_1-.Ltmp1, $4  }
0x47: {  	[hbm4b:s8+s3] =	stream.linear.scatter [tilespmem:s16], [sflag:$0x1], $0x278, $0x38;
	[tilespmem:$0x2D78] =	vst v63  }
0x48: {  	_ =	swait.ge [sflag:s14], $0x278  }
0x49: {  	[sflag:s14] =	ssyncset.done $0x0  }
0x4a: {  	[sflag:s14] =	ssyncadd.s32 $0xFFFFFD88  }
0x4b: {  	_ =	sfence.sel $0x180000  }
0x4c: {  	[bflag:$0x0] =	sbarrier.arrive $0xFFFF  }
0x4d: {  	p0 =	sne.s32 s1, $0x0;
	_ =	strace $0x90000047  }
0x4e: {  	s0 =	sadd.s32 @!p0 $0x100000, s0;
	[bflag:$0x2] =	sbarrier.arrive $0xFFFF  }
0x4f: {  	[sflag:s0] =	ssyncadd.tile.s32 @!p0 $0x1;
	_ =	shalt  }
.Lfunc_end2:
_tile_overlayer_lowered:
.L_overlay_start_2:
0x50: {  	(tag) =	ssettag $0x2  }
0x51: {  	s0 =	rddreg [dreg:$0x0];
	s2 =	stileid.u32  }
0x52: {  	s1 =	rddreg [dreg:$0x1];
	p0 =	sne.s32 s2, $0x0  }
0x53: {  	s3 =	rddreg [dreg:$0x2];
	[bflag:$0x3] =	sbarrier.arrive $0xFFFF;
	s2 =	simm.s32 @!p0 $0x1C01  }
0x54: {  	[timem:s3], [sflag:s2] =	dma.local @!p0 [hbm:s0], s1  }
0x55: {  	s0 =	simm.s32 @!p0 $0x1  }
0x56: {  	_ =	swait.ge @!p0 [sflag:s0], s1  }
0x57: {  	s1 =	ssub.s32 @!p0 $0x0, s1;
	[sflag:s0] =	ssyncset.done @!p0 $0x0  }
0x58: {  	[sflag:s0] =	ssyncadd.s32 @!p0 s1  }
0x59: {  	[bflag:$0x3] =	sbarrier.arrive $0xFFFF  }
0x5a: {  	_ =	shalt  }

// kernel: kernel.14.cloned.1.call-start
scs
__scs_entry_jumppad:
0x0: {  	(pc) =	sbr.rel $0x88, $3  }
0x1: {  	(tag) =	ssettag $0x0;
	lr =	simm.s32 $0x1  }
0x2: {  	[smem:$0x3F90] =	sst lr;
	_ =	strace $0xD0000000  }
0x3: {  	_ = 	snop  }
0x4: {  	_ = 	snop  }
0x5: {  	_ = 	snop  }
0x6: {  	_ = 	snop  }
0x7: {  	_ = 	snop  }
__scs_overlays_trampoline_lowered:
0x8: {  	[smem:$0x3F9F] =	sst s0  }
0x9: {  	[smem:$0x3FA0] =	sst s1  }
0xa: {  	[smem:$0x3FA1] =	sst s2  }
0xb: {  	[smem:$0x3FA2] =	sst s3  }
0xc: {  	[smem:$0x3FA3] =	sst s4  }
0xd: {  	[smem:$0x3FA4] =	sst s5  }
0xe: {  	[smem:$0x3FA5] =	sst s6  }
0xf: {  	[smem:$0x3FA6] =	sst s7  }
0x10: {  	[smem:$0x3FA7] =	sst s8  }
0x11: {  	[smem:$0x3FA8] =	sst s9;
	s0 =	simm.s32 @!p0 $0x0  }
0x12: {  	s1 =	sld [smem:$0x3F8E];
	s0 =	simm.s32 @p0 $0x1  }
0x13: {  	[smem:$0x3FA9] =	sst s0;
	s0 =	simm.s32 @!p1 $0x0  }
0x14: {  	s2 =	sld [smem:$0x3F8D];
	s0 =	simm.s32 @p1 $0x1  }
0x15: {  	[smem:$0x3FAA] =	sst s0;
	s0 =	simm.s32 @!p2 $0x0  }
0x16: {  	s3 =	sld [smem:$0x3FDB];
	s0 =	simm.s32 @p2 $0x1  }
0x17: {  	s4 =	simm.s32 $0x1BF5;
	[smem:$0x3FAC] =	sst s0  }
0x18: {  	s0 =	sld [smem:$0x3F8F];
	_ =	swait.ge [sflag:s4], $0x0  }
0x19: {  	s7 =	sld [smem:$0x3F90]  }
0x1a: {  	s8 =	sadd.s32 $0xFFFFE003, lr  }
0x1b: {  	s9 =	sadd.s32 $0xFFFFFEF7, lr;
	s5 =	simm.s32 $0xFFFFFFFF;
	p2 =	slt.u32 s8, $0xFFFFF086  }
0x1c: {  	p1 =	slt.u32 s9, $0xF7A;
	s5 =	simm.s32 @!p2 $0x0  }
0x1d: {  	s5 =	simm.s32 @p1 $0x1;
	p0 =	seq.s32 s7, s2  }
0x1e: {  	s7 =	smul.u32 @!p0 $0xF7A, s2;
	p2 =	seq.s32 @!p0 s5, $0x0  }
0x1f: {  	s9 =	smul.u32 $0xF7A, s1;
	s8 =	simm.s32 @!p0 $0x1BF5;
	p2 =	por !p2, p0  }
0x20: {  	[sflag:s8] =	ssyncset.s32 @!p0 $0xFFFFF086;
	s6 =	sadd.s32 @!p0 s3, s7;
	s7 =	simm.s32 @!p0 $0x108  }
0x21: {  	s3 =	sadd.s32 s3, s9;
	s6 =	sadd.s32 @!p0 $0x88, s6;
	s7 =	simm.s32 @p2 $0x1082  }
0x22: {  	[simem:s7], [sflag:s8] =	dma.local @!p0 [hbm:s6], $0xF7A  }
0x23: {  	s9 =	sor.u32 $0xD0000000, s2;
	s6 =	simm.s32 $0x108;
	_ =	swait.ge @!p0 [sflag:s8], $0x0  }
0x24: {  	s3 =	sadd.s32 $0x88, s3;
	s6 =	simm.s32 @!p1 $0x1082;
	[sflag:s4] =	ssyncset.s32 $0xFFFFF086  }
0x25: {  	[simem:s6], [sflag:s4] =	dma.local [hbm:s3], $0xF7A  }
0x26: {  	[smem:$0x3F90] =	sst s1;
	(tag) =	ssettag s2;
	_ =	strace s9  }
0x27: {  	s1 =	sld [smem:$0x3FA0]  }
0x28: {  	s2 =	sld [smem:$0x3FA1]  }
0x29: {  	s4 =	sld [smem:$0x3FA3]  }
0x2a: {  	p0 =	seq.s32 s5, $0x0;
	s5 =	sld [smem:$0x3FA4]  }
0x2b: {  	s6 =	sld [smem:$0x3FA5]  }
0x2c: {  	s7 =	sld [smem:$0x3FA6]  }
0x2d: {  	s3 =	simm.s32 $0x108;
	s8 =	sld [smem:$0x3FA7]  }
0x2e: {  	s3 =	simm.s32 @!p0 $0x1082;
	s9 =	sld [smem:$0x3FA8]  }
0x2f: {  	lr =	sadd.s32 s0, s3;
	s0 =	sld [smem:$0x3F9F]  }
0x30: {  	s3 =	sld [smem:$0x3FA2]  }
0x31: {  	[smem:$0x3FAB] =	sst s10  }
0x32: {  	s10 =	sld [smem:$0x3FA9];
	_ =	sdelay $0x3  }
0x33: {  	p0 =	seq.s32 s10, $0x1;
	s10 =	sld [smem:$0x3FAB];
	_ =	sdelay $0x3  }
0x34: {  	[smem:$0x3FAB] =	sst s10  }
0x35: {  	s10 =	sld [smem:$0x3FAA];
	_ =	sdelay $0x3  }
0x36: {  	p1 =	seq.s32 s10, $0x1;
	s10 =	sld [smem:$0x3FAB];
	_ =	sdelay $0x3  }
0x37: {  	[smem:$0x3FAB] =	sst s10  }
0x38: {  	s10 =	sld [smem:$0x3FAC]  }
0x39: {  	_ = 	snop;
	(pc) =	sbr.ind lr, $3  }
0x3a: {  	_ = 	snop  }
0x3b: {  	_ = 	snop  }
0x3c: {  	p2 =	seq.s32 s10, $0x1;
	s10 =	sld [smem:$0x3FAB]  }
0x3d: {  	_ =	shalt  }
0x3e: {  	_ =	shalt  }
0x3f: {  	_ =	shalt  }
0x40: {  	_ =	shalt  }
0x41: {  	_ =	shalt  }
0x42: {  	_ =	shalt  }
0x43: {  	_ =	shalt  }
0x44: {  	_ =	shalt  }
0x45: {  	_ =	shalt  }
0x46: {  	_ =	shalt  }
0x47: {  	_ =	shalt  }
0x48: {  	_ =	shalt  }
0x49: {  	_ =	shalt  }
0x4a: {  	_ =	shalt  }
0x4b: {  	_ =	shalt  }
0x4c: {  	_ =	shalt  }
0x4d: {  	_ =	shalt  }
0x4e: {  	_ =	shalt  }
0x4f: {  	_ =	shalt  }
0x50: {  	_ =	shalt  }
0x51: {  	_ =	shalt  }
0x52: {  	_ =	shalt  }
0x53: {  	_ =	shalt  }
0x54: {  	_ =	shalt  }
0x55: {  	_ =	shalt  }
0x56: {  	_ =	shalt  }
0x57: {  	_ =	shalt  }
0x58: {  	_ =	shalt  }
0x59: {  	_ =	shalt  }
0x5a: {  	_ =	shalt  }
0x5b: {  	_ =	shalt  }
0x5c: {  	_ =	shalt  }
0x5d: {  	_ =	shalt  }
0x5e: {  	_ =	shalt  }
0x5f: {  	_ =	shalt  }
0x60: {  	_ =	shalt  }
0x61: {  	_ =	shalt  }
0x62: {  	_ =	shalt  }
0x63: {  	_ =	shalt  }
0x64: {  	_ =	shalt  }
0x65: {  	_ =	shalt  }
0x66: {  	_ =	shalt  }
0x67: {  	_ =	shalt  }
0x68: {  	_ =	shalt  }
0x69: {  	_ =	shalt  }
0x6a: {  	_ =	shalt  }
0x6b: {  	_ =	shalt  }
0x6c: {  	_ =	shalt  }
0x6d: {  	_ =	shalt  }
0x6e: {  	_ =	shalt  }
0x6f: {  	_ =	shalt  }
0x70: {  	_ =	shalt  }
0x71: {  	_ =	shalt  }
0x72: {  	_ =	shalt  }
0x73: {  	_ =	shalt  }
0x74: {  	_ =	shalt  }
0x75: {  	_ =	shalt  }
0x76: {  	_ =	shalt  }
0x77: {  	_ =	shalt  }
0x78: {  	_ =	shalt  }
0x79: {  	_ =	shalt  }
0x7a: {  	_ =	shalt  }
0x7b: {  	_ =	shalt  }
0x7c: {  	_ =	shalt  }
0x7d: {  	_ =	shalt  }
0x7e: {  	_ =	shalt  }
0x7f: {  	_ =	shalt  }
0x80: {  	_ =	shalt  }
0x81: {  	_ =	shalt  }
0x82: {  	_ =	shalt  }
0x83: {  	_ =	shalt  }
0x84: {  	_ =	shalt  }
0x85: {  	_ =	shalt  }
0x86: {  	_ =	shalt  }
0x87: {  	_ =	shalt  }
.Lfunc_end0:
.L_simem_size_0:
called_computation.1_lowered:
.L_overlay_start_0:
0x88: {  	s2 =	sld [smem:$0x3FD9]  }
0x89: {  	s3 =	sld [smem:$0x3FFE];
	_ =	sdelay $0x1  }
0x8a: {  	s1 =	srdreg.scid  }
0x8b: {  	s0 =	sand.u32 $0x1, s1  }
0x8c: {  	s16 =	sshll.u32 s0, $0xA;
	s2 =	sadd.s32 s3, s2  }
0x8d: {  	s2 =	sadd.s32 s2, s16  }
0x8e: {  	[smem:$0x3FB7] =	sst s2  }
0x8f: {  	_ = 	snop  }
0x90: {  	(tm) =	ssettm $0x1  }
0x91: {  	s17 =	sld [smem:$0x3FFB];
	_ =	sdelay $0x3  }
0x92: {  	_ =	strace s17  }
0x93: {  	s2 =	sld [smem:$0x3FFC];
	_ =	sdelay $0x3  }
0x94: {  	_ =	strace s2  }
0x95: {  	s2 =	sld [smem:$0x3FFD];
	_ =	sdelay $0x3  }
0x96: {  	_ =	strace s2  }
0x97: {  	_ =	strace $0x8FFFFFFF  }
0x98: {  	s18 =	sld [smem:$0x3FDB];
	_ =	sdelay $0x1  }
0x99: {  	s19 =	simm.s32 $_scs_section_size  }
0x9a: {  	s4 =	simm.s32 $_size__tile_overlayer_lowered;
	s5 =	simm.s32 $_tile_overlayer_lowered  }
0x9b: {  	s22 =	simm.s32 $0x1BFF;
	s21 =	sshll.u32 s5, $0x1;
	s2 =	sadd.s32 s19, s18  }
0x9c: {  	s6 =	simm.s32 $0x0;
	s20 =	sshll.u32 s4, $0x1;
	s4 =	sadd.s32 s21, s2  }
0x9d: {  	[timem:s6], [sflag:s22] =	dma.local [hbm:s4], s20  }
0x9e: {  	_ =	swait.ge [sflag:s22], s20  }
0x9f: {  	s3 =	ssub.s32 $0x0, s20;
	[sflag:s22] =	ssyncset.done $0x0  }
0xa0: {  	[sflag:s22] =	ssyncadd.s32 s3;
	_ =	sdelay $0x1  }
0xa1: {  	s23 =	simm.s32 $0x1B8B  }
0xa2: {  	_ =	swait.ge [sflag:s23], $0x1  }
0xa3: {  	[sflag:s23] =	ssyncset.done $0x0  }
0xa4: {  	s25 =	simm.s32 $0x1B8E;
	s24 =	sld [smem:$0x3FFE];
	[sflag:s23] =	ssyncadd.s32 $0xFFFFFFFF  }
0xa5: {  	s26 =	simm.s32 $execute0_lowered;
	[smem:$0x3FD2] =	sst s25  }
0xa6: {  	s4 =	sshll.u32 s26, $0x1;
	_ =	strace $0x80000049;
	[dreg:$0x1] =	wrdreg $0xFFFFFFFF  }
0xa7: {  	s28 =	simm.s32 $_size_execute0_lowered;
	s2 =	sadd.s32 s2, s4;
	[dreg:$0x0] =	wrdreg $0x0  }
0xa8: {  	s4 =	sshll.u32 s28, $0x1;
	[dreg:$0x2] =	wrdreg s2  }
0xa9: {  	[dreg:$0x3] =	wrdreg s4  }
0xaa: {  	[dreg:$0x4] =	wrdreg $0xC0  }
0xab: {  	_ =	task [dreg:s6], $0x5FFFF  }
0xac: {  	[dreg:$0x1] =	wrdreg $0xFFFFFFFF  }
0xad: {  	[dreg:$0x0] =	wrdreg $0x60  }
0xae: {  	[dreg:$0x2] =	wrdreg s24  }
0xaf: {  	[dreg:$0x3] =	wrdreg $0x90000  }
0xb0: {  	[dreg:$0x4] =	wrdreg $0x9  }
0xb1: {  	_ =	task.clear_ibuf [dreg:s6], $0x5FFFF;
	_ =	strace $0x90000049  }
0xb2: {  	s29 =	simm.s32 $0x9;
	_ =	strace $0x8000004B  }
0xb3: {  	_ =	swait.ge [sflag:s29], $0x1  }
0xb4: {  	[sflag:s29] =	ssyncadd.s32 $0xFFFFFFFF  }
0xb5: {  	_ =	strace $0x9000004B  }
0xb6: {  	_ =	sfence  }
0xb7: {  	s30 =	sld [smem:$0x0];
	_ =	sdelay $0x2  }
0xb8: {  	s31 =	sshll.u32 s1, $0xD;
	s1 =	sshrl.u32 s1, $0x2  }
0xb9: {  	s3 =	sand.u32 $0x4000, s31;
	s1 =	sadd.s32 s1, s30  }
0xba: {  	s0 =	sor.u32 s3, s0;
	s1 =	sshll.u32 s1, $0x11  }
0xbb: {  	s0 =	sor.u32 s1, s0  }
0xbc: {  	s0 =	sadd.s32 $0x8F2B, s0  }
0xbd: {  	[sflag:s0] =	ssyncadd.remote.s32 $0x1  }
0xbe: {  	_ =	sfence.sel $0xFFFF  }
0xbf: {  	[dreg:$0x0] =	wrdreg $0xFFFFFFFF;
	(pc) =	sbr.abs _section_cstart, $3  }
0xc0: {  	[dreg:$0x1] =	wrdreg $0xFFFFFFFF  }
0xc1: {  	_ =	task.clear_ibuf [dreg:s6], $0x2FFFF;
	_ =	strace $0x9FFFFFFF  }
0xc2: {  	(tm) =	ssettm $0x7FFFFFFF  }
0xc3: {  	_ =	shalt  }
tec
execute0_lowered:
.L_overlay_start_1:
0x0: {  	(tag) =	ssettag $0x1  }
0x1: {  	s0 =	srdreg.scid  }
0x2: {  	s1 =	rddreg [dreg:$0x0];
	s8 =	stileid.u32  }
0x3: {  	s2 =	rddreg [dreg:$0x1];
	s3 =	simm.s32 $0x0;
	s13 =	simm.s32 $0x100  }
0x4: {  	s14 =	simm.s32 $0x880;
	s28 =	simm.s32 $0xB80;
	s5 =	smul.u32 $0x2800, s8  }
0x5: {  	s29 =	simm.s32 $0x480;
	s30 =	simm.s32 $0xC00;
	s6 =	smul.u32 $0x13C00, s8  }
0x6: {  	s0 =	sand.u32 $0x1, s0;
	[smem:$0x7FF] =	sst s3;
	s8 =	smul.u32 $0x4F000, s8  }
0x7: {  	s31 =	simm.s32 $0x500;
	s4 =	smul.u32 $0x28000, s0;
	_ =	strace $0x8000004A  }
0x8: {  	s7 =	smul.u32 $0x13C000, s0;
	s0 =	ssub.s32 $0x2, s0;
	[dreg:$0x5] =	wrdreg s13  }
0x9: {  	[dreg:$0x6] =	wrdreg s14;
	s13 =	simm.s32 $0xE80;
	s14 =	simm.s32 $0x780  }
0xa: {  	s9 =	sadd.s32 $0x10000, s6;
	s10 =	sshrl.u32 s0, $0x1;
	s8 =	sshrl.u32 s8, $0x2  }
0xb: {  	s23 =	sadd.s32 $0x4000, s6;
	s26 =	sadd.s32 $0x8000, s6;
	s15 =	sadd.s32 $0xC000, s6  }
0xc: {  	s4 =	sadd.s32 s5, s4;
	s11 =	sadd.s32 s7, s9;
	s18 =	sadd.s32 s9, s2  }
0xd: {  	s17 =	sadd.s32 s8, s2;
	s8 =	sadd.s32 s23, s2;
	[dreg:$0x12] =	wrdreg s18  }
0xe: {  	s0 =	ssub.s32 s0, s10;
	s9 =	sadd.s32 s26, s2;
	[dreg:$0x19] =	wrdreg s8  }
0xf: {  	s21 =	sadd.s32 s7, s6;
	s6 =	sadd.s32 s15, s2;
	[dreg:$0x1b] =	wrdreg s9  }
0x10: {  	s25 =	sadd.s32 s7, s23;
	s23 =	simm.s32 $0x300;
	[dreg:$0x1d] =	wrdreg s6  }
0x11: {  	s5 =	sshrl.u32 s4, $0x3;
	s4 =	sadd.s32 $0x3D600, s1;
	[dreg:$0xd] =	wrdreg s23  }
0x12: {  	s16 =	sshrl.u32 s11, $0x3;
	s0 =	smax.u32 s0, $0x1;
	[dreg:$0x11] =	wrdreg s17  }
0x13: {  	s20 =	sadd.s32 $0x4000, s17;
	s22 =	sadd.s32 $0x8000, s17;
	[dreg:$0x14] =	wrdreg s0  }
0x14: {  	s24 =	sadd.s32 $0xC000, s17;
	s8 =	sadd.s32 s7, s26;
	[dreg:$0x15] =	wrdreg s20  }
0x15: {  	s18 =	simm.s32 $0x900;
	s23 =	simm.s32 $0x5000;
	[dreg:$0x16] =	wrdreg s22  }
0x16: {  	s26 =	simm.s32 $0xB00;
	s9 =	simm.s32 $0xD80;
	[dreg:$0x17] =	wrdreg s24  }
0x17: {  	s6 =	simm.s32 $0x0;
	s5 =	sadd.s32 s5, s1;
	[dreg:$0x8] =	wrdreg s18  }
0x18: {  	s1 =	sadd.s32 $0x64800, s1;
	s20 =	simm.s32 $0x980;
	[dreg:$0x10] =	wrdreg s26  }
0x19: {  	s0 =	sshrl.u32 s21, $0x3;
	s21 =	simm.s32 $0x280;
	[dreg:$0xa] =	wrdreg s20  }
0x1a: {  	s12 =	sshrl.u32 s8, $0x3;
	s22 =	simm.s32 $0xA00;
	[dreg:$0xb] =	wrdreg s21  }
0x1b: {  	s24 =	simm.s32 $0xA80;
	s26 =	simm.s32 $0x400;
	[dreg:$0xc] =	wrdreg s22  }
0x1c: {  	s8 =	simm.s32 $0x600;
	s19 =	sadd.s32 s1, s16;
	[dreg:$0xe] =	wrdreg s24  }
0x1d: {  	s0 =	sadd.s32 s1, s0;
	s10 =	sadd.s32 $0x1000, s5;
	[dreg:$0x13] =	wrdreg s19  }
0x1e: {  	s11 =	sadd.s32 $0xB000, s5;
	s5 =	sadd.s32 s1, s12;
	[dreg:$0x18] =	wrdreg s0  }
0x1f: {  	s16 =	simm.s32 $0x180;
	s20 =	simm.s32 $0x3;
	[dreg:$0x3] =	wrdreg s10  }
0x20: {  	s21 =	simm.s32 $0x800;
	s22 =	simm.s32 $0x80;
	[dreg:$0x4] =	wrdreg s11  }
0x21: {  	s24 =	simm.s32 $0x1;
	s12 =	simm.s32 $0x700;
	[dreg:$0x1c] =	wrdreg s5  }
0x22: {  	s0 =	sshrl.u32 s25, $0x3;
	[dreg:$0x7] =	wrdreg s16;
	s5 =	sadd.s32 s7, s15  }
0x23: {  	s19 =	simm.s32 $0x200;
	s25 =	simm.s32 $0x380;
	s7 =	simm.s32 $0xD00  }
0x24: {  	s10 =	simm.s32 $0x680;
	s11 =	simm.s32 $0xE00;
	s15 =	simm.s32 $0xF00  }
0x25: {  	s16 =	simm.s32 $0xF80;
	s0 =	sadd.s32 s1, s0;
	[dreg:$0x9] =	wrdreg s19  }
0x26: {  	s5 =	sshrl.u32 s5, $0x3;
	s19 =	simm.s32 $0x1000;
	[dreg:$0xf] =	wrdreg s25  }
0x27: {  	s25 =	simm.s32 $0x2;
	[dreg:$0x1a] =	wrdreg s0;
	s1 =	sadd.s32 s1, s5  }
0x28: {  	v0 =	vimm.f32 $0.0e+00;
	s0 =	simm.s32 $0x580;
	[dreg:$0x1e] =	wrdreg s1;
	s1 =	simm.s32 $0xC80  }
.LBB2_1:
0x29: {  	[dreg:$0x1f] =	wrdreg s6;
	s6 =	simm.s32 $0x0;
	s18 =	simm.s32 $0x200  }
.LBB2_2:
0x2a: {  	p0 =	sne.s32 s18, $0xFE00;
	[tilespmem:s6+$0x1070] =	vst v0  }
0x2b: {  	[tilespmem:s6+$0x1000] =	vst v0  }
0x2c: {  	[tilespmem:s6+$0x1010] =	vst v0  }
.Ltmp0:
0x2d: {  	[tilespmem:s6+$0x1020] =	vst v0;
	(pc) =	sbr.rel @p0 .LBB2_2-.Ltmp0, $4  }
0x2e: {  	[tilespmem:s6+$0x1030] =	vst v0  }
0x2f: {  	[tilespmem:s6+$0x1040] =	vst v0  }
0x30: {  	[tilespmem:s6+$0x1050] =	vst v0  }
0x31: {  	[tilespmem:s6+$0x1060] =	vst v0;
	s6 =	sshra.s32 s18, $0x2;
	s18 =	sadd.s32 $0x200, s18  }
0x32: {  	[tilespmem:s6+$0x1070] =	vst v0  }
0x33: {  	[tilespmem:s6+$0x1000] =	vst v0  }
0x34: {  	[tilespmem:s6+$0x1010] =	vst v0  }
0x35: {  	[tilespmem:s6+$0x1020] =	vst v0  }
0x36: {  	[tilespmem:s6+$0x1030] =	vst v0  }
0x37: {  	[tilespmem:s6+$0x1040] =	vst v0  }
0x38: {  	[tilespmem:s6+$0x1050] =	vst v0  }
0x39: {  	[tilespmem:s6+$0x1060] =	vst v0  }
0x3a: {  	[spmem:s17] =	stream.linear.scatter [tilespmem:s19], [sflag:$0x3], $0x4000, $0x38;
	[tilespmem:$0x1CC00] =	vst v63  }
0x3b: {  	_ =	swait.ge [sflag:s20], $0x4000  }
0x3c: {  	[sflag:s20] =	ssyncset.done $0x0  }
0x3d: {  	s5 =	rddreg [dreg:$0x15];
	[sflag:s20] =	ssyncadd.s32 $0xFFFFC000  }
0x3e: {  	[spmem:s5] =	stream.linear.scatter [tilespmem:s19], [sflag:$0x3], $0x4000, $0x38;
	[tilespmem:$0x1CC00] =	vst v63  }
0x3f: {  	_ =	swait.ge [sflag:s20], $0x4000  }
0x40: {  	[sflag:s20] =	ssyncset.done $0x0  }
0x41: {  	s17 =	rddreg [dreg:$0x16];
	[sflag:s20] =	ssyncadd.s32 $0xFFFFC000  }
0x42: {  	[spmem:s17] =	stream.linear.scatter [tilespmem:s19], [sflag:$0x3], $0x4000, $0x38;
	[tilespmem:$0x1CC00] =	vst v63  }
0x43: {  	_ =	swait.ge [sflag:s20], $0x4000  }
0x44: {  	[sflag:s20] =	ssyncset.done $0x0  }
0x45: {  	s18 =	rddreg [dreg:$0x17];
	[sflag:s20] =	ssyncadd.s32 $0xFFFFC000  }
0x46: {  	[spmem:s18] =	stream.linear.scatter [tilespmem:s19], [sflag:$0x3], $0x4000, $0x38;
	[tilespmem:$0x1CC00] =	vst v63  }
0x47: {  	_ =	swait.ge [sflag:s20], $0x4000  }
0x48: {  	[sflag:s20] =	ssyncset.done $0x0  }
0x49: {  	s6 =	rddreg [dreg:$0x12];
	[sflag:s20] =	ssyncadd.s32 $0xFFFFC000  }
0x4a: {  	[spmem:s6] =	stream.linear.scatter [tilespmem:s19], [sflag:$0x3], $0x3C00, $0x38;
	[tilespmem:$0x1CC00] =	vst v63  }
0x4b: {  	_ =	swait.ge [sflag:s20], $0x3C00  }
0x4c: {  	[sflag:s20] =	ssyncset.done $0x0  }
0x4d: {  	[sflag:s20] =	ssyncadd.s32 $0xFFFFC400  }
0x4e: {  	[bflag:$0x0] =	sbarrier.arrive $0xFFFF  }
0x4f: {  	s17 =	rddreg [dreg:$0x4]  }
0x50: {  	s5 =	sadd.s32 $0x0, s17  }
0x51: {  	[tilespmem:s3], [sflag:$0x3] =	stream.linear.gather [hbm4b:s5+s3], $0x800, $0x38;
	[tilespmem:$0x1CC00] =	vst v63  }
0x52: {  	_ =	swait.ge [sflag:s20], $0x800  }
0x53: {  	s18 =	rddreg [dreg:$0x3];
	[sflag:s20] =	ssyncset.done $0x0  }
0x54: {  	[sflag:s20] =	ssyncadd.s32 $0xFFFFF800;
	s5 =	sadd.s32 $0x0, s18  }
0x55: {  	[tilespmem:s21], [sflag:$0x3] =	stream.linear.gather [hbm4b:s5+s3], $0x800, $0x38;
	[tilespmem:$0x1CC00] =	vst v63  }
0x56: {  	_ =	swait.ge [sflag:s20], $0x800  }
0x57: {  	[sflag:s20] =	ssyncset.done $0x0  }
0x58: {  	[sflag:s20] =	ssyncadd.s32 $0xFFFFF800  }
0x59: {  	[tilespmem:s19], [sflag:$0x1] =	stream.indirect.gather [hbm4b:s4+s22], $0x80, s3, s22, $0xb8;
	[tilespmem:$0x1CC00] =	vst v63  }
0x5a: {  	_ = 	snop  }
0x5b: {  	[tilespmem:s23], [sflag:$0x2] =	stream.indirect.gather [hbm4b:s4+s22], $0x80, s22, s22, $0xb8;
	[tilespmem:$0x1CC00] =	vst v63  }
0x5c: {  	_ =	swait.ge [sflag:s24], $0x4000  }
0x5d: {  	[sflag:s24] =	ssyncset.done $0x0  }
0x5e: {  	[sflag:s24] =	ssyncadd.s32 $0xFFFFC000  }
0x5f: {  	[spmem:s2] =	stream.indirect.scatter.add.f32 [tilespmem:s19], [sflag:$0x3], $0x80, s21, s22, $0xb8;
	[tilespmem:$0x1CC00] =	vst v63  }
0x60: {  	_ =	swait.ge [sflag:s20], $0x4000  }
0x61: {  	[sflag:s20] =	ssyncset.done $0x0  }
0x62: {  	s6 =	rddreg [dreg:$0x5];
	[sflag:s20] =	ssyncadd.s32 $0xFFFFC000  }
0x63: {  	[tilespmem:s19], [sflag:$0x1] =	stream.indirect.gather [hbm4b:s4+s22], $0x80, s6, s22, $0xb8;
	[tilespmem:$0x1CC00] =	vst v63  }
0x64: {  	_ =	swait.ge [sflag:s25], $0x4000  }
0x65: {  	[sflag:s25] =	ssyncset.done $0x0  }
0x66: {  	s17 =	rddreg [dreg:$0x6];
	[sflag:s25] =	ssyncadd.s32 $0xFFFFC000  }
0x67: {  	[spmem:s2] =	stream.indirect.scatter.add.f32 [tilespmem:s23], [sflag:$0x3], $0x80, s17, s22, $0xb8;
	[tilespmem:$0x1CC00] =	vst v63  }
0x68: {  	_ =	swait.ge [sflag:s20], $0x4000  }
0x69: {  	[sflag:s20] =	ssyncset.done $0x0  }
0x6a: {  	s18 =	rddreg [dreg:$0x7];
	[sflag:s20] =	ssyncadd.s32 $0xFFFFC000  }
0x6b: {  	[tilespmem:s23], [sflag:$0x2] =	stream.indirect.gather [hbm4b:s4+s22], $0x80, s18, s22, $0xb8;
	[tilespmem:$0x1CC00] =	vst v63  }
0x6c: {  	_ =	swait.ge [sflag:s24], $0x4000  }
0x6d: {  	[sflag:s24] =	ssyncset.done $0x0  }
0x6e: {  	s6 =	rddreg [dreg:$0x8];
	[sflag:s24] =	ssyncadd.s32 $0xFFFFC000  }
0x6f: {  	[spmem:s2] =	stream.indirect.scatter.add.f32 [tilespmem:s19], [sflag:$0x3], $0x80, s6, s22, $0xb8;
	[tilespmem:$0x1CC00] =	vst v63  }
0x70: {  	_ =	swait.ge [sflag:s20], $0x4000  }
0x71: {  	[sflag:s20] =	ssyncset.done $0x0  }
0x72: {  	s17 =	rddreg [dreg:$0x9];
	[sflag:s20] =	ssyncadd.s32 $0xFFFFC000  }
0x73: {  	[tilespmem:s19], [sflag:$0x1] =	stream.indirect.gather [hbm4b:s4+s22], $0x80, s17, s22, $0xb8;
	[tilespmem:$0x1CC00] =	vst v63  }
0x74: {  	_ =	swait.ge [sflag:s25], $0x4000  }
0x75: {  	[sflag:s25] =	ssyncset.done $0x0  }
0x76: {  	s18 =	rddreg [dreg:$0xa];
	[sflag:s25] =	ssyncadd.s32 $0xFFFFC000  }
0x77: {  	[spmem:s2] =	stream.indirect.scatter.add.f32 [tilespmem:s23], [sflag:$0x3], $0x80, s18, s22, $0xb8;
	[tilespmem:$0x1CC00] =	vst v63  }
0x78: {  	_ =	swait.ge [sflag:s20], $0x4000  }
0x79: {  	[sflag:s20] =	ssyncset.done $0x0  }
0x7a: {  	s6 =	rddreg [dreg:$0xb];
	[sflag:s20] =	ssyncadd.s32 $0xFFFFC000  }
0x7b: {  	[tilespmem:s23], [sflag:$0x2] =	stream.indirect.gather [hbm4b:s4+s22], $0x80, s6, s22, $0xb8;
	[tilespmem:$0x1CC00] =	vst v63  }
0x7c: {  	_ =	swait.ge [sflag:s24], $0x4000  }
0x7d: {  	[sflag:s24] =	ssyncset.done $0x0  }
0x7e: {  	s17 =	rddreg [dreg:$0xc];
	[sflag:s24] =	ssyncadd.s32 $0xFFFFC000  }
0x7f: {  	[spmem:s2] =	stream.indirect.scatter.add.f32 [tilespmem:s19], [sflag:$0x3], $0x80, s17, s22, $0xb8;
	[tilespmem:$0x1CC00] =	vst v63  }
0x80: {  	_ =	swait.ge [sflag:s20], $0x4000  }
0x81: {  	[sflag:s20] =	ssyncset.done $0x0  }
0x82: {  	s18 =	rddreg [dreg:$0xd];
	[sflag:s20] =	ssyncadd.s32 $0xFFFFC000  }
0x83: {  	[tilespmem:s19], [sflag:$0x1] =	stream.indirect.gather [hbm4b:s4+s22], $0x80, s18, s22, $0xb8;
	[tilespmem:$0x1CC00] =	vst v63  }
0x84: {  	_ =	swait.ge [sflag:s25], $0x4000  }
0x85: {  	[sflag:s25] =	ssyncset.done $0x0  }
0x86: {  	s6 =	rddreg [dreg:$0xe];
	[sflag:s25] =	ssyncadd.s32 $0xFFFFC000  }
0x87: {  	[spmem:s2] =	stream.indirect.scatter.add.f32 [tilespmem:s23], [sflag:$0x3], $0x80, s6, s22, $0xb8;
	[tilespmem:$0x1CC00] =	vst v63  }
0x88: {  	_ =	swait.ge [sflag:s20], $0x4000  }
0x89: {  	[sflag:s20] =	ssyncset.done $0x0  }
0x8a: {  	s17 =	rddreg [dreg:$0xf];
	[sflag:s20] =	ssyncadd.s32 $0xFFFFC000  }
0x8b: {  	[tilespmem:s23], [sflag:$0x2] =	stream.indirect.gather [hbm4b:s4+s22], $0x80, s17, s22, $0xb8;
	[tilespmem:$0x1CC00] =	vst v63  }
0x8c: {  	_ =	swait.ge [sflag:s24], $0x4000  }
0x8d: {  	[sflag:s24] =	ssyncset.done $0x0  }
0x8e: {  	s18 =	rddreg [dreg:$0x10];
	[sflag:s24] =	ssyncadd.s32 $0xFFFFC000  }
0x8f: {  	[spmem:s2] =	stream.indirect.scatter.add.f32 [tilespmem:s19], [sflag:$0x3], $0x80, s18, s22, $0xb8;
	[tilespmem:$0x1CC00] =	vst v63  }
0x90: {  	_ =	swait.ge [sflag:s20], $0x4000  }
0x91: {  	[sflag:s20] =	ssyncset.done $0x0  }
0x92: {  	[sflag:s20] =	ssyncadd.s32 $0xFFFFC000  }
0x93: {  	[tilespmem:s19], [sflag:$0x1] =	stream.indirect.gather [hbm4b:s4+s22], $0x80, s26, s22, $0xb8;
	[tilespmem:$0x1CC00] =	vst v63  }
0x94: {  	_ =	swait.ge [sflag:s25], $0x4000  }
0x95: {  	[sflag:s25] =	ssyncset.done $0x0  }
0x96: {  	[sflag:s25] =	ssyncadd.s32 $0xFFFFC000  }
0x97: {  	[spmem:s2] =	stream.indirect.scatter.add.f32 [tilespmem:s23], [sflag:$0x3], $0x80, s28, s22, $0xb8;
	[tilespmem:$0x1CC00] =	vst v63  }
0x98: {  	_ =	swait.ge [sflag:s20], $0x4000  }
0x99: {  	[sflag:s20] =	ssyncset.done $0x0  }
0x9a: {  	[sflag:s20] =	ssyncadd.s32 $0xFFFFC000  }
0x9b: {  	[tilespmem:s23], [sflag:$0x2] =	stream.indirect.gather [hbm4b:s4+s22], $0x80, s29, s22, $0xb8;
	[tilespmem:$0x1CC00] =	vst v63  }
0x9c: {  	_ =	swait.ge [sflag:s24], $0x4000  }
0x9d: {  	[sflag:s24] =	ssyncset.done $0x0  }
0x9e: {  	[sflag:s24] =	ssyncadd.s32 $0xFFFFC000  }
0x9f: {  	[spmem:s2] =	stream.indirect.scatter.add.f32 [tilespmem:s19], [sflag:$0x3], $0x80, s30, s22, $0xb8;
	[tilespmem:$0x1CC00] =	vst v63  }
0xa0: {  	_ =	swait.ge [sflag:s20], $0x4000  }
0xa1: {  	[sflag:s20] =	ssyncset.done $0x0  }
0xa2: {  	[sflag:s20] =	ssyncadd.s32 $0xFFFFC000  }
0xa3: {  	[tilespmem:s19], [sflag:$0x1] =	stream.indirect.gather [hbm4b:s4+s22], $0x80, s31, s22, $0xb8;
	[tilespmem:$0x1CC00] =	vst v63  }
0xa4: {  	_ =	swait.ge [sflag:s25], $0x4000  }
0xa5: {  	[sflag:s25] =	ssyncset.done $0x0  }
0xa6: {  	[sflag:s25] =	ssyncadd.s32 $0xFFFFC000  }
0xa7: {  	[spmem:s2] =	stream.indirect.scatter.add.f32 [tilespmem:s23], [sflag:$0x3], $0x80, s1, s22, $0xb8;
	[tilespmem:$0x1CC00] =	vst v63  }
0xa8: {  	_ =	swait.ge [sflag:s20], $0x4000  }
0xa9: {  	[sflag:s20] =	ssyncset.done $0x0  }
0xaa: {  	[sflag:s20] =	ssyncadd.s32 $0xFFFFC000  }
0xab: {  	[tilespmem:s23], [sflag:$0x2] =	stream.indirect.gather [hbm4b:s4+s22], $0x80, s0, s22, $0xb8;
	[tilespmem:$0x1CC00] =	vst v63  }
0xac: {  	_ =	swait.ge [sflag:s24], $0x4000  }
0xad: {  	[sflag:s24] =	ssyncset.done $0x0  }
0xae: {  	[sflag:s24] =	ssyncadd.s32 $0xFFFFC000  }
0xaf: {  	[spmem:s2] =	stream.indirect.scatter.add.f32 [tilespmem:s19], [sflag:$0x3], $0x80, s7, s22, $0xb8;
	[tilespmem:$0x1CC00] =	vst v63  }
0xb0: {  	_ =	swait.ge [sflag:s20], $0x4000  }
0xb1: {  	[sflag:s20] =	ssyncset.done $0x0  }
0xb2: {  	[sflag:s20] =	ssyncadd.s32 $0xFFFFC000  }
0xb3: {  	[tilespmem:s19], [sflag:$0x1] =	stream.indirect.gather [hbm4b:s4+s22], $0x80, s8, s22, $0xb8;
	[tilespmem:$0x1CC00] =	vst v63  }
0xb4: {  	_ =	swait.ge [sflag:s25], $0x4000  }
0xb5: {  	[sflag:s25] =	ssyncset.done $0x0  }
0xb6: {  	[sflag:s25] =	ssyncadd.s32 $0xFFFFC000  }
0xb7: {  	[spmem:s2] =	stream.indirect.scatter.add.f32 [tilespmem:s23], [sflag:$0x3], $0x80, s9, s22, $0xb8;
	[tilespmem:$0x1CC00] =	vst v63  }
0xb8: {  	_ =	swait.ge [sflag:s20], $0x4000  }
0xb9: {  	[sflag:s20] =	ssyncset.done $0x0  }
0xba: {  	[sflag:s20] =	ssyncadd.s32 $0xFFFFC000  }
0xbb: {  	[tilespmem:s23], [sflag:$0x2] =	stream.indirect.gather [hbm4b:s4+s22], $0x80, s10, s22, $0xb8;
	[tilespmem:$0x1CC00] =	vst v63  }
0xbc: {  	_ =	swait.ge [sflag:s24], $0x4000  }
0xbd: {  	[sflag:s24] =	ssyncset.done $0x0  }
0xbe: {  	[sflag:s24] =	ssyncadd.s32 $0xFFFFC000  }
0xbf: {  	[spmem:s2] =	stream.indirect.scatter.add.f32 [tilespmem:s19], [sflag:$0x3], $0x80, s11, s22, $0xb8;
	[tilespmem:$0x1CC00] =	vst v63  }
0xc0: {  	_ =	swait.ge [sflag:s20], $0x4000  }
0xc1: {  	[sflag:s20] =	ssyncset.done $0x0  }
0xc2: {  	[sflag:s20] =	ssyncadd.s32 $0xFFFFC000  }
0xc3: {  	[tilespmem:s19], [sflag:$0x1] =	stream.indirect.gather [hbm4b:s4+s22], $0x80, s12, s22, $0xb8;
	[tilespmem:$0x1CC00] =	vst v63  }
0xc4: {  	_ =	swait.ge [sflag:s25], $0x4000  }
0xc5: {  	[sflag:s25] =	ssyncset.done $0x0  }
0xc6: {  	[sflag:s25] =	ssyncadd.s32 $0xFFFFC000  }
0xc7: {  	[spmem:s2] =	stream.indirect.scatter.add.f32 [tilespmem:s23], [sflag:$0x3], $0x80, s13, s22, $0xb8;
	[tilespmem:$0x1CC00] =	vst v63  }
0xc8: {  	_ =	swait.ge [sflag:s20], $0x4000  }
0xc9: {  	[sflag:s20] =	ssyncset.done $0x0  }
0xca: {  	[sflag:s20] =	ssyncadd.s32 $0xFFFFC000  }
0xcb: {  	[tilespmem:s23], [sflag:$0x2] =	stream.indirect.gather [hbm4b:s4+s22], $0x80, s14, s22, $0xb8;
	[tilespmem:$0x1CC00] =	vst v63  }
0xcc: {  	_ =	swait.ge [sflag:s24], $0x4000  }
0xcd: {  	[sflag:s24] =	ssyncset.done $0x0  }
0xce: {  	[sflag:s24] =	ssyncadd.s32 $0xFFFFC000  }
0xcf: {  	[spmem:s2] =	stream.indirect.scatter.add.f32 [tilespmem:s19], [sflag:$0x3], $0x80, s15, s22, $0xb8;
	[tilespmem:$0x1CC00] =	vst v63  }
0xd0: {  	_ =	swait.ge [sflag:s20], $0x4000  }
0xd1: {  	[sflag:s20] =	ssyncset.done $0x0  }
0xd2: {  	[sflag:s20] =	ssyncadd.s32 $0xFFFFC000  }
0xd3: {  	_ =	swait.ge [sflag:s25], $0x4000  }
0xd4: {  	[sflag:s25] =	ssyncset.done $0x0  }
0xd5: {  	[sflag:s25] =	ssyncadd.s32 $0xFFFFC000  }
0xd6: {  	[spmem:s2] =	stream.indirect.scatter.add.f32 [tilespmem:s23], [sflag:$0x3], $0x80, s16, s22, $0xb8;
	[tilespmem:$0x1CC00] =	vst v63  }
0xd7: {  	s6 =	simm.s32 $0x200;
	_ =	swait.ge [sflag:s20], $0x4000  }
0xd8: {  	s18 =	simm.s32 $0x100;
	s5 =	rddreg [dreg:$0x4];
	[sflag:s20] =	ssyncset.done $0x0  }
.LBB2_4:
0xd9: {  	[sflag:s20] =	ssyncadd.s32 $0xFFFFC000;
	s5 =	sadd.s32 s18, s5  }
0xda: {  	[tilespmem:s3], [sflag:$0x3] =	stream.linear.gather [hbm4b:s5+s3], $0x800, $0x38;
	[tilespmem:$0x1CC00] =	vst v63  }
0xdb: {  	_ =	swait.ge [sflag:s20], $0x800  }
0xdc: {  	s5 =	rddreg [dreg:$0x3];
	[sflag:s20] =	ssyncset.done $0x0  }
0xdd: {  	[sflag:s20] =	ssyncadd.s32 $0xFFFFF800;
	s5 =	sadd.s32 s18, s5  }
0xde: {  	[tilespmem:s21], [sflag:$0x3] =	stream.linear.gather [hbm4b:s5+s3], $0x800, $0x38;
	[tilespmem:$0x1CC00] =	vst v63  }
0xdf: {  	_ =	swait.ge [sflag:s20], $0x800  }
0xe0: {  	[sflag:s20] =	ssyncset.done $0x0  }
0xe1: {  	[sflag:s20] =	ssyncadd.s32 $0xFFFFF800  }
0xe2: {  	[tilespmem:s19], [sflag:$0x1] =	stream.indirect.gather [hbm4b:s4+s22], $0x80, s3, s22, $0xb8;
	[tilespmem:$0x1CC00] =	vst v63  }
0xe3: {  	_ = 	snop  }
0xe4: {  	[tilespmem:s23], [sflag:$0x2] =	stream.indirect.gather [hbm4b:s4+s22], $0x80, s22, s22, $0xb8;
	[tilespmem:$0x1CC00] =	vst v63  }
0xe5: {  	_ =	swait.ge [sflag:s24], $0x4000  }
0xe6: {  	[sflag:s24] =	ssyncset.done $0x0  }
0xe7: {  	[sflag:s24] =	ssyncadd.s32 $0xFFFFC000  }
0xe8: {  	[spmem:s2] =	stream.indirect.scatter.add.f32 [tilespmem:s19], [sflag:$0x3], $0x80, s21, s22, $0xb8;
	[tilespmem:$0x1CC00] =	vst v63  }
0xe9: {  	_ =	swait.ge [sflag:s20], $0x4000  }
0xea: {  	s17 =	smov.u32 s6;
	[sflag:s20] =	ssyncset.done $0x0  }
0xeb: {  	s18 =	smov.u32 s17;
	s17 =	rddreg [dreg:$0x5];
	[sflag:s20] =	ssyncadd.s32 $0xFFFFC000  }
0xec: {  	[tilespmem:s19], [sflag:$0x1] =	stream.indirect.gather [hbm4b:s4+s22], $0x80, s17, s22, $0xb8;
	[tilespmem:$0x1CC00] =	vst v63  }
0xed: {  	_ =	swait.ge [sflag:s25], $0x4000  }
0xee: {  	[sflag:s25] =	ssyncset.done $0x0  }
0xef: {  	s17 =	rddreg [dreg:$0x6];
	[sflag:s25] =	ssyncadd.s32 $0xFFFFC000  }
0xf0: {  	[spmem:s2] =	stream.indirect.scatter.add.f32 [tilespmem:s23], [sflag:$0x3], $0x80, s17, s22, $0xb8;
	[tilespmem:$0x1CC00] =	vst v63  }
0xf1: {  	_ =	swait.ge [sflag:s20], $0x4000  }
0xf2: {  	[sflag:s20] =	ssyncset.done $0x0  }
0xf3: {  	s17 =	rddreg [dreg:$0x7];
	[sflag:s20] =	ssyncadd.s32 $0xFFFFC000  }
0xf4: {  	[tilespmem:s23], [sflag:$0x2] =	stream.indirect.gather [hbm4b:s4+s22], $0x80, s17, s22, $0xb8;
	[tilespmem:$0x1CC00] =	vst v63  }
0xf5: {  	_ =	swait.ge [sflag:s24], $0x4000  }
0xf6: {  	[sflag:s24] =	ssyncset.done $0x0  }
0xf7: {  	s17 =	rddreg [dreg:$0x8];
	[sflag:s24] =	ssyncadd.s32 $0xFFFFC000  }
0xf8: {  	[spmem:s2] =	stream.indirect.scatter.add.f32 [tilespmem:s19], [sflag:$0x3], $0x80, s17, s22, $0xb8;
	[tilespmem:$0x1CC00] =	vst v63  }
0xf9: {  	_ =	swait.ge [sflag:s20], $0x4000  }
0xfa: {  	[sflag:s20] =	ssyncset.done $0x0  }
0xfb: {  	s17 =	rddreg [dreg:$0x9];
	[sflag:s20] =	ssyncadd.s32 $0xFFFFC000  }
0xfc: {  	[tilespmem:s19], [sflag:$0x1] =	stream.indirect.gather [hbm4b:s4+s22], $0x80, s17, s22, $0xb8;
	[tilespmem:$0x1CC00] =	vst v63  }
0xfd: {  	_ =	swait.ge [sflag:s25], $0x4000  }
0xfe: {  	[sflag:s25] =	ssyncset.done $0x0  }
0xff: {  	s17 =	rddreg [dreg:$0xa];
	[sflag:s25] =	ssyncadd.s32 $0xFFFFC000  }
0x100: {  	[spmem:s2] =	stream.indirect.scatter.add.f32 [tilespmem:s23], [sflag:$0x3], $0x80, s17, s22, $0xb8;
	[tilespmem:$0x1CC00] =	vst v63  }
0x101: {  	_ =	swait.ge [sflag:s20], $0x4000  }
0x102: {  	[sflag:s20] =	ssyncset.done $0x0  }
0x103: {  	s17 =	rddreg [dreg:$0xb];
	[sflag:s20] =	ssyncadd.s32 $0xFFFFC000  }
0x104: {  	[tilespmem:s23], [sflag:$0x2] =	stream.indirect.gather [hbm4b:s4+s22], $0x80, s17, s22, $0xb8;
	[tilespmem:$0x1CC00] =	vst v63  }
0x105: {  	_ =	swait.ge [sflag:s24], $0x4000  }
0x106: {  	[sflag:s24] =	ssyncset.done $0x0  }
0x107: {  	s17 =	rddreg [dreg:$0xc];
	[sflag:s24] =	ssyncadd.s32 $0xFFFFC000  }
0x108: {  	[spmem:s2] =	stream.indirect.scatter.add.f32 [tilespmem:s19], [sflag:$0x3], $0x80, s17, s22, $0xb8;
	[tilespmem:$0x1CC00] =	vst v63  }
0x109: {  	_ =	swait.ge [sflag:s20], $0x4000  }
0x10a: {  	[sflag:s20] =	ssyncset.done $0x0  }
0x10b: {  	s17 =	rddreg [dreg:$0xd];
	[sflag:s20] =	ssyncadd.s32 $0xFFFFC000  }
0x10c: {  	[tilespmem:s19], [sflag:$0x1] =	stream.indirect.gather [hbm4b:s4+s22], $0x80, s17, s22, $0xb8;
	[tilespmem:$0x1CC00] =	vst v63  }
0x10d: {  	_ =	swait.ge [sflag:s25], $0x4000  }
0x10e: {  	[sflag:s25] =	ssyncset.done $0x0  }
0x10f: {  	s17 =	rddreg [dreg:$0xe];
	[sflag:s25] =	ssyncadd.s32 $0xFFFFC000  }
0x110: {  	[spmem:s2] =	stream.indirect.scatter.add.f32 [tilespmem:s23], [sflag:$0x3], $0x80, s17, s22, $0xb8;
	[tilespmem:$0x1CC00] =	vst v63  }
0x111: {  	_ =	swait.ge [sflag:s20], $0x4000  }
0x112: {  	[sflag:s20] =	ssyncset.done $0x0  }
0x113: {  	s17 =	rddreg [dreg:$0xf];
	[sflag:s20] =	ssyncadd.s32 $0xFFFFC000  }
0x114: {  	[tilespmem:s23], [sflag:$0x2] =	stream.indirect.gather [hbm4b:s4+s22], $0x80, s17, s22, $0xb8;
	[tilespmem:$0x1CC00] =	vst v63  }
0x115: {  	_ =	swait.ge [sflag:s24], $0x4000  }
0x116: {  	[sflag:s24] =	ssyncset.done $0x0  }
0x117: {  	s17 =	rddreg [dreg:$0x10];
	[sflag:s24] =	ssyncadd.s32 $0xFFFFC000  }
0x118: {  	[spmem:s2] =	stream.indirect.scatter.add.f32 [tilespmem:s19], [sflag:$0x3], $0x80, s17, s22, $0xb8;
	[tilespmem:$0x1CC00] =	vst v63  }
0x119: {  	_ =	swait.ge [sflag:s20], $0x4000  }
0x11a: {  	[sflag:s20] =	ssyncset.done $0x0  }
0x11b: {  	[sflag:s20] =	ssyncadd.s32 $0xFFFFC000  }
0x11c: {  	[tilespmem:s19], [sflag:$0x1] =	stream.indirect.gather [hbm4b:s4+s22], $0x80, s26, s22, $0xb8;
	[tilespmem:$0x1CC00] =	vst v63  }
0x11d: {  	_ =	swait.ge [sflag:s25], $0x4000  }
0x11e: {  	[sflag:s25] =	ssyncset.done $0x0  }
0x11f: {  	[sflag:s25] =	ssyncadd.s32 $0xFFFFC000  }
0x120: {  	[spmem:s2] =	stream.indirect.scatter.add.f32 [tilespmem:s23], [sflag:$0x3], $0x80, s28, s22, $0xb8;
	[tilespmem:$0x1CC00] =	vst v63  }
0x121: {  	_ =	swait.ge [sflag:s20], $0x4000  }
0x122: {  	[sflag:s20] =	ssyncset.done $0x0  }
0x123: {  	[sflag:s20] =	ssyncadd.s32 $0xFFFFC000  }
0x124: {  	[tilespmem:s23], [sflag:$0x2] =	stream.indirect.gather [hbm4b:s4+s22], $0x80, s29, s22, $0xb8;
	[tilespmem:$0x1CC00] =	vst v63  }
0x125: {  	_ =	swait.ge [sflag:s24], $0x4000  }
0x126: {  	[sflag:s24] =	ssyncset.done $0x0  }
0x127: {  	[sflag:s24] =	ssyncadd.s32 $0xFFFFC000  }
0x128: {  	[spmem:s2] =	stream.indirect.scatter.add.f32 [tilespmem:s19], [sflag:$0x3], $0x80, s30, s22, $0xb8;
	[tilespmem:$0x1CC00] =	vst v63  }
0x129: {  	_ =	swait.ge [sflag:s20], $0x4000  }
0x12a: {  	[sflag:s20] =	ssyncset.done $0x0  }
0x12b: {  	[sflag:s20] =	ssyncadd.s32 $0xFFFFC000  }
0x12c: {  	[tilespmem:s19], [sflag:$0x1] =	stream.indirect.gather [hbm4b:s4+s22], $0x80, s31, s22, $0xb8;
	[tilespmem:$0x1CC00] =	vst v63  }
0x12d: {  	_ =	swait.ge [sflag:s25], $0x4000  }
0x12e: {  	[sflag:s25] =	ssyncset.done $0x0  }
0x12f: {  	[sflag:s25] =	ssyncadd.s32 $0xFFFFC000  }
0x130: {  	[spmem:s2] =	stream.indirect.scatter.add.f32 [tilespmem:s23], [sflag:$0x3], $0x80, s1, s22, $0xb8;
	[tilespmem:$0x1CC00] =	vst v63  }
0x131: {  	_ =	swait.ge [sflag:s20], $0x4000  }
0x132: {  	[sflag:s20] =	ssyncset.done $0x0  }
0x133: {  	[sflag:s20] =	ssyncadd.s32 $0xFFFFC000  }
0x134: {  	[tilespmem:s23], [sflag:$0x2] =	stream.indirect.gather [hbm4b:s4+s22], $0x80, s0, s22, $0xb8;
	[tilespmem:$0x1CC00] =	vst v63  }
0x135: {  	_ =	swait.ge [sflag:s24], $0x4000  }
0x136: {  	[sflag:s24] =	ssyncset.done $0x0  }
0x137: {  	[sflag:s24] =	ssyncadd.s32 $0xFFFFC000  }
0x138: {  	[spmem:s2] =	stream.indirect.scatter.add.f32 [tilespmem:s19], [sflag:$0x3], $0x80, s7, s22, $0xb8;
	[tilespmem:$0x1CC00] =	vst v63  }
0x139: {  	_ =	swait.ge [sflag:s20], $0x4000  }
0x13a: {  	[sflag:s20] =	ssyncset.done $0x0  }
0x13b: {  	[sflag:s20] =	ssyncadd.s32 $0xFFFFC000  }
0x13c: {  	[tilespmem:s19], [sflag:$0x1] =	stream.indirect.gather [hbm4b:s4+s22], $0x80, s8, s22, $0xb8;
	[tilespmem:$0x1CC00] =	vst v63  }
0x13d: {  	_ =	swait.ge [sflag:s25], $0x4000  }
0x13e: {  	[sflag:s25] =	ssyncset.done $0x0  }
0x13f: {  	[sflag:s25] =	ssyncadd.s32 $0xFFFFC000  }
0x140: {  	[spmem:s2] =	stream.indirect.scatter.add.f32 [tilespmem:s23], [sflag:$0x3], $0x80, s9, s22, $0xb8;
	[tilespmem:$0x1CC00] =	vst v63  }
0x141: {  	_ =	swait.ge [sflag:s20], $0x4000  }
0x142: {  	[sflag:s20] =	ssyncset.done $0x0  }
0x143: {  	[sflag:s20] =	ssyncadd.s32 $0xFFFFC000  }
0x144: {  	[tilespmem:s23], [sflag:$0x2] =	stream.indirect.gather [hbm4b:s4+s22], $0x80, s10, s22, $0xb8;
	[tilespmem:$0x1CC00] =	vst v63  }
0x145: {  	_ =	swait.ge [sflag:s24], $0x4000  }
0x146: {  	[sflag:s24] =	ssyncset.done $0x0  }
0x147: {  	[sflag:s24] =	ssyncadd.s32 $0xFFFFC000  }
0x148: {  	[spmem:s2] =	stream.indirect.scatter.add.f32 [tilespmem:s19], [sflag:$0x3], $0x80, s11, s22, $0xb8;
	[tilespmem:$0x1CC00] =	vst v63  }
0x149: {  	_ =	swait.ge [sflag:s20], $0x4000  }
0x14a: {  	[sflag:s20] =	ssyncset.done $0x0  }
0x14b: {  	[sflag:s20] =	ssyncadd.s32 $0xFFFFC000  }
0x14c: {  	[tilespmem:s19], [sflag:$0x1] =	stream.indirect.gather [hbm4b:s4+s22], $0x80, s12, s22, $0xb8;
	[tilespmem:$0x1CC00] =	vst v63  }
0x14d: {  	_ =	swait.ge [sflag:s25], $0x4000  }
0x14e: {  	[sflag:s25] =	ssyncset.done $0x0  }
0x14f: {  	[sflag:s25] =	ssyncadd.s32 $0xFFFFC000  }
0x150: {  	[spmem:s2] =	stream.indirect.scatter.add.f32 [tilespmem:s23], [sflag:$0x3], $0x80, s13, s22, $0xb8;
	[tilespmem:$0x1CC00] =	vst v63  }
0x151: {  	_ =	swait.ge [sflag:s20], $0x4000  }
0x152: {  	[sflag:s20] =	ssyncset.done $0x0  }
0x153: {  	[sflag:s20] =	ssyncadd.s32 $0xFFFFC000  }
0x154: {  	[tilespmem:s23], [sflag:$0x2] =	stream.indirect.gather [hbm4b:s4+s22], $0x80, s14, s22, $0xb8;
	[tilespmem:$0x1CC00] =	vst v63  }
0x155: {  	_ =	swait.ge [sflag:s24], $0x4000  }
0x156: {  	[sflag:s24] =	ssyncset.done $0x0  }
0x157: {  	[sflag:s24] =	ssyncadd.s32 $0xFFFFC000  }
0x158: {  	[spmem:s2] =	stream.indirect.scatter.add.f32 [tilespmem:s19], [sflag:$0x3], $0x80, s15, s22, $0xb8;
	[tilespmem:$0x1CC00] =	vst v63  }
0x159: {  	_ =	swait.ge [sflag:s20], $0x4000  }
0x15a: {  	[sflag:s20] =	ssyncset.done $0x0  }
0x15b: {  	[sflag:s20] =	ssyncadd.s32 $0xFFFFC000  }
0x15c: {  	p0 =	sne.s32 s6, $0x400;
	_ =	swait.ge [sflag:s25], $0x4000  }
.Ltmp1:
0x15d: {  	[sflag:s25] =	ssyncset.done $0x0;
	(pc) =	sbr.rel @p0 .LBB2_4-.Ltmp1, $4  }
0x15e: {  	[sflag:s25] =	ssyncadd.s32 $0xFFFFC000  }
0x15f: {  	[spmem:s2] =	stream.indirect.scatter.add.f32 [tilespmem:s23], [sflag:$0x3], $0x80, s16, s22, $0xb8;
	[tilespmem:$0x1CC00] =	vst v63  }
0x160: {  	_ =	swait.ge [sflag:s20], $0x4000  }
0x161: {  	s6 =	sadd.s32 $0x100, s6;
	s5 =	rddreg [dreg:$0x4];
	[sflag:s20] =	ssyncset.done $0x0  }
0x162: {  	[sflag:s20] =	ssyncadd.s32 $0xFFFFC000;
	s5 =	sadd.s32 s18, s5  }
0x163: {  	[tilespmem:s3], [sflag:$0x3] =	stream.linear.gather [hbm4b:s5+s3], $0x800, $0x38;
	[tilespmem:$0x1CC00] =	vst v63  }
0x164: {  	_ =	swait.ge [sflag:s20], $0x800  }
0x165: {  	s17 =	rddreg [dreg:$0x3];
	[sflag:s20] =	ssyncset.done $0x0  }
0x166: {  	s5 =	sadd.s32 s18, s17;
	[sflag:s20] =	ssyncadd.s32 $0xFFFFF800  }
0x167: {  	[tilespmem:s21], [sflag:$0x3] =	stream.linear.gather [hbm4b:s5+s3], $0x800, $0x38;
	[tilespmem:$0x1CC00] =	vst v63  }
0x168: {  	_ =	swait.ge [sflag:s20], $0x800  }
0x169: {  	[sflag:s20] =	ssyncset.done $0x0  }
0x16a: {  	[sflag:s20] =	ssyncadd.s32 $0xFFFFF800  }
0x16b: {  	[tilespmem:s19], [sflag:$0x1] =	stream.indirect.gather [hbm4b:s4+s22], $0x80, s3, s22, $0xb8;
	[tilespmem:$0x1CC00] =	vst v63  }
0x16c: {  	_ = 	snop  }
0x16d: {  	[tilespmem:s23], [sflag:$0x2] =	stream.indirect.gather [hbm4b:s4+s22], $0x80, s22, s22, $0xb8;
	[tilespmem:$0x1CC00] =	vst v63  }
0x16e: {  	_ =	swait.ge [sflag:s24], $0x4000  }
0x16f: {  	[sflag:s24] =	ssyncset.done $0x0  }
0x170: {  	[sflag:s24] =	ssyncadd.s32 $0xFFFFC000  }
0x171: {  	[spmem:s2] =	stream.indirect.scatter.add.f32 [tilespmem:s19], [sflag:$0x3], $0x80, s21, s22, $0xb8;
	[tilespmem:$0x1CC00] =	vst v63  }
0x172: {  	_ =	swait.ge [sflag:s20], $0x4000  }
0x173: {  	[sflag:s20] =	ssyncset.done $0x0  }
0x174: {  	s6 =	rddreg [dreg:$0x5];
	[sflag:s20] =	ssyncadd.s32 $0xFFFFC000  }
0x175: {  	[tilespmem:s19], [sflag:$0x1] =	stream.indirect.gather [hbm4b:s4+s22], $0x80, s6, s22, $0xb8;
	[tilespmem:$0x1CC00] =	vst v63  }
0x176: {  	_ =	swait.ge [sflag:s25], $0x4000  }
0x177: {  	[sflag:s25] =	ssyncset.done $0x0  }
0x178: {  	s17 =	rddreg [dreg:$0x6];
	[sflag:s25] =	ssyncadd.s32 $0xFFFFC000  }
0x179: {  	[spmem:s2] =	stream.indirect.scatter.add.f32 [tilespmem:s23], [sflag:$0x3], $0x80, s17, s22, $0xb8;
	[tilespmem:$0x1CC00] =	vst v63  }
0x17a: {  	_ =	swait.ge [sflag:s20], $0x4000  }
0x17b: {  	[sflag:s20] =	ssyncset.done $0x0  }
0x17c: {  	s18 =	rddreg [dreg:$0x7];
	[sflag:s20] =	ssyncadd.s32 $0xFFFFC000  }
0x17d: {  	[tilespmem:s23], [sflag:$0x2] =	stream.indirect.gather [hbm4b:s4+s22], $0x80, s18, s22, $0xb8;
	[tilespmem:$0x1CC00] =	vst v63  }
0x17e: {  	_ =	swait.ge [sflag:s24], $0x4000  }
0x17f: {  	[sflag:s24] =	ssyncset.done $0x0  }
0x180: {  	s6 =	rddreg [dreg:$0x8];
	[sflag:s24] =	ssyncadd.s32 $0xFFFFC000  }
0x181: {  	[spmem:s2] =	stream.indirect.scatter.add.f32 [tilespmem:s19], [sflag:$0x3], $0x80, s6, s22, $0xb8;
	[tilespmem:$0x1CC00] =	vst v63  }
0x182: {  	_ =	swait.ge [sflag:s20], $0x4000  }
0x183: {  	[sflag:s20] =	ssyncset.done $0x0  }
0x184: {  	s17 =	rddreg [dreg:$0x9];
	[sflag:s20] =	ssyncadd.s32 $0xFFFFC000  }
0x185: {  	[tilespmem:s19], [sflag:$0x1] =	stream.indirect.gather [hbm4b:s4+s22], $0x80, s17, s22, $0xb8;
	[tilespmem:$0x1CC00] =	vst v63  }
0x186: {  	_ =	swait.ge [sflag:s25], $0x4000  }
0x187: {  	[sflag:s25] =	ssyncset.done $0x0  }
0x188: {  	s18 =	rddreg [dreg:$0xa];
	[sflag:s25] =	ssyncadd.s32 $0xFFFFC000  }
0x189: {  	[spmem:s2] =	stream.indirect.scatter.add.f32 [tilespmem:s23], [sflag:$0x3], $0x80, s18, s22, $0xb8;
	[tilespmem:$0x1CC00] =	vst v63  }
0x18a: {  	_ =	swait.ge [sflag:s20], $0x4000  }
0x18b: {  	[sflag:s20] =	ssyncset.done $0x0  }
0x18c: {  	s6 =	rddreg [dreg:$0xb];
	[sflag:s20] =	ssyncadd.s32 $0xFFFFC000  }
0x18d: {  	[tilespmem:s23], [sflag:$0x2] =	stream.indirect.gather [hbm4b:s4+s22], $0x80, s6, s22, $0xb8;
	[tilespmem:$0x1CC00] =	vst v63  }
0x18e: {  	_ =	swait.ge [sflag:s24], $0x4000  }
0x18f: {  	[sflag:s24] =	ssyncset.done $0x0  }
0x190: {  	s17 =	rddreg [dreg:$0xc];
	[sflag:s24] =	ssyncadd.s32 $0xFFFFC000  }
0x191: {  	[spmem:s2] =	stream.indirect.scatter.add.f32 [tilespmem:s19], [sflag:$0x3], $0x80, s17, s22, $0xb8;
	[tilespmem:$0x1CC00] =	vst v63  }
0x192: {  	_ =	swait.ge [sflag:s20], $0x4000  }
0x193: {  	[sflag:s20] =	ssyncset.done $0x0  }
0x194: {  	s18 =	rddreg [dreg:$0xd];
	[sflag:s20] =	ssyncadd.s32 $0xFFFFC000  }
0x195: {  	[tilespmem:s19], [sflag:$0x1] =	stream.indirect.gather [hbm4b:s4+s22], $0x80, s18, s22, $0xb8;
	[tilespmem:$0x1CC00] =	vst v63  }
0x196: {  	_ =	swait.ge [sflag:s25], $0x4000  }
0x197: {  	[sflag:s25] =	ssyncset.done $0x0  }
0x198: {  	s6 =	rddreg [dreg:$0xe];
	[sflag:s25] =	ssyncadd.s32 $0xFFFFC000  }
0x199: {  	[spmem:s2] =	stream.indirect.scatter.add.f32 [tilespmem:s23], [sflag:$0x3], $0x80, s6, s22, $0xb8;
	[tilespmem:$0x1CC00] =	vst v63  }
0x19a: {  	_ =	swait.ge [sflag:s20], $0x4000  }
0x19b: {  	[sflag:s20] =	ssyncset.done $0x0  }
0x19c: {  	s17 =	rddreg [dreg:$0xf];
	[sflag:s20] =	ssyncadd.s32 $0xFFFFC000  }
0x19d: {  	[tilespmem:s23], [sflag:$0x2] =	stream.indirect.gather [hbm4b:s4+s22], $0x80, s17, s22, $0xb8;
	[tilespmem:$0x1CC00] =	vst v63  }
0x19e: {  	_ =	swait.ge [sflag:s24], $0x4000  }
0x19f: {  	[sflag:s24] =	ssyncset.done $0x0  }
0x1a0: {  	s18 =	rddreg [dreg:$0x10];
	[sflag:s24] =	ssyncadd.s32 $0xFFFFC000  }
0x1a1: {  	[spmem:s2] =	stream.indirect.scatter.add.f32 [tilespmem:s19], [sflag:$0x3], $0x80, s18, s22, $0xb8;
	[tilespmem:$0x1CC00] =	vst v63  }
0x1a2: {  	_ =	swait.ge [sflag:s20], $0x4000  }
0x1a3: {  	[sflag:s20] =	ssyncset.done $0x0  }
0x1a4: {  	[sflag:s20] =	ssyncadd.s32 $0xFFFFC000  }
0x1a5: {  	[tilespmem:s19], [sflag:$0x1] =	stream.indirect.gather [hbm4b:s4+s22], $0x80, s26, s22, $0xb8;
	[tilespmem:$0x1CC00] =	vst v63  }
0x1a6: {  	_ =	swait.ge [sflag:s25], $0x4000  }
0x1a7: {  	[sflag:s25] =	ssyncset.done $0x0  }
0x1a8: {  	[sflag:s25] =	ssyncadd.s32 $0xFFFFC000  }
0x1a9: {  	[spmem:s2] =	stream.indirect.scatter.add.f32 [tilespmem:s23], [sflag:$0x3], $0x80, s28, s22, $0xb8;
	[tilespmem:$0x1CC00] =	vst v63  }
0x1aa: {  	_ =	swait.ge [sflag:s20], $0x4000  }
0x1ab: {  	[sflag:s20] =	ssyncset.done $0x0  }
0x1ac: {  	[sflag:s20] =	ssyncadd.s32 $0xFFFFC000  }
0x1ad: {  	[tilespmem:s23], [sflag:$0x2] =	stream.indirect.gather [hbm4b:s4+s22], $0x80, s29, s22, $0xb8;
	[tilespmem:$0x1CC00] =	vst v63  }
0x1ae: {  	_ =	swait.ge [sflag:s24], $0x4000  }
0x1af: {  	[sflag:s24] =	ssyncset.done $0x0  }
0x1b0: {  	[sflag:s24] =	ssyncadd.s32 $0xFFFFC000  }
0x1b1: {  	[spmem:s2] =	stream.indirect.scatter.add.f32 [tilespmem:s19], [sflag:$0x3], $0x80, s30, s22, $0xb8;
	[tilespmem:$0x1CC00] =	vst v63  }
0x1b2: {  	_ =	swait.ge [sflag:s20], $0x4000  }
0x1b3: {  	[sflag:s20] =	ssyncset.done $0x0  }
0x1b4: {  	[sflag:s20] =	ssyncadd.s32 $0xFFFFC000  }
0x1b5: {  	[tilespmem:s19], [sflag:$0x1] =	stream.indirect.gather [hbm4b:s4+s22], $0x80, s31, s22, $0xb8;
	[tilespmem:$0x1CC00] =	vst v63  }
0x1b6: {  	_ =	swait.ge [sflag:s25], $0x4000  }
0x1b7: {  	[sflag:s25] =	ssyncset.done $0x0  }
0x1b8: {  	[sflag:s25] =	ssyncadd.s32 $0xFFFFC000  }
0x1b9: {  	[spmem:s2] =	stream.indirect.scatter.add.f32 [tilespmem:s23], [sflag:$0x3], $0x80, s1, s22, $0xb8;
	[tilespmem:$0x1CC00] =	vst v63  }
0x1ba: {  	_ =	swait.ge [sflag:s20], $0x4000  }
0x1bb: {  	[sflag:s20] =	ssyncset.done $0x0  }
0x1bc: {  	[sflag:s20] =	ssyncadd.s32 $0xFFFFC000  }
0x1bd: {  	[tilespmem:s23], [sflag:$0x2] =	stream.indirect.gather [hbm4b:s4+s22], $0x80, s0, s22, $0xb8;
	[tilespmem:$0x1CC00] =	vst v63  }
0x1be: {  	_ =	swait.ge [sflag:s24], $0x4000  }
0x1bf: {  	[sflag:s24] =	ssyncset.done $0x0  }
0x1c0: {  	[sflag:s24] =	ssyncadd.s32 $0xFFFFC000  }
0x1c1: {  	[spmem:s2] =	stream.indirect.scatter.add.f32 [tilespmem:s19], [sflag:$0x3], $0x80, s7, s22, $0xb8;
	[tilespmem:$0x1CC00] =	vst v63  }
0x1c2: {  	_ =	swait.ge [sflag:s20], $0x4000  }
0x1c3: {  	[sflag:s20] =	ssyncset.done $0x0  }
0x1c4: {  	[sflag:s20] =	ssyncadd.s32 $0xFFFFC000  }
0x1c5: {  	[tilespmem:s19], [sflag:$0x1] =	stream.indirect.gather [hbm4b:s4+s22], $0x80, s8, s22, $0xb8;
	[tilespmem:$0x1CC00] =	vst v63  }
0x1c6: {  	_ =	swait.ge [sflag:s25], $0x4000  }
0x1c7: {  	[sflag:s25] =	ssyncset.done $0x0  }
0x1c8: {  	[sflag:s25] =	ssyncadd.s32 $0xFFFFC000  }
0x1c9: {  	[spmem:s2] =	stream.indirect.scatter.add.f32 [tilespmem:s23], [sflag:$0x3], $0x80, s9, s22, $0xb8;
	[tilespmem:$0x1CC00] =	vst v63  }
0x1ca: {  	_ =	swait.ge [sflag:s20], $0x4000  }
0x1cb: {  	[sflag:s20] =	ssyncset.done $0x0  }
0x1cc: {  	[sflag:s20] =	ssyncadd.s32 $0xFFFFC000  }
0x1cd: {  	[tilespmem:s23], [sflag:$0x2] =	stream.indirect.gather [hbm4b:s4+s22], $0x80, s10, s22, $0xb8;
	[tilespmem:$0x1CC00] =	vst v63  }
0x1ce: {  	_ =	swait.ge [sflag:s24], $0x4000  }
0x1cf: {  	[sflag:s24] =	ssyncset.done $0x0  }
0x1d0: {  	[sflag:s24] =	ssyncadd.s32 $0xFFFFC000  }
0x1d1: {  	[spmem:s2] =	stream.indirect.scatter.add.f32 [tilespmem:s19], [sflag:$0x3], $0x80, s11, s22, $0xb8;
	[tilespmem:$0x1CC00] =	vst v63  }
0x1d2: {  	_ =	swait.ge [sflag:s20], $0x4000  }
0x1d3: {  	[sflag:s20] =	ssyncset.done $0x0  }
0x1d4: {  	[sflag:s20] =	ssyncadd.s32 $0xFFFFC000  }
0x1d5: {  	[tilespmem:s19], [sflag:$0x1] =	stream.indirect.gather [hbm4b:s4+s22], $0x80, s12, s22, $0xb8;
	[tilespmem:$0x1CC00] =	vst v63  }
0x1d6: {  	_ =	swait.ge [sflag:s25], $0x4000  }
0x1d7: {  	[sflag:s25] =	ssyncset.done $0x0  }
0x1d8: {  	[sflag:s25] =	ssyncadd.s32 $0xFFFFC000  }
0x1d9: {  	[spmem:s2] =	stream.indirect.scatter.add.f32 [tilespmem:s23], [sflag:$0x3], $0x80, s13, s22, $0xb8;
	[tilespmem:$0x1CC00] =	vst v63  }
0x1da: {  	_ =	swait.ge [sflag:s20], $0x4000  }
0x1db: {  	[sflag:s20] =	ssyncset.done $0x0  }
0x1dc: {  	[sflag:s20] =	ssyncadd.s32 $0xFFFFC000  }
0x1dd: {  	[tilespmem:s23], [sflag:$0x2] =	stream.indirect.gather [hbm4b:s4+s22], $0x80, s14, s22, $0xb8;
	[tilespmem:$0x1CC00] =	vst v63  }
0x1de: {  	_ =	swait.ge [sflag:s24], $0x4000  }
0x1df: {  	[sflag:s24] =	ssyncset.done $0x0  }
0x1e0: {  	[sflag:s24] =	ssyncadd.s32 $0xFFFFC000  }
0x1e1: {  	[spmem:s2] =	stream.indirect.scatter.add.f32 [tilespmem:s19], [sflag:$0x3], $0x80, s15, s22, $0xb8;
	[tilespmem:$0x1CC00] =	vst v63  }
0x1e2: {  	_ =	swait.ge [sflag:s20], $0x4000  }
0x1e3: {  	[sflag:s20] =	ssyncset.done $0x0  }
0x1e4: {  	[sflag:s20] =	ssyncadd.s32 $0xFFFFC000  }
0x1e5: {  	_ =	swait.ge [sflag:s25], $0x4000  }
0x1e6: {  	[sflag:s25] =	ssyncset.done $0x0  }
0x1e7: {  	[sflag:s25] =	ssyncadd.s32 $0xFFFFC000  }
0x1e8: {  	[spmem:s2] =	stream.indirect.scatter.add.f32 [tilespmem:s23], [sflag:$0x3], $0x80, s16, s22, $0xb8;
	[tilespmem:$0x1CC00] =	vst v63  }
0x1e9: {  	_ =	swait.ge [sflag:s20], $0x4000  }
0x1ea: {  	[sflag:s20] =	ssyncset.done $0x0  }
0x1eb: {  	[sflag:s20] =	ssyncadd.s32 $0xFFFFC000  }
0x1ec: {  	[bflag:$0x0] =	sbarrier.arrive $0xFFFF  }
0x1ed: {  	s17 =	rddreg [dreg:$0x11]  }
0x1ee: {  	[tilespmem:s19], [sflag:$0x3] =	stream.linear.gather [spmem:s17], $0x4000, $0x38;
	[tilespmem:$0x1CC00] =	vst v63  }
0x1ef: {  	_ =	swait.ge [sflag:s20], $0x4000  }
0x1f0: {  	[sflag:s20] =	ssyncset.done $0x0  }
0x1f1: {  	s6 =	rddreg [dreg:$0x18];
	[sflag:s20] =	ssyncadd.s32 $0xFFFFC000  }
0x1f2: {  	[hbm4b:s6+s3] =	stream.linear.scatter [tilespmem:s19], [sflag:$0x3], $0x4000, $0x38;
	[tilespmem:$0x1CC00] =	vst v63  }
0x1f3: {  	_ =	swait.ge [sflag:s20], $0x4000  }
0x1f4: {  	[sflag:s20] =	ssyncset.done $0x0  }
0x1f5: {  	s18 =	rddreg [dreg:$0x19];
	[sflag:s20] =	ssyncadd.s32 $0xFFFFC000  }
0x1f6: {  	[tilespmem:s19], [sflag:$0x3] =	stream.linear.gather [spmem:s18], $0x4000, $0x38;
	[tilespmem:$0x1CC00] =	vst v63  }
0x1f7: {  	_ =	swait.ge [sflag:s20], $0x4000  }
0x1f8: {  	[sflag:s20] =	ssyncset.done $0x0  }
0x1f9: {  	s6 =	rddreg [dreg:$0x1a];
	[sflag:s20] =	ssyncadd.s32 $0xFFFFC000  }
0x1fa: {  	[hbm4b:s6+s3] =	stream.linear.scatter [tilespmem:s19], [sflag:$0x3], $0x4000, $0x38;
	[tilespmem:$0x1CC00] =	vst v63  }
0x1fb: {  	_ =	swait.ge [sflag:s20], $0x4000  }
0x1fc: {  	[sflag:s20] =	ssyncset.done $0x0  }
0x1fd: {  	s18 =	rddreg [dreg:$0x1b];
	[sflag:s20] =	ssyncadd.s32 $0xFFFFC000  }
0x1fe: {  	[tilespmem:s19], [sflag:$0x3] =	stream.linear.gather [spmem:s18], $0x4000, $0x38;
	[tilespmem:$0x1CC00] =	vst v63  }
0x1ff: {  	_ =	swait.ge [sflag:s20], $0x4000  }
0x200: {  	[sflag:s20] =	ssyncset.done $0x0  }
0x201: {  	s6 =	rddreg [dreg:$0x1c];
	[sflag:s20] =	ssyncadd.s32 $0xFFFFC000  }
0x202: {  	[hbm4b:s6+s3] =	stream.linear.scatter [tilespmem:s19], [sflag:$0x3], $0x4000, $0x38;
	[tilespmem:$0x1CC00] =	vst v63  }
0x203: {  	_ =	swait.ge [sflag:s20], $0x4000  }
0x204: {  	[sflag:s20] =	ssyncset.done $0x0  }
0x205: {  	s18 =	rddreg [dreg:$0x1d];
	[sflag:s20] =	ssyncadd.s32 $0xFFFFC000  }
0x206: {  	[tilespmem:s19], [sflag:$0x3] =	stream.linear.gather [spmem:s18], $0x4000, $0x38;
	[tilespmem:$0x1CC00] =	vst v63  }
0x207: {  	_ =	swait.ge [sflag:s20], $0x4000  }
0x208: {  	[sflag:s20] =	ssyncset.done $0x0  }
0x209: {  	s6 =	rddreg [dreg:$0x1e];
	[sflag:s20] =	ssyncadd.s32 $0xFFFFC000  }
0x20a: {  	[hbm4b:s6+s3] =	stream.linear.scatter [tilespmem:s19], [sflag:$0x3], $0x4000, $0x38;
	[tilespmem:$0x1CC00] =	vst v63  }
0x20b: {  	_ =	swait.ge [sflag:s20], $0x4000  }
0x20c: {  	[sflag:s20] =	ssyncset.done $0x0  }
0x20d: {  	s18 =	rddreg [dreg:$0x12];
	[sflag:s20] =	ssyncadd.s32 $0xFFFFC000  }
0x20e: {  	[tilespmem:s19], [sflag:$0x3] =	stream.linear.gather [spmem:s18], $0x3C00, $0x38;
	[tilespmem:$0x1CC00] =	vst v63  }
0x20f: {  	_ =	swait.ge [sflag:s20], $0x3C00  }
0x210: {  	[sflag:s20] =	ssyncset.done $0x0  }
0x211: {  	s6 =	rddreg [dreg:$0x13];
	[sflag:s20] =	ssyncadd.s32 $0xFFFFC400  }
0x212: {  	[hbm4b:s6+s3] =	stream.linear.scatter [tilespmem:s19], [sflag:$0x3], $0x3C00, $0x38;
	[tilespmem:$0x1CC00] =	vst v63  }
0x213: {  	_ =	swait.ge [sflag:s20], $0x3C00  }
0x214: {  	s6 =	rddreg [dreg:$0x1f]  }
0x215: {  	s18 =	rddreg [dreg:$0x14];
	s6 =	sadd.s32 $0x1, s6  }
0x216: {  	p0 =	sne.s32 s6, s18  }
.Ltmp2:
0x217: {  	_ = 	snop;
	(pc) =	sbr.rel @p0 .LBB2_1-.Ltmp2, $3  }
0x218: {  	_ =	sdelay $0x1  }
0x219: {  	[sflag:s20] =	ssyncset.done $0x0  }
0x21a: {  	[sflag:s20] =	ssyncadd.s32 $0xFFFFC400  }
0x21b: {  	_ =	sfence.sel $0x180000  }
0x21c: {  	[bflag:$0x0] =	sbarrier.arrive $0xFFFF  }
0x21d: {  	_ =	strace $0x9000004A  }
0x21e: {  	s0 =	stileid.u32;
	[bflag:$0x2] =	sbarrier.arrive $0xFFFF  }
0x21f: {  	p0 =	sne.s32 s0, $0x0;
	s0 =	rddreg [dreg:$0x2]  }
0x220: {  	s0 =	sadd.s32 @!p0 $0x100000, s0  }
0x221: {  	[sflag:s0] =	ssyncadd.tile.s32 @!p0 $0x1;
	_ =	shalt  }
.Lfunc_end2:
_tile_overlayer_lowered:
.L_overlay_start_2:
0x222: {  	(tag) =	ssettag $0x2  }
0x223: {  	s0 =	rddreg [dreg:$0x0];
	s2 =	stileid.u32  }
0x224: {  	s1 =	rddreg [dreg:$0x1];
	p0 =	sne.s32 s2, $0x0  }
0x225: {  	s3 =	rddreg [dreg:$0x2];
	[bflag:$0x3] =	sbarrier.arrive $0xFFFF;
	s2 =	simm.s32 @!p0 $0x1C03  }
0x226: {  	[timem:s3], [sflag:s2] =	dma.local @!p0 [hbm:s0], s1  }
0x227: {  	s0 =	simm.s32 @!p0 $0x3  }
0x228: {  	_ =	swait.ge @!p0 [sflag:s0], s1  }
0x229: {  	s1 =	ssub.s32 @!p0 $0x0, s1;
	[sflag:s0] =	ssyncset.done @!p0 $0x0  }
0x22a: {  	[sflag:s0] =	ssyncadd.s32 @!p0 s1  }
0x22b: {  	[bflag:$0x3] =	sbarrier.arrive $0xFFFF  }
0x22c: {  	_ =	shalt  }

// kernel: kernel.17.cloned.1.call-start
scs
__scs_entry_jumppad:
0x0: {  	(pc) =	sbr.rel $0x88, $3  }
0x1: {  	(tag) =	ssettag $0x0;
	lr =	simm.s32 $0x1  }
0x2: {  	[smem:$0x3F90] =	sst lr;
	_ =	strace $0xD0000000  }
0x3: {  	_ = 	snop  }
0x4: {  	_ = 	snop  }
0x5: {  	_ = 	snop  }
0x6: {  	_ = 	snop  }
0x7: {  	_ = 	snop  }
__scs_overlays_trampoline_lowered:
0x8: {  	[smem:$0x3F9F] =	sst s0  }
0x9: {  	[smem:$0x3FA0] =	sst s1  }
0xa: {  	[smem:$0x3FA1] =	sst s2  }
0xb: {  	[smem:$0x3FA2] =	sst s3  }
0xc: {  	[smem:$0x3FA3] =	sst s4  }
0xd: {  	[smem:$0x3FA4] =	sst s5  }
0xe: {  	[smem:$0x3FA5] =	sst s6  }
0xf: {  	[smem:$0x3FA6] =	sst s7  }
0x10: {  	[smem:$0x3FA7] =	sst s8  }
0x11: {  	[smem:$0x3FA8] =	sst s9;
	s0 =	simm.s32 @!p0 $0x0  }
0x12: {  	s1 =	sld [smem:$0x3F8E];
	s0 =	simm.s32 @p0 $0x1  }
0x13: {  	[smem:$0x3FA9] =	sst s0;
	s0 =	simm.s32 @!p1 $0x0  }
0x14: {  	s2 =	sld [smem:$0x3F8D];
	s0 =	simm.s32 @p1 $0x1  }
0x15: {  	[smem:$0x3FAA] =	sst s0;
	s0 =	simm.s32 @!p2 $0x0  }
0x16: {  	s3 =	sld [smem:$0x3FDB];
	s0 =	simm.s32 @p2 $0x1  }
0x17: {  	s4 =	simm.s32 $0x1BF5;
	[smem:$0x3FAC] =	sst s0  }
0x18: {  	s0 =	sld [smem:$0x3F8F];
	_ =	swait.ge [sflag:s4], $0x0  }
0x19: {  	s7 =	sld [smem:$0x3F90]  }
0x1a: {  	s8 =	sadd.s32 $0xFFFFE003, lr  }
0x1b: {  	s9 =	sadd.s32 $0xFFFFFEF7, lr;
	s5 =	simm.s32 $0xFFFFFFFF;
	p2 =	slt.u32 s8, $0xFFFFF086  }
0x1c: {  	p1 =	slt.u32 s9, $0xF7A;
	s5 =	simm.s32 @!p2 $0x0  }
0x1d: {  	s5 =	simm.s32 @p1 $0x1;
	p0 =	seq.s32 s7, s2  }
0x1e: {  	s7 =	smul.u32 @!p0 $0xF7A, s2;
	p2 =	seq.s32 @!p0 s5, $0x0  }
0x1f: {  	s9 =	smul.u32 $0xF7A, s1;
	s8 =	simm.s32 @!p0 $0x1BF5;
	p2 =	por !p2, p0  }
0x20: {  	[sflag:s8] =	ssyncset.s32 @!p0 $0xFFFFF086;
	s6 =	sadd.s32 @!p0 s3, s7;
	s7 =	simm.s32 @!p0 $0x108  }
0x21: {  	s3 =	sadd.s32 s3, s9;
	s6 =	sadd.s32 @!p0 $0x88, s6;
	s7 =	simm.s32 @p2 $0x1082  }
0x22: {  	[simem:s7], [sflag:s8] =	dma.local @!p0 [hbm:s6], $0xF7A  }
0x23: {  	s9 =	sor.u32 $0xD0000000, s2;
	s6 =	simm.s32 $0x108;
	_ =	swait.ge @!p0 [sflag:s8], $0x0  }
0x24: {  	s3 =	sadd.s32 $0x88, s3;
	s6 =	simm.s32 @!p1 $0x1082;
	[sflag:s4] =	ssyncset.s32 $0xFFFFF086  }
0x25: {  	[simem:s6], [sflag:s4] =	dma.local [hbm:s3], $0xF7A  }
0x26: {  	[smem:$0x3F90] =	sst s1;
	(tag) =	ssettag s2;
	_ =	strace s9  }
0x27: {  	s1 =	sld [smem:$0x3FA0]  }
0x28: {  	s2 =	sld [smem:$0x3FA1]  }
0x29: {  	s4 =	sld [smem:$0x3FA3]  }
0x2a: {  	p0 =	seq.s32 s5, $0x0;
	s5 =	sld [smem:$0x3FA4]  }
0x2b: {  	s6 =	sld [smem:$0x3FA5]  }
0x2c: {  	s7 =	sld [smem:$0x3FA6]  }
0x2d: {  	s3 =	simm.s32 $0x108;
	s8 =	sld [smem:$0x3FA7]  }
0x2e: {  	s3 =	simm.s32 @!p0 $0x1082;
	s9 =	sld [smem:$0x3FA8]  }
0x2f: {  	lr =	sadd.s32 s0, s3;
	s0 =	sld [smem:$0x3F9F]  }
0x30: {  	s3 =	sld [smem:$0x3FA2]  }
0x31: {  	[smem:$0x3FAB] =	sst s10  }
0x32: {  	s10 =	sld [smem:$0x3FA9];
	_ =	sdelay $0x3  }
0x33: {  	p0 =	seq.s32 s10, $0x1;
	s10 =	sld [smem:$0x3FAB];
	_ =	sdelay $0x3  }
0x34: {  	[smem:$0x3FAB] =	sst s10  }
0x35: {  	s10 =	sld [smem:$0x3FAA];
	_ =	sdelay $0x3  }
0x36: {  	p1 =	seq.s32 s10, $0x1;
	s10 =	sld [smem:$0x3FAB];
	_ =	sdelay $0x3  }
0x37: {  	[smem:$0x3FAB] =	sst s10  }
0x38: {  	s10 =	sld [smem:$0x3FAC]  }
0x39: {  	_ = 	snop;
	(pc) =	sbr.ind lr, $3  }
0x3a: {  	_ = 	snop  }
0x3b: {  	_ = 	snop  }
0x3c: {  	p2 =	seq.s32 s10, $0x1;
	s10 =	sld [smem:$0x3FAB]  }
0x3d: {  	_ =	shalt  }
0x3e: {  	_ =	shalt  }
0x3f: {  	_ =	shalt  }
0x40: {  	_ =	shalt  }
0x41: {  	_ =	shalt  }
0x42: {  	_ =	shalt  }
0x43: {  	_ =	shalt  }
0x44: {  	_ =	shalt  }
0x45: {  	_ =	shalt  }
0x46: {  	_ =	shalt  }
0x47: {  	_ =	shalt  }
0x48: {  	_ =	shalt  }
0x49: {  	_ =	shalt  }
0x4a: {  	_ =	shalt  }
0x4b: {  	_ =	shalt  }
0x4c: {  	_ =	shalt  }
0x4d: {  	_ =	shalt  }
0x4e: {  	_ =	shalt  }
0x4f: {  	_ =	shalt  }
0x50: {  	_ =	shalt  }
0x51: {  	_ =	shalt  }
0x52: {  	_ =	shalt  }
0x53: {  	_ =	shalt  }
0x54: {  	_ =	shalt  }
0x55: {  	_ =	shalt  }
0x56: {  	_ =	shalt  }
0x57: {  	_ =	shalt  }
0x58: {  	_ =	shalt  }
0x59: {  	_ =	shalt  }
0x5a: {  	_ =	shalt  }
0x5b: {  	_ =	shalt  }
0x5c: {  	_ =	shalt  }
0x5d: {  	_ =	shalt  }
0x5e: {  	_ =	shalt  }
0x5f: {  	_ =	shalt  }
0x60: {  	_ =	shalt  }
0x61: {  	_ =	shalt  }
0x62: {  	_ =	shalt  }
0x63: {  	_ =	shalt  }
0x64: {  	_ =	shalt  }
0x65: {  	_ =	shalt  }
0x66: {  	_ =	shalt  }
0x67: {  	_ =	shalt  }
0x68: {  	_ =	shalt  }
0x69: {  	_ =	shalt  }
0x6a: {  	_ =	shalt  }
0x6b: {  	_ =	shalt  }
0x6c: {  	_ =	shalt  }
0x6d: {  	_ =	shalt  }
0x6e: {  	_ =	shalt  }
0x6f: {  	_ =	shalt  }
0x70: {  	_ =	shalt  }
0x71: {  	_ =	shalt  }
0x72: {  	_ =	shalt  }
0x73: {  	_ =	shalt  }
0x74: {  	_ =	shalt  }
0x75: {  	_ =	shalt  }
0x76: {  	_ =	shalt  }
0x77: {  	_ =	shalt  }
0x78: {  	_ =	shalt  }
0x79: {  	_ =	shalt  }
0x7a: {  	_ =	shalt  }
0x7b: {  	_ =	shalt  }
0x7c: {  	_ =	shalt  }
0x7d: {  	_ =	shalt  }
0x7e: {  	_ =	shalt  }
0x7f: {  	_ =	shalt  }
0x80: {  	_ =	shalt  }
0x81: {  	_ =	shalt  }
0x82: {  	_ =	shalt  }
0x83: {  	_ =	shalt  }
0x84: {  	_ =	shalt  }
0x85: {  	_ =	shalt  }
0x86: {  	_ =	shalt  }
0x87: {  	_ =	shalt  }
.Lfunc_end0:
.L_simem_size_0:
called_computation.2_lowered:
.L_overlay_start_0:
0x88: {  	s2 =	sld [smem:$0x3FD9]  }
0x89: {  	s3 =	sld [smem:$0x3FFE];
	_ =	sdelay $0x1  }
0x8a: {  	s1 =	srdreg.scid  }
0x8b: {  	s0 =	sand.u32 $0x1, s1  }
0x8c: {  	s16 =	sshll.u32 s0, $0xA;
	s2 =	sadd.s32 s3, s2  }
0x8d: {  	s2 =	sadd.s32 s2, s16  }
0x8e: {  	[smem:$0x3FB7] =	sst s2  }
0x8f: {  	_ = 	snop  }
0x90: {  	(tm) =	ssettm $0x1  }
0x91: {  	s17 =	sld [smem:$0x3FFB];
	_ =	sdelay $0x3  }
0x92: {  	_ =	strace s17  }
0x93: {  	s2 =	sld [smem:$0x3FFC];
	_ =	sdelay $0x3  }
0x94: {  	_ =	strace s2  }
0x95: {  	s2 =	sld [smem:$0x3FFD];
	_ =	sdelay $0x3  }
0x96: {  	_ =	strace s2  }
0x97: {  	_ =	strace $0x8FFFFFFF  }
0x98: {  	s18 =	sld [smem:$0x3FDB];
	_ =	sdelay $0x1  }
0x99: {  	s19 =	simm.s32 $_scs_section_size  }
0x9a: {  	s4 =	simm.s32 $_size__tile_overlayer_lowered;
	s5 =	simm.s32 $_tile_overlayer_lowered  }
0x9b: {  	s22 =	simm.s32 $0x1BFF;
	s21 =	sshll.u32 s5, $0x1;
	s2 =	sadd.s32 s19, s18  }
0x9c: {  	s6 =	simm.s32 $0x0;
	s20 =	sshll.u32 s4, $0x1;
	s4 =	sadd.s32 s21, s2  }
0x9d: {  	[timem:s6], [sflag:s22] =	dma.local [hbm:s4], s20  }
0x9e: {  	_ =	swait.ge [sflag:s22], s20  }
0x9f: {  	s3 =	ssub.s32 $0x0, s20;
	[sflag:s22] =	ssyncset.done $0x0  }
0xa0: {  	[sflag:s22] =	ssyncadd.s32 s3;
	_ =	sdelay $0x1  }
0xa1: {  	s23 =	simm.s32 $0x1B8B  }
0xa2: {  	_ =	swait.ge [sflag:s23], $0x1  }
0xa3: {  	[sflag:s23] =	ssyncset.done $0x0  }
0xa4: {  	s25 =	simm.s32 $0x1B8E;
	s24 =	sld [smem:$0x3FFE];
	[sflag:s23] =	ssyncadd.s32 $0xFFFFFFFF  }
0xa5: {  	s26 =	simm.s32 $execute0_lowered;
	[smem:$0x3FD2] =	sst s25  }
0xa6: {  	s4 =	sshll.u32 s26, $0x1;
	_ =	strace $0x8000004C;
	[dreg:$0x1] =	wrdreg $0xFFFFFFFF  }
0xa7: {  	s28 =	simm.s32 $_size_execute0_lowered;
	s2 =	sadd.s32 s2, s4;
	[dreg:$0x0] =	wrdreg $0x0  }
0xa8: {  	s4 =	sshll.u32 s28, $0x1;
	[dreg:$0x2] =	wrdreg s2  }
0xa9: {  	[dreg:$0x3] =	wrdreg s4  }
0xaa: {  	[dreg:$0x4] =	wrdreg $0xC0  }
0xab: {  	_ =	task [dreg:s6], $0x5FFFF  }
0xac: {  	[dreg:$0x1] =	wrdreg $0xFFFFFFFF  }
0xad: {  	[dreg:$0x0] =	wrdreg $0x60  }
0xae: {  	[dreg:$0x2] =	wrdreg s24  }
0xaf: {  	[dreg:$0x3] =	wrdreg $0x90000  }
0xb0: {  	[dreg:$0x4] =	wrdreg $0x9  }
0xb1: {  	_ =	task.clear_ibuf [dreg:s6], $0x5FFFF;
	_ =	strace $0x9000004C  }
0xb2: {  	s29 =	simm.s32 $0x9;
	_ =	strace $0x8000004E  }
0xb3: {  	_ =	swait.ge [sflag:s29], $0x1  }
0xb4: {  	[sflag:s29] =	ssyncadd.s32 $0xFFFFFFFF  }
0xb5: {  	_ =	strace $0x9000004E  }
0xb6: {  	_ =	sfence  }
0xb7: {  	s30 =	sld [smem:$0x0];
	_ =	sdelay $0x2  }
0xb8: {  	s31 =	sshll.u32 s1, $0xD;
	s1 =	sshrl.u32 s1, $0x2  }
0xb9: {  	s3 =	sand.u32 $0x4000, s31;
	s1 =	sadd.s32 s1, s30  }
0xba: {  	s0 =	sor.u32 s3, s0;
	s1 =	sshll.u32 s1, $0x11  }
0xbb: {  	s0 =	sor.u32 s1, s0  }
0xbc: {  	s0 =	sadd.s32 $0x8F2B, s0  }
0xbd: {  	[sflag:s0] =	ssyncadd.remote.s32 $0x1  }
0xbe: {  	_ =	sfence.sel $0xFFFF  }
0xbf: {  	[dreg:$0x0] =	wrdreg $0xFFFFFFFF;
	(pc) =	sbr.abs _section_cstart, $3  }
0xc0: {  	[dreg:$0x1] =	wrdreg $0xFFFFFFFF  }
0xc1: {  	_ =	task.clear_ibuf [dreg:s6], $0x2FFFF;
	_ =	strace $0x9FFFFFFF  }
0xc2: {  	(tm) =	ssettm $0x7FFFFFFF  }
0xc3: {  	_ =	shalt  }
tec
execute0_lowered:
.L_overlay_start_1:
0x0: {  	(tag) =	ssettag $0x1  }
0x1: {  	s0 =	srdreg.scid  }
0x2: {  	s1 =	rddreg [dreg:$0x0];
	s8 =	stileid.u32  }
0x3: {  	s2 =	rddreg [dreg:$0x1];
	s3 =	simm.s32 $0x0;
	s13 =	simm.s32 $0x100  }
0x4: {  	s14 =	simm.s32 $0x880;
	s28 =	simm.s32 $0xB80;
	s5 =	smul.u32 $0x2800, s8  }
0x5: {  	s29 =	simm.s32 $0x480;
	s30 =	simm.s32 $0xC00;
	s6 =	smul.u32 $0x13C00, s8  }
0x6: {  	s0 =	sand.u32 $0x1, s0;
	[smem:$0x7FF] =	sst s3;
	s8 =	smul.u32 $0x4F000, s8  }
0x7: {  	s31 =	simm.s32 $0x500;
	s4 =	smul.u32 $0x28000, s0;
	_ =	strace $0x8000004D  }
0x8: {  	s7 =	smul.u32 $0x13C000, s0;
	s0 =	ssub.s32 $0x2, s0;
	[dreg:$0x5] =	wrdreg s13  }
0x9: {  	[dreg:$0x6] =	wrdreg s14;
	s13 =	simm.s32 $0xE80;
	s14 =	simm.s32 $0x780  }
0xa: {  	s9 =	sadd.s32 $0x10000, s6;
	s10 =	sshrl.u32 s0, $0x1;
	s8 =	sshrl.u32 s8, $0x2  }
0xb: {  	s23 =	sadd.s32 $0x4000, s6;
	s26 =	sadd.s32 $0x8000, s6;
	s15 =	sadd.s32 $0xC000, s6  }
0xc: {  	s4 =	sadd.s32 s5, s4;
	s11 =	sadd.s32 s7, s9;
	s18 =	sadd.s32 s9, s2  }
0xd: {  	s17 =	sadd.s32 s8, s2;
	s8 =	sadd.s32 s23, s2;
	[dreg:$0x12] =	wrdreg s18  }
0xe: {  	s0 =	ssub.s32 s0, s10;
	s9 =	sadd.s32 s26, s2;
	[dreg:$0x19] =	wrdreg s8  }
0xf: {  	s21 =	sadd.s32 s7, s6;
	s6 =	sadd.s32 s15, s2;
	[dreg:$0x1b] =	wrdreg s9  }
0x10: {  	s25 =	sadd.s32 s7, s23;
	s23 =	simm.s32 $0x300;
	[dreg:$0x1d] =	wrdreg s6  }
0x11: {  	s5 =	sshrl.u32 s4, $0x3;
	s4 =	sadd.s32 $0x15600, s1;
	[dreg:$0xd] =	wrdreg s23  }
0x12: {  	s16 =	sshrl.u32 s11, $0x3;
	s0 =	smax.u32 s0, $0x1;
	[dreg:$0x11] =	wrdreg s17  }
0x13: {  	s20 =	sadd.s32 $0x4000, s17;
	s22 =	sadd.s32 $0x8000, s17;
	[dreg:$0x14] =	wrdreg s0  }
0x14: {  	s24 =	sadd.s32 $0xC000, s17;
	s8 =	sadd.s32 s7, s26;
	[dreg:$0x15] =	wrdreg s20  }
0x15: {  	s18 =	simm.s32 $0x900;
	s23 =	simm.s32 $0x5000;
	[dreg:$0x16] =	wrdreg s22  }
0x16: {  	s26 =	simm.s32 $0xB00;
	s9 =	simm.s32 $0xD80;
	[dreg:$0x17] =	wrdreg s24  }
0x17: {  	s6 =	simm.s32 $0x0;
	s5 =	sadd.s32 s5, s1;
	[dreg:$0x8] =	wrdreg s18  }
0x18: {  	s1 =	sadd.s32 $0x3C800, s1;
	s20 =	simm.s32 $0x980;
	[dreg:$0x10] =	wrdreg s26  }
0x19: {  	s0 =	sshrl.u32 s21, $0x3;
	s21 =	simm.s32 $0x280;
	[dreg:$0xa] =	wrdreg s20  }
0x1a: {  	s12 =	sshrl.u32 s8, $0x3;
	s22 =	simm.s32 $0xA00;
	[dreg:$0xb] =	wrdreg s21  }
0x1b: {  	s24 =	simm.s32 $0xA80;
	s26 =	simm.s32 $0x400;
	[dreg:$0xc] =	wrdreg s22  }
0x1c: {  	s8 =	simm.s32 $0x600;
	s19 =	sadd.s32 s1, s16;
	[dreg:$0xe] =	wrdreg s24  }
0x1d: {  	s0 =	sadd.s32 s1, s0;
	s10 =	sadd.s32 $0x1000, s5;
	[dreg:$0x13] =	wrdreg s19  }
0x1e: {  	s11 =	sadd.s32 $0xB000, s5;
	s5 =	sadd.s32 s1, s12;
	[dreg:$0x18] =	wrdreg s0  }
0x1f: {  	s16 =	simm.s32 $0x180;
	s20 =	simm.s32 $0x3;
	[dreg:$0x3] =	wrdreg s10  }
0x20: {  	s21 =	simm.s32 $0x800;
	s22 =	simm.s32 $0x80;
	[dreg:$0x4] =	wrdreg s11  }
0x21: {  	s24 =	simm.s32 $0x1;
	s12 =	simm.s32 $0x700;
	[dreg:$0x1c] =	wrdreg s5  }
0x22: {  	s0 =	sshrl.u32 s25, $0x3;
	[dreg:$0x7] =	wrdreg s16;
	s5 =	sadd.s32 s7, s15  }
0x23: {  	s19 =	simm.s32 $0x200;
	s25 =	simm.s32 $0x380;
	s7 =	simm.s32 $0xD00  }
0x24: {  	s10 =	simm.s32 $0x680;
	s11 =	simm.s32 $0xE00;
	s15 =	simm.s32 $0xF00  }
0x25: {  	s16 =	simm.s32 $0xF80;
	s0 =	sadd.s32 s1, s0;
	[dreg:$0x9] =	wrdreg s19  }
0x26: {  	s5 =	sshrl.u32 s5, $0x3;
	s19 =	simm.s32 $0x1000;
	[dreg:$0xf] =	wrdreg s25  }
0x27: {  	s25 =	simm.s32 $0x2;
	[dreg:$0x1a] =	wrdreg s0;
	s1 =	sadd.s32 s1, s5  }
0x28: {  	v0 =	vimm.f32 $0.0e+00;
	s0 =	simm.s32 $0x580;
	[dreg:$0x1e] =	wrdreg s1;
	s1 =	simm.s32 $0xC80  }
.LBB2_1:
0x29: {  	[dreg:$0x1f] =	wrdreg s6;
	s6 =	simm.s32 $0x0;
	s18 =	simm.s32 $0x200  }
.LBB2_2:
0x2a: {  	p0 =	sne.s32 s18, $0xFE00;
	[tilespmem:s6+$0x1070] =	vst v0  }
0x2b: {  	[tilespmem:s6+$0x1000] =	vst v0  }
0x2c: {  	[tilespmem:s6+$0x1010] =	vst v0  }
.Ltmp0:
0x2d: {  	[tilespmem:s6+$0x1020] =	vst v0;
	(pc) =	sbr.rel @p0 .LBB2_2-.Ltmp0, $4  }
0x2e: {  	[tilespmem:s6+$0x1030] =	vst v0  }
0x2f: {  	[tilespmem:s6+$0x1040] =	vst v0  }
0x30: {  	[tilespmem:s6+$0x1050] =	vst v0  }
0x31: {  	[tilespmem:s6+$0x1060] =	vst v0;
	s6 =	sshra.s32 s18, $0x2;
	s18 =	sadd.s32 $0x200, s18  }
0x32: {  	[tilespmem:s6+$0x1070] =	vst v0  }
0x33: {  	[tilespmem:s6+$0x1000] =	vst v0  }
0x34: {  	[tilespmem:s6+$0x1010] =	vst v0  }
0x35: {  	[tilespmem:s6+$0x1020] =	vst v0  }
0x36: {  	[tilespmem:s6+$0x1030] =	vst v0  }
0x37: {  	[tilespmem:s6+$0x1040] =	vst v0  }
0x38: {  	[tilespmem:s6+$0x1050] =	vst v0  }
0x39: {  	[tilespmem:s6+$0x1060] =	vst v0  }
0x3a: {  	[spmem:s17] =	stream.linear.scatter [tilespmem:s19], [sflag:$0x3], $0x4000, $0x38;
	[tilespmem:$0x1CC00] =	vst v63  }
0x3b: {  	_ =	swait.ge [sflag:s20], $0x4000  }
0x3c: {  	[sflag:s20] =	ssyncset.done $0x0  }
0x3d: {  	s5 =	rddreg [dreg:$0x15];
	[sflag:s20] =	ssyncadd.s32 $0xFFFFC000  }
0x3e: {  	[spmem:s5] =	stream.linear.scatter [tilespmem:s19], [sflag:$0x3], $0x4000, $0x38;
	[tilespmem:$0x1CC00] =	vst v63  }
0x3f: {  	_ =	swait.ge [sflag:s20], $0x4000  }
0x40: {  	[sflag:s20] =	ssyncset.done $0x0  }
0x41: {  	s17 =	rddreg [dreg:$0x16];
	[sflag:s20] =	ssyncadd.s32 $0xFFFFC000  }
0x42: {  	[spmem:s17] =	stream.linear.scatter [tilespmem:s19], [sflag:$0x3], $0x4000, $0x38;
	[tilespmem:$0x1CC00] =	vst v63  }
0x43: {  	_ =	swait.ge [sflag:s20], $0x4000  }
0x44: {  	[sflag:s20] =	ssyncset.done $0x0  }
0x45: {  	s18 =	rddreg [dreg:$0x17];
	[sflag:s20] =	ssyncadd.s32 $0xFFFFC000  }
0x46: {  	[spmem:s18] =	stream.linear.scatter [tilespmem:s19], [sflag:$0x3], $0x4000, $0x38;
	[tilespmem:$0x1CC00] =	vst v63  }
0x47: {  	_ =	swait.ge [sflag:s20], $0x4000  }
0x48: {  	[sflag:s20] =	ssyncset.done $0x0  }
0x49: {  	s6 =	rddreg [dreg:$0x12];
	[sflag:s20] =	ssyncadd.s32 $0xFFFFC000  }
0x4a: {  	[spmem:s6] =	stream.linear.scatter [tilespmem:s19], [sflag:$0x3], $0x3C00, $0x38;
	[tilespmem:$0x1CC00] =	vst v63  }
0x4b: {  	_ =	swait.ge [sflag:s20], $0x3C00  }
0x4c: {  	[sflag:s20] =	ssyncset.done $0x0  }
0x4d: {  	[sflag:s20] =	ssyncadd.s32 $0xFFFFC400  }
0x4e: {  	[bflag:$0x0] =	sbarrier.arrive $0xFFFF  }
0x4f: {  	s17 =	rddreg [dreg:$0x4]  }
0x50: {  	s5 =	sadd.s32 $0x0, s17  }
0x51: {  	[tilespmem:s3], [sflag:$0x3] =	stream.linear.gather [hbm4b:s5+s3], $0x800, $0x38;
	[tilespmem:$0x1CC00] =	vst v63  }
0x52: {  	_ =	swait.ge [sflag:s20], $0x800  }
0x53: {  	s18 =	rddreg [dreg:$0x3];
	[sflag:s20] =	ssyncset.done $0x0  }
0x54: {  	[sflag:s20] =	ssyncadd.s32 $0xFFFFF800;
	s5 =	sadd.s32 $0x0, s18  }
0x55: {  	[tilespmem:s21], [sflag:$0x3] =	stream.linear.gather [hbm4b:s5+s3], $0x800, $0x38;
	[tilespmem:$0x1CC00] =	vst v63  }
0x56: {  	_ =	swait.ge [sflag:s20], $0x800  }
0x57: {  	[sflag:s20] =	ssyncset.done $0x0  }
0x58: {  	[sflag:s20] =	ssyncadd.s32 $0xFFFFF800  }
0x59: {  	[tilespmem:s19], [sflag:$0x1] =	stream.indirect.gather [hbm4b:s4+s22], $0x80, s3, s22, $0xb8;
	[tilespmem:$0x1CC00] =	vst v63  }
0x5a: {  	_ = 	snop  }
0x5b: {  	[tilespmem:s23], [sflag:$0x2] =	stream.indirect.gather [hbm4b:s4+s22], $0x80, s22, s22, $0xb8;
	[tilespmem:$0x1CC00] =	vst v63  }
0x5c: {  	_ =	swait.ge [sflag:s24], $0x4000  }
0x5d: {  	[sflag:s24] =	ssyncset.done $0x0  }
0x5e: {  	[sflag:s24] =	ssyncadd.s32 $0xFFFFC000  }
0x5f: {  	[spmem:s2] =	stream.indirect.scatter.add.f32 [tilespmem:s19], [sflag:$0x3], $0x80, s21, s22, $0xb8;
	[tilespmem:$0x1CC00] =	vst v63  }
0x60: {  	_ =	swait.ge [sflag:s20], $0x4000  }
0x61: {  	[sflag:s20] =	ssyncset.done $0x0  }
0x62: {  	s6 =	rddreg [dreg:$0x5];
	[sflag:s20] =	ssyncadd.s32 $0xFFFFC000  }
0x63: {  	[tilespmem:s19], [sflag:$0x1] =	stream.indirect.gather [hbm4b:s4+s22], $0x80, s6, s22, $0xb8;
	[tilespmem:$0x1CC00] =	vst v63  }
0x64: {  	_ =	swait.ge [sflag:s25], $0x4000  }
0x65: {  	[sflag:s25] =	ssyncset.done $0x0  }
0x66: {  	s17 =	rddreg [dreg:$0x6];
	[sflag:s25] =	ssyncadd.s32 $0xFFFFC000  }
0x67: {  	[spmem:s2] =	stream.indirect.scatter.add.f32 [tilespmem:s23], [sflag:$0x3], $0x80, s17, s22, $0xb8;
	[tilespmem:$0x1CC00] =	vst v63  }
0x68: {  	_ =	swait.ge [sflag:s20], $0x4000  }
0x69: {  	[sflag:s20] =	ssyncset.done $0x0  }
0x6a: {  	s18 =	rddreg [dreg:$0x7];
	[sflag:s20] =	ssyncadd.s32 $0xFFFFC000  }
0x6b: {  	[tilespmem:s23], [sflag:$0x2] =	stream.indirect.gather [hbm4b:s4+s22], $0x80, s18, s22, $0xb8;
	[tilespmem:$0x1CC00] =	vst v63  }
0x6c: {  	_ =	swait.ge [sflag:s24], $0x4000  }
0x6d: {  	[sflag:s24] =	ssyncset.done $0x0  }
0x6e: {  	s6 =	rddreg [dreg:$0x8];
	[sflag:s24] =	ssyncadd.s32 $0xFFFFC000  }
0x6f: {  	[spmem:s2] =	stream.indirect.scatter.add.f32 [tilespmem:s19], [sflag:$0x3], $0x80, s6, s22, $0xb8;
	[tilespmem:$0x1CC00] =	vst v63  }
0x70: {  	_ =	swait.ge [sflag:s20], $0x4000  }
0x71: {  	[sflag:s20] =	ssyncset.done $0x0  }
0x72: {  	s17 =	rddreg [dreg:$0x9];
	[sflag:s20] =	ssyncadd.s32 $0xFFFFC000  }
0x73: {  	[tilespmem:s19], [sflag:$0x1] =	stream.indirect.gather [hbm4b:s4+s22], $0x80, s17, s22, $0xb8;
	[tilespmem:$0x1CC00] =	vst v63  }
0x74: {  	_ =	swait.ge [sflag:s25], $0x4000  }
0x75: {  	[sflag:s25] =	ssyncset.done $0x0  }
0x76: {  	s18 =	rddreg [dreg:$0xa];
	[sflag:s25] =	ssyncadd.s32 $0xFFFFC000  }
0x77: {  	[spmem:s2] =	stream.indirect.scatter.add.f32 [tilespmem:s23], [sflag:$0x3], $0x80, s18, s22, $0xb8;
	[tilespmem:$0x1CC00] =	vst v63  }
0x78: {  	_ =	swait.ge [sflag:s20], $0x4000  }
0x79: {  	[sflag:s20] =	ssyncset.done $0x0  }
0x7a: {  	s6 =	rddreg [dreg:$0xb];
	[sflag:s20] =	ssyncadd.s32 $0xFFFFC000  }
0x7b: {  	[tilespmem:s23], [sflag:$0x2] =	stream.indirect.gather [hbm4b:s4+s22], $0x80, s6, s22, $0xb8;
	[tilespmem:$0x1CC00] =	vst v63  }
0x7c: {  	_ =	swait.ge [sflag:s24], $0x4000  }
0x7d: {  	[sflag:s24] =	ssyncset.done $0x0  }
0x7e: {  	s17 =	rddreg [dreg:$0xc];
	[sflag:s24] =	ssyncadd.s32 $0xFFFFC000  }
0x7f: {  	[spmem:s2] =	stream.indirect.scatter.add.f32 [tilespmem:s19], [sflag:$0x3], $0x80, s17, s22, $0xb8;
	[tilespmem:$0x1CC00] =	vst v63  }
0x80: {  	_ =	swait.ge [sflag:s20], $0x4000  }
0x81: {  	[sflag:s20] =	ssyncset.done $0x0  }
0x82: {  	s18 =	rddreg [dreg:$0xd];
	[sflag:s20] =	ssyncadd.s32 $0xFFFFC000  }
0x83: {  	[tilespmem:s19], [sflag:$0x1] =	stream.indirect.gather [hbm4b:s4+s22], $0x80, s18, s22, $0xb8;
	[tilespmem:$0x1CC00] =	vst v63  }
0x84: {  	_ =	swait.ge [sflag:s25], $0x4000  }
0x85: {  	[sflag:s25] =	ssyncset.done $0x0  }
0x86: {  	s6 =	rddreg [dreg:$0xe];
	[sflag:s25] =	ssyncadd.s32 $0xFFFFC000  }
0x87: {  	[spmem:s2] =	stream.indirect.scatter.add.f32 [tilespmem:s23], [sflag:$0x3], $0x80, s6, s22, $0xb8;
	[tilespmem:$0x1CC00] =	vst v63  }
0x88: {  	_ =	swait.ge [sflag:s20], $0x4000  }
0x89: {  	[sflag:s20] =	ssyncset.done $0x0  }
0x8a: {  	s17 =	rddreg [dreg:$0xf];
	[sflag:s20] =	ssyncadd.s32 $0xFFFFC000  }
0x8b: {  	[tilespmem:s23], [sflag:$0x2] =	stream.indirect.gather [hbm4b:s4+s22], $0x80, s17, s22, $0xb8;
	[tilespmem:$0x1CC00] =	vst v63  }
0x8c: {  	_ =	swait.ge [sflag:s24], $0x4000  }
0x8d: {  	[sflag:s24] =	ssyncset.done $0x0  }
0x8e: {  	s18 =	rddreg [dreg:$0x10];
	[sflag:s24] =	ssyncadd.s32 $0xFFFFC000  }
0x8f: {  	[spmem:s2] =	stream.indirect.scatter.add.f32 [tilespmem:s19], [sflag:$0x3], $0x80, s18, s22, $0xb8;
	[tilespmem:$0x1CC00] =	vst v63  }
0x90: {  	_ =	swait.ge [sflag:s20], $0x4000  }
0x91: {  	[sflag:s20] =	ssyncset.done $0x0  }
0x92: {  	[sflag:s20] =	ssyncadd.s32 $0xFFFFC000  }
0x93: {  	[tilespmem:s19], [sflag:$0x1] =	stream.indirect.gather [hbm4b:s4+s22], $0x80, s26, s22, $0xb8;
	[tilespmem:$0x1CC00] =	vst v63  }
0x94: {  	_ =	swait.ge [sflag:s25], $0x4000  }
0x95: {  	[sflag:s25] =	ssyncset.done $0x0  }
0x96: {  	[sflag:s25] =	ssyncadd.s32 $0xFFFFC000  }
0x97: {  	[spmem:s2] =	stream.indirect.scatter.add.f32 [tilespmem:s23], [sflag:$0x3], $0x80, s28, s22, $0xb8;
	[tilespmem:$0x1CC00] =	vst v63  }
0x98: {  	_ =	swait.ge [sflag:s20], $0x4000  }
0x99: {  	[sflag:s20] =	ssyncset.done $0x0  }
0x9a: {  	[sflag:s20] =	ssyncadd.s32 $0xFFFFC000  }
0x9b: {  	[tilespmem:s23], [sflag:$0x2] =	stream.indirect.gather [hbm4b:s4+s22], $0x80, s29, s22, $0xb8;
	[tilespmem:$0x1CC00] =	vst v63  }
0x9c: {  	_ =	swait.ge [sflag:s24], $0x4000  }
0x9d: {  	[sflag:s24] =	ssyncset.done $0x0  }
0x9e: {  	[sflag:s24] =	ssyncadd.s32 $0xFFFFC000  }
0x9f: {  	[spmem:s2] =	stream.indirect.scatter.add.f32 [tilespmem:s19], [sflag:$0x3], $0x80, s30, s22, $0xb8;
	[tilespmem:$0x1CC00] =	vst v63  }
0xa0: {  	_ =	swait.ge [sflag:s20], $0x4000  }
0xa1: {  	[sflag:s20] =	ssyncset.done $0x0  }
0xa2: {  	[sflag:s20] =	ssyncadd.s32 $0xFFFFC000  }
0xa3: {  	[tilespmem:s19], [sflag:$0x1] =	stream.indirect.gather [hbm4b:s4+s22], $0x80, s31, s22, $0xb8;
	[tilespmem:$0x1CC00] =	vst v63  }
0xa4: {  	_ =	swait.ge [sflag:s25], $0x4000  }
0xa5: {  	[sflag:s25] =	ssyncset.done $0x0  }
0xa6: {  	[sflag:s25] =	ssyncadd.s32 $0xFFFFC000  }
0xa7: {  	[spmem:s2] =	stream.indirect.scatter.add.f32 [tilespmem:s23], [sflag:$0x3], $0x80, s1, s22, $0xb8;
	[tilespmem:$0x1CC00] =	vst v63  }
0xa8: {  	_ =	swait.ge [sflag:s20], $0x4000  }
0xa9: {  	[sflag:s20] =	ssyncset.done $0x0  }
0xaa: {  	[sflag:s20] =	ssyncadd.s32 $0xFFFFC000  }
0xab: {  	[tilespmem:s23], [sflag:$0x2] =	stream.indirect.gather [hbm4b:s4+s22], $0x80, s0, s22, $0xb8;
	[tilespmem:$0x1CC00] =	vst v63  }
0xac: {  	_ =	swait.ge [sflag:s24], $0x4000  }
0xad: {  	[sflag:s24] =	ssyncset.done $0x0  }
0xae: {  	[sflag:s24] =	ssyncadd.s32 $0xFFFFC000  }
0xaf: {  	[spmem:s2] =	stream.indirect.scatter.add.f32 [tilespmem:s19], [sflag:$0x3], $0x80, s7, s22, $0xb8;
	[tilespmem:$0x1CC00] =	vst v63  }
0xb0: {  	_ =	swait.ge [sflag:s20], $0x4000  }
0xb1: {  	[sflag:s20] =	ssyncset.done $0x0  }
0xb2: {  	[sflag:s20] =	ssyncadd.s32 $0xFFFFC000  }
0xb3: {  	[tilespmem:s19], [sflag:$0x1] =	stream.indirect.gather [hbm4b:s4+s22], $0x80, s8, s22, $0xb8;
	[tilespmem:$0x1CC00] =	vst v63  }
0xb4: {  	_ =	swait.ge [sflag:s25], $0x4000  }
0xb5: {  	[sflag:s25] =	ssyncset.done $0x0  }
0xb6: {  	[sflag:s25] =	ssyncadd.s32 $0xFFFFC000  }
0xb7: {  	[spmem:s2] =	stream.indirect.scatter.add.f32 [tilespmem:s23], [sflag:$0x3], $0x80, s9, s22, $0xb8;
	[tilespmem:$0x1CC00] =	vst v63  }
0xb8: {  	_ =	swait.ge [sflag:s20], $0x4000  }
0xb9: {  	[sflag:s20] =	ssyncset.done $0x0  }
0xba: {  	[sflag:s20] =	ssyncadd.s32 $0xFFFFC000  }
0xbb: {  	[tilespmem:s23], [sflag:$0x2] =	stream.indirect.gather [hbm4b:s4+s22], $0x80, s10, s22, $0xb8;
	[tilespmem:$0x1CC00] =	vst v63  }
0xbc: {  	_ =	swait.ge [sflag:s24], $0x4000  }
0xbd: {  	[sflag:s24] =	ssyncset.done $0x0  }
0xbe: {  	[sflag:s24] =	ssyncadd.s32 $0xFFFFC000  }
0xbf: {  	[spmem:s2] =	stream.indirect.scatter.add.f32 [tilespmem:s19], [sflag:$0x3], $0x80, s11, s22, $0xb8;
	[tilespmem:$0x1CC00] =	vst v63  }
0xc0: {  	_ =	swait.ge [sflag:s20], $0x4000  }
0xc1: {  	[sflag:s20] =	ssyncset.done $0x0  }
0xc2: {  	[sflag:s20] =	ssyncadd.s32 $0xFFFFC000  }
0xc3: {  	[tilespmem:s19], [sflag:$0x1] =	stream.indirect.gather [hbm4b:s4+s22], $0x80, s12, s22, $0xb8;
	[tilespmem:$0x1CC00] =	vst v63  }
0xc4: {  	_ =	swait.ge [sflag:s25], $0x4000  }
0xc5: {  	[sflag:s25] =	ssyncset.done $0x0  }
0xc6: {  	[sflag:s25] =	ssyncadd.s32 $0xFFFFC000  }
0xc7: {  	[spmem:s2] =	stream.indirect.scatter.add.f32 [tilespmem:s23], [sflag:$0x3], $0x80, s13, s22, $0xb8;
	[tilespmem:$0x1CC00] =	vst v63  }
0xc8: {  	_ =	swait.ge [sflag:s20], $0x4000  }
0xc9: {  	[sflag:s20] =	ssyncset.done $0x0  }
0xca: {  	[sflag:s20] =	ssyncadd.s32 $0xFFFFC000  }
0xcb: {  	[tilespmem:s23], [sflag:$0x2] =	stream.indirect.gather [hbm4b:s4+s22], $0x80, s14, s22, $0xb8;
	[tilespmem:$0x1CC00] =	vst v63  }
0xcc: {  	_ =	swait.ge [sflag:s24], $0x4000  }
0xcd: {  	[sflag:s24] =	ssyncset.done $0x0  }
0xce: {  	[sflag:s24] =	ssyncadd.s32 $0xFFFFC000  }
0xcf: {  	[spmem:s2] =	stream.indirect.scatter.add.f32 [tilespmem:s19], [sflag:$0x3], $0x80, s15, s22, $0xb8;
	[tilespmem:$0x1CC00] =	vst v63  }
0xd0: {  	_ =	swait.ge [sflag:s20], $0x4000  }
0xd1: {  	[sflag:s20] =	ssyncset.done $0x0  }
0xd2: {  	[sflag:s20] =	ssyncadd.s32 $0xFFFFC000  }
0xd3: {  	_ =	swait.ge [sflag:s25], $0x4000  }
0xd4: {  	[sflag:s25] =	ssyncset.done $0x0  }
0xd5: {  	[sflag:s25] =	ssyncadd.s32 $0xFFFFC000  }
0xd6: {  	[spmem:s2] =	stream.indirect.scatter.add.f32 [tilespmem:s23], [sflag:$0x3], $0x80, s16, s22, $0xb8;
	[tilespmem:$0x1CC00] =	vst v63  }
0xd7: {  	s6 =	simm.s32 $0x200;
	_ =	swait.ge [sflag:s20], $0x4000  }
0xd8: {  	s18 =	simm.s32 $0x100;
	s5 =	rddreg [dreg:$0x4];
	[sflag:s20] =	ssyncset.done $0x0  }
.LBB2_4:
0xd9: {  	[sflag:s20] =	ssyncadd.s32 $0xFFFFC000;
	s5 =	sadd.s32 s18, s5  }
0xda: {  	[tilespmem:s3], [sflag:$0x3] =	stream.linear.gather [hbm4b:s5+s3], $0x800, $0x38;
	[tilespmem:$0x1CC00] =	vst v63  }
0xdb: {  	_ =	swait.ge [sflag:s20], $0x800  }
0xdc: {  	s5 =	rddreg [dreg:$0x3];
	[sflag:s20] =	ssyncset.done $0x0  }
0xdd: {  	[sflag:s20] =	ssyncadd.s32 $0xFFFFF800;
	s5 =	sadd.s32 s18, s5  }
0xde: {  	[tilespmem:s21], [sflag:$0x3] =	stream.linear.gather [hbm4b:s5+s3], $0x800, $0x38;
	[tilespmem:$0x1CC00] =	vst v63  }
0xdf: {  	_ =	swait.ge [sflag:s20], $0x800  }
0xe0: {  	[sflag:s20] =	ssyncset.done $0x0  }
0xe1: {  	[sflag:s20] =	ssyncadd.s32 $0xFFFFF800  }
0xe2: {  	[tilespmem:s19], [sflag:$0x1] =	stream.indirect.gather [hbm4b:s4+s22], $0x80, s3, s22, $0xb8;
	[tilespmem:$0x1CC00] =	vst v63  }
0xe3: {  	_ = 	snop  }
0xe4: {  	[tilespmem:s23], [sflag:$0x2] =	stream.indirect.gather [hbm4b:s4+s22], $0x80, s22, s22, $0xb8;
	[tilespmem:$0x1CC00] =	vst v63  }
0xe5: {  	_ =	swait.ge [sflag:s24], $0x4000  }
0xe6: {  	[sflag:s24] =	ssyncset.done $0x0  }
0xe7: {  	[sflag:s24] =	ssyncadd.s32 $0xFFFFC000  }
0xe8: {  	[spmem:s2] =	stream.indirect.scatter.add.f32 [tilespmem:s19], [sflag:$0x3], $0x80, s21, s22, $0xb8;
	[tilespmem:$0x1CC00] =	vst v63  }
0xe9: {  	_ =	swait.ge [sflag:s20], $0x4000  }
0xea: {  	s17 =	smov.u32 s6;
	[sflag:s20] =	ssyncset.done $0x0  }
0xeb: {  	s18 =	smov.u32 s17;
	s17 =	rddreg [dreg:$0x5];
	[sflag:s20] =	ssyncadd.s32 $0xFFFFC000  }
0xec: {  	[tilespmem:s19], [sflag:$0x1] =	stream.indirect.gather [hbm4b:s4+s22], $0x80, s17, s22, $0xb8;
	[tilespmem:$0x1CC00] =	vst v63  }
0xed: {  	_ =	swait.ge [sflag:s25], $0x4000  }
0xee: {  	[sflag:s25] =	ssyncset.done $0x0  }
0xef: {  	s17 =	rddreg [dreg:$0x6];
	[sflag:s25] =	ssyncadd.s32 $0xFFFFC000  }
0xf0: {  	[spmem:s2] =	stream.indirect.scatter.add.f32 [tilespmem:s23], [sflag:$0x3], $0x80, s17, s22, $0xb8;
	[tilespmem:$0x1CC00] =	vst v63  }
0xf1: {  	_ =	swait.ge [sflag:s20], $0x4000  }
0xf2: {  	[sflag:s20] =	ssyncset.done $0x0  }
0xf3: {  	s17 =	rddreg [dreg:$0x7];
	[sflag:s20] =	ssyncadd.s32 $0xFFFFC000  }
0xf4: {  	[tilespmem:s23], [sflag:$0x2] =	stream.indirect.gather [hbm4b:s4+s22], $0x80, s17, s22, $0xb8;
	[tilespmem:$0x1CC00] =	vst v63  }
0xf5: {  	_ =	swait.ge [sflag:s24], $0x4000  }
0xf6: {  	[sflag:s24] =	ssyncset.done $0x0  }
0xf7: {  	s17 =	rddreg [dreg:$0x8];
	[sflag:s24] =	ssyncadd.s32 $0xFFFFC000  }
0xf8: {  	[spmem:s2] =	stream.indirect.scatter.add.f32 [tilespmem:s19], [sflag:$0x3], $0x80, s17, s22, $0xb8;
	[tilespmem:$0x1CC00] =	vst v63  }
0xf9: {  	_ =	swait.ge [sflag:s20], $0x4000  }
0xfa: {  	[sflag:s20] =	ssyncset.done $0x0  }
0xfb: {  	s17 =	rddreg [dreg:$0x9];
	[sflag:s20] =	ssyncadd.s32 $0xFFFFC000  }
0xfc: {  	[tilespmem:s19], [sflag:$0x1] =	stream.indirect.gather [hbm4b:s4+s22], $0x80, s17, s22, $0xb8;
	[tilespmem:$0x1CC00] =	vst v63  }
0xfd: {  	_ =	swait.ge [sflag:s25], $0x4000  }
0xfe: {  	[sflag:s25] =	ssyncset.done $0x0  }
0xff: {  	s17 =	rddreg [dreg:$0xa];
	[sflag:s25] =	ssyncadd.s32 $0xFFFFC000  }
0x100: {  	[spmem:s2] =	stream.indirect.scatter.add.f32 [tilespmem:s23], [sflag:$0x3], $0x80, s17, s22, $0xb8;
	[tilespmem:$0x1CC00] =	vst v63  }
0x101: {  	_ =	swait.ge [sflag:s20], $0x4000  }
0x102: {  	[sflag:s20] =	ssyncset.done $0x0  }
0x103: {  	s17 =	rddreg [dreg:$0xb];
	[sflag:s20] =	ssyncadd.s32 $0xFFFFC000  }
0x104: {  	[tilespmem:s23], [sflag:$0x2] =	stream.indirect.gather [hbm4b:s4+s22], $0x80, s17, s22, $0xb8;
	[tilespmem:$0x1CC00] =	vst v63  }
0x105: {  	_ =	swait.ge [sflag:s24], $0x4000  }
0x106: {  	[sflag:s24] =	ssyncset.done $0x0  }
0x107: {  	s17 =	rddreg [dreg:$0xc];
	[sflag:s24] =	ssyncadd.s32 $0xFFFFC000  }
0x108: {  	[spmem:s2] =	stream.indirect.scatter.add.f32 [tilespmem:s19], [sflag:$0x3], $0x80, s17, s22, $0xb8;
	[tilespmem:$0x1CC00] =	vst v63  }
0x109: {  	_ =	swait.ge [sflag:s20], $0x4000  }
0x10a: {  	[sflag:s20] =	ssyncset.done $0x0  }
0x10b: {  	s17 =	rddreg [dreg:$0xd];
	[sflag:s20] =	ssyncadd.s32 $0xFFFFC000  }
0x10c: {  	[tilespmem:s19], [sflag:$0x1] =	stream.indirect.gather [hbm4b:s4+s22], $0x80, s17, s22, $0xb8;
	[tilespmem:$0x1CC00] =	vst v63  }
0x10d: {  	_ =	swait.ge [sflag:s25], $0x4000  }
0x10e: {  	[sflag:s25] =	ssyncset.done $0x0  }
0x10f: {  	s17 =	rddreg [dreg:$0xe];
	[sflag:s25] =	ssyncadd.s32 $0xFFFFC000  }
0x110: {  	[spmem:s2] =	stream.indirect.scatter.add.f32 [tilespmem:s23], [sflag:$0x3], $0x80, s17, s22, $0xb8;
	[tilespmem:$0x1CC00] =	vst v63  }
0x111: {  	_ =	swait.ge [sflag:s20], $0x4000  }
0x112: {  	[sflag:s20] =	ssyncset.done $0x0  }
0x113: {  	s17 =	rddreg [dreg:$0xf];
	[sflag:s20] =	ssyncadd.s32 $0xFFFFC000  }
0x114: {  	[tilespmem:s23], [sflag:$0x2] =	stream.indirect.gather [hbm4b:s4+s22], $0x80, s17, s22, $0xb8;
	[tilespmem:$0x1CC00] =	vst v63  }
0x115: {  	_ =	swait.ge [sflag:s24], $0x4000  }
0x116: {  	[sflag:s24] =	ssyncset.done $0x0  }
0x117: {  	s17 =	rddreg [dreg:$0x10];
	[sflag:s24] =	ssyncadd.s32 $0xFFFFC000  }
0x118: {  	[spmem:s2] =	stream.indirect.scatter.add.f32 [tilespmem:s19], [sflag:$0x3], $0x80, s17, s22, $0xb8;
	[tilespmem:$0x1CC00] =	vst v63  }
0x119: {  	_ =	swait.ge [sflag:s20], $0x4000  }
0x11a: {  	[sflag:s20] =	ssyncset.done $0x0  }
0x11b: {  	[sflag:s20] =	ssyncadd.s32 $0xFFFFC000  }
0x11c: {  	[tilespmem:s19], [sflag:$0x1] =	stream.indirect.gather [hbm4b:s4+s22], $0x80, s26, s22, $0xb8;
	[tilespmem:$0x1CC00] =	vst v63  }
0x11d: {  	_ =	swait.ge [sflag:s25], $0x4000  }
0x11e: {  	[sflag:s25] =	ssyncset.done $0x0  }
0x11f: {  	[sflag:s25] =	ssyncadd.s32 $0xFFFFC000  }
0x120: {  	[spmem:s2] =	stream.indirect.scatter.add.f32 [tilespmem:s23], [sflag:$0x3], $0x80, s28, s22, $0xb8;
	[tilespmem:$0x1CC00] =	vst v63  }
0x121: {  	_ =	swait.ge [sflag:s20], $0x4000  }
0x122: {  	[sflag:s20] =	ssyncset.done $0x0  }
0x123: {  	[sflag:s20] =	ssyncadd.s32 $0xFFFFC000  }
0x124: {  	[tilespmem:s23], [sflag:$0x2] =	stream.indirect.gather [hbm4b:s4+s22], $0x80, s29, s22, $0xb8;
	[tilespmem:$0x1CC00] =	vst v63  }
0x125: {  	_ =	swait.ge [sflag:s24], $0x4000  }
0x126: {  	[sflag:s24] =	ssyncset.done $0x0  }
0x127: {  	[sflag:s24] =	ssyncadd.s32 $0xFFFFC000  }
0x128: {  	[spmem:s2] =	stream.indirect.scatter.add.f32 [tilespmem:s19], [sflag:$0x3], $0x80, s30, s22, $0xb8;
	[tilespmem:$0x1CC00] =	vst v63  }
0x129: {  	_ =	swait.ge [sflag:s20], $0x4000  }
0x12a: {  	[sflag:s20] =	ssyncset.done $0x0  }
0x12b: {  	[sflag:s20] =	ssyncadd.s32 $0xFFFFC000  }
0x12c: {  	[tilespmem:s19], [sflag:$0x1] =	stream.indirect.gather [hbm4b:s4+s22], $0x80, s31, s22, $0xb8;
	[tilespmem:$0x1CC00] =	vst v63  }
0x12d: {  	_ =	swait.ge [sflag:s25], $0x4000  }
0x12e: {  	[sflag:s25] =	ssyncset.done $0x0  }
0x12f: {  	[sflag:s25] =	ssyncadd.s32 $0xFFFFC000  }
0x130: {  	[spmem:s2] =	stream.indirect.scatter.add.f32 [tilespmem:s23], [sflag:$0x3], $0x80, s1, s22, $0xb8;
	[tilespmem:$0x1CC00] =	vst v63  }
0x131: {  	_ =	swait.ge [sflag:s20], $0x4000  }
0x132: {  	[sflag:s20] =	ssyncset.done $0x0  }
0x133: {  	[sflag:s20] =	ssyncadd.s32 $0xFFFFC000  }
0x134: {  	[tilespmem:s23], [sflag:$0x2] =	stream.indirect.gather [hbm4b:s4+s22], $0x80, s0, s22, $0xb8;
	[tilespmem:$0x1CC00] =	vst v63  }
0x135: {  	_ =	swait.ge [sflag:s24], $0x4000  }
0x136: {  	[sflag:s24] =	ssyncset.done $0x0  }
0x137: {  	[sflag:s24] =	ssyncadd.s32 $0xFFFFC000  }
0x138: {  	[spmem:s2] =	stream.indirect.scatter.add.f32 [tilespmem:s19], [sflag:$0x3], $0x80, s7, s22, $0xb8;
	[tilespmem:$0x1CC00] =	vst v63  }
0x139: {  	_ =	swait.ge [sflag:s20], $0x4000  }
0x13a: {  	[sflag:s20] =	ssyncset.done $0x0  }
0x13b: {  	[sflag:s20] =	ssyncadd.s32 $0xFFFFC000  }
0x13c: {  	[tilespmem:s19], [sflag:$0x1] =	stream.indirect.gather [hbm4b:s4+s22], $0x80, s8, s22, $0xb8;
	[tilespmem:$0x1CC00] =	vst v63  }
0x13d: {  	_ =	swait.ge [sflag:s25], $0x4000  }
0x13e: {  	[sflag:s25] =	ssyncset.done $0x0  }
0x13f: {  	[sflag:s25] =	ssyncadd.s32 $0xFFFFC000  }
0x140: {  	[spmem:s2] =	stream.indirect.scatter.add.f32 [tilespmem:s23], [sflag:$0x3], $0x80, s9, s22, $0xb8;
	[tilespmem:$0x1CC00] =	vst v63  }
0x141: {  	_ =	swait.ge [sflag:s20], $0x4000  }
0x142: {  	[sflag:s20] =	ssyncset.done $0x0  }
0x143: {  	[sflag:s20] =	ssyncadd.s32 $0xFFFFC000  }
0x144: {  	[tilespmem:s23], [sflag:$0x2] =	stream.indirect.gather [hbm4b:s4+s22], $0x80, s10, s22, $0xb8;
	[tilespmem:$0x1CC00] =	vst v63  }
0x145: {  	_ =	swait.ge [sflag:s24], $0x4000  }
0x146: {  	[sflag:s24] =	ssyncset.done $0x0  }
0x147: {  	[sflag:s24] =	ssyncadd.s32 $0xFFFFC000  }
0x148: {  	[spmem:s2] =	stream.indirect.scatter.add.f32 [tilespmem:s19], [sflag:$0x3], $0x80, s11, s22, $0xb8;
	[tilespmem:$0x1CC00] =	vst v63  }
0x149: {  	_ =	swait.ge [sflag:s20], $0x4000  }
0x14a: {  	[sflag:s20] =	ssyncset.done $0x0  }
0x14b: {  	[sflag:s20] =	ssyncadd.s32 $0xFFFFC000  }
0x14c: {  	[tilespmem:s19], [sflag:$0x1] =	stream.indirect.gather [hbm4b:s4+s22], $0x80, s12, s22, $0xb8;
	[tilespmem:$0x1CC00] =	vst v63  }
0x14d: {  	_ =	swait.ge [sflag:s25], $0x4000  }
0x14e: {  	[sflag:s25] =	ssyncset.done $0x0  }
0x14f: {  	[sflag:s25] =	ssyncadd.s32 $0xFFFFC000  }
0x150: {  	[spmem:s2] =	stream.indirect.scatter.add.f32 [tilespmem:s23], [sflag:$0x3], $0x80, s13, s22, $0xb8;
	[tilespmem:$0x1CC00] =	vst v63  }
0x151: {  	_ =	swait.ge [sflag:s20], $0x4000  }
0x152: {  	[sflag:s20] =	ssyncset.done $0x0  }
0x153: {  	[sflag:s20] =	ssyncadd.s32 $0xFFFFC000  }
0x154: {  	[tilespmem:s23], [sflag:$0x2] =	stream.indirect.gather [hbm4b:s4+s22], $0x80, s14, s22, $0xb8;
	[tilespmem:$0x1CC00] =	vst v63  }
0x155: {  	_ =	swait.ge [sflag:s24], $0x4000  }
0x156: {  	[sflag:s24] =	ssyncset.done $0x0  }
0x157: {  	[sflag:s24] =	ssyncadd.s32 $0xFFFFC000  }
0x158: {  	[spmem:s2] =	stream.indirect.scatter.add.f32 [tilespmem:s19], [sflag:$0x3], $0x80, s15, s22, $0xb8;
	[tilespmem:$0x1CC00] =	vst v63  }
0x159: {  	_ =	swait.ge [sflag:s20], $0x4000  }
0x15a: {  	[sflag:s20] =	ssyncset.done $0x0  }
0x15b: {  	[sflag:s20] =	ssyncadd.s32 $0xFFFFC000  }
0x15c: {  	p0 =	sne.s32 s6, $0x400;
	_ =	swait.ge [sflag:s25], $0x4000  }
.Ltmp1:
0x15d: {  	[sflag:s25] =	ssyncset.done $0x0;
	(pc) =	sbr.rel @p0 .LBB2_4-.Ltmp1, $4  }
0x15e: {  	[sflag:s25] =	ssyncadd.s32 $0xFFFFC000  }
0x15f: {  	[spmem:s2] =	stream.indirect.scatter.add.f32 [tilespmem:s23], [sflag:$0x3], $0x80, s16, s22, $0xb8;
	[tilespmem:$0x1CC00] =	vst v63  }
0x160: {  	_ =	swait.ge [sflag:s20], $0x4000  }
0x161: {  	s6 =	sadd.s32 $0x100, s6;
	s5 =	rddreg [dreg:$0x4];
	[sflag:s20] =	ssyncset.done $0x0  }
0x162: {  	[sflag:s20] =	ssyncadd.s32 $0xFFFFC000;
	s5 =	sadd.s32 s18, s5  }
0x163: {  	[tilespmem:s3], [sflag:$0x3] =	stream.linear.gather [hbm4b:s5+s3], $0x800, $0x38;
	[tilespmem:$0x1CC00] =	vst v63  }
0x164: {  	_ =	swait.ge [sflag:s20], $0x800  }
0x165: {  	s17 =	rddreg [dreg:$0x3];
	[sflag:s20] =	ssyncset.done $0x0  }
0x166: {  	s5 =	sadd.s32 s18, s17;
	[sflag:s20] =	ssyncadd.s32 $0xFFFFF800  }
0x167: {  	[tilespmem:s21], [sflag:$0x3] =	stream.linear.gather [hbm4b:s5+s3], $0x800, $0x38;
	[tilespmem:$0x1CC00] =	vst v63  }
0x168: {  	_ =	swait.ge [sflag:s20], $0x800  }
0x169: {  	[sflag:s20] =	ssyncset.done $0x0  }
0x16a: {  	[sflag:s20] =	ssyncadd.s32 $0xFFFFF800  }
0x16b: {  	[tilespmem:s19], [sflag:$0x1] =	stream.indirect.gather [hbm4b:s4+s22], $0x80, s3, s22, $0xb8;
	[tilespmem:$0x1CC00] =	vst v63  }
0x16c: {  	_ = 	snop  }
0x16d: {  	[tilespmem:s23], [sflag:$0x2] =	stream.indirect.gather [hbm4b:s4+s22], $0x80, s22, s22, $0xb8;
	[tilespmem:$0x1CC00] =	vst v63  }
0x16e: {  	_ =	swait.ge [sflag:s24], $0x4000  }
0x16f: {  	[sflag:s24] =	ssyncset.done $0x0  }
0x170: {  	[sflag:s24] =	ssyncadd.s32 $0xFFFFC000  }
0x171: {  	[spmem:s2] =	stream.indirect.scatter.add.f32 [tilespmem:s19], [sflag:$0x3], $0x80, s21, s22, $0xb8;
	[tilespmem:$0x1CC00] =	vst v63  }
0x172: {  	_ =	swait.ge [sflag:s20], $0x4000  }
0x173: {  	[sflag:s20] =	ssyncset.done $0x0  }
0x174: {  	s6 =	rddreg [dreg:$0x5];
	[sflag:s20] =	ssyncadd.s32 $0xFFFFC000  }
0x175: {  	[tilespmem:s19], [sflag:$0x1] =	stream.indirect.gather [hbm4b:s4+s22], $0x80, s6, s22, $0xb8;
	[tilespmem:$0x1CC00] =	vst v63  }
0x176: {  	_ =	swait.ge [sflag:s25], $0x4000  }
0x177: {  	[sflag:s25] =	ssyncset.done $0x0  }
0x178: {  	s17 =	rddreg [dreg:$0x6];
	[sflag:s25] =	ssyncadd.s32 $0xFFFFC000  }
0x179: {  	[spmem:s2] =	stream.indirect.scatter.add.f32 [tilespmem:s23], [sflag:$0x3], $0x80, s17, s22, $0xb8;
	[tilespmem:$0x1CC00] =	vst v63  }
0x17a: {  	_ =	swait.ge [sflag:s20], $0x4000  }
0x17b: {  	[sflag:s20] =	ssyncset.done $0x0  }
0x17c: {  	s18 =	rddreg [dreg:$0x7];
	[sflag:s20] =	ssyncadd.s32 $0xFFFFC000  }
0x17d: {  	[tilespmem:s23], [sflag:$0x2] =	stream.indirect.gather [hbm4b:s4+s22], $0x80, s18, s22, $0xb8;
	[tilespmem:$0x1CC00] =	vst v63  }
0x17e: {  	_ =	swait.ge [sflag:s24], $0x4000  }
0x17f: {  	[sflag:s24] =	ssyncset.done $0x0  }
0x180: {  	s6 =	rddreg [dreg:$0x8];
	[sflag:s24] =	ssyncadd.s32 $0xFFFFC000  }
0x181: {  	[spmem:s2] =	stream.indirect.scatter.add.f32 [tilespmem:s19], [sflag:$0x3], $0x80, s6, s22, $0xb8;
	[tilespmem:$0x1CC00] =	vst v63  }
0x182: {  	_ =	swait.ge [sflag:s20], $0x4000  }
0x183: {  	[sflag:s20] =	ssyncset.done $0x0  }
0x184: {  	s17 =	rddreg [dreg:$0x9];
	[sflag:s20] =	ssyncadd.s32 $0xFFFFC000  }
0x185: {  	[tilespmem:s19], [sflag:$0x1] =	stream.indirect.gather [hbm4b:s4+s22], $0x80, s17, s22, $0xb8;
	[tilespmem:$0x1CC00] =	vst v63  }
0x186: {  	_ =	swait.ge [sflag:s25], $0x4000  }
0x187: {  	[sflag:s25] =	ssyncset.done $0x0  }
0x188: {  	s18 =	rddreg [dreg:$0xa];
	[sflag:s25] =	ssyncadd.s32 $0xFFFFC000  }
0x189: {  	[spmem:s2] =	stream.indirect.scatter.add.f32 [tilespmem:s23], [sflag:$0x3], $0x80, s18, s22, $0xb8;
	[tilespmem:$0x1CC00] =	vst v63  }
0x18a: {  	_ =	swait.ge [sflag:s20], $0x4000  }
0x18b: {  	[sflag:s20] =	ssyncset.done $0x0  }
0x18c: {  	s6 =	rddreg [dreg:$0xb];
	[sflag:s20] =	ssyncadd.s32 $0xFFFFC000  }
0x18d: {  	[tilespmem:s23], [sflag:$0x2] =	stream.indirect.gather [hbm4b:s4+s22], $0x80, s6, s22, $0xb8;
	[tilespmem:$0x1CC00] =	vst v63  }
0x18e: {  	_ =	swait.ge [sflag:s24], $0x4000  }
0x18f: {  	[sflag:s24] =	ssyncset.done $0x0  }
0x190: {  	s17 =	rddreg [dreg:$0xc];
	[sflag:s24] =	ssyncadd.s32 $0xFFFFC000  }
0x191: {  	[spmem:s2] =	stream.indirect.scatter.add.f32 [tilespmem:s19], [sflag:$0x3], $0x80, s17, s22, $0xb8;
	[tilespmem:$0x1CC00] =	vst v63  }
0x192: {  	_ =	swait.ge [sflag:s20], $0x4000  }
0x193: {  	[sflag:s20] =	ssyncset.done $0x0  }
0x194: {  	s18 =	rddreg [dreg:$0xd];
	[sflag:s20] =	ssyncadd.s32 $0xFFFFC000  }
0x195: {  	[tilespmem:s19], [sflag:$0x1] =	stream.indirect.gather [hbm4b:s4+s22], $0x80, s18, s22, $0xb8;
	[tilespmem:$0x1CC00] =	vst v63  }
0x196: {  	_ =	swait.ge [sflag:s25], $0x4000  }
0x197: {  	[sflag:s25] =	ssyncset.done $0x0  }
0x198: {  	s6 =	rddreg [dreg:$0xe];
	[sflag:s25] =	ssyncadd.s32 $0xFFFFC000  }
0x199: {  	[spmem:s2] =	stream.indirect.scatter.add.f32 [tilespmem:s23], [sflag:$0x3], $0x80, s6, s22, $0xb8;
	[tilespmem:$0x1CC00] =	vst v63  }
0x19a: {  	_ =	swait.ge [sflag:s20], $0x4000  }
0x19b: {  	[sflag:s20] =	ssyncset.done $0x0  }
0x19c: {  	s17 =	rddreg [dreg:$0xf];
	[sflag:s20] =	ssyncadd.s32 $0xFFFFC000  }
0x19d: {  	[tilespmem:s23], [sflag:$0x2] =	stream.indirect.gather [hbm4b:s4+s22], $0x80, s17, s22, $0xb8;
	[tilespmem:$0x1CC00] =	vst v63  }
0x19e: {  	_ =	swait.ge [sflag:s24], $0x4000  }
0x19f: {  	[sflag:s24] =	ssyncset.done $0x0  }
0x1a0: {  	s18 =	rddreg [dreg:$0x10];
	[sflag:s24] =	ssyncadd.s32 $0xFFFFC000  }
0x1a1: {  	[spmem:s2] =	stream.indirect.scatter.add.f32 [tilespmem:s19], [sflag:$0x3], $0x80, s18, s22, $0xb8;
	[tilespmem:$0x1CC00] =	vst v63  }
0x1a2: {  	_ =	swait.ge [sflag:s20], $0x4000  }
0x1a3: {  	[sflag:s20] =	ssyncset.done $0x0  }
0x1a4: {  	[sflag:s20] =	ssyncadd.s32 $0xFFFFC000  }
0x1a5: {  	[tilespmem:s19], [sflag:$0x1] =	stream.indirect.gather [hbm4b:s4+s22], $0x80, s26, s22, $0xb8;
	[tilespmem:$0x1CC00] =	vst v63  }
0x1a6: {  	_ =	swait.ge [sflag:s25], $0x4000  }
0x1a7: {  	[sflag:s25] =	ssyncset.done $0x0  }
0x1a8: {  	[sflag:s25] =	ssyncadd.s32 $0xFFFFC000  }
0x1a9: {  	[spmem:s2] =	stream.indirect.scatter.add.f32 [tilespmem:s23], [sflag:$0x3], $0x80, s28, s22, $0xb8;
	[tilespmem:$0x1CC00] =	vst v63  }
0x1aa: {  	_ =	swait.ge [sflag:s20], $0x4000  }
0x1ab: {  	[sflag:s20] =	ssyncset.done $0x0  }
0x1ac: {  	[sflag:s20] =	ssyncadd.s32 $0xFFFFC000  }
0x1ad: {  	[tilespmem:s23], [sflag:$0x2] =	stream.indirect.gather [hbm4b:s4+s22], $0x80, s29, s22, $0xb8;
	[tilespmem:$0x1CC00] =	vst v63  }
0x1ae: {  	_ =	swait.ge [sflag:s24], $0x4000  }
0x1af: {  	[sflag:s24] =	ssyncset.done $0x0  }
0x1b0: {  	[sflag:s24] =	ssyncadd.s32 $0xFFFFC000  }
0x1b1: {  	[spmem:s2] =	stream.indirect.scatter.add.f32 [tilespmem:s19], [sflag:$0x3], $0x80, s30, s22, $0xb8;
	[tilespmem:$0x1CC00] =	vst v63  }
0x1b2: {  	_ =	swait.ge [sflag:s20], $0x4000  }
0x1b3: {  	[sflag:s20] =	ssyncset.done $0x0  }
0x1b4: {  	[sflag:s20] =	ssyncadd.s32 $0xFFFFC000  }
0x1b5: {  	[tilespmem:s19], [sflag:$0x1] =	stream.indirect.gather [hbm4b:s4+s22], $0x80, s31, s22, $0xb8;
	[tilespmem:$0x1CC00] =	vst v63  }
0x1b6: {  	_ =	swait.ge [sflag:s25], $0x4000  }
0x1b7: {  	[sflag:s25] =	ssyncset.done $0x0  }
0x1b8: {  	[sflag:s25] =	ssyncadd.s32 $0xFFFFC000  }
0x1b9: {  	[spmem:s2] =	stream.indirect.scatter.add.f32 [tilespmem:s23], [sflag:$0x3], $0x80, s1, s22, $0xb8;
	[tilespmem:$0x1CC00] =	vst v63  }
0x1ba: {  	_ =	swait.ge [sflag:s20], $0x4000  }
0x1bb: {  	[sflag:s20] =	ssyncset.done $0x0  }
0x1bc: {  	[sflag:s20] =	ssyncadd.s32 $0xFFFFC000  }
0x1bd: {  	[tilespmem:s23], [sflag:$0x2] =	stream.indirect.gather [hbm4b:s4+s22], $0x80, s0, s22, $0xb8;
	[tilespmem:$0x1CC00] =	vst v63  }
0x1be: {  	_ =	swait.ge [sflag:s24], $0x4000  }
0x1bf: {  	[sflag:s24] =	ssyncset.done $0x0  }
0x1c0: {  	[sflag:s24] =	ssyncadd.s32 $0xFFFFC000  }
0x1c1: {  	[spmem:s2] =	stream.indirect.scatter.add.f32 [tilespmem:s19], [sflag:$0x3], $0x80, s7, s22, $0xb8;
	[tilespmem:$0x1CC00] =	vst v63  }
0x1c2: {  	_ =	swait.ge [sflag:s20], $0x4000  }
0x1c3: {  	[sflag:s20] =	ssyncset.done $0x0  }
0x1c4: {  	[sflag:s20] =	ssyncadd.s32 $0xFFFFC000  }
0x1c5: {  	[tilespmem:s19], [sflag:$0x1] =	stream.indirect.gather [hbm4b:s4+s22], $0x80, s8, s22, $0xb8;
	[tilespmem:$0x1CC00] =	vst v63  }
0x1c6: {  	_ =	swait.ge [sflag:s25], $0x4000  }
0x1c7: {  	[sflag:s25] =	ssyncset.done $0x0  }
0x1c8: {  	[sflag:s25] =	ssyncadd.s32 $0xFFFFC000  }
0x1c9: {  	[spmem:s2] =	stream.indirect.scatter.add.f32 [tilespmem:s23], [sflag:$0x3], $0x80, s9, s22, $0xb8;
	[tilespmem:$0x1CC00] =	vst v63  }
0x1ca: {  	_ =	swait.ge [sflag:s20], $0x4000  }
0x1cb: {  	[sflag:s20] =	ssyncset.done $0x0  }
0x1cc: {  	[sflag:s20] =	ssyncadd.s32 $0xFFFFC000  }
0x1cd: {  	[tilespmem:s23], [sflag:$0x2] =	stream.indirect.gather [hbm4b:s4+s22], $0x80, s10, s22, $0xb8;
	[tilespmem:$0x1CC00] =	vst v63  }
0x1ce: {  	_ =	swait.ge [sflag:s24], $0x4000  }
0x1cf: {  	[sflag:s24] =	ssyncset.done $0x0  }
0x1d0: {  	[sflag:s24] =	ssyncadd.s32 $0xFFFFC000  }
0x1d1: {  	[spmem:s2] =	stream.indirect.scatter.add.f32 [tilespmem:s19], [sflag:$0x3], $0x80, s11, s22, $0xb8;
	[tilespmem:$0x1CC00] =	vst v63  }
0x1d2: {  	_ =	swait.ge [sflag:s20], $0x4000  }
0x1d3: {  	[sflag:s20] =	ssyncset.done $0x0  }
0x1d4: {  	[sflag:s20] =	ssyncadd.s32 $0xFFFFC000  }
0x1d5: {  	[tilespmem:s19], [sflag:$0x1] =	stream.indirect.gather [hbm4b:s4+s22], $0x80, s12, s22, $0xb8;
	[tilespmem:$0x1CC00] =	vst v63  }
0x1d6: {  	_ =	swait.ge [sflag:s25], $0x4000  }
0x1d7: {  	[sflag:s25] =	ssyncset.done $0x0  }
0x1d8: {  	[sflag:s25] =	ssyncadd.s32 $0xFFFFC000  }
0x1d9: {  	[spmem:s2] =	stream.indirect.scatter.add.f32 [tilespmem:s23], [sflag:$0x3], $0x80, s13, s22, $0xb8;
	[tilespmem:$0x1CC00] =	vst v63  }
0x1da: {  	_ =	swait.ge [sflag:s20], $0x4000  }
0x1db: {  	[sflag:s20] =	ssyncset.done $0x0  }
0x1dc: {  	[sflag:s20] =	ssyncadd.s32 $0xFFFFC000  }
0x1dd: {  	[tilespmem:s23], [sflag:$0x2] =	stream.indirect.gather [hbm4b:s4+s22], $0x80, s14, s22, $0xb8;
	[tilespmem:$0x1CC00] =	vst v63  }
0x1de: {  	_ =	swait.ge [sflag:s24], $0x4000  }
0x1df: {  	[sflag:s24] =	ssyncset.done $0x0  }
0x1e0: {  	[sflag:s24] =	ssyncadd.s32 $0xFFFFC000  }
0x1e1: {  	[spmem:s2] =	stream.indirect.scatter.add.f32 [tilespmem:s19], [sflag:$0x3], $0x80, s15, s22, $0xb8;
	[tilespmem:$0x1CC00] =	vst v63  }
0x1e2: {  	_ =	swait.ge [sflag:s20], $0x4000  }
0x1e3: {  	[sflag:s20] =	ssyncset.done $0x0  }
0x1e4: {  	[sflag:s20] =	ssyncadd.s32 $0xFFFFC000  }
0x1e5: {  	_ =	swait.ge [sflag:s25], $0x4000  }
0x1e6: {  	[sflag:s25] =	ssyncset.done $0x0  }
0x1e7: {  	[sflag:s25] =	ssyncadd.s32 $0xFFFFC000  }
0x1e8: {  	[spmem:s2] =	stream.indirect.scatter.add.f32 [tilespmem:s23], [sflag:$0x3], $0x80, s16, s22, $0xb8;
	[tilespmem:$0x1CC00] =	vst v63  }
0x1e9: {  	_ =	swait.ge [sflag:s20], $0x4000  }
0x1ea: {  	[sflag:s20] =	ssyncset.done $0x0  }
0x1eb: {  	[sflag:s20] =	ssyncadd.s32 $0xFFFFC000  }
0x1ec: {  	[bflag:$0x0] =	sbarrier.arrive $0xFFFF  }
0x1ed: {  	s17 =	rddreg [dreg:$0x11]  }
0x1ee: {  	[tilespmem:s19], [sflag:$0x3] =	stream.linear.gather [spmem:s17], $0x4000, $0x38;
	[tilespmem:$0x1CC00] =	vst v63  }
0x1ef: {  	_ =	swait.ge [sflag:s20], $0x4000  }
0x1f0: {  	[sflag:s20] =	ssyncset.done $0x0  }
0x1f1: {  	s6 =	rddreg [dreg:$0x18];
	[sflag:s20] =	ssyncadd.s32 $0xFFFFC000  }
0x1f2: {  	[hbm4b:s6+s3] =	stream.linear.scatter [tilespmem:s19], [sflag:$0x3], $0x4000, $0x38;
	[tilespmem:$0x1CC00] =	vst v63  }
0x1f3: {  	_ =	swait.ge [sflag:s20], $0x4000  }
0x1f4: {  	[sflag:s20] =	ssyncset.done $0x0  }
0x1f5: {  	s18 =	rddreg [dreg:$0x19];
	[sflag:s20] =	ssyncadd.s32 $0xFFFFC000  }
0x1f6: {  	[tilespmem:s19], [sflag:$0x3] =	stream.linear.gather [spmem:s18], $0x4000, $0x38;
	[tilespmem:$0x1CC00] =	vst v63  }
0x1f7: {  	_ =	swait.ge [sflag:s20], $0x4000  }
0x1f8: {  	[sflag:s20] =	ssyncset.done $0x0  }
0x1f9: {  	s6 =	rddreg [dreg:$0x1a];
	[sflag:s20] =	ssyncadd.s32 $0xFFFFC000  }
0x1fa: {  	[hbm4b:s6+s3] =	stream.linear.scatter [tilespmem:s19], [sflag:$0x3], $0x4000, $0x38;
	[tilespmem:$0x1CC00] =	vst v63  }
0x1fb: {  	_ =	swait.ge [sflag:s20], $0x4000  }
0x1fc: {  	[sflag:s20] =	ssyncset.done $0x0  }
0x1fd: {  	s18 =	rddreg [dreg:$0x1b];
	[sflag:s20] =	ssyncadd.s32 $0xFFFFC000  }
0x1fe: {  	[tilespmem:s19], [sflag:$0x3] =	stream.linear.gather [spmem:s18], $0x4000, $0x38;
	[tilespmem:$0x1CC00] =	vst v63  }
0x1ff: {  	_ =	swait.ge [sflag:s20], $0x4000  }
0x200: {  	[sflag:s20] =	ssyncset.done $0x0  }
0x201: {  	s6 =	rddreg [dreg:$0x1c];
	[sflag:s20] =	ssyncadd.s32 $0xFFFFC000  }
0x202: {  	[hbm4b:s6+s3] =	stream.linear.scatter [tilespmem:s19], [sflag:$0x3], $0x4000, $0x38;
	[tilespmem:$0x1CC00] =	vst v63  }
0x203: {  	_ =	swait.ge [sflag:s20], $0x4000  }
0x204: {  	[sflag:s20] =	ssyncset.done $0x0  }
0x205: {  	s18 =	rddreg [dreg:$0x1d];
	[sflag:s20] =	ssyncadd.s32 $0xFFFFC000  }
0x206: {  	[tilespmem:s19], [sflag:$0x3] =	stream.linear.gather [spmem:s18], $0x4000, $0x38;
	[tilespmem:$0x1CC00] =	vst v63  }
0x207: {  	_ =	swait.ge [sflag:s20], $0x4000  }
0x208: {  	[sflag:s20] =	ssyncset.done $0x0  }
0x209: {  	s6 =	rddreg [dreg:$0x1e];
	[sflag:s20] =	ssyncadd.s32 $0xFFFFC000  }
0x20a: {  	[hbm4b:s6+s3] =	stream.linear.scatter [tilespmem:s19], [sflag:$0x3], $0x4000, $0x38;
	[tilespmem:$0x1CC00] =	vst v63  }
0x20b: {  	_ =	swait.ge [sflag:s20], $0x4000  }
0x20c: {  	[sflag:s20] =	ssyncset.done $0x0  }
0x20d: {  	s18 =	rddreg [dreg:$0x12];
	[sflag:s20] =	ssyncadd.s32 $0xFFFFC000  }
0x20e: {  	[tilespmem:s19], [sflag:$0x3] =	stream.linear.gather [spmem:s18], $0x3C00, $0x38;
	[tilespmem:$0x1CC00] =	vst v63  }
0x20f: {  	_ =	swait.ge [sflag:s20], $0x3C00  }
0x210: {  	[sflag:s20] =	ssyncset.done $0x0  }
0x211: {  	s6 =	rddreg [dreg:$0x13];
	[sflag:s20] =	ssyncadd.s32 $0xFFFFC400  }
0x212: {  	[hbm4b:s6+s3] =	stream.linear.scatter [tilespmem:s19], [sflag:$0x3], $0x3C00, $0x38;
	[tilespmem:$0x1CC00] =	vst v63  }
0x213: {  	_ =	swait.ge [sflag:s20], $0x3C00  }
0x214: {  	s6 =	rddreg [dreg:$0x1f]  }
0x215: {  	s18 =	rddreg [dreg:$0x14];
	s6 =	sadd.s32 $0x1, s6  }
0x216: {  	p0 =	sne.s32 s6, s18  }
.Ltmp2:
0x217: {  	_ = 	snop;
	(pc) =	sbr.rel @p0 .LBB2_1-.Ltmp2, $3  }
0x218: {  	_ =	sdelay $0x1  }
0x219: {  	[sflag:s20] =	ssyncset.done $0x0  }
0x21a: {  	[sflag:s20] =	ssyncadd.s32 $0xFFFFC400  }
0x21b: {  	_ =	sfence.sel $0x180000  }
0x21c: {  	[bflag:$0x0] =	sbarrier.arrive $0xFFFF  }
0x21d: {  	_ =	strace $0x9000004D  }
0x21e: {  	s0 =	stileid.u32;
	[bflag:$0x2] =	sbarrier.arrive $0xFFFF  }
0x21f: {  	p0 =	sne.s32 s0, $0x0;
	s0 =	rddreg [dreg:$0x2]  }
0x220: {  	s0 =	sadd.s32 @!p0 $0x100000, s0  }
0x221: {  	[sflag:s0] =	ssyncadd.tile.s32 @!p0 $0x1;
	_ =	shalt  }
.Lfunc_end2:
_tile_overlayer_lowered:
.L_overlay_start_2:
0x222: {  	(tag) =	ssettag $0x2  }
0x223: {  	s0 =	rddreg [dreg:$0x0];
	s2 =	stileid.u32  }
0x224: {  	s1 =	rddreg [dreg:$0x1];
	p0 =	sne.s32 s2, $0x0  }
0x225: {  	s3 =	rddreg [dreg:$0x2];
	[bflag:$0x3] =	sbarrier.arrive $0xFFFF;
	s2 =	simm.s32 @!p0 $0x1C03  }
0x226: {  	[timem:s3], [sflag:s2] =	dma.local @!p0 [hbm:s0], s1  }
0x227: {  	s0 =	simm.s32 @!p0 $0x3  }
0x228: {  	_ =	swait.ge @!p0 [sflag:s0], s1  }
0x229: {  	s1 =	ssub.s32 @!p0 $0x0, s1;
	[sflag:s0] =	ssyncset.done @!p0 $0x0  }
0x22a: {  	[sflag:s0] =	ssyncadd.s32 @!p0 s1  }
0x22b: {  	[bflag:$0x3] =	sbarrier.arrive $0xFFFF  }
0x22c: {  	_ =	shalt  }

// kernel: kernel.20.cloned.1.call-start
scs
__scs_entry_jumppad:
0x0: {  	(pc) =	sbr.rel $0x88, $3  }
0x1: {  	(tag) =	ssettag $0x0;
	lr =	simm.s32 $0x1  }
0x2: {  	[smem:$0x3F90] =	sst lr;
	_ =	strace $0xD0000000  }
0x3: {  	_ = 	snop  }
0x4: {  	_ = 	snop  }
0x5: {  	_ = 	snop  }
0x6: {  	_ = 	snop  }
0x7: {  	_ = 	snop  }
__scs_overlays_trampoline_lowered:
0x8: {  	[smem:$0x3F9F] =	sst s0  }
0x9: {  	[smem:$0x3FA0] =	sst s1  }
0xa: {  	[smem:$0x3FA1] =	sst s2  }
0xb: {  	[smem:$0x3FA2] =	sst s3  }
0xc: {  	[smem:$0x3FA3] =	sst s4  }
0xd: {  	[smem:$0x3FA4] =	sst s5  }
0xe: {  	[smem:$0x3FA5] =	sst s6  }
0xf: {  	[smem:$0x3FA6] =	sst s7  }
0x10: {  	[smem:$0x3FA7] =	sst s8  }
0x11: {  	[smem:$0x3FA8] =	sst s9;
	s0 =	simm.s32 @!p0 $0x0  }
0x12: {  	s1 =	sld [smem:$0x3F8E];
	s0 =	simm.s32 @p0 $0x1  }
0x13: {  	[smem:$0x3FA9] =	sst s0;
	s0 =	simm.s32 @!p1 $0x0  }
0x14: {  	s2 =	sld [smem:$0x3F8D];
	s0 =	simm.s32 @p1 $0x1  }
0x15: {  	[smem:$0x3FAA] =	sst s0;
	s0 =	simm.s32 @!p2 $0x0  }
0x16: {  	s3 =	sld [smem:$0x3FDB];
	s0 =	simm.s32 @p2 $0x1  }
0x17: {  	s4 =	simm.s32 $0x1BF5;
	[smem:$0x3FAC] =	sst s0  }
0x18: {  	s0 =	sld [smem:$0x3F8F];
	_ =	swait.ge [sflag:s4], $0x0  }
0x19: {  	s7 =	sld [smem:$0x3F90]  }
0x1a: {  	s8 =	sadd.s32 $0xFFFFE003, lr  }
0x1b: {  	s9 =	sadd.s32 $0xFFFFFEF7, lr;
	s5 =	simm.s32 $0xFFFFFFFF;
	p2 =	slt.u32 s8, $0xFFFFF086  }
0x1c: {  	p1 =	slt.u32 s9, $0xF7A;
	s5 =	simm.s32 @!p2 $0x0  }
0x1d: {  	s5 =	simm.s32 @p1 $0x1;
	p0 =	seq.s32 s7, s2  }
0x1e: {  	s7 =	smul.u32 @!p0 $0xF7A, s2;
	p2 =	seq.s32 @!p0 s5, $0x0  }
0x1f: {  	s9 =	smul.u32 $0xF7A, s1;
	s8 =	simm.s32 @!p0 $0x1BF5;
	p2 =	por !p2, p0  }
0x20: {  	[sflag:s8] =	ssyncset.s32 @!p0 $0xFFFFF086;
	s6 =	sadd.s32 @!p0 s3, s7;
	s7 =	simm.s32 @!p0 $0x108  }
0x21: {  	s3 =	sadd.s32 s3, s9;
	s6 =	sadd.s32 @!p0 $0x88, s6;
	s7 =	simm.s32 @p2 $0x1082  }
0x22: {  	[simem:s7], [sflag:s8] =	dma.local @!p0 [hbm:s6], $0xF7A  }
0x23: {  	s9 =	sor.u32 $0xD0000000, s2;
	s6 =	simm.s32 $0x108;
	_ =	swait.ge @!p0 [sflag:s8], $0x0  }
0x24: {  	s3 =	sadd.s32 $0x88, s3;
	s6 =	simm.s32 @!p1 $0x1082;
	[sflag:s4] =	ssyncset.s32 $0xFFFFF086  }
0x25: {  	[simem:s6], [sflag:s4] =	dma.local [hbm:s3], $0xF7A  }
0x26: {  	[smem:$0x3F90] =	sst s1;
	(tag) =	ssettag s2;
	_ =	strace s9  }
0x27: {  	s1 =	sld [smem:$0x3FA0]  }
0x28: {  	s2 =	sld [smem:$0x3FA1]  }
0x29: {  	s4 =	sld [smem:$0x3FA3]  }
0x2a: {  	p0 =	seq.s32 s5, $0x0;
	s5 =	sld [smem:$0x3FA4]  }
0x2b: {  	s6 =	sld [smem:$0x3FA5]  }
0x2c: {  	s7 =	sld [smem:$0x3FA6]  }
0x2d: {  	s3 =	simm.s32 $0x108;
	s8 =	sld [smem:$0x3FA7]  }
0x2e: {  	s3 =	simm.s32 @!p0 $0x1082;
	s9 =	sld [smem:$0x3FA8]  }
0x2f: {  	lr =	sadd.s32 s0, s3;
	s0 =	sld [smem:$0x3F9F]  }
0x30: {  	s3 =	sld [smem:$0x3FA2]  }
0x31: {  	[smem:$0x3FAB] =	sst s10  }
0x32: {  	s10 =	sld [smem:$0x3FA9];
	_ =	sdelay $0x3  }
0x33: {  	p0 =	seq.s32 s10, $0x1;
	s10 =	sld [smem:$0x3FAB];
	_ =	sdelay $0x3  }
0x34: {  	[smem:$0x3FAB] =	sst s10  }
0x35: {  	s10 =	sld [smem:$0x3FAA];
	_ =	sdelay $0x3  }
0x36: {  	p1 =	seq.s32 s10, $0x1;
	s10 =	sld [smem:$0x3FAB];
	_ =	sdelay $0x3  }
0x37: {  	[smem:$0x3FAB] =	sst s10  }
0x38: {  	s10 =	sld [smem:$0x3FAC]  }
0x39: {  	_ = 	snop;
	(pc) =	sbr.ind lr, $3  }
0x3a: {  	_ = 	snop  }
0x3b: {  	_ = 	snop  }
0x3c: {  	p2 =	seq.s32 s10, $0x1;
	s10 =	sld [smem:$0x3FAB]  }
0x3d: {  	_ =	shalt  }
0x3e: {  	_ =	shalt  }
0x3f: {  	_ =	shalt  }
0x40: {  	_ =	shalt  }
0x41: {  	_ =	shalt  }
0x42: {  	_ =	shalt  }
0x43: {  	_ =	shalt  }
0x44: {  	_ =	shalt  }
0x45: {  	_ =	shalt  }
0x46: {  	_ =	shalt  }
0x47: {  	_ =	shalt  }
0x48: {  	_ =	shalt  }
0x49: {  	_ =	shalt  }
0x4a: {  	_ =	shalt  }
0x4b: {  	_ =	shalt  }
0x4c: {  	_ =	shalt  }
0x4d: {  	_ =	shalt  }
0x4e: {  	_ =	shalt  }
0x4f: {  	_ =	shalt  }
0x50: {  	_ =	shalt  }
0x51: {  	_ =	shalt  }
0x52: {  	_ =	shalt  }
0x53: {  	_ =	shalt  }
0x54: {  	_ =	shalt  }
0x55: {  	_ =	shalt  }
0x56: {  	_ =	shalt  }
0x57: {  	_ =	shalt  }
0x58: {  	_ =	shalt  }
0x59: {  	_ =	shalt  }
0x5a: {  	_ =	shalt  }
0x5b: {  	_ =	shalt  }
0x5c: {  	_ =	shalt  }
0x5d: {  	_ =	shalt  }
0x5e: {  	_ =	shalt  }
0x5f: {  	_ =	shalt  }
0x60: {  	_ =	shalt  }
0x61: {  	_ =	shalt  }
0x62: {  	_ =	shalt  }
0x63: {  	_ =	shalt  }
0x64: {  	_ =	shalt  }
0x65: {  	_ =	shalt  }
0x66: {  	_ =	shalt  }
0x67: {  	_ =	shalt  }
0x68: {  	_ =	shalt  }
0x69: {  	_ =	shalt  }
0x6a: {  	_ =	shalt  }
0x6b: {  	_ =	shalt  }
0x6c: {  	_ =	shalt  }
0x6d: {  	_ =	shalt  }
0x6e: {  	_ =	shalt  }
0x6f: {  	_ =	shalt  }
0x70: {  	_ =	shalt  }
0x71: {  	_ =	shalt  }
0x72: {  	_ =	shalt  }
0x73: {  	_ =	shalt  }
0x74: {  	_ =	shalt  }
0x75: {  	_ =	shalt  }
0x76: {  	_ =	shalt  }
0x77: {  	_ =	shalt  }
0x78: {  	_ =	shalt  }
0x79: {  	_ =	shalt  }
0x7a: {  	_ =	shalt  }
0x7b: {  	_ =	shalt  }
0x7c: {  	_ =	shalt  }
0x7d: {  	_ =	shalt  }
0x7e: {  	_ =	shalt  }
0x7f: {  	_ =	shalt  }
0x80: {  	_ =	shalt  }
0x81: {  	_ =	shalt  }
0x82: {  	_ =	shalt  }
0x83: {  	_ =	shalt  }
0x84: {  	_ =	shalt  }
0x85: {  	_ =	shalt  }
0x86: {  	_ =	shalt  }
0x87: {  	_ =	shalt  }
.Lfunc_end0:
.L_simem_size_0:
called_computation.3_lowered:
.L_overlay_start_0:
0x88: {  	s2 =	sld [smem:$0x3FD9]  }
0x89: {  	s3 =	sld [smem:$0x3FFE];
	_ =	sdelay $0x1  }
0x8a: {  	s1 =	srdreg.scid  }
0x8b: {  	s0 =	sand.u32 $0x1, s1  }
0x8c: {  	s16 =	sshll.u32 s0, $0xA;
	s2 =	sadd.s32 s3, s2  }
0x8d: {  	s2 =	sadd.s32 s2, s16  }
0x8e: {  	[smem:$0x3FB7] =	sst s2  }
0x8f: {  	_ = 	snop  }
0x90: {  	(tm) =	ssettm $0x1  }
0x91: {  	s17 =	sld [smem:$0x3FFB];
	_ =	sdelay $0x3  }
0x92: {  	_ =	strace s17  }
0x93: {  	s2 =	sld [smem:$0x3FFC];
	_ =	sdelay $0x3  }
0x94: {  	_ =	strace s2  }
0x95: {  	s2 =	sld [smem:$0x3FFD];
	_ =	sdelay $0x3  }
0x96: {  	_ =	strace s2  }
0x97: {  	_ =	strace $0x8FFFFFFF  }
0x98: {  	s18 =	sld [smem:$0x3FDB];
	_ =	sdelay $0x1  }
0x99: {  	s19 =	simm.s32 $_scs_section_size  }
0x9a: {  	s4 =	simm.s32 $_size__tile_overlayer_lowered;
	s5 =	simm.s32 $_tile_overlayer_lowered  }
0x9b: {  	s22 =	simm.s32 $0x1BFF;
	s21 =	sshll.u32 s5, $0x1;
	s2 =	sadd.s32 s19, s18  }
0x9c: {  	s6 =	simm.s32 $0x0;
	s20 =	sshll.u32 s4, $0x1;
	s4 =	sadd.s32 s21, s2  }
0x9d: {  	[timem:s6], [sflag:s22] =	dma.local [hbm:s4], s20  }
0x9e: {  	_ =	swait.ge [sflag:s22], s20  }
0x9f: {  	s3 =	ssub.s32 $0x0, s20;
	[sflag:s22] =	ssyncset.done $0x0  }
0xa0: {  	[sflag:s22] =	ssyncadd.s32 s3;
	_ =	sdelay $0x1  }
0xa1: {  	s23 =	simm.s32 $0x1B8B  }
0xa2: {  	_ =	swait.ge [sflag:s23], $0x1  }
0xa3: {  	[sflag:s23] =	ssyncset.done $0x0  }
0xa4: {  	s25 =	simm.s32 $0x1B8E;
	s24 =	sld [smem:$0x3FFE];
	[sflag:s23] =	ssyncadd.s32 $0xFFFFFFFF  }
0xa5: {  	s26 =	simm.s32 $execute0_lowered;
	[smem:$0x3FD2] =	sst s25  }
0xa6: {  	s4 =	sshll.u32 s26, $0x1;
	_ =	strace $0x8000004F;
	[dreg:$0x1] =	wrdreg $0xFFFFFFFF  }
0xa7: {  	s28 =	simm.s32 $_size_execute0_lowered;
	s2 =	sadd.s32 s2, s4;
	[dreg:$0x0] =	wrdreg $0x0  }
0xa8: {  	s4 =	sshll.u32 s28, $0x1;
	[dreg:$0x2] =	wrdreg s2  }
0xa9: {  	[dreg:$0x3] =	wrdreg s4  }
0xaa: {  	[dreg:$0x4] =	wrdreg $0xC0  }
0xab: {  	_ =	task [dreg:s6], $0x5FFFF  }
0xac: {  	[dreg:$0x1] =	wrdreg $0xFFFFFFFF  }
0xad: {  	[dreg:$0x0] =	wrdreg $0x60  }
0xae: {  	[dreg:$0x2] =	wrdreg s24  }
0xaf: {  	[dreg:$0x3] =	wrdreg $0x90000  }
0xb0: {  	[dreg:$0x4] =	wrdreg $0x9  }
0xb1: {  	_ =	task.clear_ibuf [dreg:s6], $0x5FFFF;
	_ =	strace $0x9000004F  }
0xb2: {  	s29 =	simm.s32 $0x9;
	_ =	strace $0x80000051  }
0xb3: {  	_ =	swait.ge [sflag:s29], $0x1  }
0xb4: {  	[sflag:s29] =	ssyncadd.s32 $0xFFFFFFFF  }
0xb5: {  	_ =	strace $0x90000051  }
0xb6: {  	_ =	sfence  }
0xb7: {  	s30 =	sld [smem:$0x0];
	_ =	sdelay $0x2  }
0xb8: {  	s31 =	sshll.u32 s1, $0xD;
	s1 =	sshrl.u32 s1, $0x2  }
0xb9: {  	s3 =	sand.u32 $0x4000, s31;
	s1 =	sadd.s32 s1, s30  }
0xba: {  	s0 =	sor.u32 s3, s0;
	s1 =	sshll.u32 s1, $0x11  }
0xbb: {  	s0 =	sor.u32 s1, s0  }
0xbc: {  	s0 =	sadd.s32 $0x8F2B, s0  }
0xbd: {  	[sflag:s0] =	ssyncadd.remote.s32 $0x1  }
0xbe: {  	_ =	sfence.sel $0xFFFF  }
0xbf: {  	[dreg:$0x0] =	wrdreg $0xFFFFFFFF;
	(pc) =	sbr.abs _section_cstart, $3  }
0xc0: {  	[dreg:$0x1] =	wrdreg $0xFFFFFFFF  }
0xc1: {  	_ =	task.clear_ibuf [dreg:s6], $0x2FFFF;
	_ =	strace $0x9FFFFFFF  }
0xc2: {  	(tm) =	ssettm $0x7FFFFFFF  }
0xc3: {  	_ =	shalt  }
tec
execute0_lowered:
.L_overlay_start_1:
0x0: {  	(tag) =	ssettag $0x1  }
0x1: {  	s0 =	srdreg.scid  }
0x2: {  	s1 =	rddreg [dreg:$0x0];
	s8 =	stileid.u32  }
0x3: {  	s2 =	rddreg [dreg:$0x1];
	s3 =	simm.s32 $0x0;
	s13 =	simm.s32 $0x100  }
0x4: {  	s14 =	simm.s32 $0x880;
	s28 =	simm.s32 $0xB80;
	s5 =	smul.u32 $0x2800, s8  }
0x5: {  	s29 =	simm.s32 $0x480;
	s30 =	simm.s32 $0xC00;
	s6 =	smul.u32 $0x13C00, s8  }
0x6: {  	s0 =	sand.u32 $0x1, s0;
	[smem:$0x7FF] =	sst s3;
	s8 =	smul.u32 $0x4F000, s8  }
0x7: {  	s31 =	simm.s32 $0x500;
	s4 =	smul.u32 $0x28000, s0;
	_ =	strace $0x80000050  }
0x8: {  	s7 =	smul.u32 $0x13C000, s0;
	s0 =	ssub.s32 $0x2, s0;
	[dreg:$0x5] =	wrdreg s13  }
0x9: {  	[dreg:$0x6] =	wrdreg s14;
	s13 =	simm.s32 $0xE80;
	s14 =	simm.s32 $0x780  }
0xa: {  	s9 =	sadd.s32 $0x10000, s6;
	s10 =	sshrl.u32 s0, $0x1;
	s8 =	sshrl.u32 s8, $0x2  }
0xb: {  	s23 =	sadd.s32 $0x4000, s6;
	s26 =	sadd.s32 $0x8000, s6;
	s15 =	sadd.s32 $0xC000, s6  }
0xc: {  	s4 =	sadd.s32 s5, s4;
	s11 =	sadd.s32 s7, s9;
	s18 =	sadd.s32 s9, s2  }
0xd: {  	s17 =	sadd.s32 s8, s2;
	s8 =	sadd.s32 s23, s2;
	[dreg:$0x12] =	wrdreg s18  }
0xe: {  	s0 =	ssub.s32 s0, s10;
	s9 =	sadd.s32 s26, s2;
	[dreg:$0x19] =	wrdreg s8  }
0xf: {  	s21 =	sadd.s32 s7, s6;
	s6 =	sadd.s32 s15, s2;
	[dreg:$0x1b] =	wrdreg s9  }
0x10: {  	s25 =	sadd.s32 s7, s23;
	s23 =	simm.s32 $0x300;
	[dreg:$0x1d] =	wrdreg s6  }
0x11: {  	s5 =	sshrl.u32 s4, $0x3;
	s4 =	sadd.s32 $0x8B800, s1;
	[dreg:$0xd] =	wrdreg s23  }
0x12: {  	s16 =	sshrl.u32 s11, $0x3;
	s0 =	smax.u32 s0, $0x1;
	[dreg:$0x11] =	wrdreg s17  }
0x13: {  	s20 =	sadd.s32 $0x4000, s17;
	s22 =	sadd.s32 $0x8000, s17;
	[dreg:$0x14] =	wrdreg s0  }
0x14: {  	s24 =	sadd.s32 $0xC000, s17;
	s8 =	sadd.s32 s7, s26;
	[dreg:$0x15] =	wrdreg s20  }
0x15: {  	s18 =	simm.s32 $0x900;
	s23 =	simm.s32 $0x5000;
	[dreg:$0x16] =	wrdreg s22  }
0x16: {  	s26 =	simm.s32 $0xB00;
	s9 =	simm.s32 $0xD80;
	[dreg:$0x17] =	wrdreg s24  }
0x17: {  	s6 =	simm.s32 $0x0;
	s5 =	sadd.s32 s5, s1;
	[dreg:$0x8] =	wrdreg s18  }
0x18: {  	s1 =	sadd.s32 $0x15600, s1;
	s20 =	simm.s32 $0x980;
	[dreg:$0x10] =	wrdreg s26  }
0x19: {  	s0 =	sshrl.u32 s21, $0x3;
	s21 =	simm.s32 $0x280;
	[dreg:$0xa] =	wrdreg s20  }
0x1a: {  	s12 =	sshrl.u32 s8, $0x3;
	s22 =	simm.s32 $0xA00;
	[dreg:$0xb] =	wrdreg s21  }
0x1b: {  	s24 =	simm.s32 $0xA80;
	s26 =	simm.s32 $0x400;
	[dreg:$0xc] =	wrdreg s22  }
0x1c: {  	s8 =	simm.s32 $0x600;
	s19 =	sadd.s32 s1, s16;
	[dreg:$0xe] =	wrdreg s24  }
0x1d: {  	s0 =	sadd.s32 s1, s0;
	s10 =	sadd.s32 $0x1000, s5;
	[dreg:$0x13] =	wrdreg s19  }
0x1e: {  	s11 =	sadd.s32 $0xB000, s5;
	s5 =	sadd.s32 s1, s12;
	[dreg:$0x18] =	wrdreg s0  }
0x1f: {  	s16 =	simm.s32 $0x180;
	s20 =	simm.s32 $0x3;
	[dreg:$0x3] =	wrdreg s10  }
0x20: {  	s21 =	simm.s32 $0x800;
	s22 =	simm.s32 $0x80;
	[dreg:$0x4] =	wrdreg s11  }
0x21: {  	s24 =	simm.s32 $0x1;
	s12 =	simm.s32 $0x700;
	[dreg:$0x1c] =	wrdreg s5  }
0x22: {  	s0 =	sshrl.u32 s25, $0x3;
	[dreg:$0x7] =	wrdreg s16;
	s5 =	sadd.s32 s7, s15  }
0x23: {  	s19 =	simm.s32 $0x200;
	s25 =	simm.s32 $0x380;
	s7 =	simm.s32 $0xD00  }
0x24: {  	s10 =	simm.s32 $0x680;
	s11 =	simm.s32 $0xE00;
	s15 =	simm.s32 $0xF00  }
0x25: {  	s16 =	simm.s32 $0xF80;
	s0 =	sadd.s32 s1, s0;
	[dreg:$0x9] =	wrdreg s19  }
0x26: {  	s5 =	sshrl.u32 s5, $0x3;
	s19 =	simm.s32 $0x1000;
	[dreg:$0xf] =	wrdreg s25  }
0x27: {  	s25 =	simm.s32 $0x2;
	[dreg:$0x1a] =	wrdreg s0;
	s1 =	sadd.s32 s1, s5  }
0x28: {  	v0 =	vimm.f32 $0.0e+00;
	s0 =	simm.s32 $0x580;
	[dreg:$0x1e] =	wrdreg s1;
	s1 =	simm.s32 $0xC80  }
.LBB2_1:
0x29: {  	[dreg:$0x1f] =	wrdreg s6;
	s6 =	simm.s32 $0x0;
	s18 =	simm.s32 $0x200  }
.LBB2_2:
0x2a: {  	p0 =	sne.s32 s18, $0xFE00;
	[tilespmem:s6+$0x1070] =	vst v0  }
0x2b: {  	[tilespmem:s6+$0x1000] =	vst v0  }
0x2c: {  	[tilespmem:s6+$0x1010] =	vst v0  }
.Ltmp0:
0x2d: {  	[tilespmem:s6+$0x1020] =	vst v0;
	(pc) =	sbr.rel @p0 .LBB2_2-.Ltmp0, $4  }
0x2e: {  	[tilespmem:s6+$0x1030] =	vst v0  }
0x2f: {  	[tilespmem:s6+$0x1040] =	vst v0  }
0x30: {  	[tilespmem:s6+$0x1050] =	vst v0  }
0x31: {  	[tilespmem:s6+$0x1060] =	vst v0;
	s6 =	sshra.s32 s18, $0x2;
	s18 =	sadd.s32 $0x200, s18  }
0x32: {  	[tilespmem:s6+$0x1070] =	vst v0  }
0x33: {  	[tilespmem:s6+$0x1000] =	vst v0  }
0x34: {  	[tilespmem:s6+$0x1010] =	vst v0  }
0x35: {  	[tilespmem:s6+$0x1020] =	vst v0  }
0x36: {  	[tilespmem:s6+$0x1030] =	vst v0  }
0x37: {  	[tilespmem:s6+$0x1040] =	vst v0  }
0x38: {  	[tilespmem:s6+$0x1050] =	vst v0  }
0x39: {  	[tilespmem:s6+$0x1060] =	vst v0  }
0x3a: {  	[spmem:s17] =	stream.linear.scatter [tilespmem:s19], [sflag:$0x3], $0x4000, $0x38;
	[tilespmem:$0x1CC00] =	vst v63  }
0x3b: {  	_ =	swait.ge [sflag:s20], $0x4000  }
0x3c: {  	[sflag:s20] =	ssyncset.done $0x0  }
0x3d: {  	s5 =	rddreg [dreg:$0x15];
	[sflag:s20] =	ssyncadd.s32 $0xFFFFC000  }
0x3e: {  	[spmem:s5] =	stream.linear.scatter [tilespmem:s19], [sflag:$0x3], $0x4000, $0x38;
	[tilespmem:$0x1CC00] =	vst v63  }
0x3f: {  	_ =	swait.ge [sflag:s20], $0x4000  }
0x40: {  	[sflag:s20] =	ssyncset.done $0x0  }
0x41: {  	s17 =	rddreg [dreg:$0x16];
	[sflag:s20] =	ssyncadd.s32 $0xFFFFC000  }
0x42: {  	[spmem:s17] =	stream.linear.scatter [tilespmem:s19], [sflag:$0x3], $0x4000, $0x38;
	[tilespmem:$0x1CC00] =	vst v63  }
0x43: {  	_ =	swait.ge [sflag:s20], $0x4000  }
0x44: {  	[sflag:s20] =	ssyncset.done $0x0  }
0x45: {  	s18 =	rddreg [dreg:$0x17];
	[sflag:s20] =	ssyncadd.s32 $0xFFFFC000  }
0x46: {  	[spmem:s18] =	stream.linear.scatter [tilespmem:s19], [sflag:$0x3], $0x4000, $0x38;
	[tilespmem:$0x1CC00] =	vst v63  }
0x47: {  	_ =	swait.ge [sflag:s20], $0x4000  }
0x48: {  	[sflag:s20] =	ssyncset.done $0x0  }
0x49: {  	s6 =	rddreg [dreg:$0x12];
	[sflag:s20] =	ssyncadd.s32 $0xFFFFC000  }
0x4a: {  	[spmem:s6] =	stream.linear.scatter [tilespmem:s19], [sflag:$0x3], $0x3C00, $0x38;
	[tilespmem:$0x1CC00] =	vst v63  }
0x4b: {  	_ =	swait.ge [sflag:s20], $0x3C00  }
0x4c: {  	[sflag:s20] =	ssyncset.done $0x0  }
0x4d: {  	[sflag:s20] =	ssyncadd.s32 $0xFFFFC400  }
0x4e: {  	[bflag:$0x0] =	sbarrier.arrive $0xFFFF  }
0x4f: {  	s17 =	rddreg [dreg:$0x4]  }
0x50: {  	s5 =	sadd.s32 $0x0, s17  }
0x51: {  	[tilespmem:s3], [sflag:$0x3] =	stream.linear.gather [hbm4b:s5+s3], $0x800, $0x38;
	[tilespmem:$0x1CC00] =	vst v63  }
0x52: {  	_ =	swait.ge [sflag:s20], $0x800  }
0x53: {  	s18 =	rddreg [dreg:$0x3];
	[sflag:s20] =	ssyncset.done $0x0  }
0x54: {  	[sflag:s20] =	ssyncadd.s32 $0xFFFFF800;
	s5 =	sadd.s32 $0x0, s18  }
0x55: {  	[tilespmem:s21], [sflag:$0x3] =	stream.linear.gather [hbm4b:s5+s3], $0x800, $0x38;
	[tilespmem:$0x1CC00] =	vst v63  }
0x56: {  	_ =	swait.ge [sflag:s20], $0x800  }
0x57: {  	[sflag:s20] =	ssyncset.done $0x0  }
0x58: {  	[sflag:s20] =	ssyncadd.s32 $0xFFFFF800  }
0x59: {  	[tilespmem:s19], [sflag:$0x1] =	stream.indirect.gather [hbm4b:s4+s22], $0x80, s3, s22, $0xb8;
	[tilespmem:$0x1CC00] =	vst v63  }
0x5a: {  	_ = 	snop  }
0x5b: {  	[tilespmem:s23], [sflag:$0x2] =	stream.indirect.gather [hbm4b:s4+s22], $0x80, s22, s22, $0xb8;
	[tilespmem:$0x1CC00] =	vst v63  }
0x5c: {  	_ =	swait.ge [sflag:s24], $0x4000  }
0x5d: {  	[sflag:s24] =	ssyncset.done $0x0  }
0x5e: {  	[sflag:s24] =	ssyncadd.s32 $0xFFFFC000  }
0x5f: {  	[spmem:s2] =	stream.indirect.scatter.add.f32 [tilespmem:s19], [sflag:$0x3], $0x80, s21, s22, $0xb8;
	[tilespmem:$0x1CC00] =	vst v63  }
0x60: {  	_ =	swait.ge [sflag:s20], $0x4000  }
0x61: {  	[sflag:s20] =	ssyncset.done $0x0  }
0x62: {  	s6 =	rddreg [dreg:$0x5];
	[sflag:s20] =	ssyncadd.s32 $0xFFFFC000  }
0x63: {  	[tilespmem:s19], [sflag:$0x1] =	stream.indirect.gather [hbm4b:s4+s22], $0x80, s6, s22, $0xb8;
	[tilespmem:$0x1CC00] =	vst v63  }
0x64: {  	_ =	swait.ge [sflag:s25], $0x4000  }
0x65: {  	[sflag:s25] =	ssyncset.done $0x0  }
0x66: {  	s17 =	rddreg [dreg:$0x6];
	[sflag:s25] =	ssyncadd.s32 $0xFFFFC000  }
0x67: {  	[spmem:s2] =	stream.indirect.scatter.add.f32 [tilespmem:s23], [sflag:$0x3], $0x80, s17, s22, $0xb8;
	[tilespmem:$0x1CC00] =	vst v63  }
0x68: {  	_ =	swait.ge [sflag:s20], $0x4000  }
0x69: {  	[sflag:s20] =	ssyncset.done $0x0  }
0x6a: {  	s18 =	rddreg [dreg:$0x7];
	[sflag:s20] =	ssyncadd.s32 $0xFFFFC000  }
0x6b: {  	[tilespmem:s23], [sflag:$0x2] =	stream.indirect.gather [hbm4b:s4+s22], $0x80, s18, s22, $0xb8;
	[tilespmem:$0x1CC00] =	vst v63  }
0x6c: {  	_ =	swait.ge [sflag:s24], $0x4000  }
0x6d: {  	[sflag:s24] =	ssyncset.done $0x0  }
0x6e: {  	s6 =	rddreg [dreg:$0x8];
	[sflag:s24] =	ssyncadd.s32 $0xFFFFC000  }
0x6f: {  	[spmem:s2] =	stream.indirect.scatter.add.f32 [tilespmem:s19], [sflag:$0x3], $0x80, s6, s22, $0xb8;
	[tilespmem:$0x1CC00] =	vst v63  }
0x70: {  	_ =	swait.ge [sflag:s20], $0x4000  }
0x71: {  	[sflag:s20] =	ssyncset.done $0x0  }
0x72: {  	s17 =	rddreg [dreg:$0x9];
	[sflag:s20] =	ssyncadd.s32 $0xFFFFC000  }
0x73: {  	[tilespmem:s19], [sflag:$0x1] =	stream.indirect.gather [hbm4b:s4+s22], $0x80, s17, s22, $0xb8;
	[tilespmem:$0x1CC00] =	vst v63  }
0x74: {  	_ =	swait.ge [sflag:s25], $0x4000  }
0x75: {  	[sflag:s25] =	ssyncset.done $0x0  }
0x76: {  	s18 =	rddreg [dreg:$0xa];
	[sflag:s25] =	ssyncadd.s32 $0xFFFFC000  }
0x77: {  	[spmem:s2] =	stream.indirect.scatter.add.f32 [tilespmem:s23], [sflag:$0x3], $0x80, s18, s22, $0xb8;
	[tilespmem:$0x1CC00] =	vst v63  }
0x78: {  	_ =	swait.ge [sflag:s20], $0x4000  }
0x79: {  	[sflag:s20] =	ssyncset.done $0x0  }
0x7a: {  	s6 =	rddreg [dreg:$0xb];
	[sflag:s20] =	ssyncadd.s32 $0xFFFFC000  }
0x7b: {  	[tilespmem:s23], [sflag:$0x2] =	stream.indirect.gather [hbm4b:s4+s22], $0x80, s6, s22, $0xb8;
	[tilespmem:$0x1CC00] =	vst v63  }
0x7c: {  	_ =	swait.ge [sflag:s24], $0x4000  }
0x7d: {  	[sflag:s24] =	ssyncset.done $0x0  }
0x7e: {  	s17 =	rddreg [dreg:$0xc];
	[sflag:s24] =	ssyncadd.s32 $0xFFFFC000  }
0x7f: {  	[spmem:s2] =	stream.indirect.scatter.add.f32 [tilespmem:s19], [sflag:$0x3], $0x80, s17, s22, $0xb8;
	[tilespmem:$0x1CC00] =	vst v63  }
0x80: {  	_ =	swait.ge [sflag:s20], $0x4000  }
0x81: {  	[sflag:s20] =	ssyncset.done $0x0  }
0x82: {  	s18 =	rddreg [dreg:$0xd];
	[sflag:s20] =	ssyncadd.s32 $0xFFFFC000  }
0x83: {  	[tilespmem:s19], [sflag:$0x1] =	stream.indirect.gather [hbm4b:s4+s22], $0x80, s18, s22, $0xb8;
	[tilespmem:$0x1CC00] =	vst v63  }
0x84: {  	_ =	swait.ge [sflag:s25], $0x4000  }
0x85: {  	[sflag:s25] =	ssyncset.done $0x0  }
0x86: {  	s6 =	rddreg [dreg:$0xe];
	[sflag:s25] =	ssyncadd.s32 $0xFFFFC000  }
0x87: {  	[spmem:s2] =	stream.indirect.scatter.add.f32 [tilespmem:s23], [sflag:$0x3], $0x80, s6, s22, $0xb8;
	[tilespmem:$0x1CC00] =	vst v63  }
0x88: {  	_ =	swait.ge [sflag:s20], $0x4000  }
0x89: {  	[sflag:s20] =	ssyncset.done $0x0  }
0x8a: {  	s17 =	rddreg [dreg:$0xf];
	[sflag:s20] =	ssyncadd.s32 $0xFFFFC000  }
0x8b: {  	[tilespmem:s23], [sflag:$0x2] =	stream.indirect.gather [hbm4b:s4+s22], $0x80, s17, s22, $0xb8;
	[tilespmem:$0x1CC00] =	vst v63  }
0x8c: {  	_ =	swait.ge [sflag:s24], $0x4000  }
0x8d: {  	[sflag:s24] =	ssyncset.done $0x0  }
0x8e: {  	s18 =	rddreg [dreg:$0x10];
	[sflag:s24] =	ssyncadd.s32 $0xFFFFC000  }
0x8f: {  	[spmem:s2] =	stream.indirect.scatter.add.f32 [tilespmem:s19], [sflag:$0x3], $0x80, s18, s22, $0xb8;
	[tilespmem:$0x1CC00] =	vst v63  }
0x90: {  	_ =	swait.ge [sflag:s20], $0x4000  }
0x91: {  	[sflag:s20] =	ssyncset.done $0x0  }
0x92: {  	[sflag:s20] =	ssyncadd.s32 $0xFFFFC000  }
0x93: {  	[tilespmem:s19], [sflag:$0x1] =	stream.indirect.gather [hbm4b:s4+s22], $0x80, s26, s22, $0xb8;
	[tilespmem:$0x1CC00] =	vst v63  }
0x94: {  	_ =	swait.ge [sflag:s25], $0x4000  }
0x95: {  	[sflag:s25] =	ssyncset.done $0x0  }
0x96: {  	[sflag:s25] =	ssyncadd.s32 $0xFFFFC000  }
0x97: {  	[spmem:s2] =	stream.indirect.scatter.add.f32 [tilespmem:s23], [sflag:$0x3], $0x80, s28, s22, $0xb8;
	[tilespmem:$0x1CC00] =	vst v63  }
0x98: {  	_ =	swait.ge [sflag:s20], $0x4000  }
0x99: {  	[sflag:s20] =	ssyncset.done $0x0  }
0x9a: {  	[sflag:s20] =	ssyncadd.s32 $0xFFFFC000  }
0x9b: {  	[tilespmem:s23], [sflag:$0x2] =	stream.indirect.gather [hbm4b:s4+s22], $0x80, s29, s22, $0xb8;
	[tilespmem:$0x1CC00] =	vst v63  }
0x9c: {  	_ =	swait.ge [sflag:s24], $0x4000  }
0x9d: {  	[sflag:s24] =	ssyncset.done $0x0  }
0x9e: {  	[sflag:s24] =	ssyncadd.s32 $0xFFFFC000  }
0x9f: {  	[spmem:s2] =	stream.indirect.scatter.add.f32 [tilespmem:s19], [sflag:$0x3], $0x80, s30, s22, $0xb8;
	[tilespmem:$0x1CC00] =	vst v63  }
0xa0: {  	_ =	swait.ge [sflag:s20], $0x4000  }
0xa1: {  	[sflag:s20] =	ssyncset.done $0x0  }
0xa2: {  	[sflag:s20] =	ssyncadd.s32 $0xFFFFC000  }
0xa3: {  	[tilespmem:s19], [sflag:$0x1] =	stream.indirect.gather [hbm4b:s4+s22], $0x80, s31, s22, $0xb8;
	[tilespmem:$0x1CC00] =	vst v63  }
0xa4: {  	_ =	swait.ge [sflag:s25], $0x4000  }
0xa5: {  	[sflag:s25] =	ssyncset.done $0x0  }
0xa6: {  	[sflag:s25] =	ssyncadd.s32 $0xFFFFC000  }
0xa7: {  	[spmem:s2] =	stream.indirect.scatter.add.f32 [tilespmem:s23], [sflag:$0x3], $0x80, s1, s22, $0xb8;
	[tilespmem:$0x1CC00] =	vst v63  }
0xa8: {  	_ =	swait.ge [sflag:s20], $0x4000  }
0xa9: {  	[sflag:s20] =	ssyncset.done $0x0  }
0xaa: {  	[sflag:s20] =	ssyncadd.s32 $0xFFFFC000  }
0xab: {  	[tilespmem:s23], [sflag:$0x2] =	stream.indirect.gather [hbm4b:s4+s22], $0x80, s0, s22, $0xb8;
	[tilespmem:$0x1CC00] =	vst v63  }
0xac: {  	_ =	swait.ge [sflag:s24], $0x4000  }
0xad: {  	[sflag:s24] =	ssyncset.done $0x0  }
0xae: {  	[sflag:s24] =	ssyncadd.s32 $0xFFFFC000  }
0xaf: {  	[spmem:s2] =	stream.indirect.scatter.add.f32 [tilespmem:s19], [sflag:$0x3], $0x80, s7, s22, $0xb8;
	[tilespmem:$0x1CC00] =	vst v63  }
0xb0: {  	_ =	swait.ge [sflag:s20], $0x4000  }
0xb1: {  	[sflag:s20] =	ssyncset.done $0x0  }
0xb2: {  	[sflag:s20] =	ssyncadd.s32 $0xFFFFC000  }
0xb3: {  	[tilespmem:s19], [sflag:$0x1] =	stream.indirect.gather [hbm4b:s4+s22], $0x80, s8, s22, $0xb8;
	[tilespmem:$0x1CC00] =	vst v63  }
0xb4: {  	_ =	swait.ge [sflag:s25], $0x4000  }
0xb5: {  	[sflag:s25] =	ssyncset.done $0x0  }
0xb6: {  	[sflag:s25] =	ssyncadd.s32 $0xFFFFC000  }
0xb7: {  	[spmem:s2] =	stream.indirect.scatter.add.f32 [tilespmem:s23], [sflag:$0x3], $0x80, s9, s22, $0xb8;
	[tilespmem:$0x1CC00] =	vst v63  }
0xb8: {  	_ =	swait.ge [sflag:s20], $0x4000  }
0xb9: {  	[sflag:s20] =	ssyncset.done $0x0  }
0xba: {  	[sflag:s20] =	ssyncadd.s32 $0xFFFFC000  }
0xbb: {  	[tilespmem:s23], [sflag:$0x2] =	stream.indirect.gather [hbm4b:s4+s22], $0x80, s10, s22, $0xb8;
	[tilespmem:$0x1CC00] =	vst v63  }
0xbc: {  	_ =	swait.ge [sflag:s24], $0x4000  }
0xbd: {  	[sflag:s24] =	ssyncset.done $0x0  }
0xbe: {  	[sflag:s24] =	ssyncadd.s32 $0xFFFFC000  }
0xbf: {  	[spmem:s2] =	stream.indirect.scatter.add.f32 [tilespmem:s19], [sflag:$0x3], $0x80, s11, s22, $0xb8;
	[tilespmem:$0x1CC00] =	vst v63  }
0xc0: {  	_ =	swait.ge [sflag:s20], $0x4000  }
0xc1: {  	[sflag:s20] =	ssyncset.done $0x0  }
0xc2: {  	[sflag:s20] =	ssyncadd.s32 $0xFFFFC000  }
0xc3: {  	[tilespmem:s19], [sflag:$0x1] =	stream.indirect.gather [hbm4b:s4+s22], $0x80, s12, s22, $0xb8;
	[tilespmem:$0x1CC00] =	vst v63  }
0xc4: {  	_ =	swait.ge [sflag:s25], $0x4000  }
0xc5: {  	[sflag:s25] =	ssyncset.done $0x0  }
0xc6: {  	[sflag:s25] =	ssyncadd.s32 $0xFFFFC000  }
0xc7: {  	[spmem:s2] =	stream.indirect.scatter.add.f32 [tilespmem:s23], [sflag:$0x3], $0x80, s13, s22, $0xb8;
	[tilespmem:$0x1CC00] =	vst v63  }
0xc8: {  	_ =	swait.ge [sflag:s20], $0x4000  }
0xc9: {  	[sflag:s20] =	ssyncset.done $0x0  }
0xca: {  	[sflag:s20] =	ssyncadd.s32 $0xFFFFC000  }
0xcb: {  	[tilespmem:s23], [sflag:$0x2] =	stream.indirect.gather [hbm4b:s4+s22], $0x80, s14, s22, $0xb8;
	[tilespmem:$0x1CC00] =	vst v63  }
0xcc: {  	_ =	swait.ge [sflag:s24], $0x4000  }
0xcd: {  	[sflag:s24] =	ssyncset.done $0x0  }
0xce: {  	[sflag:s24] =	ssyncadd.s32 $0xFFFFC000  }
0xcf: {  	[spmem:s2] =	stream.indirect.scatter.add.f32 [tilespmem:s19], [sflag:$0x3], $0x80, s15, s22, $0xb8;
	[tilespmem:$0x1CC00] =	vst v63  }
0xd0: {  	_ =	swait.ge [sflag:s20], $0x4000  }
0xd1: {  	[sflag:s20] =	ssyncset.done $0x0  }
0xd2: {  	[sflag:s20] =	ssyncadd.s32 $0xFFFFC000  }
0xd3: {  	_ =	swait.ge [sflag:s25], $0x4000  }
0xd4: {  	[sflag:s25] =	ssyncset.done $0x0  }
0xd5: {  	[sflag:s25] =	ssyncadd.s32 $0xFFFFC000  }
0xd6: {  	[spmem:s2] =	stream.indirect.scatter.add.f32 [tilespmem:s23], [sflag:$0x3], $0x80, s16, s22, $0xb8;
	[tilespmem:$0x1CC00] =	vst v63  }
0xd7: {  	s6 =	simm.s32 $0x200;
	_ =	swait.ge [sflag:s20], $0x4000  }
0xd8: {  	s18 =	simm.s32 $0x100;
	s5 =	rddreg [dreg:$0x4];
	[sflag:s20] =	ssyncset.done $0x0  }
.LBB2_4:
0xd9: {  	[sflag:s20] =	ssyncadd.s32 $0xFFFFC000;
	s5 =	sadd.s32 s18, s5  }
0xda: {  	[tilespmem:s3], [sflag:$0x3] =	stream.linear.gather [hbm4b:s5+s3], $0x800, $0x38;
	[tilespmem:$0x1CC00] =	vst v63  }
0xdb: {  	_ =	swait.ge [sflag:s20], $0x800  }
0xdc: {  	s5 =	rddreg [dreg:$0x3];
	[sflag:s20] =	ssyncset.done $0x0  }
0xdd: {  	[sflag:s20] =	ssyncadd.s32 $0xFFFFF800;
	s5 =	sadd.s32 s18, s5  }
0xde: {  	[tilespmem:s21], [sflag:$0x3] =	stream.linear.gather [hbm4b:s5+s3], $0x800, $0x38;
	[tilespmem:$0x1CC00] =	vst v63  }
0xdf: {  	_ =	swait.ge [sflag:s20], $0x800  }
0xe0: {  	[sflag:s20] =	ssyncset.done $0x0  }
0xe1: {  	[sflag:s20] =	ssyncadd.s32 $0xFFFFF800  }
0xe2: {  	[tilespmem:s19], [sflag:$0x1] =	stream.indirect.gather [hbm4b:s4+s22], $0x80, s3, s22, $0xb8;
	[tilespmem:$0x1CC00] =	vst v63  }
0xe3: {  	_ = 	snop  }
0xe4: {  	[tilespmem:s23], [sflag:$0x2] =	stream.indirect.gather [hbm4b:s4+s22], $0x80, s22, s22, $0xb8;
	[tilespmem:$0x1CC00] =	vst v63  }
0xe5: {  	_ =	swait.ge [sflag:s24], $0x4000  }
0xe6: {  	[sflag:s24] =	ssyncset.done $0x0  }
0xe7: {  	[sflag:s24] =	ssyncadd.s32 $0xFFFFC000  }
0xe8: {  	[spmem:s2] =	stream.indirect.scatter.add.f32 [tilespmem:s19], [sflag:$0x3], $0x80, s21, s22, $0xb8;
	[tilespmem:$0x1CC00] =	vst v63  }
0xe9: {  	_ =	swait.ge [sflag:s20], $0x4000  }
0xea: {  	s17 =	smov.u32 s6;
	[sflag:s20] =	ssyncset.done $0x0  }
0xeb: {  	s18 =	smov.u32 s17;
	s17 =	rddreg [dreg:$0x5];
	[sflag:s20] =	ssyncadd.s32 $0xFFFFC000  }
0xec: {  	[tilespmem:s19], [sflag:$0x1] =	stream.indirect.gather [hbm4b:s4+s22], $0x80, s17, s22, $0xb8;
	[tilespmem:$0x1CC00] =	vst v63  }
0xed: {  	_ =	swait.ge [sflag:s25], $0x4000  }
0xee: {  	[sflag:s25] =	ssyncset.done $0x0  }
0xef: {  	s17 =	rddreg [dreg:$0x6];
	[sflag:s25] =	ssyncadd.s32 $0xFFFFC000  }
0xf0: {  	[spmem:s2] =	stream.indirect.scatter.add.f32 [tilespmem:s23], [sflag:$0x3], $0x80, s17, s22, $0xb8;
	[tilespmem:$0x1CC00] =	vst v63  }
0xf1: {  	_ =	swait.ge [sflag:s20], $0x4000  }
0xf2: {  	[sflag:s20] =	ssyncset.done $0x0  }
0xf3: {  	s17 =	rddreg [dreg:$0x7];
	[sflag:s20] =	ssyncadd.s32 $0xFFFFC000  }
0xf4: {  	[tilespmem:s23], [sflag:$0x2] =	stream.indirect.gather [hbm4b:s4+s22], $0x80, s17, s22, $0xb8;
	[tilespmem:$0x1CC00] =	vst v63  }
0xf5: {  	_ =	swait.ge [sflag:s24], $0x4000  }
0xf6: {  	[sflag:s24] =	ssyncset.done $0x0  }
0xf7: {  	s17 =	rddreg [dreg:$0x8];
	[sflag:s24] =	ssyncadd.s32 $0xFFFFC000  }
0xf8: {  	[spmem:s2] =	stream.indirect.scatter.add.f32 [tilespmem:s19], [sflag:$0x3], $0x80, s17, s22, $0xb8;
	[tilespmem:$0x1CC00] =	vst v63  }
0xf9: {  	_ =	swait.ge [sflag:s20], $0x4000  }
0xfa: {  	[sflag:s20] =	ssyncset.done $0x0  }
0xfb: {  	s17 =	rddreg [dreg:$0x9];
	[sflag:s20] =	ssyncadd.s32 $0xFFFFC000  }
0xfc: {  	[tilespmem:s19], [sflag:$0x1] =	stream.indirect.gather [hbm4b:s4+s22], $0x80, s17, s22, $0xb8;
	[tilespmem:$0x1CC00] =	vst v63  }
0xfd: {  	_ =	swait.ge [sflag:s25], $0x4000  }
0xfe: {  	[sflag:s25] =	ssyncset.done $0x0  }
0xff: {  	s17 =	rddreg [dreg:$0xa];
	[sflag:s25] =	ssyncadd.s32 $0xFFFFC000  }
0x100: {  	[spmem:s2] =	stream.indirect.scatter.add.f32 [tilespmem:s23], [sflag:$0x3], $0x80, s17, s22, $0xb8;
	[tilespmem:$0x1CC00] =	vst v63  }
0x101: {  	_ =	swait.ge [sflag:s20], $0x4000  }
0x102: {  	[sflag:s20] =	ssyncset.done $0x0  }
0x103: {  	s17 =	rddreg [dreg:$0xb];
	[sflag:s20] =	ssyncadd.s32 $0xFFFFC000  }
0x104: {  	[tilespmem:s23], [sflag:$0x2] =	stream.indirect.gather [hbm4b:s4+s22], $0x80, s17, s22, $0xb8;
	[tilespmem:$0x1CC00] =	vst v63  }
0x105: {  	_ =	swait.ge [sflag:s24], $0x4000  }
0x106: {  	[sflag:s24] =	ssyncset.done $0x0  }
0x107: {  	s17 =	rddreg [dreg:$0xc];
	[sflag:s24] =	ssyncadd.s32 $0xFFFFC000  }
0x108: {  	[spmem:s2] =	stream.indirect.scatter.add.f32 [tilespmem:s19], [sflag:$0x3], $0x80, s17, s22, $0xb8;
	[tilespmem:$0x1CC00] =	vst v63  }
0x109: {  	_ =	swait.ge [sflag:s20], $0x4000  }
0x10a: {  	[sflag:s20] =	ssyncset.done $0x0  }
0x10b: {  	s17 =	rddreg [dreg:$0xd];
	[sflag:s20] =	ssyncadd.s32 $0xFFFFC000  }
0x10c: {  	[tilespmem:s19], [sflag:$0x1] =	stream.indirect.gather [hbm4b:s4+s22], $0x80, s17, s22, $0xb8;
	[tilespmem:$0x1CC00] =	vst v63  }
0x10d: {  	_ =	swait.ge [sflag:s25], $0x4000  }
0x10e: {  	[sflag:s25] =	ssyncset.done $0x0  }
0x10f: {  	s17 =	rddreg [dreg:$0xe];
	[sflag:s25] =	ssyncadd.s32 $0xFFFFC000  }
0x110: {  	[spmem:s2] =	stream.indirect.scatter.add.f32 [tilespmem:s23], [sflag:$0x3], $0x80, s17, s22, $0xb8;
	[tilespmem:$0x1CC00] =	vst v63  }
0x111: {  	_ =	swait.ge [sflag:s20], $0x4000  }
0x112: {  	[sflag:s20] =	ssyncset.done $0x0  }
0x113: {  	s17 =	rddreg [dreg:$0xf];
	[sflag:s20] =	ssyncadd.s32 $0xFFFFC000  }
0x114: {  	[tilespmem:s23], [sflag:$0x2] =	stream.indirect.gather [hbm4b:s4+s22], $0x80, s17, s22, $0xb8;
	[tilespmem:$0x1CC00] =	vst v63  }
0x115: {  	_ =	swait.ge [sflag:s24], $0x4000  }
0x116: {  	[sflag:s24] =	ssyncset.done $0x0  }
0x117: {  	s17 =	rddreg [dreg:$0x10];
	[sflag:s24] =	ssyncadd.s32 $0xFFFFC000  }
0x118: {  	[spmem:s2] =	stream.indirect.scatter.add.f32 [tilespmem:s19], [sflag:$0x3], $0x80, s17, s22, $0xb8;
	[tilespmem:$0x1CC00] =	vst v63  }
0x119: {  	_ =	swait.ge [sflag:s20], $0x4000  }
0x11a: {  	[sflag:s20] =	ssyncset.done $0x0  }
0x11b: {  	[sflag:s20] =	ssyncadd.s32 $0xFFFFC000  }
0x11c: {  	[tilespmem:s19], [sflag:$0x1] =	stream.indirect.gather [hbm4b:s4+s22], $0x80, s26, s22, $0xb8;
	[tilespmem:$0x1CC00] =	vst v63  }
0x11d: {  	_ =	swait.ge [sflag:s25], $0x4000  }
0x11e: {  	[sflag:s25] =	ssyncset.done $0x0  }
0x11f: {  	[sflag:s25] =	ssyncadd.s32 $0xFFFFC000  }
0x120: {  	[spmem:s2] =	stream.indirect.scatter.add.f32 [tilespmem:s23], [sflag:$0x3], $0x80, s28, s22, $0xb8;
	[tilespmem:$0x1CC00] =	vst v63  }
0x121: {  	_ =	swait.ge [sflag:s20], $0x4000  }
0x122: {  	[sflag:s20] =	ssyncset.done $0x0  }
0x123: {  	[sflag:s20] =	ssyncadd.s32 $0xFFFFC000  }
0x124: {  	[tilespmem:s23], [sflag:$0x2] =	stream.indirect.gather [hbm4b:s4+s22], $0x80, s29, s22, $0xb8;
	[tilespmem:$0x1CC00] =	vst v63  }
0x125: {  	_ =	swait.ge [sflag:s24], $0x4000  }
0x126: {  	[sflag:s24] =	ssyncset.done $0x0  }
0x127: {  	[sflag:s24] =	ssyncadd.s32 $0xFFFFC000  }
0x128: {  	[spmem:s2] =	stream.indirect.scatter.add.f32 [tilespmem:s19], [sflag:$0x3], $0x80, s30, s22, $0xb8;
	[tilespmem:$0x1CC00] =	vst v63  }
0x129: {  	_ =	swait.ge [sflag:s20], $0x4000  }
0x12a: {  	[sflag:s20] =	ssyncset.done $0x0  }
0x12b: {  	[sflag:s20] =	ssyncadd.s32 $0xFFFFC000  }
0x12c: {  	[tilespmem:s19], [sflag:$0x1] =	stream.indirect.gather [hbm4b:s4+s22], $0x80, s31, s22, $0xb8;
	[tilespmem:$0x1CC00] =	vst v63  }
0x12d: {  	_ =	swait.ge [sflag:s25], $0x4000  }
0x12e: {  	[sflag:s25] =	ssyncset.done $0x0  }
0x12f: {  	[sflag:s25] =	ssyncadd.s32 $0xFFFFC000  }
0x130: {  	[spmem:s2] =	stream.indirect.scatter.add.f32 [tilespmem:s23], [sflag:$0x3], $0x80, s1, s22, $0xb8;
	[tilespmem:$0x1CC00] =	vst v63  }
0x131: {  	_ =	swait.ge [sflag:s20], $0x4000  }
0x132: {  	[sflag:s20] =	ssyncset.done $0x0  }
0x133: {  	[sflag:s20] =	ssyncadd.s32 $0xFFFFC000  }
0x134: {  	[tilespmem:s23], [sflag:$0x2] =	stream.indirect.gather [hbm4b:s4+s22], $0x80, s0, s22, $0xb8;
	[tilespmem:$0x1CC00] =	vst v63  }
0x135: {  	_ =	swait.ge [sflag:s24], $0x4000  }
0x136: {  	[sflag:s24] =	ssyncset.done $0x0  }
0x137: {  	[sflag:s24] =	ssyncadd.s32 $0xFFFFC000  }
0x138: {  	[spmem:s2] =	stream.indirect.scatter.add.f32 [tilespmem:s19], [sflag:$0x3], $0x80, s7, s22, $0xb8;
	[tilespmem:$0x1CC00] =	vst v63  }
0x139: {  	_ =	swait.ge [sflag:s20], $0x4000  }
0x13a: {  	[sflag:s20] =	ssyncset.done $0x0  }
0x13b: {  	[sflag:s20] =	ssyncadd.s32 $0xFFFFC000  }
0x13c: {  	[tilespmem:s19], [sflag:$0x1] =	stream.indirect.gather [hbm4b:s4+s22], $0x80, s8, s22, $0xb8;
	[tilespmem:$0x1CC00] =	vst v63  }
0x13d: {  	_ =	swait.ge [sflag:s25], $0x4000  }
0x13e: {  	[sflag:s25] =	ssyncset.done $0x0  }
0x13f: {  	[sflag:s25] =	ssyncadd.s32 $0xFFFFC000  }
0x140: {  	[spmem:s2] =	stream.indirect.scatter.add.f32 [tilespmem:s23], [sflag:$0x3], $0x80, s9, s22, $0xb8;
	[tilespmem:$0x1CC00] =	vst v63  }
0x141: {  	_ =	swait.ge [sflag:s20], $0x4000  }
0x142: {  	[sflag:s20] =	ssyncset.done $0x0  }
0x143: {  	[sflag:s20] =	ssyncadd.s32 $0xFFFFC000  }
0x144: {  	[tilespmem:s23], [sflag:$0x2] =	stream.indirect.gather [hbm4b:s4+s22], $0x80, s10, s22, $0xb8;
	[tilespmem:$0x1CC00] =	vst v63  }
0x145: {  	_ =	swait.ge [sflag:s24], $0x4000  }
0x146: {  	[sflag:s24] =	ssyncset.done $0x0  }
0x147: {  	[sflag:s24] =	ssyncadd.s32 $0xFFFFC000  }
0x148: {  	[spmem:s2] =	stream.indirect.scatter.add.f32 [tilespmem:s19], [sflag:$0x3], $0x80, s11, s22, $0xb8;
	[tilespmem:$0x1CC00] =	vst v63  }
0x149: {  	_ =	swait.ge [sflag:s20], $0x4000  }
0x14a: {  	[sflag:s20] =	ssyncset.done $0x0  }
0x14b: {  	[sflag:s20] =	ssyncadd.s32 $0xFFFFC000  }
0x14c: {  	[tilespmem:s19], [sflag:$0x1] =	stream.indirect.gather [hbm4b:s4+s22], $0x80, s12, s22, $0xb8;
	[tilespmem:$0x1CC00] =	vst v63  }
0x14d: {  	_ =	swait.ge [sflag:s25], $0x4000  }
0x14e: {  	[sflag:s25] =	ssyncset.done $0x0  }
0x14f: {  	[sflag:s25] =	ssyncadd.s32 $0xFFFFC000  }
0x150: {  	[spmem:s2] =	stream.indirect.scatter.add.f32 [tilespmem:s23], [sflag:$0x3], $0x80, s13, s22, $0xb8;
	[tilespmem:$0x1CC00] =	vst v63  }
0x151: {  	_ =	swait.ge [sflag:s20], $0x4000  }
0x152: {  	[sflag:s20] =	ssyncset.done $0x0  }
0x153: {  	[sflag:s20] =	ssyncadd.s32 $0xFFFFC000  }
0x154: {  	[tilespmem:s23], [sflag:$0x2] =	stream.indirect.gather [hbm4b:s4+s22], $0x80, s14, s22, $0xb8;
	[tilespmem:$0x1CC00] =	vst v63  }
0x155: {  	_ =	swait.ge [sflag:s24], $0x4000  }
0x156: {  	[sflag:s24] =	ssyncset.done $0x0  }
0x157: {  	[sflag:s24] =	ssyncadd.s32 $0xFFFFC000  }
0x158: {  	[spmem:s2] =	stream.indirect.scatter.add.f32 [tilespmem:s19], [sflag:$0x3], $0x80, s15, s22, $0xb8;
	[tilespmem:$0x1CC00] =	vst v63  }
0x159: {  	_ =	swait.ge [sflag:s20], $0x4000  }
0x15a: {  	[sflag:s20] =	ssyncset.done $0x0  }
0x15b: {  	[sflag:s20] =	ssyncadd.s32 $0xFFFFC000  }
0x15c: {  	p0 =	sne.s32 s6, $0x400;
	_ =	swait.ge [sflag:s25], $0x4000  }
.Ltmp1:
0x15d: {  	[sflag:s25] =	ssyncset.done $0x0;
	(pc) =	sbr.rel @p0 .LBB2_4-.Ltmp1, $4  }
0x15e: {  	[sflag:s25] =	ssyncadd.s32 $0xFFFFC000  }
0x15f: {  	[spmem:s2] =	stream.indirect.scatter.add.f32 [tilespmem:s23], [sflag:$0x3], $0x80, s16, s22, $0xb8;
	[tilespmem:$0x1CC00] =	vst v63  }
0x160: {  	_ =	swait.ge [sflag:s20], $0x4000  }
0x161: {  	s6 =	sadd.s32 $0x100, s6;
	s5 =	rddreg [dreg:$0x4];
	[sflag:s20] =	ssyncset.done $0x0  }
0x162: {  	[sflag:s20] =	ssyncadd.s32 $0xFFFFC000;
	s5 =	sadd.s32 s18, s5  }
0x163: {  	[tilespmem:s3], [sflag:$0x3] =	stream.linear.gather [hbm4b:s5+s3], $0x800, $0x38;
	[tilespmem:$0x1CC00] =	vst v63  }
0x164: {  	_ =	swait.ge [sflag:s20], $0x800  }
0x165: {  	s17 =	rddreg [dreg:$0x3];
	[sflag:s20] =	ssyncset.done $0x0  }
0x166: {  	s5 =	sadd.s32 s18, s17;
	[sflag:s20] =	ssyncadd.s32 $0xFFFFF800  }
0x167: {  	[tilespmem:s21], [sflag:$0x3] =	stream.linear.gather [hbm4b:s5+s3], $0x800, $0x38;
	[tilespmem:$0x1CC00] =	vst v63  }
0x168: {  	_ =	swait.ge [sflag:s20], $0x800  }
0x169: {  	[sflag:s20] =	ssyncset.done $0x0  }
0x16a: {  	[sflag:s20] =	ssyncadd.s32 $0xFFFFF800  }
0x16b: {  	[tilespmem:s19], [sflag:$0x1] =	stream.indirect.gather [hbm4b:s4+s22], $0x80, s3, s22, $0xb8;
	[tilespmem:$0x1CC00] =	vst v63  }
0x16c: {  	_ = 	snop  }
0x16d: {  	[tilespmem:s23], [sflag:$0x2] =	stream.indirect.gather [hbm4b:s4+s22], $0x80, s22, s22, $0xb8;
	[tilespmem:$0x1CC00] =	vst v63  }
0x16e: {  	_ =	swait.ge [sflag:s24], $0x4000  }
0x16f: {  	[sflag:s24] =	ssyncset.done $0x0  }
0x170: {  	[sflag:s24] =	ssyncadd.s32 $0xFFFFC000  }
0x171: {  	[spmem:s2] =	stream.indirect.scatter.add.f32 [tilespmem:s19], [sflag:$0x3], $0x80, s21, s22, $0xb8;
	[tilespmem:$0x1CC00] =	vst v63  }
0x172: {  	_ =	swait.ge [sflag:s20], $0x4000  }
0x173: {  	[sflag:s20] =	ssyncset.done $0x0  }
0x174: {  	s6 =	rddreg [dreg:$0x5];
	[sflag:s20] =	ssyncadd.s32 $0xFFFFC000  }
0x175: {  	[tilespmem:s19], [sflag:$0x1] =	stream.indirect.gather [hbm4b:s4+s22], $0x80, s6, s22, $0xb8;
	[tilespmem:$0x1CC00] =	vst v63  }
0x176: {  	_ =	swait.ge [sflag:s25], $0x4000  }
0x177: {  	[sflag:s25] =	ssyncset.done $0x0  }
0x178: {  	s17 =	rddreg [dreg:$0x6];
	[sflag:s25] =	ssyncadd.s32 $0xFFFFC000  }
0x179: {  	[spmem:s2] =	stream.indirect.scatter.add.f32 [tilespmem:s23], [sflag:$0x3], $0x80, s17, s22, $0xb8;
	[tilespmem:$0x1CC00] =	vst v63  }
0x17a: {  	_ =	swait.ge [sflag:s20], $0x4000  }
0x17b: {  	[sflag:s20] =	ssyncset.done $0x0  }
0x17c: {  	s18 =	rddreg [dreg:$0x7];
	[sflag:s20] =	ssyncadd.s32 $0xFFFFC000  }
0x17d: {  	[tilespmem:s23], [sflag:$0x2] =	stream.indirect.gather [hbm4b:s4+s22], $0x80, s18, s22, $0xb8;
	[tilespmem:$0x1CC00] =	vst v63  }
0x17e: {  	_ =	swait.ge [sflag:s24], $0x4000  }
0x17f: {  	[sflag:s24] =	ssyncset.done $0x0  }
0x180: {  	s6 =	rddreg [dreg:$0x8];
	[sflag:s24] =	ssyncadd.s32 $0xFFFFC000  }
0x181: {  	[spmem:s2] =	stream.indirect.scatter.add.f32 [tilespmem:s19], [sflag:$0x3], $0x80, s6, s22, $0xb8;
	[tilespmem:$0x1CC00] =	vst v63  }
0x182: {  	_ =	swait.ge [sflag:s20], $0x4000  }
0x183: {  	[sflag:s20] =	ssyncset.done $0x0  }
0x184: {  	s17 =	rddreg [dreg:$0x9];
	[sflag:s20] =	ssyncadd.s32 $0xFFFFC000  }
0x185: {  	[tilespmem:s19], [sflag:$0x1] =	stream.indirect.gather [hbm4b:s4+s22], $0x80, s17, s22, $0xb8;
	[tilespmem:$0x1CC00] =	vst v63  }
0x186: {  	_ =	swait.ge [sflag:s25], $0x4000  }
0x187: {  	[sflag:s25] =	ssyncset.done $0x0  }
0x188: {  	s18 =	rddreg [dreg:$0xa];
	[sflag:s25] =	ssyncadd.s32 $0xFFFFC000  }
0x189: {  	[spmem:s2] =	stream.indirect.scatter.add.f32 [tilespmem:s23], [sflag:$0x3], $0x80, s18, s22, $0xb8;
	[tilespmem:$0x1CC00] =	vst v63  }
0x18a: {  	_ =	swait.ge [sflag:s20], $0x4000  }
0x18b: {  	[sflag:s20] =	ssyncset.done $0x0  }
0x18c: {  	s6 =	rddreg [dreg:$0xb];
	[sflag:s20] =	ssyncadd.s32 $0xFFFFC000  }
0x18d: {  	[tilespmem:s23], [sflag:$0x2] =	stream.indirect.gather [hbm4b:s4+s22], $0x80, s6, s22, $0xb8;
	[tilespmem:$0x1CC00] =	vst v63  }
0x18e: {  	_ =	swait.ge [sflag:s24], $0x4000  }
0x18f: {  	[sflag:s24] =	ssyncset.done $0x0  }
0x190: {  	s17 =	rddreg [dreg:$0xc];
	[sflag:s24] =	ssyncadd.s32 $0xFFFFC000  }
0x191: {  	[spmem:s2] =	stream.indirect.scatter.add.f32 [tilespmem:s19], [sflag:$0x3], $0x80, s17, s22, $0xb8;
	[tilespmem:$0x1CC00] =	vst v63  }
0x192: {  	_ =	swait.ge [sflag:s20], $0x4000  }
0x193: {  	[sflag:s20] =	ssyncset.done $0x0  }
0x194: {  	s18 =	rddreg [dreg:$0xd];
	[sflag:s20] =	ssyncadd.s32 $0xFFFFC000  }
0x195: {  	[tilespmem:s19], [sflag:$0x1] =	stream.indirect.gather [hbm4b:s4+s22], $0x80, s18, s22, $0xb8;
	[tilespmem:$0x1CC00] =	vst v63  }
0x196: {  	_ =	swait.ge [sflag:s25], $0x4000  }
0x197: {  	[sflag:s25] =	ssyncset.done $0x0  }
0x198: {  	s6 =	rddreg [dreg:$0xe];
	[sflag:s25] =	ssyncadd.s32 $0xFFFFC000  }
0x199: {  	[spmem:s2] =	stream.indirect.scatter.add.f32 [tilespmem:s23], [sflag:$0x3], $0x80, s6, s22, $0xb8;
	[tilespmem:$0x1CC00] =	vst v63  }
0x19a: {  	_ =	swait.ge [sflag:s20], $0x4000  }
0x19b: {  	[sflag:s20] =	ssyncset.done $0x0  }
0x19c: {  	s17 =	rddreg [dreg:$0xf];
	[sflag:s20] =	ssyncadd.s32 $0xFFFFC000  }
0x19d: {  	[tilespmem:s23], [sflag:$0x2] =	stream.indirect.gather [hbm4b:s4+s22], $0x80, s17, s22, $0xb8;
	[tilespmem:$0x1CC00] =	vst v63  }
0x19e: {  	_ =	swait.ge [sflag:s24], $0x4000  }
0x19f: {  	[sflag:s24] =	ssyncset.done $0x0  }
0x1a0: {  	s18 =	rddreg [dreg:$0x10];
	[sflag:s24] =	ssyncadd.s32 $0xFFFFC000  }
0x1a1: {  	[spmem:s2] =	stream.indirect.scatter.add.f32 [tilespmem:s19], [sflag:$0x3], $0x80, s18, s22, $0xb8;
	[tilespmem:$0x1CC00] =	vst v63  }
0x1a2: {  	_ =	swait.ge [sflag:s20], $0x4000  }
0x1a3: {  	[sflag:s20] =	ssyncset.done $0x0  }
0x1a4: {  	[sflag:s20] =	ssyncadd.s32 $0xFFFFC000  }
0x1a5: {  	[tilespmem:s19], [sflag:$0x1] =	stream.indirect.gather [hbm4b:s4+s22], $0x80, s26, s22, $0xb8;
	[tilespmem:$0x1CC00] =	vst v63  }
0x1a6: {  	_ =	swait.ge [sflag:s25], $0x4000  }
0x1a7: {  	[sflag:s25] =	ssyncset.done $0x0  }
0x1a8: {  	[sflag:s25] =	ssyncadd.s32 $0xFFFFC000  }
0x1a9: {  	[spmem:s2] =	stream.indirect.scatter.add.f32 [tilespmem:s23], [sflag:$0x3], $0x80, s28, s22, $0xb8;
	[tilespmem:$0x1CC00] =	vst v63  }
0x1aa: {  	_ =	swait.ge [sflag:s20], $0x4000  }
0x1ab: {  	[sflag:s20] =	ssyncset.done $0x0  }
0x1ac: {  	[sflag:s20] =	ssyncadd.s32 $0xFFFFC000  }
0x1ad: {  	[tilespmem:s23], [sflag:$0x2] =	stream.indirect.gather [hbm4b:s4+s22], $0x80, s29, s22, $0xb8;
	[tilespmem:$0x1CC00] =	vst v63  }
0x1ae: {  	_ =	swait.ge [sflag:s24], $0x4000  }
0x1af: {  	[sflag:s24] =	ssyncset.done $0x0  }
0x1b0: {  	[sflag:s24] =	ssyncadd.s32 $0xFFFFC000  }
0x1b1: {  	[spmem:s2] =	stream.indirect.scatter.add.f32 [tilespmem:s19], [sflag:$0x3], $0x80, s30, s22, $0xb8;
	[tilespmem:$0x1CC00] =	vst v63  }
0x1b2: {  	_ =	swait.ge [sflag:s20], $0x4000  }
0x1b3: {  	[sflag:s20] =	ssyncset.done $0x0  }
0x1b4: {  	[sflag:s20] =	ssyncadd.s32 $0xFFFFC000  }
0x1b5: {  	[tilespmem:s19], [sflag:$0x1] =	stream.indirect.gather [hbm4b:s4+s22], $0x80, s31, s22, $0xb8;
	[tilespmem:$0x1CC00] =	vst v63  }
0x1b6: {  	_ =	swait.ge [sflag:s25], $0x4000  }
0x1b7: {  	[sflag:s25] =	ssyncset.done $0x0  }
0x1b8: {  	[sflag:s25] =	ssyncadd.s32 $0xFFFFC000  }
0x1b9: {  	[spmem:s2] =	stream.indirect.scatter.add.f32 [tilespmem:s23], [sflag:$0x3], $0x80, s1, s22, $0xb8;
	[tilespmem:$0x1CC00] =	vst v63  }
0x1ba: {  	_ =	swait.ge [sflag:s20], $0x4000  }
0x1bb: {  	[sflag:s20] =	ssyncset.done $0x0  }
0x1bc: {  	[sflag:s20] =	ssyncadd.s32 $0xFFFFC000  }
0x1bd: {  	[tilespmem:s23], [sflag:$0x2] =	stream.indirect.gather [hbm4b:s4+s22], $0x80, s0, s22, $0xb8;
	[tilespmem:$0x1CC00] =	vst v63  }
0x1be: {  	_ =	swait.ge [sflag:s24], $0x4000  }
0x1bf: {  	[sflag:s24] =	ssyncset.done $0x0  }
0x1c0: {  	[sflag:s24] =	ssyncadd.s32 $0xFFFFC000  }
0x1c1: {  	[spmem:s2] =	stream.indirect.scatter.add.f32 [tilespmem:s19], [sflag:$0x3], $0x80, s7, s22, $0xb8;
	[tilespmem:$0x1CC00] =	vst v63  }
0x1c2: {  	_ =	swait.ge [sflag:s20], $0x4000  }
0x1c3: {  	[sflag:s20] =	ssyncset.done $0x0  }
0x1c4: {  	[sflag:s20] =	ssyncadd.s32 $0xFFFFC000  }
0x1c5: {  	[tilespmem:s19], [sflag:$0x1] =	stream.indirect.gather [hbm4b:s4+s22], $0x80, s8, s22, $0xb8;
	[tilespmem:$0x1CC00] =	vst v63  }
0x1c6: {  	_ =	swait.ge [sflag:s25], $0x4000  }
0x1c7: {  	[sflag:s25] =	ssyncset.done $0x0  }
0x1c8: {  	[sflag:s25] =	ssyncadd.s32 $0xFFFFC000  }
0x1c9: {  	[spmem:s2] =	stream.indirect.scatter.add.f32 [tilespmem:s23], [sflag:$0x3], $0x80, s9, s22, $0xb8;
	[tilespmem:$0x1CC00] =	vst v63  }
0x1ca: {  	_ =	swait.ge [sflag:s20], $0x4000  }
0x1cb: {  	[sflag:s20] =	ssyncset.done $0x0  }
0x1cc: {  	[sflag:s20] =	ssyncadd.s32 $0xFFFFC000  }
0x1cd: {  	[tilespmem:s23], [sflag:$0x2] =	stream.indirect.gather [hbm4b:s4+s22], $0x80, s10, s22, $0xb8;
	[tilespmem:$0x1CC00] =	vst v63  }
0x1ce: {  	_ =	swait.ge [sflag:s24], $0x4000  }
0x1cf: {  	[sflag:s24] =	ssyncset.done $0x0  }
0x1d0: {  	[sflag:s24] =	ssyncadd.s32 $0xFFFFC000  }
0x1d1: {  	[spmem:s2] =	stream.indirect.scatter.add.f32 [tilespmem:s19], [sflag:$0x3], $0x80, s11, s22, $0xb8;
	[tilespmem:$0x1CC00] =	vst v63  }
0x1d2: {  	_ =	swait.ge [sflag:s20], $0x4000  }
0x1d3: {  	[sflag:s20] =	ssyncset.done $0x0  }
0x1d4: {  	[sflag:s20] =	ssyncadd.s32 $0xFFFFC000  }
0x1d5: {  	[tilespmem:s19], [sflag:$0x1] =	stream.indirect.gather [hbm4b:s4+s22], $0x80, s12, s22, $0xb8;
	[tilespmem:$0x1CC00] =	vst v63  }
0x1d6: {  	_ =	swait.ge [sflag:s25], $0x4000  }
0x1d7: {  	[sflag:s25] =	ssyncset.done $0x0  }
0x1d8: {  	[sflag:s25] =	ssyncadd.s32 $0xFFFFC000  }
0x1d9: {  	[spmem:s2] =	stream.indirect.scatter.add.f32 [tilespmem:s23], [sflag:$0x3], $0x80, s13, s22, $0xb8;
	[tilespmem:$0x1CC00] =	vst v63  }
0x1da: {  	_ =	swait.ge [sflag:s20], $0x4000  }
0x1db: {  	[sflag:s20] =	ssyncset.done $0x0  }
0x1dc: {  	[sflag:s20] =	ssyncadd.s32 $0xFFFFC000  }
0x1dd: {  	[tilespmem:s23], [sflag:$0x2] =	stream.indirect.gather [hbm4b:s4+s22], $0x80, s14, s22, $0xb8;
	[tilespmem:$0x1CC00] =	vst v63  }
0x1de: {  	_ =	swait.ge [sflag:s24], $0x4000  }
0x1df: {  	[sflag:s24] =	ssyncset.done $0x0  }
0x1e0: {  	[sflag:s24] =	ssyncadd.s32 $0xFFFFC000  }
0x1e1: {  	[spmem:s2] =	stream.indirect.scatter.add.f32 [tilespmem:s19], [sflag:$0x3], $0x80, s15, s22, $0xb8;
	[tilespmem:$0x1CC00] =	vst v63  }
0x1e2: {  	_ =	swait.ge [sflag:s20], $0x4000  }
0x1e3: {  	[sflag:s20] =	ssyncset.done $0x0  }
0x1e4: {  	[sflag:s20] =	ssyncadd.s32 $0xFFFFC000  }
0x1e5: {  	_ =	swait.ge [sflag:s25], $0x4000  }
0x1e6: {  	[sflag:s25] =	ssyncset.done $0x0  }
0x1e7: {  	[sflag:s25] =	ssyncadd.s32 $0xFFFFC000  }
0x1e8: {  	[spmem:s2] =	stream.indirect.scatter.add.f32 [tilespmem:s23], [sflag:$0x3], $0x80, s16, s22, $0xb8;
	[tilespmem:$0x1CC00] =	vst v63  }
0x1e9: {  	_ =	swait.ge [sflag:s20], $0x4000  }
0x1ea: {  	[sflag:s20] =	ssyncset.done $0x0  }
0x1eb: {  	[sflag:s20] =	ssyncadd.s32 $0xFFFFC000  }
0x1ec: {  	[bflag:$0x0] =	sbarrier.arrive $0xFFFF  }
0x1ed: {  	s17 =	rddreg [dreg:$0x11]  }
0x1ee: {  	[tilespmem:s19], [sflag:$0x3] =	stream.linear.gather [spmem:s17], $0x4000, $0x38;
	[tilespmem:$0x1CC00] =	vst v63  }
0x1ef: {  	_ =	swait.ge [sflag:s20], $0x4000  }
0x1f0: {  	[sflag:s20] =	ssyncset.done $0x0  }
0x1f1: {  	s6 =	rddreg [dreg:$0x18];
	[sflag:s20] =	ssyncadd.s32 $0xFFFFC000  }
0x1f2: {  	[hbm4b:s6+s3] =	stream.linear.scatter [tilespmem:s19], [sflag:$0x3], $0x4000, $0x38;
	[tilespmem:$0x1CC00] =	vst v63  }
0x1f3: {  	_ =	swait.ge [sflag:s20], $0x4000  }
0x1f4: {  	[sflag:s20] =	ssyncset.done $0x0  }
0x1f5: {  	s18 =	rddreg [dreg:$0x19];
	[sflag:s20] =	ssyncadd.s32 $0xFFFFC000  }
0x1f6: {  	[tilespmem:s19], [sflag:$0x3] =	stream.linear.gather [spmem:s18], $0x4000, $0x38;
	[tilespmem:$0x1CC00] =	vst v63  }
0x1f7: {  	_ =	swait.ge [sflag:s20], $0x4000  }
0x1f8: {  	[sflag:s20] =	ssyncset.done $0x0  }
0x1f9: {  	s6 =	rddreg [dreg:$0x1a];
	[sflag:s20] =	ssyncadd.s32 $0xFFFFC000  }
0x1fa: {  	[hbm4b:s6+s3] =	stream.linear.scatter [tilespmem:s19], [sflag:$0x3], $0x4000, $0x38;
	[tilespmem:$0x1CC00] =	vst v63  }
0x1fb: {  	_ =	swait.ge [sflag:s20], $0x4000  }
0x1fc: {  	[sflag:s20] =	ssyncset.done $0x0  }
0x1fd: {  	s18 =	rddreg [dreg:$0x1b];
	[sflag:s20] =	ssyncadd.s32 $0xFFFFC000  }
0x1fe: {  	[tilespmem:s19], [sflag:$0x3] =	stream.linear.gather [spmem:s18], $0x4000, $0x38;
	[tilespmem:$0x1CC00] =	vst v63  }
0x1ff: {  	_ =	swait.ge [sflag:s20], $0x4000  }
0x200: {  	[sflag:s20] =	ssyncset.done $0x0  }
0x201: {  	s6 =	rddreg [dreg:$0x1c];
	[sflag:s20] =	ssyncadd.s32 $0xFFFFC000  }
0x202: {  	[hbm4b:s6+s3] =	stream.linear.scatter [tilespmem:s19], [sflag:$0x3], $0x4000, $0x38;
	[tilespmem:$0x1CC00] =	vst v63  }
0x203: {  	_ =	swait.ge [sflag:s20], $0x4000  }
0x204: {  	[sflag:s20] =	ssyncset.done $0x0  }
0x205: {  	s18 =	rddreg [dreg:$0x1d];
	[sflag:s20] =	ssyncadd.s32 $0xFFFFC000  }
0x206: {  	[tilespmem:s19], [sflag:$0x3] =	stream.linear.gather [spmem:s18], $0x4000, $0x38;
	[tilespmem:$0x1CC00] =	vst v63  }
0x207: {  	_ =	swait.ge [sflag:s20], $0x4000  }
0x208: {  	[sflag:s20] =	ssyncset.done $0x0  }
0x209: {  	s6 =	rddreg [dreg:$0x1e];
	[sflag:s20] =	ssyncadd.s32 $0xFFFFC000  }
0x20a: {  	[hbm4b:s6+s3] =	stream.linear.scatter [tilespmem:s19], [sflag:$0x3], $0x4000, $0x38;
	[tilespmem:$0x1CC00] =	vst v63  }
0x20b: {  	_ =	swait.ge [sflag:s20], $0x4000  }
0x20c: {  	[sflag:s20] =	ssyncset.done $0x0  }
0x20d: {  	s18 =	rddreg [dreg:$0x12];
	[sflag:s20] =	ssyncadd.s32 $0xFFFFC000  }
0x20e: {  	[tilespmem:s19], [sflag:$0x3] =	stream.linear.gather [spmem:s18], $0x3C00, $0x38;
	[tilespmem:$0x1CC00] =	vst v63  }
0x20f: {  	_ =	swait.ge [sflag:s20], $0x3C00  }
0x210: {  	[sflag:s20] =	ssyncset.done $0x0  }
0x211: {  	s6 =	rddreg [dreg:$0x13];
	[sflag:s20] =	ssyncadd.s32 $0xFFFFC400  }
0x212: {  	[hbm4b:s6+s3] =	stream.linear.scatter [tilespmem:s19], [sflag:$0x3], $0x3C00, $0x38;
	[tilespmem:$0x1CC00] =	vst v63  }
0x213: {  	_ =	swait.ge [sflag:s20], $0x3C00  }
0x214: {  	s6 =	rddreg [dreg:$0x1f]  }
0x215: {  	s18 =	rddreg [dreg:$0x14];
	s6 =	sadd.s32 $0x1, s6  }
0x216: {  	p0 =	sne.s32 s6, s18  }
.Ltmp2:
0x217: {  	_ = 	snop;
	(pc) =	sbr.rel @p0 .LBB2_1-.Ltmp2, $3  }
0x218: {  	_ =	sdelay $0x1  }
0x219: {  	[sflag:s20] =	ssyncset.done $0x0  }
0x21a: {  	[sflag:s20] =	ssyncadd.s32 $0xFFFFC400  }
0x21b: {  	_ =	sfence.sel $0x180000  }
0x21c: {  	[bflag:$0x0] =	sbarrier.arrive $0xFFFF  }
0x21d: {  	_ =	strace $0x90000050  }
0x21e: {  	s0 =	stileid.u32;
	[bflag:$0x2] =	sbarrier.arrive $0xFFFF  }
0x21f: {  	p0 =	sne.s32 s0, $0x0;
	s0 =	rddreg [dreg:$0x2]  }
0x220: {  	s0 =	sadd.s32 @!p0 $0x100000, s0  }
0x221: {  	[sflag:s0] =	ssyncadd.tile.s32 @!p0 $0x1;
	_ =	shalt  }
.Lfunc_end2:
_tile_overlayer_lowered:
.L_overlay_start_2:
0x222: {  	(tag) =	ssettag $0x2  }
0x223: {  	s0 =	rddreg [dreg:$0x0];
	s2 =	stileid.u32  }
0x224: {  	s1 =	rddreg [dreg:$0x1];
	p0 =	sne.s32 s2, $0x0  }
0x225: {  	s3 =	rddreg [dreg:$0x2];
	[bflag:$0x3] =	sbarrier.arrive $0xFFFF;
	s2 =	simm.s32 @!p0 $0x1C03  }
0x226: {  	[timem:s3], [sflag:s2] =	dma.local @!p0 [hbm:s0], s1  }
0x227: {  	s0 =	simm.s32 @!p0 $0x3  }
0x228: {  	_ =	swait.ge @!p0 [sflag:s0], s1  }
0x229: {  	s1 =	ssub.s32 @!p0 $0x0, s1;
	[sflag:s0] =	ssyncset.done @!p0 $0x0  }
0x22a: {  	[sflag:s0] =	ssyncadd.s32 @!p0 s1  }
0x22b: {  	[bflag:$0x3] =	sbarrier.arrive $0xFFFF  }
0x22c: {  	_ =	shalt  }

</sc_bundles>
